<compile_context>
chip_gen: v7x
topology: tpu7x:2x2x1
jax: 0.10.2.dev20260603
libtpu: 0.0.44.dev20260713+nightly
codegen_flags: <defaults>
</compile_context>

<pallas_src>
import jax
import jax.numpy as jnp
from jax import lax
from jax.experimental import pallas as pl
from jax.experimental.pallas import tpu as pltpu
from jax.experimental.pallas import tpu_sc as plsc

B = 1024
L = 200
D = 128
N = B * L
NC = 2
NS = 16
NW = NC * NS
CHUNK = 128

SLICES = [12, 12, 10, 8, 8]
S = len(SLICES)


def _ring_params(nchunks):
    for nbuf in (5, 4, 3, 2):
        if nchunks % nbuf == 0 and nchunks >= nbuf:
            return nbuf, min(2, nbuf - 1)
    return 1, 0


def _make_gather(slice_base, nchunks):
    rows_per_w = nchunks * CHUNK
    NBUF, LAG = _ring_params(nchunks)
    ngroups = nchunks // NBUF

    def body(table_hbm, idx_hbm, out_hbm, idx_all, rows, idx_sem, g_sem, o_sem):
        wid = lax.axis_index("s") * NC + lax.axis_index("c")
        base = wid * rows_per_w

        pltpu.async_copy(
            idx_hbm.at[pl.ds(slice_base + base, rows_per_w)], idx_all, idx_sem
        ).wait()

        def start_gather(ci, p):
            pltpu.async_copy(
                table_hbm.at[idx_all.at[pl.ds(ci * CHUNK, CHUNK)]],
                rows.at[p],
                g_sem.at[p],
            )

        def wait_gather(p):
            pltpu.make_async_copy(
                table_hbm.at[idx_all.at[pl.ds(0, CHUNK)]], rows.at[p], g_sem.at[p]
            ).wait()

        def start_out(cj, q):
            off = base + cj * CHUNK
            pltpu.async_copy(rows.at[q], out_hbm.at[pl.ds(off, CHUNK)], o_sem.at[q])

        def wait_out(q):
            pltpu.make_async_copy(
                rows.at[q], out_hbm.at[pl.ds(0, CHUNK)], o_sem.at[q]
            ).wait()

        for b in range(NBUF):
            start_gather(b, b)
            cj = b - LAG
            if cj >= 0:
                q = cj % NBUF
                wait_gather(q)
                start_out(cj, q)

        def group(g, _):
            for b in range(NBUF):
                ci = g * NBUF + b
                wait_out(b)
                start_gather(ci, b)
                q = (b - LAG) % NBUF
                wait_gather(q)
                start_out(ci - LAG, q)
            return 0

        if ngroups > 1:
            lax.fori_loop(1, ngroups, group, 0)

        for k in range(LAG):
            ci = nchunks - LAG + k
            q = ci % NBUF
            wait_gather(q)
            start_out(ci, q)
        for q in range(NBUF):
            wait_out(q)

    return pl.kernel(
        body,
        out_type=jax.ShapeDtypeStruct((NW * rows_per_w, D), jnp.float32),
        mesh=plsc.VectorSubcoreMesh(
            core_axis_name="c", subcore_axis_name="s", num_cores=NC, num_subcores=NS
        ),
        scratch_types=[
            pltpu.VMEM((rows_per_w,), jnp.int32),
            pltpu.VMEM((NBUF, CHUNK, D), jnp.float32),
            pltpu.SemaphoreType.DMA,
            pltpu.SemaphoreType.DMA((NBUF,)),
            pltpu.SemaphoreType.DMA((NBUF,)),
        ],
    )


_SLICE_ROWS = [NW * n * CHUNK for n in SLICES]
_SLICE_BASES = [sum(_SLICE_ROWS[:s]) for s in range(S)]
_gathers = [_make_gather(_SLICE_BASES[s], SLICES[s]) for s in range(S)]

BLK = 8192


def _mm_body(x_ref, w_ref, b_ref, o_ref):
    o_ref[...] = (
        jnp.dot(x_ref[...], w_ref[...], preferred_element_type=jnp.float32)
        + b_ref[...]
    )


def _mm_body_alias(x_ref, w_ref, b_ref, acc_ref, o_ref):
    del acc_ref
    o_ref[...] = (
        jnp.dot(x_ref[...], w_ref[...], preferred_element_type=jnp.float32)
        + b_ref[...]
    )


def _project_first(emb, W, b2d):
    return pl.pallas_call(
        _mm_body,
        grid=(_SLICE_ROWS[0] // BLK,),
        in_specs=[
            pl.BlockSpec((BLK, D), lambda i: (i, 0)),
            pl.BlockSpec((D, D), lambda i: (0, 0)),
            pl.BlockSpec((1, D), lambda i: (0, 0)),
        ],
        out_specs=pl.BlockSpec((BLK, D), lambda i: (i, 0)),
        out_shape=jax.ShapeDtypeStruct((N, D), jnp.float32),
    )(emb, W, b2d)


def _project_into(s, emb, W, b2d, out_full):
    blk_off = _SLICE_BASES[s] // BLK
    return pl.pallas_call(
        _mm_body_alias,
        grid=(_SLICE_ROWS[s] // BLK,),
        in_specs=[
            pl.BlockSpec((BLK, D), lambda i: (i, 0)),
            pl.BlockSpec((D, D), lambda i: (0, 0)),
            pl.BlockSpec((1, D), lambda i: (0, 0)),
            pl.BlockSpec(memory_space=pl.ANY),
        ],
        out_specs=pl.BlockSpec(
            (BLK, D), lambda i, o=blk_off: (i + o, 0)
        ),
        out_shape=jax.ShapeDtypeStruct((N, D), jnp.float32),
        input_output_aliases={3: 0},
    )(emb, W, b2d, out_full)


def kernel(input_ids, embed_table, W, b):
    idx = input_ids.reshape(N).astype(jnp.int32)
    b2d = b.reshape(1, D)

    embs = [_gathers[s](embed_table, idx) for s in range(S)]
    out = _project_first(embs[0], W, b2d)
    for s in range(1, S):
        out = _project_into(s, embs[s], W, b2d, out)
    return out.reshape(B, L, D)

# --- scband reference (transcript-rebuilt; emitter-appended) ---
"""Pipeline reference for scband-stub-text-encoder-41120016892568 (READ-ONLY COPY).

The authoritative reference and input builder live on the scoring server;
editing this copy changes nothing except your own understanding.
"""

import jax, jax.numpy as jnp
import numpy as np

VOCAB = 1000000
D_MODEL = 128
B = 1024
L = 200

def setup_inputs(seed: int = 0) -> dict:
    key = jax.random.key(seed)
    k_ids, k_emb, k_w, k_b = jax.random.split(key, 4)
    input_ids = jax.random.randint(k_ids, (B, L), 0, VOCAB, dtype=jnp.int64 if jax.config.jax_enable_x64 else jnp.int32)
    embed_table = jax.random.normal(k_emb, (VOCAB, D_MODEL), dtype=jnp.float32) * 0.02
    W = jax.random.normal(k_w, (D_MODEL, D_MODEL), dtype=jnp.float32) * (1.0 / np.sqrt(D_MODEL))
    b = jax.random.normal(k_b, (D_MODEL,), dtype=jnp.float32) * 0.01
    return {"input_ids": input_ids, "embed_table": embed_table, "W": W, "b": b}

def reference(input_ids, embed_table, W, b):
    # nn.Embedding: gather rows of the table
    emb = jnp.take(embed_table, input_ids, axis=0)  # [B, L, d_model]
    # nn.Linear: y = x @ W^T + b ; here W stored as [d_in, d_out] so emb @ W + b
    out = emb @ W + b
    return out

if __name__ == "__main__":
    import jax
    _d = setup_inputs()
    print(jax.jit(kernel)(*tuple(_d.values())))

</pallas_src>

<mosaic_0001>
#map = affine_map<(d0, d1) -> (0, 0)>
#map1 = affine_map<(d0, d1) -> (0)>
module attributes {stable_mosaic.version = 14 : i64} {
  func.func @body(%arg0: i32, %arg1: i32, %arg2: memref<1000000x128xf32, #tpu.memory_space<hbm>>, %arg3: memref<204800xi32, #tpu.memory_space<hbm>>, %arg4: memref<49152x128xf32, #tpu.memory_space<hbm>>, %arg5: memref<1536xi32, #tpu.memory_space<vmem>>, %arg6: memref<4x128x128xf32, #tpu.memory_space<vmem>>, %arg7: memref<!tpu.dma_semaphore, #tpu.memory_space<semaphore_mem>>, %arg8: memref<4x!tpu.dma_semaphore, #tpu.memory_space<semaphore_mem>>, %arg9: memref<4x!tpu.dma_semaphore, #tpu.memory_space<semaphore_mem>>) attributes {dimension_semantics = [#tpu.dimension_semantics<core_parallel>, #tpu.dimension_semantics<subcore_parallel>], iteration_bounds = array<i64: 2, 16>, scalar_prefetch = 0 : i64, scratch_operands = 5 : i64, tpu.core_type = #tpu.core_type<sc_vector_subcore>, window_params = [{transform_indices = #map}, {transform_indices = #map1}, {transform_indices = #map}]} {
    %mul3A = arith.constant 2 : i32
    %mul3A_0 = arith.muli %arg1, %mul3A : i32
    %add3A = arith.addi %mul3A_0, %arg0 : i32
    %mul3A_1 = arith.constant 1536 : i32
    %mul3A_2 = arith.muli %add3A, %mul3A_1 : i32
    %add3A_3 = arith.constant 49152 : i32
    %add3A_4 = arith.addi %add3A_3, %mul3A_2 : i32
    %dma_start3A = tpu.memref_slice %arg3[%add3A_4] : memref<204800xi32, #tpu.memory_space<hbm>> -> memref<1536xi32, #tpu.memory_space<hbm>>
    %dma_start3A_5 = tpu.memref_slice %arg3[%add3A_4] : memref<204800xi32, #tpu.memory_space<hbm>> -> memref<1536xi32, #tpu.memory_space<hbm>>
    tpu.enqueue_dma source(%dma_start3A_5 : memref<1536xi32, #tpu.memory_space<hbm>>) target(%arg5 : memref<1536xi32, #tpu.memory_space<vmem>>) target_semaphore(%arg7 : memref<!tpu.dma_semaphore, #tpu.memory_space<semaphore_mem>>)
    %dma_wait3A = tpu.memref_slice %arg3[%add3A_4] : memref<204800xi32, #tpu.memory_space<hbm>> -> memref<1536xi32, #tpu.memory_space<hbm>>
    %dma_wait3A_6 = tpu.memref_slice %arg3[%add3A_4] : memref<204800xi32, #tpu.memory_space<hbm>> -> memref<1536xi32, #tpu.memory_space<hbm>>
    tpu.wait_dma2 semaphore(%arg7 : memref<!tpu.dma_semaphore, #tpu.memory_space<semaphore_mem>>) src(%dma_wait3A_6 : memref<1536xi32, #tpu.memory_space<hbm>>) dst(%arg5 : memref<1536xi32, #tpu.memory_space<vmem>>)
    %dma_start3A_7 = arith.constant 0 : i32
    %dma_start3A_8 = arith.constant 0 : i32
    %dma_start3A_9 = arith.constant 0 : i32
    %dma_start3A_10 = arith.constant 0 : i32
    %dma_start3A_11 = tpu.memref_slice %arg6[%dma_start3A_7, %dma_start3A_9, %dma_start3A_10] : memref<4x128x128xf32, #tpu.memory_space<vmem>> -> memref<1x128x128xf32, #tpu.memory_space<vmem>>
    %dma_start3A_12 = tpu.memref_squeeze %dma_start3A_11 : memref<1x128x128xf32, #tpu.memory_space<vmem>> -> memref<128x128xf32, #tpu.memory_space<vmem>>
    %dma_start3A_13 = arith.constant 0 : i32
    %dma_start3A_14 = tpu.memref_slice %arg5[%dma_start3A_13] : memref<1536xi32, #tpu.memory_space<vmem>> -> memref<128xi32, #tpu.memory_space<vmem>>
    %dma_start3A_15 = arith.constant 0 : i32
    %dma_start3A_16 = arith.constant 0 : i32
    %dma_start3A_17 = tpu.memref_slice %arg2[%dma_start3A_15, %dma_start3A_16] : memref<1000000x128xf32, #tpu.memory_space<hbm>> -> memref<1000000x128xf32, #tpu.memory_space<hbm>>
    %dma_start3A_18 = tpu.memref_slice %arg8[%dma_start3A_8] : memref<4x!tpu.dma_semaphore, #tpu.memory_space<semaphore_mem>> -> memref<1x!tpu.dma_semaphore, #tpu.memory_space<semaphore_mem>>
    %dma_start3A_19 = tpu.memref_squeeze %dma_start3A_18 : memref<1x!tpu.dma_semaphore, #tpu.memory_space<semaphore_mem>> -> memref<!tpu.dma_semaphore, #tpu.memory_space<semaphore_mem>>
    tpu.enqueue_indirect_dma source(%dma_start3A_17 : memref<1000000x128xf32, #tpu.memory_space<hbm>>) target(%dma_start3A_12 : memref<128x128xf32, #tpu.memory_space<vmem>>) offsets(%dma_start3A_14 : memref<128xi32, #tpu.memory_space<vmem>>) semaphore(%dma_start3A_19 : memref<!tpu.dma_semaphore, #tpu.memory_space<semaphore_mem>>)
    %dma_start3A_20 = arith.constant 1 : i32
    %dma_start3A_21 = arith.constant 1 : i32
    %dma_start3A_22 = arith.constant 0 : i32
    %dma_start3A_23 = arith.constant 0 : i32
    %dma_start3A_24 = tpu.memref_slice %arg6[%dma_start3A_20, %dma_start3A_22, %dma_start3A_23] : memref<4x128x128xf32, #tpu.memory_space<vmem>> -> memref<1x128x128xf32, #tpu.memory_space<vmem>>
    %dma_start3A_25 = tpu.memref_squeeze %dma_start3A_24 : memref<1x128x128xf32, #tpu.memory_space<vmem>> -> memref<128x128xf32, #tpu.memory_space<vmem>>
    %dma_start3A_26 = arith.constant 128 : i32
    %dma_start3A_27 = tpu.memref_slice %arg5[%dma_start3A_26] : memref<1536xi32, #tpu.memory_space<vmem>> -> memref<128xi32, #tpu.memory_space<vmem>>
    %dma_start3A_28 = arith.constant 0 : i32
    %dma_start3A_29 = arith.constant 0 : i32
    %dma_start3A_30 = tpu.memref_slice %arg2[%dma_start3A_28, %dma_start3A_29] : memref<1000000x128xf32, #tpu.memory_space<hbm>> -> memref<1000000x128xf32, #tpu.memory_space<hbm>>
    %dma_start3A_31 = tpu.memref_slice %arg8[%dma_start3A_21] : memref<4x!tpu.dma_semaphore, #tpu.memory_space<semaphore_mem>> -> memref<1x!tpu.dma_semaphore, #tpu.memory_space<semaphore_mem>>
    %dma_start3A_32 = tpu.memref_squeeze %dma_start3A_31 : memref<1x!tpu.dma_semaphore, #tpu.memory_space<semaphore_mem>> -> memref<!tpu.dma_semaphore, #tpu.memory_space<semaphore_mem>>
    tpu.enqueue_indirect_dma source(%dma_start3A_30 : memref<1000000x128xf32, #tpu.memory_space<hbm>>) target(%dma_start3A_25 : memref<128x128xf32, #tpu.memory_space<vmem>>) offsets(%dma_start3A_27 : memref<128xi32, #tpu.memory_space<vmem>>) semaphore(%dma_start3A_32 : memref<!tpu.dma_semaphore, #tpu.memory_space<semaphore_mem>>)
    %dma_start3A_33 = arith.constant 2 : i32
    %dma_start3A_34 = arith.constant 2 : i32
    %dma_start3A_35 = arith.constant 0 : i32
    %dma_start3A_36 = arith.constant 0 : i32
    %dma_start3A_37 = tpu.memref_slice %arg6[%dma_start3A_33, %dma_start3A_35, %dma_start3A_36] : memref<4x128x128xf32, #tpu.memory_space<vmem>> -> memref<1x128x128xf32, #tpu.memory_space<vmem>>
    %dma_start3A_38 = tpu.memref_squeeze %dma_start3A_37 : memref<1x128x128xf32, #tpu.memory_space<vmem>> -> memref<128x128xf32, #tpu.memory_space<vmem>>
    %dma_start3A_39 = arith.constant 256 : i32
    %dma_start3A_40 = tpu.memref_slice %arg5[%dma_start3A_39] : memref<1536xi32, #tpu.memory_space<vmem>> -> memref<128xi32, #tpu.memory_space<vmem>>
    %dma_start3A_41 = arith.constant 0 : i32
    %dma_start3A_42 = arith.constant 0 : i32
    %dma_start3A_43 = tpu.memref_slice %arg2[%dma_start3A_41, %dma_start3A_42] : memref<1000000x128xf32, #tpu.memory_space<hbm>> -> memref<1000000x128xf32, #tpu.memory_space<hbm>>
    %dma_start3A_44 = tpu.memref_slice %arg8[%dma_start3A_34] : memref<4x!tpu.dma_semaphore, #tpu.memory_space<semaphore_mem>> -> memref<1x!tpu.dma_semaphore, #tpu.memory_space<semaphore_mem>>
    %dma_start3A_45 = tpu.memref_squeeze %dma_start3A_44 : memref<1x!tpu.dma_semaphore, #tpu.memory_space<semaphore_mem>> -> memref<!tpu.dma_semaphore, #tpu.memory_space<semaphore_mem>>
    tpu.enqueue_indirect_dma source(%dma_start3A_43 : memref<1000000x128xf32, #tpu.memory_space<hbm>>) target(%dma_start3A_38 : memref<128x128xf32, #tpu.memory_space<vmem>>) offsets(%dma_start3A_40 : memref<128xi32, #tpu.memory_space<vmem>>) semaphore(%dma_start3A_45 : memref<!tpu.dma_semaphore, #tpu.memory_space<semaphore_mem>>)
    %dma_wait3A_46 = arith.constant 0 : i32
    %dma_wait3A_47 = arith.constant 0 : i32
    %dma_wait3A_48 = arith.constant 0 : i32
    %dma_wait3A_49 = arith.constant 0 : i32
    %dma_wait3A_50 = tpu.memref_slice %arg6[%dma_wait3A_46, %dma_wait3A_48, %dma_wait3A_49] : memref<4x128x128xf32, #tpu.memory_space<vmem>> -> memref<1x128x128xf32, #tpu.memory_space<vmem>>
    %dma_wait3A_51 = tpu.memref_squeeze %dma_wait3A_50 : memref<1x128x128xf32, #tpu.memory_space<vmem>> -> memref<128x128xf32, #tpu.memory_space<vmem>>
    %dma_wait3A_52 = arith.constant 0 : i32
    %dma_wait3A_53 = tpu.memref_slice %arg5[%dma_wait3A_52] : memref<1536xi32, #tpu.memory_space<vmem>> -> memref<128xi32, #tpu.memory_space<vmem>>
    %dma_wait3A_54 = arith.constant 0 : i32
    %dma_wait3A_55 = arith.constant 0 : i32
    %dma_wait3A_56 = tpu.memref_slice %arg2[%dma_wait3A_54, %dma_wait3A_55] : memref<1000000x128xf32, #tpu.memory_space<hbm>> -> memref<1000000x128xf32, #tpu.memory_space<hbm>>
    %dma_wait3A_57 = tpu.memref_slice %arg8[%dma_wait3A_47] : memref<4x!tpu.dma_semaphore, #tpu.memory_space<semaphore_mem>> -> memref<1x!tpu.dma_semaphore, #tpu.memory_space<semaphore_mem>>
    %dma_wait3A_58 = tpu.memref_squeeze %dma_wait3A_57 : memref<1x!tpu.dma_semaphore, #tpu.memory_space<semaphore_mem>> -> memref<!tpu.dma_semaphore, #tpu.memory_space<semaphore_mem>>
    tpu.wait_indirect_dma semaphore(%dma_wait3A_58 : memref<!tpu.dma_semaphore, #tpu.memory_space<semaphore_mem>>) src(%dma_wait3A_56 : memref<1000000x128xf32, #tpu.memory_space<hbm>>) dst(%dma_wait3A_51 : memref<128x128xf32, #tpu.memory_space<vmem>>)
    %add3A_59 = arith.constant 0 : i32
    %add3A_60 = arith.addi %mul3A_2, %add3A_59 : i32
    %dma_start3A_61 = arith.constant 0 : i32
    %dma_start3A_62 = arith.constant 0 : i32
    %dma_start3A_63 = arith.constant 0 : i32
    %dma_start3A_64 = arith.constant 0 : i32
    %dma_start3A_65 = tpu.memref_slice %arg6[%dma_start3A_61, %dma_start3A_63, %dma_start3A_64] : memref<4x128x128xf32, #tpu.memory_space<vmem>> -> memref<1x128x128xf32, #tpu.memory_space<vmem>>
    %dma_start3A_66 = tpu.memref_squeeze %dma_start3A_65 : memref<1x128x128xf32, #tpu.memory_space<vmem>> -> memref<128x128xf32, #tpu.memory_space<vmem>>
    %dma_start3A_67 = arith.constant 0 : i32
    %dma_start3A_68 = tpu.memref_slice %arg4[%add3A_60, %dma_start3A_67] : memref<49152x128xf32, #tpu.memory_space<hbm>> -> memref<128x128xf32, #tpu.memory_space<hbm>>
    %dma_start3A_69 = tpu.memref_slice %arg9[%dma_start3A_62] : memref<4x!tpu.dma_semaphore, #tpu.memory_space<semaphore_mem>> -> memref<1x!tpu.dma_semaphore, #tpu.memory_space<semaphore_mem>>
    %dma_start3A_70 = tpu.memref_squeeze %dma_start3A_69 : memref<1x!tpu.dma_semaphore, #tpu.memory_space<semaphore_mem>> -> memref<!tpu.dma_semaphore, #tpu.memory_space<semaphore_mem>>
    %dma_start3A_71 = arith.constant 0 : i32
    %dma_start3A_72 = tpu.memref_slice %arg4[%add3A_60, %dma_start3A_71] : memref<49152x128xf32, #tpu.memory_space<hbm>> -> memref<128x128xf32, #tpu.memory_space<hbm>>
    %dma_start3A_73 = arith.constant 0 : i32
    %dma_start3A_74 = arith.constant 0 : i32
    %dma_start3A_75 = tpu.memref_slice %arg6[%dma_start3A_61, %dma_start3A_73, %dma_start3A_74] : memref<4x128x128xf32, #tpu.memory_space<vmem>> -> memref<1x128x128xf32, #tpu.memory_space<vmem>>
    %dma_start3A_76 = tpu.memref_squeeze %dma_start3A_75 : memref<1x128x128xf32, #tpu.memory_space<vmem>> -> memref<128x128xf32, #tpu.memory_space<vmem>>
    tpu.enqueue_dma source(%dma_start3A_76 : memref<128x128xf32, #tpu.memory_space<vmem>>) target(%dma_start3A_72 : memref<128x128xf32, #tpu.memory_space<hbm>>) target_semaphore(%dma_start3A_70 : memref<!tpu.dma_semaphore, #tpu.memory_space<semaphore_mem>>)
    %dma_start3A_77 = arith.constant 3 : i32
    %dma_start3A_78 = arith.constant 3 : i32
    %dma_start3A_79 = arith.constant 0 : i32
    %dma_start3A_80 = arith.constant 0 : i32
    %dma_start3A_81 = tpu.memref_slice %arg6[%dma_start3A_77, %dma_start3A_79, %dma_start3A_80] : memref<4x128x128xf32, #tpu.memory_space<vmem>> -> memref<1x128x128xf32, #tpu.memory_space<vmem>>
    %dma_start3A_82 = tpu.memref_squeeze %dma_start3A_81 : memref<1x128x128xf32, #tpu.memory_space<vmem>> -> memref<128x128xf32, #tpu.memory_space<vmem>>
    %dma_start3A_83 = arith.constant 384 : i32
    %dma_start3A_84 = tpu.memref_slice %arg5[%dma_start3A_83] : memref<1536xi32, #tpu.memory_space<vmem>> -> memref<128xi32, #tpu.memory_space<vmem>>
    %dma_start3A_85 = arith.constant 0 : i32
    %dma_start3A_86 = arith.constant 0 : i32
    %dma_start3A_87 = tpu.memref_slice %arg2[%dma_start3A_85, %dma_start3A_86] : memref<1000000x128xf32, #tpu.memory_space<hbm>> -> memref<1000000x128xf32, #tpu.memory_space<hbm>>
    %dma_start3A_88 = tpu.memref_slice %arg8[%dma_start3A_78] : memref<4x!tpu.dma_semaphore, #tpu.memory_space<semaphore_mem>> -> memref<1x!tpu.dma_semaphore, #tpu.memory_space<semaphore_mem>>
    %dma_start3A_89 = tpu.memref_squeeze %dma_start3A_88 : memref<1x!tpu.dma_semaphore, #tpu.memory_space<semaphore_mem>> -> memref<!tpu.dma_semaphore, #tpu.memory_space<semaphore_mem>>
    tpu.enqueue_indirect_dma source(%dma_start3A_87 : memref<1000000x128xf32, #tpu.memory_space<hbm>>) target(%dma_start3A_82 : memref<128x128xf32, #tpu.memory_space<vmem>>) offsets(%dma_start3A_84 : memref<128xi32, #tpu.memory_space<vmem>>) semaphore(%dma_start3A_89 : memref<!tpu.dma_semaphore, #tpu.memory_space<semaphore_mem>>)
    %dma_wait3A_90 = arith.constant 1 : i32
    %dma_wait3A_91 = arith.constant 1 : i32
    %dma_wait3A_92 = arith.constant 0 : i32
    %dma_wait3A_93 = arith.constant 0 : i32
    %dma_wait3A_94 = tpu.memref_slice %arg6[%dma_wait3A_90, %dma_wait3A_92, %dma_wait3A_93] : memref<4x128x128xf32, #tpu.memory_space<vmem>> -> memref<1x128x128xf32, #tpu.memory_space<vmem>>
    %dma_wait3A_95 = tpu.memref_squeeze %dma_wait3A_94 : memref<1x128x128xf32, #tpu.memory_space<vmem>> -> memref<128x128xf32, #tpu.memory_space<vmem>>
    %dma_wait3A_96 = arith.constant 0 : i32
    %dma_wait3A_97 = tpu.memref_slice %arg5[%dma_wait3A_96] : memref<1536xi32, #tpu.memory_space<vmem>> -> memref<128xi32, #tpu.memory_space<vmem>>
    %dma_wait3A_98 = arith.constant 0 : i32
    %dma_wait3A_99 = arith.constant 0 : i32
    %dma_wait3A_100 = tpu.memref_slice %arg2[%dma_wait3A_98, %dma_wait3A_99] : memref<1000000x128xf32, #tpu.memory_space<hbm>> -> memref<1000000x128xf32, #tpu.memory_space<hbm>>
    %dma_wait3A_101 = tpu.memref_slice %arg8[%dma_wait3A_91] : memref<4x!tpu.dma_semaphore, #tpu.memory_space<semaphore_mem>> -> memref<1x!tpu.dma_semaphore, #tpu.memory_space<semaphore_mem>>
    %dma_wait3A_102 = tpu.memref_squeeze %dma_wait3A_101 : memref<1x!tpu.dma_semaphore, #tpu.memory_space<semaphore_mem>> -> memref<!tpu.dma_semaphore, #tpu.memory_space<semaphore_mem>>
    tpu.wait_indirect_dma semaphore(%dma_wait3A_102 : memref<!tpu.dma_semaphore, #tpu.memory_space<semaphore_mem>>) src(%dma_wait3A_100 : memref<1000000x128xf32, #tpu.memory_space<hbm>>) dst(%dma_wait3A_95 : memref<128x128xf32, #tpu.memory_space<vmem>>)
    %add3A_103 = arith.constant 128 : i32
    %add3A_104 = arith.addi %mul3A_2, %add3A_103 : i32
    %dma_start3A_105 = arith.constant 1 : i32
    %dma_start3A_106 = arith.constant 1 : i32
    %dma_start3A_107 = arith.constant 0 : i32
    %dma_start3A_108 = arith.constant 0 : i32
    %dma_start3A_109 = tpu.memref_slice %arg6[%dma_start3A_105, %dma_start3A_107, %dma_start3A_108] : memref<4x128x128xf32, #tpu.memory_space<vmem>> -> memref<1x128x128xf32, #tpu.memory_space<vmem>>
    %dma_start3A_110 = tpu.memref_squeeze %dma_start3A_109 : memref<1x128x128xf32, #tpu.memory_space<vmem>> -> memref<128x128xf32, #tpu.memory_space<vmem>>
    %dma_start3A_111 = arith.constant 0 : i32
    %dma_start3A_112 = tpu.memref_slice %arg4[%add3A_104, %dma_start3A_111] : memref<49152x128xf32, #tpu.memory_space<hbm>> -> memref<128x128xf32, #tpu.memory_space<hbm>>
    %dma_start3A_113 = tpu.memref_slice %arg9[%dma_start3A_106] : memref<4x!tpu.dma_semaphore, #tpu.memory_space<semaphore_mem>> -> memref<1x!tpu.dma_semaphore, #tpu.memory_space<semaphore_mem>>
    %dma_start3A_114 = tpu.memref_squeeze %dma_start3A_113 : memref<1x!tpu.dma_semaphore, #tpu.memory_space<semaphore_mem>> -> memref<!tpu.dma_semaphore, #tpu.memory_space<semaphore_mem>>
    %dma_start3A_115 = arith.constant 0 : i32
    %dma_start3A_116 = tpu.memref_slice %arg4[%add3A_104, %dma_start3A_115] : memref<49152x128xf32, #tpu.memory_space<hbm>> -> memref<128x128xf32, #tpu.memory_space<hbm>>
    %dma_start3A_117 = arith.constant 0 : i32
    %dma_start3A_118 = arith.constant 0 : i32
    %dma_start3A_119 = tpu.memref_slice %arg6[%dma_start3A_105, %dma_start3A_117, %dma_start3A_118] : memref<4x128x128xf32, #tpu.memory_space<vmem>> -> memref<1x128x128xf32, #tpu.memory_space<vmem>>
    %dma_start3A_120 = tpu.memref_squeeze %dma_start3A_119 : memref<1x128x128xf32, #tpu.memory_space<vmem>> -> memref<128x128xf32, #tpu.memory_space<vmem>>
    tpu.enqueue_dma source(%dma_start3A_120 : memref<128x128xf32, #tpu.memory_space<vmem>>) target(%dma_start3A_116 : memref<128x128xf32, #tpu.memory_space<hbm>>) target_semaphore(%dma_start3A_114 : memref<!tpu.dma_semaphore, #tpu.memory_space<semaphore_mem>>)
    %scan3A = arith.constant 0 : i32
    %scan3A_121 = arith.constant 1 : i32
    %scan3A_122 = arith.constant 2 : i32
    %scan3A_123 = arith.addi %scan3A_121, %scan3A_122 : i32
    %scan3A_124 = arith.constant 1 : i32
    %scan3A_125 = scf.for %scan3A_261 = %scan3A_121 to %scan3A_123 step %scan3A_124 iter_args(%scan3A_262 = %scan3A) -> (i32)  : i32 {
      %mul3A_263 = arith.constant 4 : i32
      %mul3A_264 = arith.muli %scan3A_261, %mul3A_263 : i32
      %add3A_265 = arith.constant 0 : i32
      %add3A_266 = arith.addi %mul3A_264, %add3A_265 : i32
      %dma_wait3A_267 = arith.constant 0 : i32
      %dma_wait3A_268 = arith.constant 0 : i32
      %dma_wait3A_269 = arith.constant 0 : i32
      %dma_wait3A_270 = arith.constant 0 : i32
      %dma_wait3A_271 = tpu.memref_slice %arg6[%dma_wait3A_267, %dma_wait3A_269, %dma_wait3A_270] : memref<4x128x128xf32, #tpu.memory_space<vmem>> -> memref<1x128x128xf32, #tpu.memory_space<vmem>>
      %dma_wait3A_272 = tpu.memref_squeeze %dma_wait3A_271 : memref<1x128x128xf32, #tpu.memory_space<vmem>> -> memref<128x128xf32, #tpu.memory_space<vmem>>
      %dma_wait3A_273 = arith.constant 0 : i32
      %dma_wait3A_274 = arith.constant 0 : i32
      %dma_wait3A_275 = tpu.memref_slice %arg4[%dma_wait3A_273, %dma_wait3A_274] : memref<49152x128xf32, #tpu.memory_space<hbm>> -> memref<128x128xf32, #tpu.memory_space<hbm>>
      %dma_wait3A_276 = tpu.memref_slice %arg9[%dma_wait3A_268] : memref<4x!tpu.dma_semaphore, #tpu.memory_space<semaphore_mem>> -> memref<1x!tpu.dma_semaphore, #tpu.memory_space<semaphore_mem>>
      %dma_wait3A_277 = tpu.memref_squeeze %dma_wait3A_276 : memref<1x!tpu.dma_semaphore, #tpu.memory_space<semaphore_mem>> -> memref<!tpu.dma_semaphore, #tpu.memory_space<semaphore_mem>>
      %dma_wait3A_278 = arith.constant 0 : i32
      %dma_wait3A_279 = arith.constant 0 : i32
      %dma_wait3A_280 = tpu.memref_slice %arg4[%dma_wait3A_278, %dma_wait3A_279] : memref<49152x128xf32, #tpu.memory_space<hbm>> -> memref<128x128xf32, #tpu.memory_space<hbm>>
      %dma_wait3A_281 = arith.constant 0 : i32
      %dma_wait3A_282 = arith.constant 0 : i32
      %dma_wait3A_283 = tpu.memref_slice %arg6[%dma_wait3A_267, %dma_wait3A_281, %dma_wait3A_282] : memref<4x128x128xf32, #tpu.memory_space<vmem>> -> memref<1x128x128xf32, #tpu.memory_space<vmem>>
      %dma_wait3A_284 = tpu.memref_squeeze %dma_wait3A_283 : memref<1x128x128xf32, #tpu.memory_space<vmem>> -> memref<128x128xf32, #tpu.memory_space<vmem>>
      tpu.wait_dma2 semaphore(%dma_wait3A_277 : memref<!tpu.dma_semaphore, #tpu.memory_space<semaphore_mem>>) src(%dma_wait3A_284 : memref<128x128xf32, #tpu.memory_space<vmem>>) dst(%dma_wait3A_280 : memref<128x128xf32, #tpu.memory_space<hbm>>)
      %mul3A_285 = arith.constant 128 : i32
      %mul3A_286 = arith.muli %add3A_266, %mul3A_285 : i32
      %dma_start3A_287 = arith.constant 0 : i32
      %dma_start3A_288 = arith.constant 0 : i32
      %dma_start3A_289 = arith.constant 0 : i32
      %dma_start3A_290 = arith.constant 0 : i32
      %dma_start3A_291 = tpu.memref_slice %arg6[%dma_start3A_287, %dma_start3A_289, %dma_start3A_290] : memref<4x128x128xf32, #tpu.memory_space<vmem>> -> memref<1x128x128xf32, #tpu.memory_space<vmem>>
      %dma_start3A_292 = tpu.memref_squeeze %dma_start3A_291 : memref<1x128x128xf32, #tpu.memory_space<vmem>> -> memref<128x128xf32, #tpu.memory_space<vmem>>
      %dma_start3A_293 = tpu.memref_slice %arg5[%mul3A_286] : memref<1536xi32, #tpu.memory_space<vmem>> -> memref<128xi32, #tpu.memory_space<vmem>>
      %dma_start3A_294 = arith.constant 0 : i32
      %dma_start3A_295 = arith.constant 0 : i32
      %dma_start3A_296 = tpu.memref_slice %arg2[%dma_start3A_294, %dma_start3A_295] : memref<1000000x128xf32, #tpu.memory_space<hbm>> -> memref<1000000x128xf32, #tpu.memory_space<hbm>>
      %dma_start3A_297 = tpu.memref_slice %arg8[%dma_start3A_288] : memref<4x!tpu.dma_semaphore, #tpu.memory_space<semaphore_mem>> -> memref<1x!tpu.dma_semaphore, #tpu.memory_space<semaphore_mem>>
      %dma_start3A_298 = tpu.memref_squeeze %dma_start3A_297 : memref<1x!tpu.dma_semaphore, #tpu.memory_space<semaphore_mem>> -> memref<!tpu.dma_semaphore, #tpu.memory_space<semaphore_mem>>
      tpu.enqueue_indirect_dma source(%dma_start3A_296 : memref<1000000x128xf32, #tpu.memory_space<hbm>>) target(%dma_start3A_292 : memref<128x128xf32, #tpu.memory_space<vmem>>) offsets(%dma_start3A_293 : memref<128xi32, #tpu.memory_space<vmem>>) semaphore(%dma_start3A_298 : memref<!tpu.dma_semaphore, #tpu.memory_space<semaphore_mem>>)
      %dma_wait3A_299 = arith.constant 2 : i32
      %dma_wait3A_300 = arith.constant 2 : i32
      %dma_wait3A_301 = arith.constant 0 : i32
      %dma_wait3A_302 = arith.constant 0 : i32
      %dma_wait3A_303 = tpu.memref_slice %arg6[%dma_wait3A_299, %dma_wait3A_301, %dma_wait3A_302] : memref<4x128x128xf32, #tpu.memory_space<vmem>> -> memref<1x128x128xf32, #tpu.memory_space<vmem>>
      %dma_wait3A_304 = tpu.memref_squeeze %dma_wait3A_303 : memref<1x128x128xf32, #tpu.memory_space<vmem>> -> memref<128x128xf32, #tpu.memory_space<vmem>>
      %dma_wait3A_305 = arith.constant 0 : i32
      %dma_wait3A_306 = tpu.memref_slice %arg5[%dma_wait3A_305] : memref<1536xi32, #tpu.memory_space<vmem>> -> memref<128xi32, #tpu.memory_space<vmem>>
      %dma_wait3A_307 = arith.constant 0 : i32
      %dma_wait3A_308 = arith.constant 0 : i32
      %dma_wait3A_309 = tpu.memref_slice %arg2[%dma_wait3A_307, %dma_wait3A_308] : memref<1000000x128xf32, #tpu.memory_space<hbm>> -> memref<1000000x128xf32, #tpu.memory_space<hbm>>
      %dma_wait3A_310 = tpu.memref_slice %arg8[%dma_wait3A_300] : memref<4x!tpu.dma_semaphore, #tpu.memory_space<semaphore_mem>> -> memref<1x!tpu.dma_semaphore, #tpu.memory_space<semaphore_mem>>
      %dma_wait3A_311 = tpu.memref_squeeze %dma_wait3A_310 : memref<1x!tpu.dma_semaphore, #tpu.memory_space<semaphore_mem>> -> memref<!tpu.dma_semaphore, #tpu.memory_space<semaphore_mem>>
      tpu.wait_indirect_dma semaphore(%dma_wait3A_311 : memref<!tpu.dma_semaphore, #tpu.memory_space<semaphore_mem>>) src(%dma_wait3A_309 : memref<1000000x128xf32, #tpu.memory_space<hbm>>) dst(%dma_wait3A_304 : memref<128x128xf32, #tpu.memory_space<vmem>>)
      %sub3A = arith.constant 2 : i32
      %sub3A_312 = arith.subi %add3A_266, %sub3A : i32
      %mul3A_313 = arith.constant 128 : i32
      %mul3A_314 = arith.muli %sub3A_312, %mul3A_313 : i32
      %add3A_315 = arith.addi %mul3A_2, %mul3A_314 : i32
      %dma_start3A_316 = arith.constant 2 : i32
      %dma_start3A_317 = arith.constant 2 : i32
      %dma_start3A_318 = arith.constant 0 : i32
      %dma_start3A_319 = arith.constant 0 : i32
      %dma_start3A_320 = tpu.memref_slice %arg6[%dma_start3A_316, %dma_start3A_318, %dma_start3A_319] : memref<4x128x128xf32, #tpu.memory_space<vmem>> -> memref<1x128x128xf32, #tpu.memory_space<vmem>>
      %dma_start3A_321 = tpu.memref_squeeze %dma_start3A_320 : memref<1x128x128xf32, #tpu.memory_space<vmem>> -> memref<128x128xf32, #tpu.memory_space<vmem>>
      %dma_start3A_322 = arith.constant 0 : i32
      %dma_start3A_323 = tpu.memref_slice %arg4[%add3A_315, %dma_start3A_322] : memref<49152x128xf32, #tpu.memory_space<hbm>> -> memref<128x128xf32, #tpu.memory_space<hbm>>
      %dma_start3A_324 = tpu.memref_slice %arg9[%dma_start3A_317] : memref<4x!tpu.dma_semaphore, #tpu.memory_space<semaphore_mem>> -> memref<1x!tpu.dma_semaphore, #tpu.memory_space<semaphore_mem>>
      %dma_start3A_325 = tpu.memref_squeeze %dma_start3A_324 : memref<1x!tpu.dma_semaphore, #tpu.memory_space<semaphore_mem>> -> memref<!tpu.dma_semaphore, #tpu.memory_space<semaphore_mem>>
      %dma_start3A_326 = arith.constant 0 : i32
      %dma_start3A_327 = tpu.memref_slice %arg4[%add3A_315, %dma_start3A_326] : memref<49152x128xf32, #tpu.memory_space<hbm>> -> memref<128x128xf32, #tpu.memory_space<hbm>>
      %dma_start3A_328 = arith.constant 0 : i32
      %dma_start3A_329 = arith.constant 0 : i32
      %dma_start3A_330 = tpu.memref_slice %arg6[%dma_start3A_316, %dma_start3A_328, %dma_start3A_329] : memref<4x128x128xf32, #tpu.memory_space<vmem>> -> memref<1x128x128xf32, #tpu.memory_space<vmem>>
      %dma_start3A_331 = tpu.memref_squeeze %dma_start3A_330 : memref<1x128x128xf32, #tpu.memory_space<vmem>> -> memref<128x128xf32, #tpu.memory_space<vmem>>
      tpu.enqueue_dma source(%dma_start3A_331 : memref<128x128xf32, #tpu.memory_space<vmem>>) target(%dma_start3A_327 : memref<128x128xf32, #tpu.memory_space<hbm>>) target_semaphore(%dma_start3A_325 : memref<!tpu.dma_semaphore, #tpu.memory_space<semaphore_mem>>)
      %mul3A_332 = arith.constant 4 : i32
      %mul3A_333 = arith.muli %scan3A_261, %mul3A_332 : i32
      %add3A_334 = arith.constant 1 : i32
      %add3A_335 = arith.addi %mul3A_333, %add3A_334 : i32
      %dma_wait3A_336 = arith.constant 1 : i32
      %dma_wait3A_337 = arith.constant 1 : i32
      %dma_wait3A_338 = arith.constant 0 : i32
      %dma_wait3A_339 = arith.constant 0 : i32
      %dma_wait3A_340 = tpu.memref_slice %arg6[%dma_wait3A_336, %dma_wait3A_338, %dma_wait3A_339] : memref<4x128x128xf32, #tpu.memory_space<vmem>> -> memref<1x128x128xf32, #tpu.memory_space<vmem>>
      %dma_wait3A_341 = tpu.memref_squeeze %dma_wait3A_340 : memref<1x128x128xf32, #tpu.memory_space<vmem>> -> memref<128x128xf32, #tpu.memory_space<vmem>>
      %dma_wait3A_342 = arith.constant 0 : i32
      %dma_wait3A_343 = arith.constant 0 : i32
      %dma_wait3A_344 = tpu.memref_slice %arg4[%dma_wait3A_342, %dma_wait3A_343] : memref<49152x128xf32, #tpu.memory_space<hbm>> -> memref<128x128xf32, #tpu.memory_space<hbm>>
      %dma_wait3A_345 = tpu.memref_slice %arg9[%dma_wait3A_337] : memref<4x!tpu.dma_semaphore, #tpu.memory_space<semaphore_mem>> -> memref<1x!tpu.dma_semaphore, #tpu.memory_space<semaphore_mem>>
      %dma_wait3A_346 = tpu.memref_squeeze %dma_wait3A_345 : memref<1x!tpu.dma_semaphore, #tpu.memory_space<semaphore_mem>> -> memref<!tpu.dma_semaphore, #tpu.memory_space<semaphore_mem>>
      %dma_wait3A_347 = arith.constant 0 : i32
      %dma_wait3A_348 = arith.constant 0 : i32
      %dma_wait3A_349 = tpu.memref_slice %arg4[%dma_wait3A_347, %dma_wait3A_348] : memref<49152x128xf32, #tpu.memory_space<hbm>> -> memref<128x128xf32, #tpu.memory_space<hbm>>
      %dma_wait3A_350 = arith.constant 0 : i32
      %dma_wait3A_351 = arith.constant 0 : i32
      %dma_wait3A_352 = tpu.memref_slice %arg6[%dma_wait3A_336, %dma_wait3A_350, %dma_wait3A_351] : memref<4x128x128xf32, #tpu.memory_space<vmem>> -> memref<1x128x128xf32, #tpu.memory_space<vmem>>
      %dma_wait3A_353 = tpu.memref_squeeze %dma_wait3A_352 : memref<1x128x128xf32, #tpu.memory_space<vmem>> -> memref<128x128xf32, #tpu.memory_space<vmem>>
      tpu.wait_dma2 semaphore(%dma_wait3A_346 : memref<!tpu.dma_semaphore, #tpu.memory_space<semaphore_mem>>) src(%dma_wait3A_353 : memref<128x128xf32, #tpu.memory_space<vmem>>) dst(%dma_wait3A_349 : memref<128x128xf32, #tpu.memory_space<hbm>>)
      %mul3A_354 = arith.constant 128 : i32
      %mul3A_355 = arith.muli %add3A_335, %mul3A_354 : i32
      %dma_start3A_356 = arith.constant 1 : i32
      %dma_start3A_357 = arith.constant 1 : i32
      %dma_start3A_358 = arith.constant 0 : i32
      %dma_start3A_359 = arith.constant 0 : i32
      %dma_start3A_360 = tpu.memref_slice %arg6[%dma_start3A_356, %dma_start3A_358, %dma_start3A_359] : memref<4x128x128xf32, #tpu.memory_space<vmem>> -> memref<1x128x128xf32, #tpu.memory_space<vmem>>
      %dma_start3A_361 = tpu.memref_squeeze %dma_start3A_360 : memref<1x128x128xf32, #tpu.memory_space<vmem>> -> memref<128x128xf32, #tpu.memory_space<vmem>>
      %dma_start3A_362 = tpu.memref_slice %arg5[%mul3A_355] : memref<1536xi32, #tpu.memory_space<vmem>> -> memref<128xi32, #tpu.memory_space<vmem>>
      %dma_start3A_363 = arith.constant 0 : i32
      %dma_start3A_364 = arith.constant 0 : i32
      %dma_start3A_365 = tpu.memref_slice %arg2[%dma_start3A_363, %dma_start3A_364] : memref<1000000x128xf32, #tpu.memory_space<hbm>> -> memref<1000000x128xf32, #tpu.memory_space<hbm>>
      %dma_start3A_366 = tpu.memref_slice %arg8[%dma_start3A_357] : memref<4x!tpu.dma_semaphore, #tpu.memory_space<semaphore_mem>> -> memref<1x!tpu.dma_semaphore, #tpu.memory_space<semaphore_mem>>
      %dma_start3A_367 = tpu.memref_squeeze %dma_start3A_366 : memref<1x!tpu.dma_semaphore, #tpu.memory_space<semaphore_mem>> -> memref<!tpu.dma_semaphore, #tpu.memory_space<semaphore_mem>>
      tpu.enqueue_indirect_dma source(%dma_start3A_365 : memref<1000000x128xf32, #tpu.memory_space<hbm>>) target(%dma_start3A_361 : memref<128x128xf32, #tpu.memory_space<vmem>>) offsets(%dma_start3A_362 : memref<128xi32, #tpu.memory_space<vmem>>) semaphore(%dma_start3A_367 : memref<!tpu.dma_semaphore, #tpu.memory_space<semaphore_mem>>)
      %dma_wait3A_368 = arith.constant 3 : i32
      %dma_wait3A_369 = arith.constant 3 : i32
      %dma_wait3A_370 = arith.constant 0 : i32
      %dma_wait3A_371 = arith.constant 0 : i32
      %dma_wait3A_372 = tpu.memref_slice %arg6[%dma_wait3A_368, %dma_wait3A_370, %dma_wait3A_371] : memref<4x128x128xf32, #tpu.memory_space<vmem>> -> memref<1x128x128xf32, #tpu.memory_space<vmem>>
      %dma_wait3A_373 = tpu.memref_squeeze %dma_wait3A_372 : memref<1x128x128xf32, #tpu.memory_space<vmem>> -> memref<128x128xf32, #tpu.memory_space<vmem>>
      %dma_wait3A_374 = arith.constant 0 : i32
      %dma_wait3A_375 = tpu.memref_slice %arg5[%dma_wait3A_374] : memref<1536xi32, #tpu.memory_space<vmem>> -> memref<128xi32, #tpu.memory_space<vmem>>
      %dma_wait3A_376 = arith.constant 0 : i32
      %dma_wait3A_377 = arith.constant 0 : i32
      %dma_wait3A_378 = tpu.memref_slice %arg2[%dma_wait3A_376, %dma_wait3A_377] : memref<1000000x128xf32, #tpu.memory_space<hbm>> -> memref<1000000x128xf32, #tpu.memory_space<hbm>>
      %dma_wait3A_379 = tpu.memref_slice %arg8[%dma_wait3A_369] : memref<4x!tpu.dma_semaphore, #tpu.memory_space<semaphore_mem>> -> memref<1x!tpu.dma_semaphore, #tpu.memory_space<semaphore_mem>>
      %dma_wait3A_380 = tpu.memref_squeeze %dma_wait3A_379 : memref<1x!tpu.dma_semaphore, #tpu.memory_space<semaphore_mem>> -> memref<!tpu.dma_semaphore, #tpu.memory_space<semaphore_mem>>
      tpu.wait_indirect_dma semaphore(%dma_wait3A_380 : memref<!tpu.dma_semaphore, #tpu.memory_space<semaphore_mem>>) src(%dma_wait3A_378 : memref<1000000x128xf32, #tpu.memory_space<hbm>>) dst(%dma_wait3A_373 : memref<128x128xf32, #tpu.memory_space<vmem>>)
      %sub3A_381 = arith.constant 2 : i32
      %sub3A_382 = arith.subi %add3A_335, %sub3A_381 : i32
      %mul3A_383 = arith.constant 128 : i32
      %mul3A_384 = arith.muli %sub3A_382, %mul3A_383 : i32
      %add3A_385 = arith.addi %mul3A_2, %mul3A_384 : i32
      %dma_start3A_386 = arith.constant 3 : i32
      %dma_start3A_387 = arith.constant 3 : i32
      %dma_start3A_388 = arith.constant 0 : i32
      %dma_start3A_389 = arith.constant 0 : i32
      %dma_start3A_390 = tpu.memref_slice %arg6[%dma_start3A_386, %dma_start3A_388, %dma_start3A_389] : memref<4x128x128xf32, #tpu.memory_space<vmem>> -> memref<1x128x128xf32, #tpu.memory_space<vmem>>
      %dma_start3A_391 = tpu.memref_squeeze %dma_start3A_390 : memref<1x128x128xf32, #tpu.memory_space<vmem>> -> memref<128x128xf32, #tpu.memory_space<vmem>>
      %dma_start3A_392 = arith.constant 0 : i32
      %dma_start3A_393 = tpu.memref_slice %arg4[%add3A_385, %dma_start3A_392] : memref<49152x128xf32, #tpu.memory_space<hbm>> -> memref<128x128xf32, #tpu.memory_space<hbm>>
      %dma_start3A_394 = tpu.memref_slice %arg9[%dma_start3A_387] : memref<4x!tpu.dma_semaphore, #tpu.memory_space<semaphore_mem>> -> memref<1x!tpu.dma_semaphore, #tpu.memory_space<semaphore_mem>>
      %dma_start3A_395 = tpu.memref_squeeze %dma_start3A_394 : memref<1x!tpu.dma_semaphore, #tpu.memory_space<semaphore_mem>> -> memref<!tpu.dma_semaphore, #tpu.memory_space<semaphore_mem>>
      %dma_start3A_396 = arith.constant 0 : i32
      %dma_start3A_397 = tpu.memref_slice %arg4[%add3A_385, %dma_start3A_396] : memref<49152x128xf32, #tpu.memory_space<hbm>> -> memref<128x128xf32, #tpu.memory_space<hbm>>
      %dma_start3A_398 = arith.constant 0 : i32
      %dma_start3A_399 = arith.constant 0 : i32
      %dma_start3A_400 = tpu.memref_slice %arg6[%dma_start3A_386, %dma_start3A_398, %dma_start3A_399] : memref<4x128x128xf32, #tpu.memory_space<vmem>> -> memref<1x128x128xf32, #tpu.memory_space<vmem>>
      %dma_start3A_401 = tpu.memref_squeeze %dma_start3A_400 : memref<1x128x128xf32, #tpu.memory_space<vmem>> -> memref<128x128xf32, #tpu.memory_space<vmem>>
      tpu.enqueue_dma source(%dma_start3A_401 : memref<128x128xf32, #tpu.memory_space<vmem>>) target(%dma_start3A_397 : memref<128x128xf32, #tpu.memory_space<hbm>>) target_semaphore(%dma_start3A_395 : memref<!tpu.dma_semaphore, #tpu.memory_space<semaphore_mem>>)
      %mul3A_402 = arith.constant 4 : i32
      %mul3A_403 = arith.muli %scan3A_261, %mul3A_402 : i32
      %add3A_404 = arith.constant 2 : i32
      %add3A_405 = arith.addi %mul3A_403, %add3A_404 : i32
      %dma_wait3A_406 = arith.constant 2 : i32
      %dma_wait3A_407 = arith.constant 2 : i32
      %dma_wait3A_408 = arith.constant 0 : i32
      %dma_wait3A_409 = arith.constant 0 : i32
      %dma_wait3A_410 = tpu.memref_slice %arg6[%dma_wait3A_406, %dma_wait3A_408, %dma_wait3A_409] : memref<4x128x128xf32, #tpu.memory_space<vmem>> -> memref<1x128x128xf32, #tpu.memory_space<vmem>>
      %dma_wait3A_411 = tpu.memref_squeeze %dma_wait3A_410 : memref<1x128x128xf32, #tpu.memory_space<vmem>> -> memref<128x128xf32, #tpu.memory_space<vmem>>
      %dma_wait3A_412 = arith.constant 0 : i32
      %dma_wait3A_413 = arith.constant 0 : i32
      %dma_wait3A_414 = tpu.memref_slice %arg4[%dma_wait3A_412, %dma_wait3A_413] : memref<49152x128xf32, #tpu.memory_space<hbm>> -> memref<128x128xf32, #tpu.memory_space<hbm>>
      %dma_wait3A_415 = tpu.memref_slice %arg9[%dma_wait3A_407] : memref<4x!tpu.dma_semaphore, #tpu.memory_space<semaphore_mem>> -> memref<1x!tpu.dma_semaphore, #tpu.memory_space<semaphore_mem>>
      %dma_wait3A_416 = tpu.memref_squeeze %dma_wait3A_415 : memref<1x!tpu.dma_semaphore, #tpu.memory_space<semaphore_mem>> -> memref<!tpu.dma_semaphore, #tpu.memory_space<semaphore_mem>>
      %dma_wait3A_417 = arith.constant 0 : i32
      %dma_wait3A_418 = arith.constant 0 : i32
      %dma_wait3A_419 = tpu.memref_slice %arg4[%dma_wait3A_417, %dma_wait3A_418] : memref<49152x128xf32, #tpu.memory_space<hbm>> -> memref<128x128xf32, #tpu.memory_space<hbm>>
      %dma_wait3A_420 = arith.constant 0 : i32
      %dma_wait3A_421 = arith.constant 0 : i32
      %dma_wait3A_422 = tpu.memref_slice %arg6[%dma_wait3A_406, %dma_wait3A_420, %dma_wait3A_421] : memref<4x128x128xf32, #tpu.memory_space<vmem>> -> memref<1x128x128xf32, #tpu.memory_space<vmem>>
      %dma_wait3A_423 = tpu.memref_squeeze %dma_wait3A_422 : memref<1x128x128xf32, #tpu.memory_space<vmem>> -> memref<128x128xf32, #tpu.memory_space<vmem>>
      tpu.wait_dma2 semaphore(%dma_wait3A_416 : memref<!tpu.dma_semaphore, #tpu.memory_space<semaphore_mem>>) src(%dma_wait3A_423 : memref<128x128xf32, #tpu.memory_space<vmem>>) dst(%dma_wait3A_419 : memref<128x128xf32, #tpu.memory_space<hbm>>)
      %mul3A_424 = arith.constant 128 : i32
      %mul3A_425 = arith.muli %add3A_405, %mul3A_424 : i32
      %dma_start3A_426 = arith.constant 2 : i32
      %dma_start3A_427 = arith.constant 2 : i32
      %dma_start3A_428 = arith.constant 0 : i32
      %dma_start3A_429 = arith.constant 0 : i32
      %dma_start3A_430 = tpu.memref_slice %arg6[%dma_start3A_426, %dma_start3A_428, %dma_start3A_429] : memref<4x128x128xf32, #tpu.memory_space<vmem>> -> memref<1x128x128xf32, #tpu.memory_space<vmem>>
      %dma_start3A_431 = tpu.memref_squeeze %dma_start3A_430 : memref<1x128x128xf32, #tpu.memory_space<vmem>> -> memref<128x128xf32, #tpu.memory_space<vmem>>
      %dma_start3A_432 = tpu.memref_slice %arg5[%mul3A_425] : memref<1536xi32, #tpu.memory_space<vmem>> -> memref<128xi32, #tpu.memory_space<vmem>>
      %dma_start3A_433 = arith.constant 0 : i32
      %dma_start3A_434 = arith.constant 0 : i32
      %dma_start3A_435 = tpu.memref_slice %arg2[%dma_start3A_433, %dma_start3A_434] : memref<1000000x128xf32, #tpu.memory_space<hbm>> -> memref<1000000x128xf32, #tpu.memory_space<hbm>>
      %dma_start3A_436 = tpu.memref_slice %arg8[%dma_start3A_427] : memref<4x!tpu.dma_semaphore, #tpu.memory_space<semaphore_mem>> -> memref<1x!tpu.dma_semaphore, #tpu.memory_space<semaphore_mem>>
      %dma_start3A_437 = tpu.memref_squeeze %dma_start3A_436 : memref<1x!tpu.dma_semaphore, #tpu.memory_space<semaphore_mem>> -> memref<!tpu.dma_semaphore, #tpu.memory_space<semaphore_mem>>
      tpu.enqueue_indirect_dma source(%dma_start3A_435 : memref<1000000x128xf32, #tpu.memory_space<hbm>>) target(%dma_start3A_431 : memref<128x128xf32, #tpu.memory_space<vmem>>) offsets(%dma_start3A_432 : memref<128xi32, #tpu.memory_space<vmem>>) semaphore(%dma_start3A_437 : memref<!tpu.dma_semaphore, #tpu.memory_space<semaphore_mem>>)
      %dma_wait3A_438 = arith.constant 0 : i32
      %dma_wait3A_439 = arith.constant 0 : i32
      %dma_wait3A_440 = arith.constant 0 : i32
      %dma_wait3A_441 = arith.constant 0 : i32
      %dma_wait3A_442 = tpu.memref_slice %arg6[%dma_wait3A_438, %dma_wait3A_440, %dma_wait3A_441] : memref<4x128x128xf32, #tpu.memory_space<vmem>> -> memref<1x128x128xf32, #tpu.memory_space<vmem>>
      %dma_wait3A_443 = tpu.memref_squeeze %dma_wait3A_442 : memref<1x128x128xf32, #tpu.memory_space<vmem>> -> memref<128x128xf32, #tpu.memory_space<vmem>>
      %dma_wait3A_444 = arith.constant 0 : i32
      %dma_wait3A_445 = tpu.memref_slice %arg5[%dma_wait3A_444] : memref<1536xi32, #tpu.memory_space<vmem>> -> memref<128xi32, #tpu.memory_space<vmem>>
      %dma_wait3A_446 = arith.constant 0 : i32
      %dma_wait3A_447 = arith.constant 0 : i32
      %dma_wait3A_448 = tpu.memref_slice %arg2[%dma_wait3A_446, %dma_wait3A_447] : memref<1000000x128xf32, #tpu.memory_space<hbm>> -> memref<1000000x128xf32, #tpu.memory_space<hbm>>
      %dma_wait3A_449 = tpu.memref_slice %arg8[%dma_wait3A_439] : memref<4x!tpu.dma_semaphore, #tpu.memory_space<semaphore_mem>> -> memref<1x!tpu.dma_semaphore, #tpu.memory_space<semaphore_mem>>
      %dma_wait3A_450 = tpu.memref_squeeze %dma_wait3A_449 : memref<1x!tpu.dma_semaphore, #tpu.memory_space<semaphore_mem>> -> memref<!tpu.dma_semaphore, #tpu.memory_space<semaphore_mem>>
      tpu.wait_indirect_dma semaphore(%dma_wait3A_450 : memref<!tpu.dma_semaphore, #tpu.memory_space<semaphore_mem>>) src(%dma_wait3A_448 : memref<1000000x128xf32, #tpu.memory_space<hbm>>) dst(%dma_wait3A_443 : memref<128x128xf32, #tpu.memory_space<vmem>>)
      %sub3A_451 = arith.constant 2 : i32
      %sub3A_452 = arith.subi %add3A_405, %sub3A_451 : i32
      %mul3A_453 = arith.constant 128 : i32
      %mul3A_454 = arith.muli %sub3A_452, %mul3A_453 : i32
      %add3A_455 = arith.addi %mul3A_2, %mul3A_454 : i32
      %dma_start3A_456 = arith.constant 0 : i32
      %dma_start3A_457 = arith.constant 0 : i32
      %dma_start3A_458 = arith.constant 0 : i32
      %dma_start3A_459 = arith.constant 0 : i32
      %dma_start3A_460 = tpu.memref_slice %arg6[%dma_start3A_456, %dma_start3A_458, %dma_start3A_459] : memref<4x128x128xf32, #tpu.memory_space<vmem>> -> memref<1x128x128xf32, #tpu.memory_space<vmem>>
      %dma_start3A_461 = tpu.memref_squeeze %dma_start3A_460 : memref<1x128x128xf32, #tpu.memory_space<vmem>> -> memref<128x128xf32, #tpu.memory_space<vmem>>
      %dma_start3A_462 = arith.constant 0 : i32
      %dma_start3A_463 = tpu.memref_slice %arg4[%add3A_455, %dma_start3A_462] : memref<49152x128xf32, #tpu.memory_space<hbm>> -> memref<128x128xf32, #tpu.memory_space<hbm>>
      %dma_start3A_464 = tpu.memref_slice %arg9[%dma_start3A_457] : memref<4x!tpu.dma_semaphore, #tpu.memory_space<semaphore_mem>> -> memref<1x!tpu.dma_semaphore, #tpu.memory_space<semaphore_mem>>
      %dma_start3A_465 = tpu.memref_squeeze %dma_start3A_464 : memref<1x!tpu.dma_semaphore, #tpu.memory_space<semaphore_mem>> -> memref<!tpu.dma_semaphore, #tpu.memory_space<semaphore_mem>>
      %dma_start3A_466 = arith.constant 0 : i32
      %dma_start3A_467 = tpu.memref_slice %arg4[%add3A_455, %dma_start3A_466] : memref<49152x128xf32, #tpu.memory_space<hbm>> -> memref<128x128xf32, #tpu.memory_space<hbm>>
      %dma_start3A_468 = arith.constant 0 : i32
      %dma_start3A_469 = arith.constant 0 : i32
      %dma_start3A_470 = tpu.memref_slice %arg6[%dma_start3A_456, %dma_start3A_468, %dma_start3A_469] : memref<4x128x128xf32, #tpu.memory_space<vmem>> -> memref<1x128x128xf32, #tpu.memory_space<vmem>>
      %dma_start3A_471 = tpu.memref_squeeze %dma_start3A_470 : memref<1x128x128xf32, #tpu.memory_space<vmem>> -> memref<128x128xf32, #tpu.memory_space<vmem>>
      tpu.enqueue_dma source(%dma_start3A_471 : memref<128x128xf32, #tpu.memory_space<vmem>>) target(%dma_start3A_467 : memref<128x128xf32, #tpu.memory_space<hbm>>) target_semaphore(%dma_start3A_465 : memref<!tpu.dma_semaphore, #tpu.memory_space<semaphore_mem>>)
      %mul3A_472 = arith.constant 4 : i32
      %mul3A_473 = arith.muli %scan3A_261, %mul3A_472 : i32
      %add3A_474 = arith.constant 3 : i32
      %add3A_475 = arith.addi %mul3A_473, %add3A_474 : i32
      %dma_wait3A_476 = arith.constant 3 : i32
      %dma_wait3A_477 = arith.constant 3 : i32
      %dma_wait3A_478 = arith.constant 0 : i32
      %dma_wait3A_479 = arith.constant 0 : i32
      %dma_wait3A_480 = tpu.memref_slice %arg6[%dma_wait3A_476, %dma_wait3A_478, %dma_wait3A_479] : memref<4x128x128xf32, #tpu.memory_space<vmem>> -> memref<1x128x128xf32, #tpu.memory_space<vmem>>
      %dma_wait3A_481 = tpu.memref_squeeze %dma_wait3A_480 : memref<1x128x128xf32, #tpu.memory_space<vmem>> -> memref<128x128xf32, #tpu.memory_space<vmem>>
      %dma_wait3A_482 = arith.constant 0 : i32
      %dma_wait3A_483 = arith.constant 0 : i32
      %dma_wait3A_484 = tpu.memref_slice %arg4[%dma_wait3A_482, %dma_wait3A_483] : memref<49152x128xf32, #tpu.memory_space<hbm>> -> memref<128x128xf32, #tpu.memory_space<hbm>>
      %dma_wait3A_485 = tpu.memref_slice %arg9[%dma_wait3A_477] : memref<4x!tpu.dma_semaphore, #tpu.memory_space<semaphore_mem>> -> memref<1x!tpu.dma_semaphore, #tpu.memory_space<semaphore_mem>>
      %dma_wait3A_486 = tpu.memref_squeeze %dma_wait3A_485 : memref<1x!tpu.dma_semaphore, #tpu.memory_space<semaphore_mem>> -> memref<!tpu.dma_semaphore, #tpu.memory_space<semaphore_mem>>
      %dma_wait3A_487 = arith.constant 0 : i32
      %dma_wait3A_488 = arith.constant 0 : i32
      %dma_wait3A_489 = tpu.memref_slice %arg4[%dma_wait3A_487, %dma_wait3A_488] : memref<49152x128xf32, #tpu.memory_space<hbm>> -> memref<128x128xf32, #tpu.memory_space<hbm>>
      %dma_wait3A_490 = arith.constant 0 : i32
      %dma_wait3A_491 = arith.constant 0 : i32
      %dma_wait3A_492 = tpu.memref_slice %arg6[%dma_wait3A_476, %dma_wait3A_490, %dma_wait3A_491] : memref<4x128x128xf32, #tpu.memory_space<vmem>> -> memref<1x128x128xf32, #tpu.memory_space<vmem>>
      %dma_wait3A_493 = tpu.memref_squeeze %dma_wait3A_492 : memref<1x128x128xf32, #tpu.memory_space<vmem>> -> memref<128x128xf32, #tpu.memory_space<vmem>>
      tpu.wait_dma2 semaphore(%dma_wait3A_486 : memref<!tpu.dma_semaphore, #tpu.memory_space<semaphore_mem>>) src(%dma_wait3A_493 : memref<128x128xf32, #tpu.memory_space<vmem>>) dst(%dma_wait3A_489 : memref<128x128xf32, #tpu.memory_space<hbm>>)
      %mul3A_494 = arith.constant 128 : i32
      %mul3A_495 = arith.muli %add3A_475, %mul3A_494 : i32
      %dma_start3A_496 = arith.constant 3 : i32
      %dma_start3A_497 = arith.constant 3 : i32
      %dma_start3A_498 = arith.constant 0 : i32
      %dma_start3A_499 = arith.constant 0 : i32
      %dma_start3A_500 = tpu.memref_slice %arg6[%dma_start3A_496, %dma_start3A_498, %dma_start3A_499] : memref<4x128x128xf32, #tpu.memory_space<vmem>> -> memref<1x128x128xf32, #tpu.memory_space<vmem>>
      %dma_start3A_501 = tpu.memref_squeeze %dma_start3A_500 : memref<1x128x128xf32, #tpu.memory_space<vmem>> -> memref<128x128xf32, #tpu.memory_space<vmem>>
      %dma_start3A_502 = tpu.memref_slice %arg5[%mul3A_495] : memref<1536xi32, #tpu.memory_space<vmem>> -> memref<128xi32, #tpu.memory_space<vmem>>
      %dma_start3A_503 = arith.constant 0 : i32
      %dma_start3A_504 = arith.constant 0 : i32
      %dma_start3A_505 = tpu.memref_slice %arg2[%dma_start3A_503, %dma_start3A_504] : memref<1000000x128xf32, #tpu.memory_space<hbm>> -> memref<1000000x128xf32, #tpu.memory_space<hbm>>
      %dma_start3A_506 = tpu.memref_slice %arg8[%dma_start3A_497] : memref<4x!tpu.dma_semaphore, #tpu.memory_space<semaphore_mem>> -> memref<1x!tpu.dma_semaphore, #tpu.memory_space<semaphore_mem>>
      %dma_start3A_507 = tpu.memref_squeeze %dma_start3A_506 : memref<1x!tpu.dma_semaphore, #tpu.memory_space<semaphore_mem>> -> memref<!tpu.dma_semaphore, #tpu.memory_space<semaphore_mem>>
      tpu.enqueue_indirect_dma source(%dma_start3A_505 : memref<1000000x128xf32, #tpu.memory_space<hbm>>) target(%dma_start3A_501 : memref<128x128xf32, #tpu.memory_space<vmem>>) offsets(%dma_start3A_502 : memref<128xi32, #tpu.memory_space<vmem>>) semaphore(%dma_start3A_507 : memref<!tpu.dma_semaphore, #tpu.memory_space<semaphore_mem>>)
      %dma_wait3A_508 = arith.constant 1 : i32
      %dma_wait3A_509 = arith.constant 1 : i32
      %dma_wait3A_510 = arith.constant 0 : i32
      %dma_wait3A_511 = arith.constant 0 : i32
      %dma_wait3A_512 = tpu.memref_slice %arg6[%dma_wait3A_508, %dma_wait3A_510, %dma_wait3A_511] : memref<4x128x128xf32, #tpu.memory_space<vmem>> -> memref<1x128x128xf32, #tpu.memory_space<vmem>>
      %dma_wait3A_513 = tpu.memref_squeeze %dma_wait3A_512 : memref<1x128x128xf32, #tpu.memory_space<vmem>> -> memref<128x128xf32, #tpu.memory_space<vmem>>
      %dma_wait3A_514 = arith.constant 0 : i32
      %dma_wait3A_515 = tpu.memref_slice %arg5[%dma_wait3A_514] : memref<1536xi32, #tpu.memory_space<vmem>> -> memref<128xi32, #tpu.memory_space<vmem>>
      %dma_wait3A_516 = arith.constant 0 : i32
      %dma_wait3A_517 = arith.constant 0 : i32
      %dma_wait3A_518 = tpu.memref_slice %arg2[%dma_wait3A_516, %dma_wait3A_517] : memref<1000000x128xf32, #tpu.memory_space<hbm>> -> memref<1000000x128xf32, #tpu.memory_space<hbm>>
      %dma_wait3A_519 = tpu.memref_slice %arg8[%dma_wait3A_509] : memref<4x!tpu.dma_semaphore, #tpu.memory_space<semaphore_mem>> -> memref<1x!tpu.dma_semaphore, #tpu.memory_space<semaphore_mem>>
      %dma_wait3A_520 = tpu.memref_squeeze %dma_wait3A_519 : memref<1x!tpu.dma_semaphore, #tpu.memory_space<semaphore_mem>> -> memref<!tpu.dma_semaphore, #tpu.memory_space<semaphore_mem>>
      tpu.wait_indirect_dma semaphore(%dma_wait3A_520 : memref<!tpu.dma_semaphore, #tpu.memory_space<semaphore_mem>>) src(%dma_wait3A_518 : memref<1000000x128xf32, #tpu.memory_space<hbm>>) dst(%dma_wait3A_513 : memref<128x128xf32, #tpu.memory_space<vmem>>)
      %sub3A_521 = arith.constant 2 : i32
      %sub3A_522 = arith.subi %add3A_475, %sub3A_521 : i32
      %mul3A_523 = arith.constant 128 : i32
      %mul3A_524 = arith.muli %sub3A_522, %mul3A_523 : i32
      %add3A_525 = arith.addi %mul3A_2, %mul3A_524 : i32
      %dma_start3A_526 = arith.constant 1 : i32
      %dma_start3A_527 = arith.constant 1 : i32
      %dma_start3A_528 = arith.constant 0 : i32
      %dma_start3A_529 = arith.constant 0 : i32
      %dma_start3A_530 = tpu.memref_slice %arg6[%dma_start3A_526, %dma_start3A_528, %dma_start3A_529] : memref<4x128x128xf32, #tpu.memory_space<vmem>> -> memref<1x128x128xf32, #tpu.memory_space<vmem>>
      %dma_start3A_531 = tpu.memref_squeeze %dma_start3A_530 : memref<1x128x128xf32, #tpu.memory_space<vmem>> -> memref<128x128xf32, #tpu.memory_space<vmem>>
      %dma_start3A_532 = arith.constant 0 : i32
      %dma_start3A_533 = tpu.memref_slice %arg4[%add3A_525, %dma_start3A_532] : memref<49152x128xf32, #tpu.memory_space<hbm>> -> memref<128x128xf32, #tpu.memory_space<hbm>>
      %dma_start3A_534 = tpu.memref_slice %arg9[%dma_start3A_527] : memref<4x!tpu.dma_semaphore, #tpu.memory_space<semaphore_mem>> -> memref<1x!tpu.dma_semaphore, #tpu.memory_space<semaphore_mem>>
      %dma_start3A_535 = tpu.memref_squeeze %dma_start3A_534 : memref<1x!tpu.dma_semaphore, #tpu.memory_space<semaphore_mem>> -> memref<!tpu.dma_semaphore, #tpu.memory_space<semaphore_mem>>
      %dma_start3A_536 = arith.constant 0 : i32
      %dma_start3A_537 = tpu.memref_slice %arg4[%add3A_525, %dma_start3A_536] : memref<49152x128xf32, #tpu.memory_space<hbm>> -> memref<128x128xf32, #tpu.memory_space<hbm>>
      %dma_start3A_538 = arith.constant 0 : i32
      %dma_start3A_539 = arith.constant 0 : i32
      %dma_start3A_540 = tpu.memref_slice %arg6[%dma_start3A_526, %dma_start3A_538, %dma_start3A_539] : memref<4x128x128xf32, #tpu.memory_space<vmem>> -> memref<1x128x128xf32, #tpu.memory_space<vmem>>
      %dma_start3A_541 = tpu.memref_squeeze %dma_start3A_540 : memref<1x128x128xf32, #tpu.memory_space<vmem>> -> memref<128x128xf32, #tpu.memory_space<vmem>>
      tpu.enqueue_dma source(%dma_start3A_541 : memref<128x128xf32, #tpu.memory_space<vmem>>) target(%dma_start3A_537 : memref<128x128xf32, #tpu.memory_space<hbm>>) target_semaphore(%dma_start3A_535 : memref<!tpu.dma_semaphore, #tpu.memory_space<semaphore_mem>>)
      %scan3A_542 = arith.constant 0 : i32
      scf.yield %scan3A_542 : i32
    }
    %scan3A_126 = arith.constant 2 : i32
    %dma_wait3A_127 = arith.constant 2 : i32
    %dma_wait3A_128 = arith.constant 2 : i32
    %dma_wait3A_129 = arith.constant 0 : i32
    %dma_wait3A_130 = arith.constant 0 : i32
    %dma_wait3A_131 = tpu.memref_slice %arg6[%dma_wait3A_127, %dma_wait3A_129, %dma_wait3A_130] : memref<4x128x128xf32, #tpu.memory_space<vmem>> -> memref<1x128x128xf32, #tpu.memory_space<vmem>>
    %dma_wait3A_132 = tpu.memref_squeeze %dma_wait3A_131 : memref<1x128x128xf32, #tpu.memory_space<vmem>> -> memref<128x128xf32, #tpu.memory_space<vmem>>
    %dma_wait3A_133 = arith.constant 0 : i32
    %dma_wait3A_134 = tpu.memref_slice %arg5[%dma_wait3A_133] : memref<1536xi32, #tpu.memory_space<vmem>> -> memref<128xi32, #tpu.memory_space<vmem>>
    %dma_wait3A_135 = arith.constant 0 : i32
    %dma_wait3A_136 = arith.constant 0 : i32
    %dma_wait3A_137 = tpu.memref_slice %arg2[%dma_wait3A_135, %dma_wait3A_136] : memref<1000000x128xf32, #tpu.memory_space<hbm>> -> memref<1000000x128xf32, #tpu.memory_space<hbm>>
    %dma_wait3A_138 = tpu.memref_slice %arg8[%dma_wait3A_128] : memref<4x!tpu.dma_semaphore, #tpu.memory_space<semaphore_mem>> -> memref<1x!tpu.dma_semaphore, #tpu.memory_space<semaphore_mem>>
    %dma_wait3A_139 = tpu.memref_squeeze %dma_wait3A_138 : memref<1x!tpu.dma_semaphore, #tpu.memory_space<semaphore_mem>> -> memref<!tpu.dma_semaphore, #tpu.memory_space<semaphore_mem>>
    tpu.wait_indirect_dma semaphore(%dma_wait3A_139 : memref<!tpu.dma_semaphore, #tpu.memory_space<semaphore_mem>>) src(%dma_wait3A_137 : memref<1000000x128xf32, #tpu.memory_space<hbm>>) dst(%dma_wait3A_132 : memref<128x128xf32, #tpu.memory_space<vmem>>)
    %add3A_140 = arith.constant 1280 : i32
    %add3A_141 = arith.addi %mul3A_2, %add3A_140 : i32
    %dma_start3A_142 = arith.constant 2 : i32
    %dma_start3A_143 = arith.constant 2 : i32
    %dma_start3A_144 = arith.constant 0 : i32
    %dma_start3A_145 = arith.constant 0 : i32
    %dma_start3A_146 = tpu.memref_slice %arg6[%dma_start3A_142, %dma_start3A_144, %dma_start3A_145] : memref<4x128x128xf32, #tpu.memory_space<vmem>> -> memref<1x128x128xf32, #tpu.memory_space<vmem>>
    %dma_start3A_147 = tpu.memref_squeeze %dma_start3A_146 : memref<1x128x128xf32, #tpu.memory_space<vmem>> -> memref<128x128xf32, #tpu.memory_space<vmem>>
    %dma_start3A_148 = arith.constant 0 : i32
    %dma_start3A_149 = tpu.memref_slice %arg4[%add3A_141, %dma_start3A_148] : memref<49152x128xf32, #tpu.memory_space<hbm>> -> memref<128x128xf32, #tpu.memory_space<hbm>>
    %dma_start3A_150 = tpu.memref_slice %arg9[%dma_start3A_143] : memref<4x!tpu.dma_semaphore, #tpu.memory_space<semaphore_mem>> -> memref<1x!tpu.dma_semaphore, #tpu.memory_space<semaphore_mem>>
    %dma_start3A_151 = tpu.memref_squeeze %dma_start3A_150 : memref<1x!tpu.dma_semaphore, #tpu.memory_space<semaphore_mem>> -> memref<!tpu.dma_semaphore, #tpu.memory_space<semaphore_mem>>
    %dma_start3A_152 = arith.constant 0 : i32
    %dma_start3A_153 = tpu.memref_slice %arg4[%add3A_141, %dma_start3A_152] : memref<49152x128xf32, #tpu.memory_space<hbm>> -> memref<128x128xf32, #tpu.memory_space<hbm>>
    %dma_start3A_154 = arith.constant 0 : i32
    %dma_start3A_155 = arith.constant 0 : i32
    %dma_start3A_156 = tpu.memref_slice %arg6[%dma_start3A_142, %dma_start3A_154, %dma_start3A_155] : memref<4x128x128xf32, #tpu.memory_space<vmem>> -> memref<1x128x128xf32, #tpu.memory_space<vmem>>
    %dma_start3A_157 = tpu.memref_squeeze %dma_start3A_156 : memref<1x128x128xf32, #tpu.memory_space<vmem>> -> memref<128x128xf32, #tpu.memory_space<vmem>>
    tpu.enqueue_dma source(%dma_start3A_157 : memref<128x128xf32, #tpu.memory_space<vmem>>) target(%dma_start3A_153 : memref<128x128xf32, #tpu.memory_space<hbm>>) target_semaphore(%dma_start3A_151 : memref<!tpu.dma_semaphore, #tpu.memory_space<semaphore_mem>>)
    %dma_wait3A_158 = arith.constant 3 : i32
    %dma_wait3A_159 = arith.constant 3 : i32
    %dma_wait3A_160 = arith.constant 0 : i32
    %dma_wait3A_161 = arith.constant 0 : i32
    %dma_wait3A_162 = tpu.memref_slice %arg6[%dma_wait3A_158, %dma_wait3A_160, %dma_wait3A_161] : memref<4x128x128xf32, #tpu.memory_space<vmem>> -> memref<1x128x128xf32, #tpu.memory_space<vmem>>
    %dma_wait3A_163 = tpu.memref_squeeze %dma_wait3A_162 : memref<1x128x128xf32, #tpu.memory_space<vmem>> -> memref<128x128xf32, #tpu.memory_space<vmem>>
    %dma_wait3A_164 = arith.constant 0 : i32
    %dma_wait3A_165 = tpu.memref_slice %arg5[%dma_wait3A_164] : memref<1536xi32, #tpu.memory_space<vmem>> -> memref<128xi32, #tpu.memory_space<vmem>>
    %dma_wait3A_166 = arith.constant 0 : i32
    %dma_wait3A_167 = arith.constant 0 : i32
    %dma_wait3A_168 = tpu.memref_slice %arg2[%dma_wait3A_166, %dma_wait3A_167] : memref<1000000x128xf32, #tpu.memory_space<hbm>> -> memref<1000000x128xf32, #tpu.memory_space<hbm>>
    %dma_wait3A_169 = tpu.memref_slice %arg8[%dma_wait3A_159] : memref<4x!tpu.dma_semaphore, #tpu.memory_space<semaphore_mem>> -> memref<1x!tpu.dma_semaphore, #tpu.memory_space<semaphore_mem>>
    %dma_wait3A_170 = tpu.memref_squeeze %dma_wait3A_169 : memref<1x!tpu.dma_semaphore, #tpu.memory_space<semaphore_mem>> -> memref<!tpu.dma_semaphore, #tpu.memory_space<semaphore_mem>>
    tpu.wait_indirect_dma semaphore(%dma_wait3A_170 : memref<!tpu.dma_semaphore, #tpu.memory_space<semaphore_mem>>) src(%dma_wait3A_168 : memref<1000000x128xf32, #tpu.memory_space<hbm>>) dst(%dma_wait3A_163 : memref<128x128xf32, #tpu.memory_space<vmem>>)
    %add3A_171 = arith.constant 1408 : i32
    %add3A_172 = arith.addi %mul3A_2, %add3A_171 : i32
    %dma_start3A_173 = arith.constant 3 : i32
    %dma_start3A_174 = arith.constant 3 : i32
    %dma_start3A_175 = arith.constant 0 : i32
    %dma_start3A_176 = arith.constant 0 : i32
    %dma_start3A_177 = tpu.memref_slice %arg6[%dma_start3A_173, %dma_start3A_175, %dma_start3A_176] : memref<4x128x128xf32, #tpu.memory_space<vmem>> -> memref<1x128x128xf32, #tpu.memory_space<vmem>>
    %dma_start3A_178 = tpu.memref_squeeze %dma_start3A_177 : memref<1x128x128xf32, #tpu.memory_space<vmem>> -> memref<128x128xf32, #tpu.memory_space<vmem>>
    %dma_start3A_179 = arith.constant 0 : i32
    %dma_start3A_180 = tpu.memref_slice %arg4[%add3A_172, %dma_start3A_179] : memref<49152x128xf32, #tpu.memory_space<hbm>> -> memref<128x128xf32, #tpu.memory_space<hbm>>
    %dma_start3A_181 = tpu.memref_slice %arg9[%dma_start3A_174] : memref<4x!tpu.dma_semaphore, #tpu.memory_space<semaphore_mem>> -> memref<1x!tpu.dma_semaphore, #tpu.memory_space<semaphore_mem>>
    %dma_start3A_182 = tpu.memref_squeeze %dma_start3A_181 : memref<1x!tpu.dma_semaphore, #tpu.memory_space<semaphore_mem>> -> memref<!tpu.dma_semaphore, #tpu.memory_space<semaphore_mem>>
    %dma_start3A_183 = arith.constant 0 : i32
    %dma_start3A_184 = tpu.memref_slice %arg4[%add3A_172, %dma_start3A_183] : memref<49152x128xf32, #tpu.memory_space<hbm>> -> memref<128x128xf32, #tpu.memory_space<hbm>>
    %dma_start3A_185 = arith.constant 0 : i32
    %dma_start3A_186 = arith.constant 0 : i32
    %dma_start3A_187 = tpu.memref_slice %arg6[%dma_start3A_173, %dma_start3A_185, %dma_start3A_186] : memref<4x128x128xf32, #tpu.memory_space<vmem>> -> memref<1x128x128xf32, #tpu.memory_space<vmem>>
    %dma_start3A_188 = tpu.memref_squeeze %dma_start3A_187 : memref<1x128x128xf32, #tpu.memory_space<vmem>> -> memref<128x128xf32, #tpu.memory_space<vmem>>
    tpu.enqueue_dma source(%dma_start3A_188 : memref<128x128xf32, #tpu.memory_space<vmem>>) target(%dma_start3A_184 : memref<128x128xf32, #tpu.memory_space<hbm>>) target_semaphore(%dma_start3A_182 : memref<!tpu.dma_semaphore, #tpu.memory_space<semaphore_mem>>)
    %dma_wait3A_189 = arith.constant 0 : i32
    %dma_wait3A_190 = arith.constant 0 : i32
    %dma_wait3A_191 = arith.constant 0 : i32
    %dma_wait3A_192 = arith.constant 0 : i32
    %dma_wait3A_193 = tpu.memref_slice %arg6[%dma_wait3A_189, %dma_wait3A_191, %dma_wait3A_192] : memref<4x128x128xf32, #tpu.memory_space<vmem>> -> memref<1x128x128xf32, #tpu.memory_space<vmem>>
    %dma_wait3A_194 = tpu.memref_squeeze %dma_wait3A_193 : memref<1x128x128xf32, #tpu.memory_space<vmem>> -> memref<128x128xf32, #tpu.memory_space<vmem>>
    %dma_wait3A_195 = arith.constant 0 : i32
    %dma_wait3A_196 = arith.constant 0 : i32
    %dma_wait3A_197 = tpu.memref_slice %arg4[%dma_wait3A_195, %dma_wait3A_196] : memref<49152x128xf32, #tpu.memory_space<hbm>> -> memref<128x128xf32, #tpu.memory_space<hbm>>
    %dma_wait3A_198 = tpu.memref_slice %arg9[%dma_wait3A_190] : memref<4x!tpu.dma_semaphore, #tpu.memory_space<semaphore_mem>> -> memref<1x!tpu.dma_semaphore, #tpu.memory_space<semaphore_mem>>
    %dma_wait3A_199 = tpu.memref_squeeze %dma_wait3A_198 : memref<1x!tpu.dma_semaphore, #tpu.memory_space<semaphore_mem>> -> memref<!tpu.dma_semaphore, #tpu.memory_space<semaphore_mem>>
    %dma_wait3A_200 = arith.constant 0 : i32
    %dma_wait3A_201 = arith.constant 0 : i32
    %dma_wait3A_202 = tpu.memref_slice %arg4[%dma_wait3A_200, %dma_wait3A_201] : memref<49152x128xf32, #tpu.memory_space<hbm>> -> memref<128x128xf32, #tpu.memory_space<hbm>>
    %dma_wait3A_203 = arith.constant 0 : i32
    %dma_wait3A_204 = arith.constant 0 : i32
    %dma_wait3A_205 = tpu.memref_slice %arg6[%dma_wait3A_189, %dma_wait3A_203, %dma_wait3A_204] : memref<4x128x128xf32, #tpu.memory_space<vmem>> -> memref<1x128x128xf32, #tpu.memory_space<vmem>>
    %dma_wait3A_206 = tpu.memref_squeeze %dma_wait3A_205 : memref<1x128x128xf32, #tpu.memory_space<vmem>> -> memref<128x128xf32, #tpu.memory_space<vmem>>
    tpu.wait_dma2 semaphore(%dma_wait3A_199 : memref<!tpu.dma_semaphore, #tpu.memory_space<semaphore_mem>>) src(%dma_wait3A_206 : memref<128x128xf32, #tpu.memory_space<vmem>>) dst(%dma_wait3A_202 : memref<128x128xf32, #tpu.memory_space<hbm>>)
    %dma_wait3A_207 = arith.constant 1 : i32
    %dma_wait3A_208 = arith.constant 1 : i32
    %dma_wait3A_209 = arith.constant 0 : i32
    %dma_wait3A_210 = arith.constant 0 : i32
    %dma_wait3A_211 = tpu.memref_slice %arg6[%dma_wait3A_207, %dma_wait3A_209, %dma_wait3A_210] : memref<4x128x128xf32, #tpu.memory_space<vmem>> -> memref<1x128x128xf32, #tpu.memory_space<vmem>>
    %dma_wait3A_212 = tpu.memref_squeeze %dma_wait3A_211 : memref<1x128x128xf32, #tpu.memory_space<vmem>> -> memref<128x128xf32, #tpu.memory_space<vmem>>
    %dma_wait3A_213 = arith.constant 0 : i32
    %dma_wait3A_214 = arith.constant 0 : i32
    %dma_wait3A_215 = tpu.memref_slice %arg4[%dma_wait3A_213, %dma_wait3A_214] : memref<49152x128xf32, #tpu.memory_space<hbm>> -> memref<128x128xf32, #tpu.memory_space<hbm>>
    %dma_wait3A_216 = tpu.memref_slice %arg9[%dma_wait3A_208] : memref<4x!tpu.dma_semaphore, #tpu.memory_space<semaphore_mem>> -> memref<1x!tpu.dma_semaphore, #tpu.memory_space<semaphore_mem>>
    %dma_wait3A_217 = tpu.memref_squeeze %dma_wait3A_216 : memref<1x!tpu.dma_semaphore, #tpu.memory_space<semaphore_mem>> -> memref<!tpu.dma_semaphore, #tpu.memory_space<semaphore_mem>>
    %dma_wait3A_218 = arith.constant 0 : i32
    %dma_wait3A_219 = arith.constant 0 : i32
    %dma_wait3A_220 = tpu.memref_slice %arg4[%dma_wait3A_218, %dma_wait3A_219] : memref<49152x128xf32, #tpu.memory_space<hbm>> -> memref<128x128xf32, #tpu.memory_space<hbm>>
    %dma_wait3A_221 = arith.constant 0 : i32
    %dma_wait3A_222 = arith.constant 0 : i32
    %dma_wait3A_223 = tpu.memref_slice %arg6[%dma_wait3A_207, %dma_wait3A_221, %dma_wait3A_222] : memref<4x128x128xf32, #tpu.memory_space<vmem>> -> memref<1x128x128xf32, #tpu.memory_space<vmem>>
    %dma_wait3A_224 = tpu.memref_squeeze %dma_wait3A_223 : memref<1x128x128xf32, #tpu.memory_space<vmem>> -> memref<128x128xf32, #tpu.memory_space<vmem>>
    tpu.wait_dma2 semaphore(%dma_wait3A_217 : memref<!tpu.dma_semaphore, #tpu.memory_space<semaphore_mem>>) src(%dma_wait3A_224 : memref<128x128xf32, #tpu.memory_space<vmem>>) dst(%dma_wait3A_220 : memref<128x128xf32, #tpu.memory_space<hbm>>)
    %dma_wait3A_225 = arith.constant 2 : i32
    %dma_wait3A_226 = arith.constant 2 : i32
    %dma_wait3A_227 = arith.constant 0 : i32
    %dma_wait3A_228 = arith.constant 0 : i32
    %dma_wait3A_229 = tpu.memref_slice %arg6[%dma_wait3A_225, %dma_wait3A_227, %dma_wait3A_228] : memref<4x128x128xf32, #tpu.memory_space<vmem>> -> memref<1x128x128xf32, #tpu.memory_space<vmem>>
    %dma_wait3A_230 = tpu.memref_squeeze %dma_wait3A_229 : memref<1x128x128xf32, #tpu.memory_space<vmem>> -> memref<128x128xf32, #tpu.memory_space<vmem>>
    %dma_wait3A_231 = arith.constant 0 : i32
    %dma_wait3A_232 = arith.constant 0 : i32
    %dma_wait3A_233 = tpu.memref_slice %arg4[%dma_wait3A_231, %dma_wait3A_232] : memref<49152x128xf32, #tpu.memory_space<hbm>> -> memref<128x128xf32, #tpu.memory_space<hbm>>
    %dma_wait3A_234 = tpu.memref_slice %arg9[%dma_wait3A_226] : memref<4x!tpu.dma_semaphore, #tpu.memory_space<semaphore_mem>> -> memref<1x!tpu.dma_semaphore, #tpu.memory_space<semaphore_mem>>
    %dma_wait3A_235 = tpu.memref_squeeze %dma_wait3A_234 : memref<1x!tpu.dma_semaphore, #tpu.memory_space<semaphore_mem>> -> memref<!tpu.dma_semaphore, #tpu.memory_space<semaphore_mem>>
    %dma_wait3A_236 = arith.constant 0 : i32
    %dma_wait3A_237 = arith.constant 0 : i32
    %dma_wait3A_238 = tpu.memref_slice %arg4[%dma_wait3A_236, %dma_wait3A_237] : memref<49152x128xf32, #tpu.memory_space<hbm>> -> memref<128x128xf32, #tpu.memory_space<hbm>>
    %dma_wait3A_239 = arith.constant 0 : i32
    %dma_wait3A_240 = arith.constant 0 : i32
    %dma_wait3A_241 = tpu.memref_slice %arg6[%dma_wait3A_225, %dma_wait3A_239, %dma_wait3A_240] : memref<4x128x128xf32, #tpu.memory_space<vmem>> -> memref<1x128x128xf32, #tpu.memory_space<vmem>>
    %dma_wait3A_242 = tpu.memref_squeeze %dma_wait3A_241 : memref<1x128x128xf32, #tpu.memory_space<vmem>> -> memref<128x128xf32, #tpu.memory_space<vmem>>
    tpu.wait_dma2 semaphore(%dma_wait3A_235 : memref<!tpu.dma_semaphore, #tpu.memory_space<semaphore_mem>>) src(%dma_wait3A_242 : memref<128x128xf32, #tpu.memory_space<vmem>>) dst(%dma_wait3A_238 : memref<128x128xf32, #tpu.memory_space<hbm>>)
    %dma_wait3A_243 = arith.constant 3 : i32
    %dma_wait3A_244 = arith.constant 3 : i32
    %dma_wait3A_245 = arith.constant 0 : i32
    %dma_wait3A_246 = arith.constant 0 : i32
    %dma_wait3A_247 = tpu.memref_slice %arg6[%dma_wait3A_243, %dma_wait3A_245, %dma_wait3A_246] : memref<4x128x128xf32, #tpu.memory_space<vmem>> -> memref<1x128x128xf32, #tpu.memory_space<vmem>>
    %dma_wait3A_248 = tpu.memref_squeeze %dma_wait3A_247 : memref<1x128x128xf32, #tpu.memory_space<vmem>> -> memref<128x128xf32, #tpu.memory_space<vmem>>
    %dma_wait3A_249 = arith.constant 0 : i32
    %dma_wait3A_250 = arith.constant 0 : i32
    %dma_wait3A_251 = tpu.memref_slice %arg4[%dma_wait3A_249, %dma_wait3A_250] : memref<49152x128xf32, #tpu.memory_space<hbm>> -> memref<128x128xf32, #tpu.memory_space<hbm>>
    %dma_wait3A_252 = tpu.memref_slice %arg9[%dma_wait3A_244] : memref<4x!tpu.dma_semaphore, #tpu.memory_space<semaphore_mem>> -> memref<1x!tpu.dma_semaphore, #tpu.memory_space<semaphore_mem>>
    %dma_wait3A_253 = tpu.memref_squeeze %dma_wait3A_252 : memref<1x!tpu.dma_semaphore, #tpu.memory_space<semaphore_mem>> -> memref<!tpu.dma_semaphore, #tpu.memory_space<semaphore_mem>>
    %dma_wait3A_254 = arith.constant 0 : i32
    %dma_wait3A_255 = arith.constant 0 : i32
    %dma_wait3A_256 = tpu.memref_slice %arg4[%dma_wait3A_254, %dma_wait3A_255] : memref<49152x128xf32, #tpu.memory_space<hbm>> -> memref<128x128xf32, #tpu.memory_space<hbm>>
    %dma_wait3A_257 = arith.constant 0 : i32
    %dma_wait3A_258 = arith.constant 0 : i32
    %dma_wait3A_259 = tpu.memref_slice %arg6[%dma_wait3A_243, %dma_wait3A_257, %dma_wait3A_258] : memref<4x128x128xf32, #tpu.memory_space<vmem>> -> memref<1x128x128xf32, #tpu.memory_space<vmem>>
    %dma_wait3A_260 = tpu.memref_squeeze %dma_wait3A_259 : memref<1x128x128xf32, #tpu.memory_space<vmem>> -> memref<128x128xf32, #tpu.memory_space<vmem>>
    tpu.wait_dma2 semaphore(%dma_wait3A_253 : memref<!tpu.dma_semaphore, #tpu.memory_space<semaphore_mem>>) src(%dma_wait3A_260 : memref<128x128xf32, #tpu.memory_space<vmem>>) dst(%dma_wait3A_256 : memref<128x128xf32, #tpu.memory_space<hbm>>)
    return
  }
}

#map = affine_map<(d0, d1) -> (0, 0)>
#map1 = affine_map<(d0, d1) -> (0)>
module attributes {stable_mosaic.version = 14 : i64} {
  func.func @body(%arg0: i32, %arg1: i32, %arg2: memref<1000000x128xf32, #tpu.memory_space<hbm>>, %arg3: memref<204800xi32, #tpu.memory_space<hbm>>, %arg4: memref<32768x128xf32, #tpu.memory_space<hbm>>, %arg5: memref<1024xi32, #tpu.memory_space<vmem>>, %arg6: memref<4x128x128xf32, #tpu.memory_space<vmem>>, %arg7: memref<!tpu.dma_semaphore, #tpu.memory_space<semaphore_mem>>, %arg8: memref<4x!tpu.dma_semaphore, #tpu.memory_space<semaphore_mem>>, %arg9: memref<4x!tpu.dma_semaphore, #tpu.memory_space<semaphore_mem>>) attributes {dimension_semantics = [#tpu.dimension_semantics<core_parallel>, #tpu.dimension_semantics<subcore_parallel>], iteration_bounds = array<i64: 2, 16>, scalar_prefetch = 0 : i64, scratch_operands = 5 : i64, tpu.core_type = #tpu.core_type<sc_vector_subcore>, window_params = [{transform_indices = #map}, {transform_indices = #map1}, {transform_indices = #map}]} {
    %mul3A = arith.constant 2 : i32
    %mul3A_0 = arith.muli %arg1, %mul3A : i32
    %add3A = arith.addi %mul3A_0, %arg0 : i32
    %mul3A_1 = arith.constant 1024 : i32
    %mul3A_2 = arith.muli %add3A, %mul3A_1 : i32
    %add3A_3 = arith.constant 139264 : i32
    %add3A_4 = arith.addi %add3A_3, %mul3A_2 : i32
    %dma_start3A = tpu.memref_slice %arg3[%add3A_4] : memref<204800xi32, #tpu.memory_space<hbm>> -> memref<1024xi32, #tpu.memory_space<hbm>>
    %dma_start3A_5 = tpu.memref_slice %arg3[%add3A_4] : memref<204800xi32, #tpu.memory_space<hbm>> -> memref<1024xi32, #tpu.memory_space<hbm>>
    tpu.enqueue_dma source(%dma_start3A_5 : memref<1024xi32, #tpu.memory_space<hbm>>) target(%arg5 : memref<1024xi32, #tpu.memory_space<vmem>>) target_semaphore(%arg7 : memref<!tpu.dma_semaphore, #tpu.memory_space<semaphore_mem>>)
    %dma_wait3A = tpu.memref_slice %arg3[%add3A_4] : memref<204800xi32, #tpu.memory_space<hbm>> -> memref<1024xi32, #tpu.memory_space<hbm>>
    %dma_wait3A_6 = tpu.memref_slice %arg3[%add3A_4] : memref<204800xi32, #tpu.memory_space<hbm>> -> memref<1024xi32, #tpu.memory_space<hbm>>
    tpu.wait_dma2 semaphore(%arg7 : memref<!tpu.dma_semaphore, #tpu.memory_space<semaphore_mem>>) src(%dma_wait3A_6 : memref<1024xi32, #tpu.memory_space<hbm>>) dst(%arg5 : memref<1024xi32, #tpu.memory_space<vmem>>)
    %dma_start3A_7 = arith.constant 0 : i32
    %dma_start3A_8 = arith.constant 0 : i32
    %dma_start3A_9 = arith.constant 0 : i32
    %dma_start3A_10 = arith.constant 0 : i32
    %dma_start3A_11 = tpu.memref_slice %arg6[%dma_start3A_7, %dma_start3A_9, %dma_start3A_10] : memref<4x128x128xf32, #tpu.memory_space<vmem>> -> memref<1x128x128xf32, #tpu.memory_space<vmem>>
    %dma_start3A_12 = tpu.memref_squeeze %dma_start3A_11 : memref<1x128x128xf32, #tpu.memory_space<vmem>> -> memref<128x128xf32, #tpu.memory_space<vmem>>
    %dma_start3A_13 = arith.constant 0 : i32
    %dma_start3A_14 = tpu.memref_slice %arg5[%dma_start3A_13] : memref<1024xi32, #tpu.memory_space<vmem>> -> memref<128xi32, #tpu.memory_space<vmem>>
    %dma_start3A_15 = arith.constant 0 : i32
    %dma_start3A_16 = arith.constant 0 : i32
    %dma_start3A_17 = tpu.memref_slice %arg2[%dma_start3A_15, %dma_start3A_16] : memref<1000000x128xf32, #tpu.memory_space<hbm>> -> memref<1000000x128xf32, #tpu.memory_space<hbm>>
    %dma_start3A_18 = tpu.memref_slice %arg8[%dma_start3A_8] : memref<4x!tpu.dma_semaphore, #tpu.memory_space<semaphore_mem>> -> memref<1x!tpu.dma_semaphore, #tpu.memory_space<semaphore_mem>>
    %dma_start3A_19 = tpu.memref_squeeze %dma_start3A_18 : memref<1x!tpu.dma_semaphore, #tpu.memory_space<semaphore_mem>> -> memref<!tpu.dma_semaphore, #tpu.memory_space<semaphore_mem>>
    tpu.enqueue_indirect_dma source(%dma_start3A_17 : memref<1000000x128xf32, #tpu.memory_space<hbm>>) target(%dma_start3A_12 : memref<128x128xf32, #tpu.memory_space<vmem>>) offsets(%dma_start3A_14 : memref<128xi32, #tpu.memory_space<vmem>>) semaphore(%dma_start3A_19 : memref<!tpu.dma_semaphore, #tpu.memory_space<semaphore_mem>>)
    %dma_start3A_20 = arith.constant 1 : i32
    %dma_start3A_21 = arith.constant 1 : i32
    %dma_start3A_22 = arith.constant 0 : i32
    %dma_start3A_23 = arith.constant 0 : i32
    %dma_start3A_24 = tpu.memref_slice %arg6[%dma_start3A_20, %dma_start3A_22, %dma_start3A_23] : memref<4x128x128xf32, #tpu.memory_space<vmem>> -> memref<1x128x128xf32, #tpu.memory_space<vmem>>
    %dma_start3A_25 = tpu.memref_squeeze %dma_start3A_24 : memref<1x128x128xf32, #tpu.memory_space<vmem>> -> memref<128x128xf32, #tpu.memory_space<vmem>>
    %dma_start3A_26 = arith.constant 128 : i32
    %dma_start3A_27 = tpu.memref_slice %arg5[%dma_start3A_26] : memref<1024xi32, #tpu.memory_space<vmem>> -> memref<128xi32, #tpu.memory_space<vmem>>
    %dma_start3A_28 = arith.constant 0 : i32
    %dma_start3A_29 = arith.constant 0 : i32
    %dma_start3A_30 = tpu.memref_slice %arg2[%dma_start3A_28, %dma_start3A_29] : memref<1000000x128xf32, #tpu.memory_space<hbm>> -> memref<1000000x128xf32, #tpu.memory_space<hbm>>
    %dma_start3A_31 = tpu.memref_slice %arg8[%dma_start3A_21] : memref<4x!tpu.dma_semaphore, #tpu.memory_space<semaphore_mem>> -> memref<1x!tpu.dma_semaphore, #tpu.memory_space<semaphore_mem>>
    %dma_start3A_32 = tpu.memref_squeeze %dma_start3A_31 : memref<1x!tpu.dma_semaphore, #tpu.memory_space<semaphore_mem>> -> memref<!tpu.dma_semaphore, #tpu.memory_space<semaphore_mem>>
    tpu.enqueue_indirect_dma source(%dma_start3A_30 : memref<1000000x128xf32, #tpu.memory_space<hbm>>) target(%dma_start3A_25 : memref<128x128xf32, #tpu.memory_space<vmem>>) offsets(%dma_start3A_27 : memref<128xi32, #tpu.memory_space<vmem>>) semaphore(%dma_start3A_32 : memref<!tpu.dma_semaphore, #tpu.memory_space<semaphore_mem>>)
    %dma_start3A_33 = arith.constant 2 : i32
    %dma_start3A_34 = arith.constant 2 : i32
    %dma_start3A_35 = arith.constant 0 : i32
    %dma_start3A_36 = arith.constant 0 : i32
    %dma_start3A_37 = tpu.memref_slice %arg6[%dma_start3A_33, %dma_start3A_35, %dma_start3A_36] : memref<4x128x128xf32, #tpu.memory_space<vmem>> -> memref<1x128x128xf32, #tpu.memory_space<vmem>>
    %dma_start3A_38 = tpu.memref_squeeze %dma_start3A_37 : memref<1x128x128xf32, #tpu.memory_space<vmem>> -> memref<128x128xf32, #tpu.memory_space<vmem>>
    %dma_start3A_39 = arith.constant 256 : i32
    %dma_start3A_40 = tpu.memref_slice %arg5[%dma_start3A_39] : memref<1024xi32, #tpu.memory_space<vmem>> -> memref<128xi32, #tpu.memory_space<vmem>>
    %dma_start3A_41 = arith.constant 0 : i32
    %dma_start3A_42 = arith.constant 0 : i32
    %dma_start3A_43 = tpu.memref_slice %arg2[%dma_start3A_41, %dma_start3A_42] : memref<1000000x128xf32, #tpu.memory_space<hbm>> -> memref<1000000x128xf32, #tpu.memory_space<hbm>>
    %dma_start3A_44 = tpu.memref_slice %arg8[%dma_start3A_34] : memref<4x!tpu.dma_semaphore, #tpu.memory_space<semaphore_mem>> -> memref<1x!tpu.dma_semaphore, #tpu.memory_space<semaphore_mem>>
    %dma_start3A_45 = tpu.memref_squeeze %dma_start3A_44 : memref<1x!tpu.dma_semaphore, #tpu.memory_space<semaphore_mem>> -> memref<!tpu.dma_semaphore, #tpu.memory_space<semaphore_mem>>
    tpu.enqueue_indirect_dma source(%dma_start3A_43 : memref<1000000x128xf32, #tpu.memory_space<hbm>>) target(%dma_start3A_38 : memref<128x128xf32, #tpu.memory_space<vmem>>) offsets(%dma_start3A_40 : memref<128xi32, #tpu.memory_space<vmem>>) semaphore(%dma_start3A_45 : memref<!tpu.dma_semaphore, #tpu.memory_space<semaphore_mem>>)
    %dma_wait3A_46 = arith.constant 0 : i32
    %dma_wait3A_47 = arith.constant 0 : i32
    %dma_wait3A_48 = arith.constant 0 : i32
    %dma_wait3A_49 = arith.constant 0 : i32
    %dma_wait3A_50 = tpu.memref_slice %arg6[%dma_wait3A_46, %dma_wait3A_48, %dma_wait3A_49] : memref<4x128x128xf32, #tpu.memory_space<vmem>> -> memref<1x128x128xf32, #tpu.memory_space<vmem>>
    %dma_wait3A_51 = tpu.memref_squeeze %dma_wait3A_50 : memref<1x128x128xf32, #tpu.memory_space<vmem>> -> memref<128x128xf32, #tpu.memory_space<vmem>>
    %dma_wait3A_52 = arith.constant 0 : i32
    %dma_wait3A_53 = tpu.memref_slice %arg5[%dma_wait3A_52] : memref<1024xi32, #tpu.memory_space<vmem>> -> memref<128xi32, #tpu.memory_space<vmem>>
    %dma_wait3A_54 = arith.constant 0 : i32
    %dma_wait3A_55 = arith.constant 0 : i32
    %dma_wait3A_56 = tpu.memref_slice %arg2[%dma_wait3A_54, %dma_wait3A_55] : memref<1000000x128xf32, #tpu.memory_space<hbm>> -> memref<1000000x128xf32, #tpu.memory_space<hbm>>
    %dma_wait3A_57 = tpu.memref_slice %arg8[%dma_wait3A_47] : memref<4x!tpu.dma_semaphore, #tpu.memory_space<semaphore_mem>> -> memref<1x!tpu.dma_semaphore, #tpu.memory_space<semaphore_mem>>
    %dma_wait3A_58 = tpu.memref_squeeze %dma_wait3A_57 : memref<1x!tpu.dma_semaphore, #tpu.memory_space<semaphore_mem>> -> memref<!tpu.dma_semaphore, #tpu.memory_space<semaphore_mem>>
    tpu.wait_indirect_dma semaphore(%dma_wait3A_58 : memref<!tpu.dma_semaphore, #tpu.memory_space<semaphore_mem>>) src(%dma_wait3A_56 : memref<1000000x128xf32, #tpu.memory_space<hbm>>) dst(%dma_wait3A_51 : memref<128x128xf32, #tpu.memory_space<vmem>>)
    %add3A_59 = arith.constant 0 : i32
    %add3A_60 = arith.addi %mul3A_2, %add3A_59 : i32
    %dma_start3A_61 = arith.constant 0 : i32
    %dma_start3A_62 = arith.constant 0 : i32
    %dma_start3A_63 = arith.constant 0 : i32
    %dma_start3A_64 = arith.constant 0 : i32
    %dma_start3A_65 = tpu.memref_slice %arg6[%dma_start3A_61, %dma_start3A_63, %dma_start3A_64] : memref<4x128x128xf32, #tpu.memory_space<vmem>> -> memref<1x128x128xf32, #tpu.memory_space<vmem>>
    %dma_start3A_66 = tpu.memref_squeeze %dma_start3A_65 : memref<1x128x128xf32, #tpu.memory_space<vmem>> -> memref<128x128xf32, #tpu.memory_space<vmem>>
    %dma_start3A_67 = arith.constant 0 : i32
    %dma_start3A_68 = tpu.memref_slice %arg4[%add3A_60, %dma_start3A_67] : memref<32768x128xf32, #tpu.memory_space<hbm>> -> memref<128x128xf32, #tpu.memory_space<hbm>>
    %dma_start3A_69 = tpu.memref_slice %arg9[%dma_start3A_62] : memref<4x!tpu.dma_semaphore, #tpu.memory_space<semaphore_mem>> -> memref<1x!tpu.dma_semaphore, #tpu.memory_space<semaphore_mem>>
    %dma_start3A_70 = tpu.memref_squeeze %dma_start3A_69 : memref<1x!tpu.dma_semaphore, #tpu.memory_space<semaphore_mem>> -> memref<!tpu.dma_semaphore, #tpu.memory_space<semaphore_mem>>
    %dma_start3A_71 = arith.constant 0 : i32
    %dma_start3A_72 = tpu.memref_slice %arg4[%add3A_60, %dma_start3A_71] : memref<32768x128xf32, #tpu.memory_space<hbm>> -> memref<128x128xf32, #tpu.memory_space<hbm>>
    %dma_start3A_73 = arith.constant 0 : i32
    %dma_start3A_74 = arith.constant 0 : i32
    %dma_start3A_75 = tpu.memref_slice %arg6[%dma_start3A_61, %dma_start3A_73, %dma_start3A_74] : memref<4x128x128xf32, #tpu.memory_space<vmem>> -> memref<1x128x128xf32, #tpu.memory_space<vmem>>
    %dma_start3A_76 = tpu.memref_squeeze %dma_start3A_75 : memref<1x128x128xf32, #tpu.memory_space<vmem>> -> memref<128x128xf32, #tpu.memory_space<vmem>>
    tpu.enqueue_dma source(%dma_start3A_76 : memref<128x128xf32, #tpu.memory_space<vmem>>) target(%dma_start3A_72 : memref<128x128xf32, #tpu.memory_space<hbm>>) target_semaphore(%dma_start3A_70 : memref<!tpu.dma_semaphore, #tpu.memory_space<semaphore_mem>>)
    %dma_start3A_77 = arith.constant 3 : i32
    %dma_start3A_78 = arith.constant 3 : i32
    %dma_start3A_79 = arith.constant 0 : i32
    %dma_start3A_80 = arith.constant 0 : i32
    %dma_start3A_81 = tpu.memref_slice %arg6[%dma_start3A_77, %dma_start3A_79, %dma_start3A_80] : memref<4x128x128xf32, #tpu.memory_space<vmem>> -> memref<1x128x128xf32, #tpu.memory_space<vmem>>
    %dma_start3A_82 = tpu.memref_squeeze %dma_start3A_81 : memref<1x128x128xf32, #tpu.memory_space<vmem>> -> memref<128x128xf32, #tpu.memory_space<vmem>>
    %dma_start3A_83 = arith.constant 384 : i32
    %dma_start3A_84 = tpu.memref_slice %arg5[%dma_start3A_83] : memref<1024xi32, #tpu.memory_space<vmem>> -> memref<128xi32, #tpu.memory_space<vmem>>
    %dma_start3A_85 = arith.constant 0 : i32
    %dma_start3A_86 = arith.constant 0 : i32
    %dma_start3A_87 = tpu.memref_slice %arg2[%dma_start3A_85, %dma_start3A_86] : memref<1000000x128xf32, #tpu.memory_space<hbm>> -> memref<1000000x128xf32, #tpu.memory_space<hbm>>
    %dma_start3A_88 = tpu.memref_slice %arg8[%dma_start3A_78] : memref<4x!tpu.dma_semaphore, #tpu.memory_space<semaphore_mem>> -> memref<1x!tpu.dma_semaphore, #tpu.memory_space<semaphore_mem>>
    %dma_start3A_89 = tpu.memref_squeeze %dma_start3A_88 : memref<1x!tpu.dma_semaphore, #tpu.memory_space<semaphore_mem>> -> memref<!tpu.dma_semaphore, #tpu.memory_space<semaphore_mem>>
    tpu.enqueue_indirect_dma source(%dma_start3A_87 : memref<1000000x128xf32, #tpu.memory_space<hbm>>) target(%dma_start3A_82 : memref<128x128xf32, #tpu.memory_space<vmem>>) offsets(%dma_start3A_84 : memref<128xi32, #tpu.memory_space<vmem>>) semaphore(%dma_start3A_89 : memref<!tpu.dma_semaphore, #tpu.memory_space<semaphore_mem>>)
    %dma_wait3A_90 = arith.constant 1 : i32
    %dma_wait3A_91 = arith.constant 1 : i32
    %dma_wait3A_92 = arith.constant 0 : i32
    %dma_wait3A_93 = arith.constant 0 : i32
    %dma_wait3A_94 = tpu.memref_slice %arg6[%dma_wait3A_90, %dma_wait3A_92, %dma_wait3A_93] : memref<4x128x128xf32, #tpu.memory_space<vmem>> -> memref<1x128x128xf32, #tpu.memory_space<vmem>>
    %dma_wait3A_95 = tpu.memref_squeeze %dma_wait3A_94 : memref<1x128x128xf32, #tpu.memory_space<vmem>> -> memref<128x128xf32, #tpu.memory_space<vmem>>
    %dma_wait3A_96 = arith.constant 0 : i32
    %dma_wait3A_97 = tpu.memref_slice %arg5[%dma_wait3A_96] : memref<1024xi32, #tpu.memory_space<vmem>> -> memref<128xi32, #tpu.memory_space<vmem>>
    %dma_wait3A_98 = arith.constant 0 : i32
    %dma_wait3A_99 = arith.constant 0 : i32
    %dma_wait3A_100 = tpu.memref_slice %arg2[%dma_wait3A_98, %dma_wait3A_99] : memref<1000000x128xf32, #tpu.memory_space<hbm>> -> memref<1000000x128xf32, #tpu.memory_space<hbm>>
    %dma_wait3A_101 = tpu.memref_slice %arg8[%dma_wait3A_91] : memref<4x!tpu.dma_semaphore, #tpu.memory_space<semaphore_mem>> -> memref<1x!tpu.dma_semaphore, #tpu.memory_space<semaphore_mem>>
    %dma_wait3A_102 = tpu.memref_squeeze %dma_wait3A_101 : memref<1x!tpu.dma_semaphore, #tpu.memory_space<semaphore_mem>> -> memref<!tpu.dma_semaphore, #tpu.memory_space<semaphore_mem>>
    tpu.wait_indirect_dma semaphore(%dma_wait3A_102 : memref<!tpu.dma_semaphore, #tpu.memory_space<semaphore_mem>>) src(%dma_wait3A_100 : memref<1000000x128xf32, #tpu.memory_space<hbm>>) dst(%dma_wait3A_95 : memref<128x128xf32, #tpu.memory_space<vmem>>)
    %add3A_103 = arith.constant 128 : i32
    %add3A_104 = arith.addi %mul3A_2, %add3A_103 : i32
    %dma_start3A_105 = arith.constant 1 : i32
    %dma_start3A_106 = arith.constant 1 : i32
    %dma_start3A_107 = arith.constant 0 : i32
    %dma_start3A_108 = arith.constant 0 : i32
    %dma_start3A_109 = tpu.memref_slice %arg6[%dma_start3A_105, %dma_start3A_107, %dma_start3A_108] : memref<4x128x128xf32, #tpu.memory_space<vmem>> -> memref<1x128x128xf32, #tpu.memory_space<vmem>>
    %dma_start3A_110 = tpu.memref_squeeze %dma_start3A_109 : memref<1x128x128xf32, #tpu.memory_space<vmem>> -> memref<128x128xf32, #tpu.memory_space<vmem>>
    %dma_start3A_111 = arith.constant 0 : i32
    %dma_start3A_112 = tpu.memref_slice %arg4[%add3A_104, %dma_start3A_111] : memref<32768x128xf32, #tpu.memory_space<hbm>> -> memref<128x128xf32, #tpu.memory_space<hbm>>
    %dma_start3A_113 = tpu.memref_slice %arg9[%dma_start3A_106] : memref<4x!tpu.dma_semaphore, #tpu.memory_space<semaphore_mem>> -> memref<1x!tpu.dma_semaphore, #tpu.memory_space<semaphore_mem>>
    %dma_start3A_114 = tpu.memref_squeeze %dma_start3A_113 : memref<1x!tpu.dma_semaphore, #tpu.memory_space<semaphore_mem>> -> memref<!tpu.dma_semaphore, #tpu.memory_space<semaphore_mem>>
    %dma_start3A_115 = arith.constant 0 : i32
    %dma_start3A_116 = tpu.memref_slice %arg4[%add3A_104, %dma_start3A_115] : memref<32768x128xf32, #tpu.memory_space<hbm>> -> memref<128x128xf32, #tpu.memory_space<hbm>>
    %dma_start3A_117 = arith.constant 0 : i32
    %dma_start3A_118 = arith.constant 0 : i32
    %dma_start3A_119 = tpu.memref_slice %arg6[%dma_start3A_105, %dma_start3A_117, %dma_start3A_118] : memref<4x128x128xf32, #tpu.memory_space<vmem>> -> memref<1x128x128xf32, #tpu.memory_space<vmem>>
    %dma_start3A_120 = tpu.memref_squeeze %dma_start3A_119 : memref<1x128x128xf32, #tpu.memory_space<vmem>> -> memref<128x128xf32, #tpu.memory_space<vmem>>
    tpu.enqueue_dma source(%dma_start3A_120 : memref<128x128xf32, #tpu.memory_space<vmem>>) target(%dma_start3A_116 : memref<128x128xf32, #tpu.memory_space<hbm>>) target_semaphore(%dma_start3A_114 : memref<!tpu.dma_semaphore, #tpu.memory_space<semaphore_mem>>)
    %scan3A = arith.constant 0 : i32
    %scan3A_121 = arith.constant 1 : i32
    %mul3A_122 = arith.constant 4 : i32
    %mul3A_123 = arith.muli %scan3A_121, %mul3A_122 : i32
    %add3A_124 = arith.constant 0 : i32
    %add3A_125 = arith.addi %mul3A_123, %add3A_124 : i32
    %dma_wait3A_126 = arith.constant 0 : i32
    %dma_wait3A_127 = arith.constant 0 : i32
    %dma_wait3A_128 = arith.constant 0 : i32
    %dma_wait3A_129 = arith.constant 0 : i32
    %dma_wait3A_130 = tpu.memref_slice %arg6[%dma_wait3A_126, %dma_wait3A_128, %dma_wait3A_129] : memref<4x128x128xf32, #tpu.memory_space<vmem>> -> memref<1x128x128xf32, #tpu.memory_space<vmem>>
    %dma_wait3A_131 = tpu.memref_squeeze %dma_wait3A_130 : memref<1x128x128xf32, #tpu.memory_space<vmem>> -> memref<128x128xf32, #tpu.memory_space<vmem>>
    %dma_wait3A_132 = arith.constant 0 : i32
    %dma_wait3A_133 = arith.constant 0 : i32
    %dma_wait3A_134 = tpu.memref_slice %arg4[%dma_wait3A_132, %dma_wait3A_133] : memref<32768x128xf32, #tpu.memory_space<hbm>> -> memref<128x128xf32, #tpu.memory_space<hbm>>
    %dma_wait3A_135 = tpu.memref_slice %arg9[%dma_wait3A_127] : memref<4x!tpu.dma_semaphore, #tpu.memory_space<semaphore_mem>> -> memref<1x!tpu.dma_semaphore, #tpu.memory_space<semaphore_mem>>
    %dma_wait3A_136 = tpu.memref_squeeze %dma_wait3A_135 : memref<1x!tpu.dma_semaphore, #tpu.memory_space<semaphore_mem>> -> memref<!tpu.dma_semaphore, #tpu.memory_space<semaphore_mem>>
    %dma_wait3A_137 = arith.constant 0 : i32
    %dma_wait3A_138 = arith.constant 0 : i32
    %dma_wait3A_139 = tpu.memref_slice %arg4[%dma_wait3A_137, %dma_wait3A_138] : memref<32768x128xf32, #tpu.memory_space<hbm>> -> memref<128x128xf32, #tpu.memory_space<hbm>>
    %dma_wait3A_140 = arith.constant 0 : i32
    %dma_wait3A_141 = arith.constant 0 : i32
    %dma_wait3A_142 = tpu.memref_slice %arg6[%dma_wait3A_126, %dma_wait3A_140, %dma_wait3A_141] : memref<4x128x128xf32, #tpu.memory_space<vmem>> -> memref<1x128x128xf32, #tpu.memory_space<vmem>>
    %dma_wait3A_143 = tpu.memref_squeeze %dma_wait3A_142 : memref<1x128x128xf32, #tpu.memory_space<vmem>> -> memref<128x128xf32, #tpu.memory_space<vmem>>
    tpu.wait_dma2 semaphore(%dma_wait3A_136 : memref<!tpu.dma_semaphore, #tpu.memory_space<semaphore_mem>>) src(%dma_wait3A_143 : memref<128x128xf32, #tpu.memory_space<vmem>>) dst(%dma_wait3A_139 : memref<128x128xf32, #tpu.memory_space<hbm>>)
    %mul3A_144 = arith.constant 128 : i32
    %mul3A_145 = arith.muli %add3A_125, %mul3A_144 : i32
    %dma_start3A_146 = arith.constant 0 : i32
    %dma_start3A_147 = arith.constant 0 : i32
    %dma_start3A_148 = arith.constant 0 : i32
    %dma_start3A_149 = arith.constant 0 : i32
    %dma_start3A_150 = tpu.memref_slice %arg6[%dma_start3A_146, %dma_start3A_148, %dma_start3A_149] : memref<4x128x128xf32, #tpu.memory_space<vmem>> -> memref<1x128x128xf32, #tpu.memory_space<vmem>>
    %dma_start3A_151 = tpu.memref_squeeze %dma_start3A_150 : memref<1x128x128xf32, #tpu.memory_space<vmem>> -> memref<128x128xf32, #tpu.memory_space<vmem>>
    %dma_start3A_152 = tpu.memref_slice %arg5[%mul3A_145] : memref<1024xi32, #tpu.memory_space<vmem>> -> memref<128xi32, #tpu.memory_space<vmem>>
    %dma_start3A_153 = arith.constant 0 : i32
    %dma_start3A_154 = arith.constant 0 : i32
    %dma_start3A_155 = tpu.memref_slice %arg2[%dma_start3A_153, %dma_start3A_154] : memref<1000000x128xf32, #tpu.memory_space<hbm>> -> memref<1000000x128xf32, #tpu.memory_space<hbm>>
    %dma_start3A_156 = tpu.memref_slice %arg8[%dma_start3A_147] : memref<4x!tpu.dma_semaphore, #tpu.memory_space<semaphore_mem>> -> memref<1x!tpu.dma_semaphore, #tpu.memory_space<semaphore_mem>>
    %dma_start3A_157 = tpu.memref_squeeze %dma_start3A_156 : memref<1x!tpu.dma_semaphore, #tpu.memory_space<semaphore_mem>> -> memref<!tpu.dma_semaphore, #tpu.memory_space<semaphore_mem>>
    tpu.enqueue_indirect_dma source(%dma_start3A_155 : memref<1000000x128xf32, #tpu.memory_space<hbm>>) target(%dma_start3A_151 : memref<128x128xf32, #tpu.memory_space<vmem>>) offsets(%dma_start3A_152 : memref<128xi32, #tpu.memory_space<vmem>>) semaphore(%dma_start3A_157 : memref<!tpu.dma_semaphore, #tpu.memory_space<semaphore_mem>>)
    %dma_wait3A_158 = arith.constant 2 : i32
    %dma_wait3A_159 = arith.constant 2 : i32
    %dma_wait3A_160 = arith.constant 0 : i32
    %dma_wait3A_161 = arith.constant 0 : i32
    %dma_wait3A_162 = tpu.memref_slice %arg6[%dma_wait3A_158, %dma_wait3A_160, %dma_wait3A_161] : memref<4x128x128xf32, #tpu.memory_space<vmem>> -> memref<1x128x128xf32, #tpu.memory_space<vmem>>
    %dma_wait3A_163 = tpu.memref_squeeze %dma_wait3A_162 : memref<1x128x128xf32, #tpu.memory_space<vmem>> -> memref<128x128xf32, #tpu.memory_space<vmem>>
    %dma_wait3A_164 = arith.constant 0 : i32
    %dma_wait3A_165 = tpu.memref_slice %arg5[%dma_wait3A_164] : memref<1024xi32, #tpu.memory_space<vmem>> -> memref<128xi32, #tpu.memory_space<vmem>>
    %dma_wait3A_166 = arith.constant 0 : i32
    %dma_wait3A_167 = arith.constant 0 : i32
    %dma_wait3A_168 = tpu.memref_slice %arg2[%dma_wait3A_166, %dma_wait3A_167] : memref<1000000x128xf32, #tpu.memory_space<hbm>> -> memref<1000000x128xf32, #tpu.memory_space<hbm>>
    %dma_wait3A_169 = tpu.memref_slice %arg8[%dma_wait3A_159] : memref<4x!tpu.dma_semaphore, #tpu.memory_space<semaphore_mem>> -> memref<1x!tpu.dma_semaphore, #tpu.memory_space<semaphore_mem>>
    %dma_wait3A_170 = tpu.memref_squeeze %dma_wait3A_169 : memref<1x!tpu.dma_semaphore, #tpu.memory_space<semaphore_mem>> -> memref<!tpu.dma_semaphore, #tpu.memory_space<semaphore_mem>>
    tpu.wait_indirect_dma semaphore(%dma_wait3A_170 : memref<!tpu.dma_semaphore, #tpu.memory_space<semaphore_mem>>) src(%dma_wait3A_168 : memref<1000000x128xf32, #tpu.memory_space<hbm>>) dst(%dma_wait3A_163 : memref<128x128xf32, #tpu.memory_space<vmem>>)
    %sub3A = arith.constant 2 : i32
    %sub3A_171 = arith.subi %add3A_125, %sub3A : i32
    %mul3A_172 = arith.constant 128 : i32
    %mul3A_173 = arith.muli %sub3A_171, %mul3A_172 : i32
    %add3A_174 = arith.addi %mul3A_2, %mul3A_173 : i32
    %dma_start3A_175 = arith.constant 2 : i32
    %dma_start3A_176 = arith.constant 2 : i32
    %dma_start3A_177 = arith.constant 0 : i32
    %dma_start3A_178 = arith.constant 0 : i32
    %dma_start3A_179 = tpu.memref_slice %arg6[%dma_start3A_175, %dma_start3A_177, %dma_start3A_178] : memref<4x128x128xf32, #tpu.memory_space<vmem>> -> memref<1x128x128xf32, #tpu.memory_space<vmem>>
    %dma_start3A_180 = tpu.memref_squeeze %dma_start3A_179 : memref<1x128x128xf32, #tpu.memory_space<vmem>> -> memref<128x128xf32, #tpu.memory_space<vmem>>
    %dma_start3A_181 = arith.constant 0 : i32
    %dma_start3A_182 = tpu.memref_slice %arg4[%add3A_174, %dma_start3A_181] : memref<32768x128xf32, #tpu.memory_space<hbm>> -> memref<128x128xf32, #tpu.memory_space<hbm>>
    %dma_start3A_183 = tpu.memref_slice %arg9[%dma_start3A_176] : memref<4x!tpu.dma_semaphore, #tpu.memory_space<semaphore_mem>> -> memref<1x!tpu.dma_semaphore, #tpu.memory_space<semaphore_mem>>
    %dma_start3A_184 = tpu.memref_squeeze %dma_start3A_183 : memref<1x!tpu.dma_semaphore, #tpu.memory_space<semaphore_mem>> -> memref<!tpu.dma_semaphore, #tpu.memory_space<semaphore_mem>>
    %dma_start3A_185 = arith.constant 0 : i32
    %dma_start3A_186 = tpu.memref_slice %arg4[%add3A_174, %dma_start3A_185] : memref<32768x128xf32, #tpu.memory_space<hbm>> -> memref<128x128xf32, #tpu.memory_space<hbm>>
    %dma_start3A_187 = arith.constant 0 : i32
    %dma_start3A_188 = arith.constant 0 : i32
    %dma_start3A_189 = tpu.memref_slice %arg6[%dma_start3A_175, %dma_start3A_187, %dma_start3A_188] : memref<4x128x128xf32, #tpu.memory_space<vmem>> -> memref<1x128x128xf32, #tpu.memory_space<vmem>>
    %dma_start3A_190 = tpu.memref_squeeze %dma_start3A_189 : memref<1x128x128xf32, #tpu.memory_space<vmem>> -> memref<128x128xf32, #tpu.memory_space<vmem>>
    tpu.enqueue_dma source(%dma_start3A_190 : memref<128x128xf32, #tpu.memory_space<vmem>>) target(%dma_start3A_186 : memref<128x128xf32, #tpu.memory_space<hbm>>) target_semaphore(%dma_start3A_184 : memref<!tpu.dma_semaphore, #tpu.memory_space<semaphore_mem>>)
    %mul3A_191 = arith.constant 4 : i32
    %mul3A_192 = arith.muli %scan3A_121, %mul3A_191 : i32
    %add3A_193 = arith.constant 1 : i32
    %add3A_194 = arith.addi %mul3A_192, %add3A_193 : i32
    %dma_wait3A_195 = arith.constant 1 : i32
    %dma_wait3A_196 = arith.constant 1 : i32
    %dma_wait3A_197 = arith.constant 0 : i32
    %dma_wait3A_198 = arith.constant 0 : i32
    %dma_wait3A_199 = tpu.memref_slice %arg6[%dma_wait3A_195, %dma_wait3A_197, %dma_wait3A_198] : memref<4x128x128xf32, #tpu.memory_space<vmem>> -> memref<1x128x128xf32, #tpu.memory_space<vmem>>
    %dma_wait3A_200 = tpu.memref_squeeze %dma_wait3A_199 : memref<1x128x128xf32, #tpu.memory_space<vmem>> -> memref<128x128xf32, #tpu.memory_space<vmem>>
    %dma_wait3A_201 = arith.constant 0 : i32
    %dma_wait3A_202 = arith.constant 0 : i32
    %dma_wait3A_203 = tpu.memref_slice %arg4[%dma_wait3A_201, %dma_wait3A_202] : memref<32768x128xf32, #tpu.memory_space<hbm>> -> memref<128x128xf32, #tpu.memory_space<hbm>>
    %dma_wait3A_204 = tpu.memref_slice %arg9[%dma_wait3A_196] : memref<4x!tpu.dma_semaphore, #tpu.memory_space<semaphore_mem>> -> memref<1x!tpu.dma_semaphore, #tpu.memory_space<semaphore_mem>>
    %dma_wait3A_205 = tpu.memref_squeeze %dma_wait3A_204 : memref<1x!tpu.dma_semaphore, #tpu.memory_space<semaphore_mem>> -> memref<!tpu.dma_semaphore, #tpu.memory_space<semaphore_mem>>
    %dma_wait3A_206 = arith.constant 0 : i32
    %dma_wait3A_207 = arith.constant 0 : i32
    %dma_wait3A_208 = tpu.memref_slice %arg4[%dma_wait3A_206, %dma_wait3A_207] : memref<32768x128xf32, #tpu.memory_space<hbm>> -> memref<128x128xf32, #tpu.memory_space<hbm>>
    %dma_wait3A_209 = arith.constant 0 : i32
    %dma_wait3A_210 = arith.constant 0 : i32
    %dma_wait3A_211 = tpu.memref_slice %arg6[%dma_wait3A_195, %dma_wait3A_209, %dma_wait3A_210] : memref<4x128x128xf32, #tpu.memory_space<vmem>> -> memref<1x128x128xf32, #tpu.memory_space<vmem>>
    %dma_wait3A_212 = tpu.memref_squeeze %dma_wait3A_211 : memref<1x128x128xf32, #tpu.memory_space<vmem>> -> memref<128x128xf32, #tpu.memory_space<vmem>>
    tpu.wait_dma2 semaphore(%dma_wait3A_205 : memref<!tpu.dma_semaphore, #tpu.memory_space<semaphore_mem>>) src(%dma_wait3A_212 : memref<128x128xf32, #tpu.memory_space<vmem>>) dst(%dma_wait3A_208 : memref<128x128xf32, #tpu.memory_space<hbm>>)
    %mul3A_213 = arith.constant 128 : i32
    %mul3A_214 = arith.muli %add3A_194, %mul3A_213 : i32
    %dma_start3A_215 = arith.constant 1 : i32
    %dma_start3A_216 = arith.constant 1 : i32
    %dma_start3A_217 = arith.constant 0 : i32
    %dma_start3A_218 = arith.constant 0 : i32
    %dma_start3A_219 = tpu.memref_slice %arg6[%dma_start3A_215, %dma_start3A_217, %dma_start3A_218] : memref<4x128x128xf32, #tpu.memory_space<vmem>> -> memref<1x128x128xf32, #tpu.memory_space<vmem>>
    %dma_start3A_220 = tpu.memref_squeeze %dma_start3A_219 : memref<1x128x128xf32, #tpu.memory_space<vmem>> -> memref<128x128xf32, #tpu.memory_space<vmem>>
    %dma_start3A_221 = tpu.memref_slice %arg5[%mul3A_214] : memref<1024xi32, #tpu.memory_space<vmem>> -> memref<128xi32, #tpu.memory_space<vmem>>
    %dma_start3A_222 = arith.constant 0 : i32
    %dma_start3A_223 = arith.constant 0 : i32
    %dma_start3A_224 = tpu.memref_slice %arg2[%dma_start3A_222, %dma_start3A_223] : memref<1000000x128xf32, #tpu.memory_space<hbm>> -> memref<1000000x128xf32, #tpu.memory_space<hbm>>
    %dma_start3A_225 = tpu.memref_slice %arg8[%dma_start3A_216] : memref<4x!tpu.dma_semaphore, #tpu.memory_space<semaphore_mem>> -> memref<1x!tpu.dma_semaphore, #tpu.memory_space<semaphore_mem>>
    %dma_start3A_226 = tpu.memref_squeeze %dma_start3A_225 : memref<1x!tpu.dma_semaphore, #tpu.memory_space<semaphore_mem>> -> memref<!tpu.dma_semaphore, #tpu.memory_space<semaphore_mem>>
    tpu.enqueue_indirect_dma source(%dma_start3A_224 : memref<1000000x128xf32, #tpu.memory_space<hbm>>) target(%dma_start3A_220 : memref<128x128xf32, #tpu.memory_space<vmem>>) offsets(%dma_start3A_221 : memref<128xi32, #tpu.memory_space<vmem>>) semaphore(%dma_start3A_226 : memref<!tpu.dma_semaphore, #tpu.memory_space<semaphore_mem>>)
    %dma_wait3A_227 = arith.constant 3 : i32
    %dma_wait3A_228 = arith.constant 3 : i32
    %dma_wait3A_229 = arith.constant 0 : i32
    %dma_wait3A_230 = arith.constant 0 : i32
    %dma_wait3A_231 = tpu.memref_slice %arg6[%dma_wait3A_227, %dma_wait3A_229, %dma_wait3A_230] : memref<4x128x128xf32, #tpu.memory_space<vmem>> -> memref<1x128x128xf32, #tpu.memory_space<vmem>>
    %dma_wait3A_232 = tpu.memref_squeeze %dma_wait3A_231 : memref<1x128x128xf32, #tpu.memory_space<vmem>> -> memref<128x128xf32, #tpu.memory_space<vmem>>
    %dma_wait3A_233 = arith.constant 0 : i32
    %dma_wait3A_234 = tpu.memref_slice %arg5[%dma_wait3A_233] : memref<1024xi32, #tpu.memory_space<vmem>> -> memref<128xi32, #tpu.memory_space<vmem>>
    %dma_wait3A_235 = arith.constant 0 : i32
    %dma_wait3A_236 = arith.constant 0 : i32
    %dma_wait3A_237 = tpu.memref_slice %arg2[%dma_wait3A_235, %dma_wait3A_236] : memref<1000000x128xf32, #tpu.memory_space<hbm>> -> memref<1000000x128xf32, #tpu.memory_space<hbm>>
    %dma_wait3A_238 = tpu.memref_slice %arg8[%dma_wait3A_228] : memref<4x!tpu.dma_semaphore, #tpu.memory_space<semaphore_mem>> -> memref<1x!tpu.dma_semaphore, #tpu.memory_space<semaphore_mem>>
    %dma_wait3A_239 = tpu.memref_squeeze %dma_wait3A_238 : memref<1x!tpu.dma_semaphore, #tpu.memory_space<semaphore_mem>> -> memref<!tpu.dma_semaphore, #tpu.memory_space<semaphore_mem>>
    tpu.wait_indirect_dma semaphore(%dma_wait3A_239 : memref<!tpu.dma_semaphore, #tpu.memory_space<semaphore_mem>>) src(%dma_wait3A_237 : memref<1000000x128xf32, #tpu.memory_space<hbm>>) dst(%dma_wait3A_232 : memref<128x128xf32, #tpu.memory_space<vmem>>)
    %sub3A_240 = arith.constant 2 : i32
    %sub3A_241 = arith.subi %add3A_194, %sub3A_240 : i32
    %mul3A_242 = arith.constant 128 : i32
    %mul3A_243 = arith.muli %sub3A_241, %mul3A_242 : i32
    %add3A_244 = arith.addi %mul3A_2, %mul3A_243 : i32
    %dma_start3A_245 = arith.constant 3 : i32
    %dma_start3A_246 = arith.constant 3 : i32
    %dma_start3A_247 = arith.constant 0 : i32
    %dma_start3A_248 = arith.constant 0 : i32
    %dma_start3A_249 = tpu.memref_slice %arg6[%dma_start3A_245, %dma_start3A_247, %dma_start3A_248] : memref<4x128x128xf32, #tpu.memory_space<vmem>> -> memref<1x128x128xf32, #tpu.memory_space<vmem>>
    %dma_start3A_250 = tpu.memref_squeeze %dma_start3A_249 : memref<1x128x128xf32, #tpu.memory_space<vmem>> -> memref<128x128xf32, #tpu.memory_space<vmem>>
    %dma_start3A_251 = arith.constant 0 : i32
    %dma_start3A_252 = tpu.memref_slice %arg4[%add3A_244, %dma_start3A_251] : memref<32768x128xf32, #tpu.memory_space<hbm>> -> memref<128x128xf32, #tpu.memory_space<hbm>>
    %dma_start3A_253 = tpu.memref_slice %arg9[%dma_start3A_246] : memref<4x!tpu.dma_semaphore, #tpu.memory_space<semaphore_mem>> -> memref<1x!tpu.dma_semaphore, #tpu.memory_space<semaphore_mem>>
    %dma_start3A_254 = tpu.memref_squeeze %dma_start3A_253 : memref<1x!tpu.dma_semaphore, #tpu.memory_space<semaphore_mem>> -> memref<!tpu.dma_semaphore, #tpu.memory_space<semaphore_mem>>
    %dma_start3A_255 = arith.constant 0 : i32
    %dma_start3A_256 = tpu.memref_slice %arg4[%add3A_244, %dma_start3A_255] : memref<32768x128xf32, #tpu.memory_space<hbm>> -> memref<128x128xf32, #tpu.memory_space<hbm>>
    %dma_start3A_257 = arith.constant 0 : i32
    %dma_start3A_258 = arith.constant 0 : i32
    %dma_start3A_259 = tpu.memref_slice %arg6[%dma_start3A_245, %dma_start3A_257, %dma_start3A_258] : memref<4x128x128xf32, #tpu.memory_space<vmem>> -> memref<1x128x128xf32, #tpu.memory_space<vmem>>
    %dma_start3A_260 = tpu.memref_squeeze %dma_start3A_259 : memref<1x128x128xf32, #tpu.memory_space<vmem>> -> memref<128x128xf32, #tpu.memory_space<vmem>>
    tpu.enqueue_dma source(%dma_start3A_260 : memref<128x128xf32, #tpu.memory_space<vmem>>) target(%dma_start3A_256 : memref<128x128xf32, #tpu.memory_space<hbm>>) target_semaphore(%dma_start3A_254 : memref<!tpu.dma_semaphore, #tpu.memory_space<semaphore_mem>>)
    %mul3A_261 = arith.constant 4 : i32
    %mul3A_262 = arith.muli %scan3A_121, %mul3A_261 : i32
    %add3A_263 = arith.constant 2 : i32
    %add3A_264 = arith.addi %mul3A_262, %add3A_263 : i32
    %dma_wait3A_265 = arith.constant 2 : i32
    %dma_wait3A_266 = arith.constant 2 : i32
    %dma_wait3A_267 = arith.constant 0 : i32
    %dma_wait3A_268 = arith.constant 0 : i32
    %dma_wait3A_269 = tpu.memref_slice %arg6[%dma_wait3A_265, %dma_wait3A_267, %dma_wait3A_268] : memref<4x128x128xf32, #tpu.memory_space<vmem>> -> memref<1x128x128xf32, #tpu.memory_space<vmem>>
    %dma_wait3A_270 = tpu.memref_squeeze %dma_wait3A_269 : memref<1x128x128xf32, #tpu.memory_space<vmem>> -> memref<128x128xf32, #tpu.memory_space<vmem>>
    %dma_wait3A_271 = arith.constant 0 : i32
    %dma_wait3A_272 = arith.constant 0 : i32
    %dma_wait3A_273 = tpu.memref_slice %arg4[%dma_wait3A_271, %dma_wait3A_272] : memref<32768x128xf32, #tpu.memory_space<hbm>> -> memref<128x128xf32, #tpu.memory_space<hbm>>
    %dma_wait3A_274 = tpu.memref_slice %arg9[%dma_wait3A_266] : memref<4x!tpu.dma_semaphore, #tpu.memory_space<semaphore_mem>> -> memref<1x!tpu.dma_semaphore, #tpu.memory_space<semaphore_mem>>
    %dma_wait3A_275 = tpu.memref_squeeze %dma_wait3A_274 : memref<1x!tpu.dma_semaphore, #tpu.memory_space<semaphore_mem>> -> memref<!tpu.dma_semaphore, #tpu.memory_space<semaphore_mem>>
    %dma_wait3A_276 = arith.constant 0 : i32
    %dma_wait3A_277 = arith.constant 0 : i32
    %dma_wait3A_278 = tpu.memref_slice %arg4[%dma_wait3A_276, %dma_wait3A_277] : memref<32768x128xf32, #tpu.memory_space<hbm>> -> memref<128x128xf32, #tpu.memory_space<hbm>>
    %dma_wait3A_279 = arith.constant 0 : i32
    %dma_wait3A_280 = arith.constant 0 : i32
    %dma_wait3A_281 = tpu.memref_slice %arg6[%dma_wait3A_265, %dma_wait3A_279, %dma_wait3A_280] : memref<4x128x128xf32, #tpu.memory_space<vmem>> -> memref<1x128x128xf32, #tpu.memory_space<vmem>>
    %dma_wait3A_282 = tpu.memref_squeeze %dma_wait3A_281 : memref<1x128x128xf32, #tpu.memory_space<vmem>> -> memref<128x128xf32, #tpu.memory_space<vmem>>
    tpu.wait_dma2 semaphore(%dma_wait3A_275 : memref<!tpu.dma_semaphore, #tpu.memory_space<semaphore_mem>>) src(%dma_wait3A_282 : memref<128x128xf32, #tpu.memory_space<vmem>>) dst(%dma_wait3A_278 : memref<128x128xf32, #tpu.memory_space<hbm>>)
    %mul3A_283 = arith.constant 128 : i32
    %mul3A_284 = arith.muli %add3A_264, %mul3A_283 : i32
    %dma_start3A_285 = arith.constant 2 : i32
    %dma_start3A_286 = arith.constant 2 : i32
    %dma_start3A_287 = arith.constant 0 : i32
    %dma_start3A_288 = arith.constant 0 : i32
    %dma_start3A_289 = tpu.memref_slice %arg6[%dma_start3A_285, %dma_start3A_287, %dma_start3A_288] : memref<4x128x128xf32, #tpu.memory_space<vmem>> -> memref<1x128x128xf32, #tpu.memory_space<vmem>>
    %dma_start3A_290 = tpu.memref_squeeze %dma_start3A_289 : memref<1x128x128xf32, #tpu.memory_space<vmem>> -> memref<128x128xf32, #tpu.memory_space<vmem>>
    %dma_start3A_291 = tpu.memref_slice %arg5[%mul3A_284] : memref<1024xi32, #tpu.memory_space<vmem>> -> memref<128xi32, #tpu.memory_space<vmem>>
    %dma_start3A_292 = arith.constant 0 : i32
    %dma_start3A_293 = arith.constant 0 : i32
    %dma_start3A_294 = tpu.memref_slice %arg2[%dma_start3A_292, %dma_start3A_293] : memref<1000000x128xf32, #tpu.memory_space<hbm>> -> memref<1000000x128xf32, #tpu.memory_space<hbm>>
    %dma_start3A_295 = tpu.memref_slice %arg8[%dma_start3A_286] : memref<4x!tpu.dma_semaphore, #tpu.memory_space<semaphore_mem>> -> memref<1x!tpu.dma_semaphore, #tpu.memory_space<semaphore_mem>>
    %dma_start3A_296 = tpu.memref_squeeze %dma_start3A_295 : memref<1x!tpu.dma_semaphore, #tpu.memory_space<semaphore_mem>> -> memref<!tpu.dma_semaphore, #tpu.memory_space<semaphore_mem>>
    tpu.enqueue_indirect_dma source(%dma_start3A_294 : memref<1000000x128xf32, #tpu.memory_space<hbm>>) target(%dma_start3A_290 : memref<128x128xf32, #tpu.memory_space<vmem>>) offsets(%dma_start3A_291 : memref<128xi32, #tpu.memory_space<vmem>>) semaphore(%dma_start3A_296 : memref<!tpu.dma_semaphore, #tpu.memory_space<semaphore_mem>>)
    %dma_wait3A_297 = arith.constant 0 : i32
    %dma_wait3A_298 = arith.constant 0 : i32
    %dma_wait3A_299 = arith.constant 0 : i32
    %dma_wait3A_300 = arith.constant 0 : i32
    %dma_wait3A_301 = tpu.memref_slice %arg6[%dma_wait3A_297, %dma_wait3A_299, %dma_wait3A_300] : memref<4x128x128xf32, #tpu.memory_space<vmem>> -> memref<1x128x128xf32, #tpu.memory_space<vmem>>
    %dma_wait3A_302 = tpu.memref_squeeze %dma_wait3A_301 : memref<1x128x128xf32, #tpu.memory_space<vmem>> -> memref<128x128xf32, #tpu.memory_space<vmem>>
    %dma_wait3A_303 = arith.constant 0 : i32
    %dma_wait3A_304 = tpu.memref_slice %arg5[%dma_wait3A_303] : memref<1024xi32, #tpu.memory_space<vmem>> -> memref<128xi32, #tpu.memory_space<vmem>>
    %dma_wait3A_305 = arith.constant 0 : i32
    %dma_wait3A_306 = arith.constant 0 : i32
    %dma_wait3A_307 = tpu.memref_slice %arg2[%dma_wait3A_305, %dma_wait3A_306] : memref<1000000x128xf32, #tpu.memory_space<hbm>> -> memref<1000000x128xf32, #tpu.memory_space<hbm>>
    %dma_wait3A_308 = tpu.memref_slice %arg8[%dma_wait3A_298] : memref<4x!tpu.dma_semaphore, #tpu.memory_space<semaphore_mem>> -> memref<1x!tpu.dma_semaphore, #tpu.memory_space<semaphore_mem>>
    %dma_wait3A_309 = tpu.memref_squeeze %dma_wait3A_308 : memref<1x!tpu.dma_semaphore, #tpu.memory_space<semaphore_mem>> -> memref<!tpu.dma_semaphore, #tpu.memory_space<semaphore_mem>>
    tpu.wait_indirect_dma semaphore(%dma_wait3A_309 : memref<!tpu.dma_semaphore, #tpu.memory_space<semaphore_mem>>) src(%dma_wait3A_307 : memref<1000000x128xf32, #tpu.memory_space<hbm>>) dst(%dma_wait3A_302 : memref<128x128xf32, #tpu.memory_space<vmem>>)
    %sub3A_310 = arith.constant 2 : i32
    %sub3A_311 = arith.subi %add3A_264, %sub3A_310 : i32
    %mul3A_312 = arith.constant 128 : i32
    %mul3A_313 = arith.muli %sub3A_311, %mul3A_312 : i32
    %add3A_314 = arith.addi %mul3A_2, %mul3A_313 : i32
    %dma_start3A_315 = arith.constant 0 : i32
    %dma_start3A_316 = arith.constant 0 : i32
    %dma_start3A_317 = arith.constant 0 : i32
    %dma_start3A_318 = arith.constant 0 : i32
    %dma_start3A_319 = tpu.memref_slice %arg6[%dma_start3A_315, %dma_start3A_317, %dma_start3A_318] : memref<4x128x128xf32, #tpu.memory_space<vmem>> -> memref<1x128x128xf32, #tpu.memory_space<vmem>>
    %dma_start3A_320 = tpu.memref_squeeze %dma_start3A_319 : memref<1x128x128xf32, #tpu.memory_space<vmem>> -> memref<128x128xf32, #tpu.memory_space<vmem>>
    %dma_start3A_321 = arith.constant 0 : i32
    %dma_start3A_322 = tpu.memref_slice %arg4[%add3A_314, %dma_start3A_321] : memref<32768x128xf32, #tpu.memory_space<hbm>> -> memref<128x128xf32, #tpu.memory_space<hbm>>
    %dma_start3A_323 = tpu.memref_slice %arg9[%dma_start3A_316] : memref<4x!tpu.dma_semaphore, #tpu.memory_space<semaphore_mem>> -> memref<1x!tpu.dma_semaphore, #tpu.memory_space<semaphore_mem>>
    %dma_start3A_324 = tpu.memref_squeeze %dma_start3A_323 : memref<1x!tpu.dma_semaphore, #tpu.memory_space<semaphore_mem>> -> memref<!tpu.dma_semaphore, #tpu.memory_space<semaphore_mem>>
    %dma_start3A_325 = arith.constant 0 : i32
    %dma_start3A_326 = tpu.memref_slice %arg4[%add3A_314, %dma_start3A_325] : memref<32768x128xf32, #tpu.memory_space<hbm>> -> memref<128x128xf32, #tpu.memory_space<hbm>>
    %dma_start3A_327 = arith.constant 0 : i32
    %dma_start3A_328 = arith.constant 0 : i32
    %dma_start3A_329 = tpu.memref_slice %arg6[%dma_start3A_315, %dma_start3A_327, %dma_start3A_328] : memref<4x128x128xf32, #tpu.memory_space<vmem>> -> memref<1x128x128xf32, #tpu.memory_space<vmem>>
    %dma_start3A_330 = tpu.memref_squeeze %dma_start3A_329 : memref<1x128x128xf32, #tpu.memory_space<vmem>> -> memref<128x128xf32, #tpu.memory_space<vmem>>
    tpu.enqueue_dma source(%dma_start3A_330 : memref<128x128xf32, #tpu.memory_space<vmem>>) target(%dma_start3A_326 : memref<128x128xf32, #tpu.memory_space<hbm>>) target_semaphore(%dma_start3A_324 : memref<!tpu.dma_semaphore, #tpu.memory_space<semaphore_mem>>)
    %mul3A_331 = arith.constant 4 : i32
    %mul3A_332 = arith.muli %scan3A_121, %mul3A_331 : i32
    %add3A_333 = arith.constant 3 : i32
    %add3A_334 = arith.addi %mul3A_332, %add3A_333 : i32
    %dma_wait3A_335 = arith.constant 3 : i32
    %dma_wait3A_336 = arith.constant 3 : i32
    %dma_wait3A_337 = arith.constant 0 : i32
    %dma_wait3A_338 = arith.constant 0 : i32
    %dma_wait3A_339 = tpu.memref_slice %arg6[%dma_wait3A_335, %dma_wait3A_337, %dma_wait3A_338] : memref<4x128x128xf32, #tpu.memory_space<vmem>> -> memref<1x128x128xf32, #tpu.memory_space<vmem>>
    %dma_wait3A_340 = tpu.memref_squeeze %dma_wait3A_339 : memref<1x128x128xf32, #tpu.memory_space<vmem>> -> memref<128x128xf32, #tpu.memory_space<vmem>>
    %dma_wait3A_341 = arith.constant 0 : i32
    %dma_wait3A_342 = arith.constant 0 : i32
    %dma_wait3A_343 = tpu.memref_slice %arg4[%dma_wait3A_341, %dma_wait3A_342] : memref<32768x128xf32, #tpu.memory_space<hbm>> -> memref<128x128xf32, #tpu.memory_space<hbm>>
    %dma_wait3A_344 = tpu.memref_slice %arg9[%dma_wait3A_336] : memref<4x!tpu.dma_semaphore, #tpu.memory_space<semaphore_mem>> -> memref<1x!tpu.dma_semaphore, #tpu.memory_space<semaphore_mem>>
    %dma_wait3A_345 = tpu.memref_squeeze %dma_wait3A_344 : memref<1x!tpu.dma_semaphore, #tpu.memory_space<semaphore_mem>> -> memref<!tpu.dma_semaphore, #tpu.memory_space<semaphore_mem>>
    %dma_wait3A_346 = arith.constant 0 : i32
    %dma_wait3A_347 = arith.constant 0 : i32
    %dma_wait3A_348 = tpu.memref_slice %arg4[%dma_wait3A_346, %dma_wait3A_347] : memref<32768x128xf32, #tpu.memory_space<hbm>> -> memref<128x128xf32, #tpu.memory_space<hbm>>
    %dma_wait3A_349 = arith.constant 0 : i32
    %dma_wait3A_350 = arith.constant 0 : i32
    %dma_wait3A_351 = tpu.memref_slice %arg6[%dma_wait3A_335, %dma_wait3A_349, %dma_wait3A_350] : memref<4x128x128xf32, #tpu.memory_space<vmem>> -> memref<1x128x128xf32, #tpu.memory_space<vmem>>
    %dma_wait3A_352 = tpu.memref_squeeze %dma_wait3A_351 : memref<1x128x128xf32, #tpu.memory_space<vmem>> -> memref<128x128xf32, #tpu.memory_space<vmem>>
    tpu.wait_dma2 semaphore(%dma_wait3A_345 : memref<!tpu.dma_semaphore, #tpu.memory_space<semaphore_mem>>) src(%dma_wait3A_352 : memref<128x128xf32, #tpu.memory_space<vmem>>) dst(%dma_wait3A_348 : memref<128x128xf32, #tpu.memory_space<hbm>>)
    %mul3A_353 = arith.constant 128 : i32
    %mul3A_354 = arith.muli %add3A_334, %mul3A_353 : i32
    %dma_start3A_355 = arith.constant 3 : i32
    %dma_start3A_356 = arith.constant 3 : i32
    %dma_start3A_357 = arith.constant 0 : i32
    %dma_start3A_358 = arith.constant 0 : i32
    %dma_start3A_359 = tpu.memref_slice %arg6[%dma_start3A_355, %dma_start3A_357, %dma_start3A_358] : memref<4x128x128xf32, #tpu.memory_space<vmem>> -> memref<1x128x128xf32, #tpu.memory_space<vmem>>
    %dma_start3A_360 = tpu.memref_squeeze %dma_start3A_359 : memref<1x128x128xf32, #tpu.memory_space<vmem>> -> memref<128x128xf32, #tpu.memory_space<vmem>>
    %dma_start3A_361 = tpu.memref_slice %arg5[%mul3A_354] : memref<1024xi32, #tpu.memory_space<vmem>> -> memref<128xi32, #tpu.memory_space<vmem>>
    %dma_start3A_362 = arith.constant 0 : i32
    %dma_start3A_363 = arith.constant 0 : i32
    %dma_start3A_364 = tpu.memref_slice %arg2[%dma_start3A_362, %dma_start3A_363] : memref<1000000x128xf32, #tpu.memory_space<hbm>> -> memref<1000000x128xf32, #tpu.memory_space<hbm>>
    %dma_start3A_365 = tpu.memref_slice %arg8[%dma_start3A_356] : memref<4x!tpu.dma_semaphore, #tpu.memory_space<semaphore_mem>> -> memref<1x!tpu.dma_semaphore, #tpu.memory_space<semaphore_mem>>
    %dma_start3A_366 = tpu.memref_squeeze %dma_start3A_365 : memref<1x!tpu.dma_semaphore, #tpu.memory_space<semaphore_mem>> -> memref<!tpu.dma_semaphore, #tpu.memory_space<semaphore_mem>>
    tpu.enqueue_indirect_dma source(%dma_start3A_364 : memref<1000000x128xf32, #tpu.memory_space<hbm>>) target(%dma_start3A_360 : memref<128x128xf32, #tpu.memory_space<vmem>>) offsets(%dma_start3A_361 : memref<128xi32, #tpu.memory_space<vmem>>) semaphore(%dma_start3A_366 : memref<!tpu.dma_semaphore, #tpu.memory_space<semaphore_mem>>)
    %dma_wait3A_367 = arith.constant 1 : i32
    %dma_wait3A_368 = arith.constant 1 : i32
    %dma_wait3A_369 = arith.constant 0 : i32
    %dma_wait3A_370 = arith.constant 0 : i32
    %dma_wait3A_371 = tpu.memref_slice %arg6[%dma_wait3A_367, %dma_wait3A_369, %dma_wait3A_370] : memref<4x128x128xf32, #tpu.memory_space<vmem>> -> memref<1x128x128xf32, #tpu.memory_space<vmem>>
    %dma_wait3A_372 = tpu.memref_squeeze %dma_wait3A_371 : memref<1x128x128xf32, #tpu.memory_space<vmem>> -> memref<128x128xf32, #tpu.memory_space<vmem>>
    %dma_wait3A_373 = arith.constant 0 : i32
    %dma_wait3A_374 = tpu.memref_slice %arg5[%dma_wait3A_373] : memref<1024xi32, #tpu.memory_space<vmem>> -> memref<128xi32, #tpu.memory_space<vmem>>
    %dma_wait3A_375 = arith.constant 0 : i32
    %dma_wait3A_376 = arith.constant 0 : i32
    %dma_wait3A_377 = tpu.memref_slice %arg2[%dma_wait3A_375, %dma_wait3A_376] : memref<1000000x128xf32, #tpu.memory_space<hbm>> -> memref<1000000x128xf32, #tpu.memory_space<hbm>>
    %dma_wait3A_378 = tpu.memref_slice %arg8[%dma_wait3A_368] : memref<4x!tpu.dma_semaphore, #tpu.memory_space<semaphore_mem>> -> memref<1x!tpu.dma_semaphore, #tpu.memory_space<semaphore_mem>>
    %dma_wait3A_379 = tpu.memref_squeeze %dma_wait3A_378 : memref<1x!tpu.dma_semaphore, #tpu.memory_space<semaphore_mem>> -> memref<!tpu.dma_semaphore, #tpu.memory_space<semaphore_mem>>
    tpu.wait_indirect_dma semaphore(%dma_wait3A_379 : memref<!tpu.dma_semaphore, #tpu.memory_space<semaphore_mem>>) src(%dma_wait3A_377 : memref<1000000x128xf32, #tpu.memory_space<hbm>>) dst(%dma_wait3A_372 : memref<128x128xf32, #tpu.memory_space<vmem>>)
    %sub3A_380 = arith.constant 2 : i32
    %sub3A_381 = arith.subi %add3A_334, %sub3A_380 : i32
    %mul3A_382 = arith.constant 128 : i32
    %mul3A_383 = arith.muli %sub3A_381, %mul3A_382 : i32
    %add3A_384 = arith.addi %mul3A_2, %mul3A_383 : i32
    %dma_start3A_385 = arith.constant 1 : i32
    %dma_start3A_386 = arith.constant 1 : i32
    %dma_start3A_387 = arith.constant 0 : i32
    %dma_start3A_388 = arith.constant 0 : i32
    %dma_start3A_389 = tpu.memref_slice %arg6[%dma_start3A_385, %dma_start3A_387, %dma_start3A_388] : memref<4x128x128xf32, #tpu.memory_space<vmem>> -> memref<1x128x128xf32, #tpu.memory_space<vmem>>
    %dma_start3A_390 = tpu.memref_squeeze %dma_start3A_389 : memref<1x128x128xf32, #tpu.memory_space<vmem>> -> memref<128x128xf32, #tpu.memory_space<vmem>>
    %dma_start3A_391 = arith.constant 0 : i32
    %dma_start3A_392 = tpu.memref_slice %arg4[%add3A_384, %dma_start3A_391] : memref<32768x128xf32, #tpu.memory_space<hbm>> -> memref<128x128xf32, #tpu.memory_space<hbm>>
    %dma_start3A_393 = tpu.memref_slice %arg9[%dma_start3A_386] : memref<4x!tpu.dma_semaphore, #tpu.memory_space<semaphore_mem>> -> memref<1x!tpu.dma_semaphore, #tpu.memory_space<semaphore_mem>>
    %dma_start3A_394 = tpu.memref_squeeze %dma_start3A_393 : memref<1x!tpu.dma_semaphore, #tpu.memory_space<semaphore_mem>> -> memref<!tpu.dma_semaphore, #tpu.memory_space<semaphore_mem>>
    %dma_start3A_395 = arith.constant 0 : i32
    %dma_start3A_396 = tpu.memref_slice %arg4[%add3A_384, %dma_start3A_395] : memref<32768x128xf32, #tpu.memory_space<hbm>> -> memref<128x128xf32, #tpu.memory_space<hbm>>
    %dma_start3A_397 = arith.constant 0 : i32
    %dma_start3A_398 = arith.constant 0 : i32
    %dma_start3A_399 = tpu.memref_slice %arg6[%dma_start3A_385, %dma_start3A_397, %dma_start3A_398] : memref<4x128x128xf32, #tpu.memory_space<vmem>> -> memref<1x128x128xf32, #tpu.memory_space<vmem>>
    %dma_start3A_400 = tpu.memref_squeeze %dma_start3A_399 : memref<1x128x128xf32, #tpu.memory_space<vmem>> -> memref<128x128xf32, #tpu.memory_space<vmem>>
    tpu.enqueue_dma source(%dma_start3A_400 : memref<128x128xf32, #tpu.memory_space<vmem>>) target(%dma_start3A_396 : memref<128x128xf32, #tpu.memory_space<hbm>>) target_semaphore(%dma_start3A_394 : memref<!tpu.dma_semaphore, #tpu.memory_space<semaphore_mem>>)
    %scan3A_401 = arith.constant 0 : i32
    %scan3A_402 = arith.constant 1 : i32
    %dma_wait3A_403 = arith.constant 2 : i32
    %dma_wait3A_404 = arith.constant 2 : i32
    %dma_wait3A_405 = arith.constant 0 : i32
    %dma_wait3A_406 = arith.constant 0 : i32
    %dma_wait3A_407 = tpu.memref_slice %arg6[%dma_wait3A_403, %dma_wait3A_405, %dma_wait3A_406] : memref<4x128x128xf32, #tpu.memory_space<vmem>> -> memref<1x128x128xf32, #tpu.memory_space<vmem>>
    %dma_wait3A_408 = tpu.memref_squeeze %dma_wait3A_407 : memref<1x128x128xf32, #tpu.memory_space<vmem>> -> memref<128x128xf32, #tpu.memory_space<vmem>>
    %dma_wait3A_409 = arith.constant 0 : i32
    %dma_wait3A_410 = tpu.memref_slice %arg5[%dma_wait3A_409] : memref<1024xi32, #tpu.memory_space<vmem>> -> memref<128xi32, #tpu.memory_space<vmem>>
    %dma_wait3A_411 = arith.constant 0 : i32
    %dma_wait3A_412 = arith.constant 0 : i32
    %dma_wait3A_413 = tpu.memref_slice %arg2[%dma_wait3A_411, %dma_wait3A_412] : memref<1000000x128xf32, #tpu.memory_space<hbm>> -> memref<1000000x128xf32, #tpu.memory_space<hbm>>
    %dma_wait3A_414 = tpu.memref_slice %arg8[%dma_wait3A_404] : memref<4x!tpu.dma_semaphore, #tpu.memory_space<semaphore_mem>> -> memref<1x!tpu.dma_semaphore, #tpu.memory_space<semaphore_mem>>
    %dma_wait3A_415 = tpu.memref_squeeze %dma_wait3A_414 : memref<1x!tpu.dma_semaphore, #tpu.memory_space<semaphore_mem>> -> memref<!tpu.dma_semaphore, #tpu.memory_space<semaphore_mem>>
    tpu.wait_indirect_dma semaphore(%dma_wait3A_415 : memref<!tpu.dma_semaphore, #tpu.memory_space<semaphore_mem>>) src(%dma_wait3A_413 : memref<1000000x128xf32, #tpu.memory_space<hbm>>) dst(%dma_wait3A_408 : memref<128x128xf32, #tpu.memory_space<vmem>>)
    %add3A_416 = arith.constant 768 : i32
    %add3A_417 = arith.addi %mul3A_2, %add3A_416 : i32
    %dma_start3A_418 = arith.constant 2 : i32
    %dma_start3A_419 = arith.constant 2 : i32
    %dma_start3A_420 = arith.constant 0 : i32
    %dma_start3A_421 = arith.constant 0 : i32
    %dma_start3A_422 = tpu.memref_slice %arg6[%dma_start3A_418, %dma_start3A_420, %dma_start3A_421] : memref<4x128x128xf32, #tpu.memory_space<vmem>> -> memref<1x128x128xf32, #tpu.memory_space<vmem>>
    %dma_start3A_423 = tpu.memref_squeeze %dma_start3A_422 : memref<1x128x128xf32, #tpu.memory_space<vmem>> -> memref<128x128xf32, #tpu.memory_space<vmem>>
    %dma_start3A_424 = arith.constant 0 : i32
    %dma_start3A_425 = tpu.memref_slice %arg4[%add3A_417, %dma_start3A_424] : memref<32768x128xf32, #tpu.memory_space<hbm>> -> memref<128x128xf32, #tpu.memory_space<hbm>>
    %dma_start3A_426 = tpu.memref_slice %arg9[%dma_start3A_419] : memref<4x!tpu.dma_semaphore, #tpu.memory_space<semaphore_mem>> -> memref<1x!tpu.dma_semaphore, #tpu.memory_space<semaphore_mem>>
    %dma_start3A_427 = tpu.memref_squeeze %dma_start3A_426 : memref<1x!tpu.dma_semaphore, #tpu.memory_space<semaphore_mem>> -> memref<!tpu.dma_semaphore, #tpu.memory_space<semaphore_mem>>
    %dma_start3A_428 = arith.constant 0 : i32
    %dma_start3A_429 = tpu.memref_slice %arg4[%add3A_417, %dma_start3A_428] : memref<32768x128xf32, #tpu.memory_space<hbm>> -> memref<128x128xf32, #tpu.memory_space<hbm>>
    %dma_start3A_430 = arith.constant 0 : i32
    %dma_start3A_431 = arith.constant 0 : i32
    %dma_start3A_432 = tpu.memref_slice %arg6[%dma_start3A_418, %dma_start3A_430, %dma_start3A_431] : memref<4x128x128xf32, #tpu.memory_space<vmem>> -> memref<1x128x128xf32, #tpu.memory_space<vmem>>
    %dma_start3A_433 = tpu.memref_squeeze %dma_start3A_432 : memref<1x128x128xf32, #tpu.memory_space<vmem>> -> memref<128x128xf32, #tpu.memory_space<vmem>>
    tpu.enqueue_dma source(%dma_start3A_433 : memref<128x128xf32, #tpu.memory_space<vmem>>) target(%dma_start3A_429 : memref<128x128xf32, #tpu.memory_space<hbm>>) target_semaphore(%dma_start3A_427 : memref<!tpu.dma_semaphore, #tpu.memory_space<semaphore_mem>>)
    %dma_wait3A_434 = arith.constant 3 : i32
    %dma_wait3A_435 = arith.constant 3 : i32
    %dma_wait3A_436 = arith.constant 0 : i32
    %dma_wait3A_437 = arith.constant 0 : i32
    %dma_wait3A_438 = tpu.memref_slice %arg6[%dma_wait3A_434, %dma_wait3A_436, %dma_wait3A_437] : memref<4x128x128xf32, #tpu.memory_space<vmem>> -> memref<1x128x128xf32, #tpu.memory_space<vmem>>
    %dma_wait3A_439 = tpu.memref_squeeze %dma_wait3A_438 : memref<1x128x128xf32, #tpu.memory_space<vmem>> -> memref<128x128xf32, #tpu.memory_space<vmem>>
    %dma_wait3A_440 = arith.constant 0 : i32
    %dma_wait3A_441 = tpu.memref_slice %arg5[%dma_wait3A_440] : memref<1024xi32, #tpu.memory_space<vmem>> -> memref<128xi32, #tpu.memory_space<vmem>>
    %dma_wait3A_442 = arith.constant 0 : i32
    %dma_wait3A_443 = arith.constant 0 : i32
    %dma_wait3A_444 = tpu.memref_slice %arg2[%dma_wait3A_442, %dma_wait3A_443] : memref<1000000x128xf32, #tpu.memory_space<hbm>> -> memref<1000000x128xf32, #tpu.memory_space<hbm>>
    %dma_wait3A_445 = tpu.memref_slice %arg8[%dma_wait3A_435] : memref<4x!tpu.dma_semaphore, #tpu.memory_space<semaphore_mem>> -> memref<1x!tpu.dma_semaphore, #tpu.memory_space<semaphore_mem>>
    %dma_wait3A_446 = tpu.memref_squeeze %dma_wait3A_445 : memref<1x!tpu.dma_semaphore, #tpu.memory_space<semaphore_mem>> -> memref<!tpu.dma_semaphore, #tpu.memory_space<semaphore_mem>>
    tpu.wait_indirect_dma semaphore(%dma_wait3A_446 : memref<!tpu.dma_semaphore, #tpu.memory_space<semaphore_mem>>) src(%dma_wait3A_444 : memref<1000000x128xf32, #tpu.memory_space<hbm>>) dst(%dma_wait3A_439 : memref<128x128xf32, #tpu.memory_space<vmem>>)
    %add3A_447 = arith.constant 896 : i32
    %add3A_448 = arith.addi %mul3A_2, %add3A_447 : i32
    %dma_start3A_449 = arith.constant 3 : i32
    %dma_start3A_450 = arith.constant 3 : i32
    %dma_start3A_451 = arith.constant 0 : i32
    %dma_start3A_452 = arith.constant 0 : i32
    %dma_start3A_453 = tpu.memref_slice %arg6[%dma_start3A_449, %dma_start3A_451, %dma_start3A_452] : memref<4x128x128xf32, #tpu.memory_space<vmem>> -> memref<1x128x128xf32, #tpu.memory_space<vmem>>
    %dma_start3A_454 = tpu.memref_squeeze %dma_start3A_453 : memref<1x128x128xf32, #tpu.memory_space<vmem>> -> memref<128x128xf32, #tpu.memory_space<vmem>>
    %dma_start3A_455 = arith.constant 0 : i32
    %dma_start3A_456 = tpu.memref_slice %arg4[%add3A_448, %dma_start3A_455] : memref<32768x128xf32, #tpu.memory_space<hbm>> -> memref<128x128xf32, #tpu.memory_space<hbm>>
    %dma_start3A_457 = tpu.memref_slice %arg9[%dma_start3A_450] : memref<4x!tpu.dma_semaphore, #tpu.memory_space<semaphore_mem>> -> memref<1x!tpu.dma_semaphore, #tpu.memory_space<semaphore_mem>>
    %dma_start3A_458 = tpu.memref_squeeze %dma_start3A_457 : memref<1x!tpu.dma_semaphore, #tpu.memory_space<semaphore_mem>> -> memref<!tpu.dma_semaphore, #tpu.memory_space<semaphore_mem>>
    %dma_start3A_459 = arith.constant 0 : i32
    %dma_start3A_460 = tpu.memref_slice %arg4[%add3A_448, %dma_start3A_459] : memref<32768x128xf32, #tpu.memory_space<hbm>> -> memref<128x128xf32, #tpu.memory_space<hbm>>
    %dma_start3A_461 = arith.constant 0 : i32
    %dma_start3A_462 = arith.constant 0 : i32
    %dma_start3A_463 = tpu.memref_slice %arg6[%dma_start3A_449, %dma_start3A_461, %dma_start3A_462] : memref<4x128x128xf32, #tpu.memory_space<vmem>> -> memref<1x128x128xf32, #tpu.memory_space<vmem>>
    %dma_start3A_464 = tpu.memref_squeeze %dma_start3A_463 : memref<1x128x128xf32, #tpu.memory_space<vmem>> -> memref<128x128xf32, #tpu.memory_space<vmem>>
    tpu.enqueue_dma source(%dma_start3A_464 : memref<128x128xf32, #tpu.memory_space<vmem>>) target(%dma_start3A_460 : memref<128x128xf32, #tpu.memory_space<hbm>>) target_semaphore(%dma_start3A_458 : memref<!tpu.dma_semaphore, #tpu.memory_space<semaphore_mem>>)
    %dma_wait3A_465 = arith.constant 0 : i32
    %dma_wait3A_466 = arith.constant 0 : i32
    %dma_wait3A_467 = arith.constant 0 : i32
    %dma_wait3A_468 = arith.constant 0 : i32
    %dma_wait3A_469 = tpu.memref_slice %arg6[%dma_wait3A_465, %dma_wait3A_467, %dma_wait3A_468] : memref<4x128x128xf32, #tpu.memory_space<vmem>> -> memref<1x128x128xf32, #tpu.memory_space<vmem>>
    %dma_wait3A_470 = tpu.memref_squeeze %dma_wait3A_469 : memref<1x128x128xf32, #tpu.memory_space<vmem>> -> memref<128x128xf32, #tpu.memory_space<vmem>>
    %dma_wait3A_471 = arith.constant 0 : i32
    %dma_wait3A_472 = arith.constant 0 : i32
    %dma_wait3A_473 = tpu.memref_slice %arg4[%dma_wait3A_471, %dma_wait3A_472] : memref<32768x128xf32, #tpu.memory_space<hbm>> -> memref<128x128xf32, #tpu.memory_space<hbm>>
    %dma_wait3A_474 = tpu.memref_slice %arg9[%dma_wait3A_466] : memref<4x!tpu.dma_semaphore, #tpu.memory_space<semaphore_mem>> -> memref<1x!tpu.dma_semaphore, #tpu.memory_space<semaphore_mem>>
    %dma_wait3A_475 = tpu.memref_squeeze %dma_wait3A_474 : memref<1x!tpu.dma_semaphore, #tpu.memory_space<semaphore_mem>> -> memref<!tpu.dma_semaphore, #tpu.memory_space<semaphore_mem>>
    %dma_wait3A_476 = arith.constant 0 : i32
    %dma_wait3A_477 = arith.constant 0 : i32
    %dma_wait3A_478 = tpu.memref_slice %arg4[%dma_wait3A_476, %dma_wait3A_477] : memref<32768x128xf32, #tpu.memory_space<hbm>> -> memref<128x128xf32, #tpu.memory_space<hbm>>
    %dma_wait3A_479 = arith.constant 0 : i32
    %dma_wait3A_480 = arith.constant 0 : i32
    %dma_wait3A_481 = tpu.memref_slice %arg6[%dma_wait3A_465, %dma_wait3A_479, %dma_wait3A_480] : memref<4x128x128xf32, #tpu.memory_space<vmem>> -> memref<1x128x128xf32, #tpu.memory_space<vmem>>
    %dma_wait3A_482 = tpu.memref_squeeze %dma_wait3A_481 : memref<1x128x128xf32, #tpu.memory_space<vmem>> -> memref<128x128xf32, #tpu.memory_space<vmem>>
    tpu.wait_dma2 semaphore(%dma_wait3A_475 : memref<!tpu.dma_semaphore, #tpu.memory_space<semaphore_mem>>) src(%dma_wait3A_482 : memref<128x128xf32, #tpu.memory_space<vmem>>) dst(%dma_wait3A_478 : memref<128x128xf32, #tpu.memory_space<hbm>>)
    %dma_wait3A_483 = arith.constant 1 : i32
    %dma_wait3A_484 = arith.constant 1 : i32
    %dma_wait3A_485 = arith.constant 0 : i32
    %dma_wait3A_486 = arith.constant 0 : i32
    %dma_wait3A_487 = tpu.memref_slice %arg6[%dma_wait3A_483, %dma_wait3A_485, %dma_wait3A_486] : memref<4x128x128xf32, #tpu.memory_space<vmem>> -> memref<1x128x128xf32, #tpu.memory_space<vmem>>
    %dma_wait3A_488 = tpu.memref_squeeze %dma_wait3A_487 : memref<1x128x128xf32, #tpu.memory_space<vmem>> -> memref<128x128xf32, #tpu.memory_space<vmem>>
    %dma_wait3A_489 = arith.constant 0 : i32
    %dma_wait3A_490 = arith.constant 0 : i32
    %dma_wait3A_491 = tpu.memref_slice %arg4[%dma_wait3A_489, %dma_wait3A_490] : memref<32768x128xf32, #tpu.memory_space<hbm>> -> memref<128x128xf32, #tpu.memory_space<hbm>>
    %dma_wait3A_492 = tpu.memref_slice %arg9[%dma_wait3A_484] : memref<4x!tpu.dma_semaphore, #tpu.memory_space<semaphore_mem>> -> memref<1x!tpu.dma_semaphore, #tpu.memory_space<semaphore_mem>>
    %dma_wait3A_493 = tpu.memref_squeeze %dma_wait3A_492 : memref<1x!tpu.dma_semaphore, #tpu.memory_space<semaphore_mem>> -> memref<!tpu.dma_semaphore, #tpu.memory_space<semaphore_mem>>
    %dma_wait3A_494 = arith.constant 0 : i32
    %dma_wait3A_495 = arith.constant 0 : i32
    %dma_wait3A_496 = tpu.memref_slice %arg4[%dma_wait3A_494, %dma_wait3A_495] : memref<32768x128xf32, #tpu.memory_space<hbm>> -> memref<128x128xf32, #tpu.memory_space<hbm>>
    %dma_wait3A_497 = arith.constant 0 : i32
    %dma_wait3A_498 = arith.constant 0 : i32
    %dma_wait3A_499 = tpu.memref_slice %arg6[%dma_wait3A_483, %dma_wait3A_497, %dma_wait3A_498] : memref<4x128x128xf32, #tpu.memory_space<vmem>> -> memref<1x128x128xf32, #tpu.memory_space<vmem>>
    %dma_wait3A_500 = tpu.memref_squeeze %dma_wait3A_499 : memref<1x128x128xf32, #tpu.memory_space<vmem>> -> memref<128x128xf32, #tpu.memory_space<vmem>>
    tpu.wait_dma2 semaphore(%dma_wait3A_493 : memref<!tpu.dma_semaphore, #tpu.memory_space<semaphore_mem>>) src(%dma_wait3A_500 : memref<128x128xf32, #tpu.memory_space<vmem>>) dst(%dma_wait3A_496 : memref<128x128xf32, #tpu.memory_space<hbm>>)
    %dma_wait3A_501 = arith.constant 2 : i32
    %dma_wait3A_502 = arith.constant 2 : i32
    %dma_wait3A_503 = arith.constant 0 : i32
    %dma_wait3A_504 = arith.constant 0 : i32
    %dma_wait3A_505 = tpu.memref_slice %arg6[%dma_wait3A_501, %dma_wait3A_503, %dma_wait3A_504] : memref<4x128x128xf32, #tpu.memory_space<vmem>> -> memref<1x128x128xf32, #tpu.memory_space<vmem>>
    %dma_wait3A_506 = tpu.memref_squeeze %dma_wait3A_505 : memref<1x128x128xf32, #tpu.memory_space<vmem>> -> memref<128x128xf32, #tpu.memory_space<vmem>>
    %dma_wait3A_507 = arith.constant 0 : i32
    %dma_wait3A_508 = arith.constant 0 : i32
    %dma_wait3A_509 = tpu.memref_slice %arg4[%dma_wait3A_507, %dma_wait3A_508] : memref<32768x128xf32, #tpu.memory_space<hbm>> -> memref<128x128xf32, #tpu.memory_space<hbm>>
    %dma_wait3A_510 = tpu.memref_slice %arg9[%dma_wait3A_502] : memref<4x!tpu.dma_semaphore, #tpu.memory_space<semaphore_mem>> -> memref<1x!tpu.dma_semaphore, #tpu.memory_space<semaphore_mem>>
    %dma_wait3A_511 = tpu.memref_squeeze %dma_wait3A_510 : memref<1x!tpu.dma_semaphore, #tpu.memory_space<semaphore_mem>> -> memref<!tpu.dma_semaphore, #tpu.memory_space<semaphore_mem>>
    %dma_wait3A_512 = arith.constant 0 : i32
    %dma_wait3A_513 = arith.constant 0 : i32
    %dma_wait3A_514 = tpu.memref_slice %arg4[%dma_wait3A_512, %dma_wait3A_513] : memref<32768x128xf32, #tpu.memory_space<hbm>> -> memref<128x128xf32, #tpu.memory_space<hbm>>
    %dma_wait3A_515 = arith.constant 0 : i32
    %dma_wait3A_516 = arith.constant 0 : i32
    %dma_wait3A_517 = tpu.memref_slice %arg6[%dma_wait3A_501, %dma_wait3A_515, %dma_wait3A_516] : memref<4x128x128xf32, #tpu.memory_space<vmem>> -> memref<1x128x128xf32, #tpu.memory_space<vmem>>
    %dma_wait3A_518 = tpu.memref_squeeze %dma_wait3A_517 : memref<1x128x128xf32, #tpu.memory_space<vmem>> -> memref<128x128xf32, #tpu.memory_space<vmem>>
    tpu.wait_dma2 semaphore(%dma_wait3A_511 : memref<!tpu.dma_semaphore, #tpu.memory_space<semaphore_mem>>) src(%dma_wait3A_518 : memref<128x128xf32, #tpu.memory_space<vmem>>) dst(%dma_wait3A_514 : memref<128x128xf32, #tpu.memory_space<hbm>>)
    %dma_wait3A_519 = arith.constant 3 : i32
    %dma_wait3A_520 = arith.constant 3 : i32
    %dma_wait3A_521 = arith.constant 0 : i32
    %dma_wait3A_522 = arith.constant 0 : i32
    %dma_wait3A_523 = tpu.memref_slice %arg6[%dma_wait3A_519, %dma_wait3A_521, %dma_wait3A_522] : memref<4x128x128xf32, #tpu.memory_space<vmem>> -> memref<1x128x128xf32, #tpu.memory_space<vmem>>
    %dma_wait3A_524 = tpu.memref_squeeze %dma_wait3A_523 : memref<1x128x128xf32, #tpu.memory_space<vmem>> -> memref<128x128xf32, #tpu.memory_space<vmem>>
    %dma_wait3A_525 = arith.constant 0 : i32
    %dma_wait3A_526 = arith.constant 0 : i32
    %dma_wait3A_527 = tpu.memref_slice %arg4[%dma_wait3A_525, %dma_wait3A_526] : memref<32768x128xf32, #tpu.memory_space<hbm>> -> memref<128x128xf32, #tpu.memory_space<hbm>>
    %dma_wait3A_528 = tpu.memref_slice %arg9[%dma_wait3A_520] : memref<4x!tpu.dma_semaphore, #tpu.memory_space<semaphore_mem>> -> memref<1x!tpu.dma_semaphore, #tpu.memory_space<semaphore_mem>>
    %dma_wait3A_529 = tpu.memref_squeeze %dma_wait3A_528 : memref<1x!tpu.dma_semaphore, #tpu.memory_space<semaphore_mem>> -> memref<!tpu.dma_semaphore, #tpu.memory_space<semaphore_mem>>
    %dma_wait3A_530 = arith.constant 0 : i32
    %dma_wait3A_531 = arith.constant 0 : i32
    %dma_wait3A_532 = tpu.memref_slice %arg4[%dma_wait3A_530, %dma_wait3A_531] : memref<32768x128xf32, #tpu.memory_space<hbm>> -> memref<128x128xf32, #tpu.memory_space<hbm>>
    %dma_wait3A_533 = arith.constant 0 : i32
    %dma_wait3A_534 = arith.constant 0 : i32
    %dma_wait3A_535 = tpu.memref_slice %arg6[%dma_wait3A_519, %dma_wait3A_533, %dma_wait3A_534] : memref<4x128x128xf32, #tpu.memory_space<vmem>> -> memref<1x128x128xf32, #tpu.memory_space<vmem>>
    %dma_wait3A_536 = tpu.memref_squeeze %dma_wait3A_535 : memref<1x128x128xf32, #tpu.memory_space<vmem>> -> memref<128x128xf32, #tpu.memory_space<vmem>>
    tpu.wait_dma2 semaphore(%dma_wait3A_529 : memref<!tpu.dma_semaphore, #tpu.memory_space<semaphore_mem>>) src(%dma_wait3A_536 : memref<128x128xf32, #tpu.memory_space<vmem>>) dst(%dma_wait3A_532 : memref<128x128xf32, #tpu.memory_space<hbm>>)
    return
  }
}

#map = affine_map<(d0, d1) -> (0, 0)>
#map1 = affine_map<(d0, d1) -> (0)>
module attributes {stable_mosaic.version = 14 : i64} {
  func.func @body(%arg0: i32, %arg1: i32, %arg2: memref<1000000x128xf32, #tpu.memory_space<hbm>>, %arg3: memref<204800xi32, #tpu.memory_space<hbm>>, %arg4: memref<49152x128xf32, #tpu.memory_space<hbm>>, %arg5: memref<1536xi32, #tpu.memory_space<vmem>>, %arg6: memref<4x128x128xf32, #tpu.memory_space<vmem>>, %arg7: memref<!tpu.dma_semaphore, #tpu.memory_space<semaphore_mem>>, %arg8: memref<4x!tpu.dma_semaphore, #tpu.memory_space<semaphore_mem>>, %arg9: memref<4x!tpu.dma_semaphore, #tpu.memory_space<semaphore_mem>>) attributes {dimension_semantics = [#tpu.dimension_semantics<core_parallel>, #tpu.dimension_semantics<subcore_parallel>], iteration_bounds = array<i64: 2, 16>, scalar_prefetch = 0 : i64, scratch_operands = 5 : i64, tpu.core_type = #tpu.core_type<sc_vector_subcore>, window_params = [{transform_indices = #map}, {transform_indices = #map1}, {transform_indices = #map}]} {
    %mul3A = arith.constant 2 : i32
    %mul3A_0 = arith.muli %arg1, %mul3A : i32
    %add3A = arith.addi %mul3A_0, %arg0 : i32
    %mul3A_1 = arith.constant 1536 : i32
    %mul3A_2 = arith.muli %add3A, %mul3A_1 : i32
    %add3A_3 = arith.constant 0 : i32
    %add3A_4 = arith.addi %add3A_3, %mul3A_2 : i32
    %dma_start3A = tpu.memref_slice %arg3[%add3A_4] : memref<204800xi32, #tpu.memory_space<hbm>> -> memref<1536xi32, #tpu.memory_space<hbm>>
    %dma_start3A_5 = tpu.memref_slice %arg3[%add3A_4] : memref<204800xi32, #tpu.memory_space<hbm>> -> memref<1536xi32, #tpu.memory_space<hbm>>
    tpu.enqueue_dma source(%dma_start3A_5 : memref<1536xi32, #tpu.memory_space<hbm>>) target(%arg5 : memref<1536xi32, #tpu.memory_space<vmem>>) target_semaphore(%arg7 : memref<!tpu.dma_semaphore, #tpu.memory_space<semaphore_mem>>)
    %dma_wait3A = tpu.memref_slice %arg3[%add3A_4] : memref<204800xi32, #tpu.memory_space<hbm>> -> memref<1536xi32, #tpu.memory_space<hbm>>
    %dma_wait3A_6 = tpu.memref_slice %arg3[%add3A_4] : memref<204800xi32, #tpu.memory_space<hbm>> -> memref<1536xi32, #tpu.memory_space<hbm>>
    tpu.wait_dma2 semaphore(%arg7 : memref<!tpu.dma_semaphore, #tpu.memory_space<semaphore_mem>>) src(%dma_wait3A_6 : memref<1536xi32, #tpu.memory_space<hbm>>) dst(%arg5 : memref<1536xi32, #tpu.memory_space<vmem>>)
    %dma_start3A_7 = arith.constant 0 : i32
    %dma_start3A_8 = arith.constant 0 : i32
    %dma_start3A_9 = arith.constant 0 : i32
    %dma_start3A_10 = arith.constant 0 : i32
    %dma_start3A_11 = tpu.memref_slice %arg6[%dma_start3A_7, %dma_start3A_9, %dma_start3A_10] : memref<4x128x128xf32, #tpu.memory_space<vmem>> -> memref<1x128x128xf32, #tpu.memory_space<vmem>>
    %dma_start3A_12 = tpu.memref_squeeze %dma_start3A_11 : memref<1x128x128xf32, #tpu.memory_space<vmem>> -> memref<128x128xf32, #tpu.memory_space<vmem>>
    %dma_start3A_13 = arith.constant 0 : i32
    %dma_start3A_14 = tpu.memref_slice %arg5[%dma_start3A_13] : memref<1536xi32, #tpu.memory_space<vmem>> -> memref<128xi32, #tpu.memory_space<vmem>>
    %dma_start3A_15 = arith.constant 0 : i32
    %dma_start3A_16 = arith.constant 0 : i32
    %dma_start3A_17 = tpu.memref_slice %arg2[%dma_start3A_15, %dma_start3A_16] : memref<1000000x128xf32, #tpu.memory_space<hbm>> -> memref<1000000x128xf32, #tpu.memory_space<hbm>>
    %dma_start3A_18 = tpu.memref_slice %arg8[%dma_start3A_8] : memref<4x!tpu.dma_semaphore, #tpu.memory_space<semaphore_mem>> -> memref<1x!tpu.dma_semaphore, #tpu.memory_space<semaphore_mem>>
    %dma_start3A_19 = tpu.memref_squeeze %dma_start3A_18 : memref<1x!tpu.dma_semaphore, #tpu.memory_space<semaphore_mem>> -> memref<!tpu.dma_semaphore, #tpu.memory_space<semaphore_mem>>
    tpu.enqueue_indirect_dma source(%dma_start3A_17 : memref<1000000x128xf32, #tpu.memory_space<hbm>>) target(%dma_start3A_12 : memref<128x128xf32, #tpu.memory_space<vmem>>) offsets(%dma_start3A_14 : memref<128xi32, #tpu.memory_space<vmem>>) semaphore(%dma_start3A_19 : memref<!tpu.dma_semaphore, #tpu.memory_space<semaphore_mem>>)
    %dma_start3A_20 = arith.constant 1 : i32
    %dma_start3A_21 = arith.constant 1 : i32
    %dma_start3A_22 = arith.constant 0 : i32
    %dma_start3A_23 = arith.constant 0 : i32
    %dma_start3A_24 = tpu.memref_slice %arg6[%dma_start3A_20, %dma_start3A_22, %dma_start3A_23] : memref<4x128x128xf32, #tpu.memory_space<vmem>> -> memref<1x128x128xf32, #tpu.memory_space<vmem>>
    %dma_start3A_25 = tpu.memref_squeeze %dma_start3A_24 : memref<1x128x128xf32, #tpu.memory_space<vmem>> -> memref<128x128xf32, #tpu.memory_space<vmem>>
    %dma_start3A_26 = arith.constant 128 : i32
    %dma_start3A_27 = tpu.memref_slice %arg5[%dma_start3A_26] : memref<1536xi32, #tpu.memory_space<vmem>> -> memref<128xi32, #tpu.memory_space<vmem>>
    %dma_start3A_28 = arith.constant 0 : i32
    %dma_start3A_29 = arith.constant 0 : i32
    %dma_start3A_30 = tpu.memref_slice %arg2[%dma_start3A_28, %dma_start3A_29] : memref<1000000x128xf32, #tpu.memory_space<hbm>> -> memref<1000000x128xf32, #tpu.memory_space<hbm>>
    %dma_start3A_31 = tpu.memref_slice %arg8[%dma_start3A_21] : memref<4x!tpu.dma_semaphore, #tpu.memory_space<semaphore_mem>> -> memref<1x!tpu.dma_semaphore, #tpu.memory_space<semaphore_mem>>
    %dma_start3A_32 = tpu.memref_squeeze %dma_start3A_31 : memref<1x!tpu.dma_semaphore, #tpu.memory_space<semaphore_mem>> -> memref<!tpu.dma_semaphore, #tpu.memory_space<semaphore_mem>>
    tpu.enqueue_indirect_dma source(%dma_start3A_30 : memref<1000000x128xf32, #tpu.memory_space<hbm>>) target(%dma_start3A_25 : memref<128x128xf32, #tpu.memory_space<vmem>>) offsets(%dma_start3A_27 : memref<128xi32, #tpu.memory_space<vmem>>) semaphore(%dma_start3A_32 : memref<!tpu.dma_semaphore, #tpu.memory_space<semaphore_mem>>)
    %dma_start3A_33 = arith.constant 2 : i32
    %dma_start3A_34 = arith.constant 2 : i32
    %dma_start3A_35 = arith.constant 0 : i32
    %dma_start3A_36 = arith.constant 0 : i32
    %dma_start3A_37 = tpu.memref_slice %arg6[%dma_start3A_33, %dma_start3A_35, %dma_start3A_36] : memref<4x128x128xf32, #tpu.memory_space<vmem>> -> memref<1x128x128xf32, #tpu.memory_space<vmem>>
    %dma_start3A_38 = tpu.memref_squeeze %dma_start3A_37 : memref<1x128x128xf32, #tpu.memory_space<vmem>> -> memref<128x128xf32, #tpu.memory_space<vmem>>
    %dma_start3A_39 = arith.constant 256 : i32
    %dma_start3A_40 = tpu.memref_slice %arg5[%dma_start3A_39] : memref<1536xi32, #tpu.memory_space<vmem>> -> memref<128xi32, #tpu.memory_space<vmem>>
    %dma_start3A_41 = arith.constant 0 : i32
    %dma_start3A_42 = arith.constant 0 : i32
    %dma_start3A_43 = tpu.memref_slice %arg2[%dma_start3A_41, %dma_start3A_42] : memref<1000000x128xf32, #tpu.memory_space<hbm>> -> memref<1000000x128xf32, #tpu.memory_space<hbm>>
    %dma_start3A_44 = tpu.memref_slice %arg8[%dma_start3A_34] : memref<4x!tpu.dma_semaphore, #tpu.memory_space<semaphore_mem>> -> memref<1x!tpu.dma_semaphore, #tpu.memory_space<semaphore_mem>>
    %dma_start3A_45 = tpu.memref_squeeze %dma_start3A_44 : memref<1x!tpu.dma_semaphore, #tpu.memory_space<semaphore_mem>> -> memref<!tpu.dma_semaphore, #tpu.memory_space<semaphore_mem>>
    tpu.enqueue_indirect_dma source(%dma_start3A_43 : memref<1000000x128xf32, #tpu.memory_space<hbm>>) target(%dma_start3A_38 : memref<128x128xf32, #tpu.memory_space<vmem>>) offsets(%dma_start3A_40 : memref<128xi32, #tpu.memory_space<vmem>>) semaphore(%dma_start3A_45 : memref<!tpu.dma_semaphore, #tpu.memory_space<semaphore_mem>>)
    %dma_wait3A_46 = arith.constant 0 : i32
    %dma_wait3A_47 = arith.constant 0 : i32
    %dma_wait3A_48 = arith.constant 0 : i32
    %dma_wait3A_49 = arith.constant 0 : i32
    %dma_wait3A_50 = tpu.memref_slice %arg6[%dma_wait3A_46, %dma_wait3A_48, %dma_wait3A_49] : memref<4x128x128xf32, #tpu.memory_space<vmem>> -> memref<1x128x128xf32, #tpu.memory_space<vmem>>
    %dma_wait3A_51 = tpu.memref_squeeze %dma_wait3A_50 : memref<1x128x128xf32, #tpu.memory_space<vmem>> -> memref<128x128xf32, #tpu.memory_space<vmem>>
    %dma_wait3A_52 = arith.constant 0 : i32
    %dma_wait3A_53 = tpu.memref_slice %arg5[%dma_wait3A_52] : memref<1536xi32, #tpu.memory_space<vmem>> -> memref<128xi32, #tpu.memory_space<vmem>>
    %dma_wait3A_54 = arith.constant 0 : i32
    %dma_wait3A_55 = arith.constant 0 : i32
    %dma_wait3A_56 = tpu.memref_slice %arg2[%dma_wait3A_54, %dma_wait3A_55] : memref<1000000x128xf32, #tpu.memory_space<hbm>> -> memref<1000000x128xf32, #tpu.memory_space<hbm>>
    %dma_wait3A_57 = tpu.memref_slice %arg8[%dma_wait3A_47] : memref<4x!tpu.dma_semaphore, #tpu.memory_space<semaphore_mem>> -> memref<1x!tpu.dma_semaphore, #tpu.memory_space<semaphore_mem>>
    %dma_wait3A_58 = tpu.memref_squeeze %dma_wait3A_57 : memref<1x!tpu.dma_semaphore, #tpu.memory_space<semaphore_mem>> -> memref<!tpu.dma_semaphore, #tpu.memory_space<semaphore_mem>>
    tpu.wait_indirect_dma semaphore(%dma_wait3A_58 : memref<!tpu.dma_semaphore, #tpu.memory_space<semaphore_mem>>) src(%dma_wait3A_56 : memref<1000000x128xf32, #tpu.memory_space<hbm>>) dst(%dma_wait3A_51 : memref<128x128xf32, #tpu.memory_space<vmem>>)
    %add3A_59 = arith.constant 0 : i32
    %add3A_60 = arith.addi %mul3A_2, %add3A_59 : i32
    %dma_start3A_61 = arith.constant 0 : i32
    %dma_start3A_62 = arith.constant 0 : i32
    %dma_start3A_63 = arith.constant 0 : i32
    %dma_start3A_64 = arith.constant 0 : i32
    %dma_start3A_65 = tpu.memref_slice %arg6[%dma_start3A_61, %dma_start3A_63, %dma_start3A_64] : memref<4x128x128xf32, #tpu.memory_space<vmem>> -> memref<1x128x128xf32, #tpu.memory_space<vmem>>
    %dma_start3A_66 = tpu.memref_squeeze %dma_start3A_65 : memref<1x128x128xf32, #tpu.memory_space<vmem>> -> memref<128x128xf32, #tpu.memory_space<vmem>>
    %dma_start3A_67 = arith.constant 0 : i32
    %dma_start3A_68 = tpu.memref_slice %arg4[%add3A_60, %dma_start3A_67] : memref<49152x128xf32, #tpu.memory_space<hbm>> -> memref<128x128xf32, #tpu.memory_space<hbm>>
    %dma_start3A_69 = tpu.memref_slice %arg9[%dma_start3A_62] : memref<4x!tpu.dma_semaphore, #tpu.memory_space<semaphore_mem>> -> memref<1x!tpu.dma_semaphore, #tpu.memory_space<semaphore_mem>>
    %dma_start3A_70 = tpu.memref_squeeze %dma_start3A_69 : memref<1x!tpu.dma_semaphore, #tpu.memory_space<semaphore_mem>> -> memref<!tpu.dma_semaphore, #tpu.memory_space<semaphore_mem>>
    %dma_start3A_71 = arith.constant 0 : i32
    %dma_start3A_72 = tpu.memref_slice %arg4[%add3A_60, %dma_start3A_71] : memref<49152x128xf32, #tpu.memory_space<hbm>> -> memref<128x128xf32, #tpu.memory_space<hbm>>
    %dma_start3A_73 = arith.constant 0 : i32
    %dma_start3A_74 = arith.constant 0 : i32
    %dma_start3A_75 = tpu.memref_slice %arg6[%dma_start3A_61, %dma_start3A_73, %dma_start3A_74] : memref<4x128x128xf32, #tpu.memory_space<vmem>> -> memref<1x128x128xf32, #tpu.memory_space<vmem>>
    %dma_start3A_76 = tpu.memref_squeeze %dma_start3A_75 : memref<1x128x128xf32, #tpu.memory_space<vmem>> -> memref<128x128xf32, #tpu.memory_space<vmem>>
    tpu.enqueue_dma source(%dma_start3A_76 : memref<128x128xf32, #tpu.memory_space<vmem>>) target(%dma_start3A_72 : memref<128x128xf32, #tpu.memory_space<hbm>>) target_semaphore(%dma_start3A_70 : memref<!tpu.dma_semaphore, #tpu.memory_space<semaphore_mem>>)
    %dma_start3A_77 = arith.constant 3 : i32
    %dma_start3A_78 = arith.constant 3 : i32
    %dma_start3A_79 = arith.constant 0 : i32
    %dma_start3A_80 = arith.constant 0 : i32
    %dma_start3A_81 = tpu.memref_slice %arg6[%dma_start3A_77, %dma_start3A_79, %dma_start3A_80] : memref<4x128x128xf32, #tpu.memory_space<vmem>> -> memref<1x128x128xf32, #tpu.memory_space<vmem>>
    %dma_start3A_82 = tpu.memref_squeeze %dma_start3A_81 : memref<1x128x128xf32, #tpu.memory_space<vmem>> -> memref<128x128xf32, #tpu.memory_space<vmem>>
    %dma_start3A_83 = arith.constant 384 : i32
    %dma_start3A_84 = tpu.memref_slice %arg5[%dma_start3A_83] : memref<1536xi32, #tpu.memory_space<vmem>> -> memref<128xi32, #tpu.memory_space<vmem>>
    %dma_start3A_85 = arith.constant 0 : i32
    %dma_start3A_86 = arith.constant 0 : i32
    %dma_start3A_87 = tpu.memref_slice %arg2[%dma_start3A_85, %dma_start3A_86] : memref<1000000x128xf32, #tpu.memory_space<hbm>> -> memref<1000000x128xf32, #tpu.memory_space<hbm>>
    %dma_start3A_88 = tpu.memref_slice %arg8[%dma_start3A_78] : memref<4x!tpu.dma_semaphore, #tpu.memory_space<semaphore_mem>> -> memref<1x!tpu.dma_semaphore, #tpu.memory_space<semaphore_mem>>
    %dma_start3A_89 = tpu.memref_squeeze %dma_start3A_88 : memref<1x!tpu.dma_semaphore, #tpu.memory_space<semaphore_mem>> -> memref<!tpu.dma_semaphore, #tpu.memory_space<semaphore_mem>>
    tpu.enqueue_indirect_dma source(%dma_start3A_87 : memref<1000000x128xf32, #tpu.memory_space<hbm>>) target(%dma_start3A_82 : memref<128x128xf32, #tpu.memory_space<vmem>>) offsets(%dma_start3A_84 : memref<128xi32, #tpu.memory_space<vmem>>) semaphore(%dma_start3A_89 : memref<!tpu.dma_semaphore, #tpu.memory_space<semaphore_mem>>)
    %dma_wait3A_90 = arith.constant 1 : i32
    %dma_wait3A_91 = arith.constant 1 : i32
    %dma_wait3A_92 = arith.constant 0 : i32
    %dma_wait3A_93 = arith.constant 0 : i32
    %dma_wait3A_94 = tpu.memref_slice %arg6[%dma_wait3A_90, %dma_wait3A_92, %dma_wait3A_93] : memref<4x128x128xf32, #tpu.memory_space<vmem>> -> memref<1x128x128xf32, #tpu.memory_space<vmem>>
    %dma_wait3A_95 = tpu.memref_squeeze %dma_wait3A_94 : memref<1x128x128xf32, #tpu.memory_space<vmem>> -> memref<128x128xf32, #tpu.memory_space<vmem>>
    %dma_wait3A_96 = arith.constant 0 : i32
    %dma_wait3A_97 = tpu.memref_slice %arg5[%dma_wait3A_96] : memref<1536xi32, #tpu.memory_space<vmem>> -> memref<128xi32, #tpu.memory_space<vmem>>
    %dma_wait3A_98 = arith.constant 0 : i32
    %dma_wait3A_99 = arith.constant 0 : i32
    %dma_wait3A_100 = tpu.memref_slice %arg2[%dma_wait3A_98, %dma_wait3A_99] : memref<1000000x128xf32, #tpu.memory_space<hbm>> -> memref<1000000x128xf32, #tpu.memory_space<hbm>>
    %dma_wait3A_101 = tpu.memref_slice %arg8[%dma_wait3A_91] : memref<4x!tpu.dma_semaphore, #tpu.memory_space<semaphore_mem>> -> memref<1x!tpu.dma_semaphore, #tpu.memory_space<semaphore_mem>>
    %dma_wait3A_102 = tpu.memref_squeeze %dma_wait3A_101 : memref<1x!tpu.dma_semaphore, #tpu.memory_space<semaphore_mem>> -> memref<!tpu.dma_semaphore, #tpu.memory_space<semaphore_mem>>
    tpu.wait_indirect_dma semaphore(%dma_wait3A_102 : memref<!tpu.dma_semaphore, #tpu.memory_space<semaphore_mem>>) src(%dma_wait3A_100 : memref<1000000x128xf32, #tpu.memory_space<hbm>>) dst(%dma_wait3A_95 : memref<128x128xf32, #tpu.memory_space<vmem>>)
    %add3A_103 = arith.constant 128 : i32
    %add3A_104 = arith.addi %mul3A_2, %add3A_103 : i32
    %dma_start3A_105 = arith.constant 1 : i32
    %dma_start3A_106 = arith.constant 1 : i32
    %dma_start3A_107 = arith.constant 0 : i32
    %dma_start3A_108 = arith.constant 0 : i32
    %dma_start3A_109 = tpu.memref_slice %arg6[%dma_start3A_105, %dma_start3A_107, %dma_start3A_108] : memref<4x128x128xf32, #tpu.memory_space<vmem>> -> memref<1x128x128xf32, #tpu.memory_space<vmem>>
    %dma_start3A_110 = tpu.memref_squeeze %dma_start3A_109 : memref<1x128x128xf32, #tpu.memory_space<vmem>> -> memref<128x128xf32, #tpu.memory_space<vmem>>
    %dma_start3A_111 = arith.constant 0 : i32
    %dma_start3A_112 = tpu.memref_slice %arg4[%add3A_104, %dma_start3A_111] : memref<49152x128xf32, #tpu.memory_space<hbm>> -> memref<128x128xf32, #tpu.memory_space<hbm>>
    %dma_start3A_113 = tpu.memref_slice %arg9[%dma_start3A_106] : memref<4x!tpu.dma_semaphore, #tpu.memory_space<semaphore_mem>> -> memref<1x!tpu.dma_semaphore, #tpu.memory_space<semaphore_mem>>
    %dma_start3A_114 = tpu.memref_squeeze %dma_start3A_113 : memref<1x!tpu.dma_semaphore, #tpu.memory_space<semaphore_mem>> -> memref<!tpu.dma_semaphore, #tpu.memory_space<semaphore_mem>>
    %dma_start3A_115 = arith.constant 0 : i32
    %dma_start3A_116 = tpu.memref_slice %arg4[%add3A_104, %dma_start3A_115] : memref<49152x128xf32, #tpu.memory_space<hbm>> -> memref<128x128xf32, #tpu.memory_space<hbm>>
    %dma_start3A_117 = arith.constant 0 : i32
    %dma_start3A_118 = arith.constant 0 : i32
    %dma_start3A_119 = tpu.memref_slice %arg6[%dma_start3A_105, %dma_start3A_117, %dma_start3A_118] : memref<4x128x128xf32, #tpu.memory_space<vmem>> -> memref<1x128x128xf32, #tpu.memory_space<vmem>>
    %dma_start3A_120 = tpu.memref_squeeze %dma_start3A_119 : memref<1x128x128xf32, #tpu.memory_space<vmem>> -> memref<128x128xf32, #tpu.memory_space<vmem>>
    tpu.enqueue_dma source(%dma_start3A_120 : memref<128x128xf32, #tpu.memory_space<vmem>>) target(%dma_start3A_116 : memref<128x128xf32, #tpu.memory_space<hbm>>) target_semaphore(%dma_start3A_114 : memref<!tpu.dma_semaphore, #tpu.memory_space<semaphore_mem>>)
    %scan3A = arith.constant 0 : i32
    %scan3A_121 = arith.constant 1 : i32
    %scan3A_122 = arith.constant 2 : i32
    %scan3A_123 = arith.addi %scan3A_121, %scan3A_122 : i32
    %scan3A_124 = arith.constant 1 : i32
    %scan3A_125 = scf.for %scan3A_261 = %scan3A_121 to %scan3A_123 step %scan3A_124 iter_args(%scan3A_262 = %scan3A) -> (i32)  : i32 {
      %mul3A_263 = arith.constant 4 : i32
      %mul3A_264 = arith.muli %scan3A_261, %mul3A_263 : i32
      %add3A_265 = arith.constant 0 : i32
      %add3A_266 = arith.addi %mul3A_264, %add3A_265 : i32
      %dma_wait3A_267 = arith.constant 0 : i32
      %dma_wait3A_268 = arith.constant 0 : i32
      %dma_wait3A_269 = arith.constant 0 : i32
      %dma_wait3A_270 = arith.constant 0 : i32
      %dma_wait3A_271 = tpu.memref_slice %arg6[%dma_wait3A_267, %dma_wait3A_269, %dma_wait3A_270] : memref<4x128x128xf32, #tpu.memory_space<vmem>> -> memref<1x128x128xf32, #tpu.memory_space<vmem>>
      %dma_wait3A_272 = tpu.memref_squeeze %dma_wait3A_271 : memref<1x128x128xf32, #tpu.memory_space<vmem>> -> memref<128x128xf32, #tpu.memory_space<vmem>>
      %dma_wait3A_273 = arith.constant 0 : i32
      %dma_wait3A_274 = arith.constant 0 : i32
      %dma_wait3A_275 = tpu.memref_slice %arg4[%dma_wait3A_273, %dma_wait3A_274] : memref<49152x128xf32, #tpu.memory_space<hbm>> -> memref<128x128xf32, #tpu.memory_space<hbm>>
      %dma_wait3A_276 = tpu.memref_slice %arg9[%dma_wait3A_268] : memref<4x!tpu.dma_semaphore, #tpu.memory_space<semaphore_mem>> -> memref<1x!tpu.dma_semaphore, #tpu.memory_space<semaphore_mem>>
      %dma_wait3A_277 = tpu.memref_squeeze %dma_wait3A_276 : memref<1x!tpu.dma_semaphore, #tpu.memory_space<semaphore_mem>> -> memref<!tpu.dma_semaphore, #tpu.memory_space<semaphore_mem>>
      %dma_wait3A_278 = arith.constant 0 : i32
      %dma_wait3A_279 = arith.constant 0 : i32
      %dma_wait3A_280 = tpu.memref_slice %arg4[%dma_wait3A_278, %dma_wait3A_279] : memref<49152x128xf32, #tpu.memory_space<hbm>> -> memref<128x128xf32, #tpu.memory_space<hbm>>
      %dma_wait3A_281 = arith.constant 0 : i32
      %dma_wait3A_282 = arith.constant 0 : i32
      %dma_wait3A_283 = tpu.memref_slice %arg6[%dma_wait3A_267, %dma_wait3A_281, %dma_wait3A_282] : memref<4x128x128xf32, #tpu.memory_space<vmem>> -> memref<1x128x128xf32, #tpu.memory_space<vmem>>
      %dma_wait3A_284 = tpu.memref_squeeze %dma_wait3A_283 : memref<1x128x128xf32, #tpu.memory_space<vmem>> -> memref<128x128xf32, #tpu.memory_space<vmem>>
      tpu.wait_dma2 semaphore(%dma_wait3A_277 : memref<!tpu.dma_semaphore, #tpu.memory_space<semaphore_mem>>) src(%dma_wait3A_284 : memref<128x128xf32, #tpu.memory_space<vmem>>) dst(%dma_wait3A_280 : memref<128x128xf32, #tpu.memory_space<hbm>>)
      %mul3A_285 = arith.constant 128 : i32
      %mul3A_286 = arith.muli %add3A_266, %mul3A_285 : i32
      %dma_start3A_287 = arith.constant 0 : i32
      %dma_start3A_288 = arith.constant 0 : i32
      %dma_start3A_289 = arith.constant 0 : i32
      %dma_start3A_290 = arith.constant 0 : i32
      %dma_start3A_291 = tpu.memref_slice %arg6[%dma_start3A_287, %dma_start3A_289, %dma_start3A_290] : memref<4x128x128xf32, #tpu.memory_space<vmem>> -> memref<1x128x128xf32, #tpu.memory_space<vmem>>
      %dma_start3A_292 = tpu.memref_squeeze %dma_start3A_291 : memref<1x128x128xf32, #tpu.memory_space<vmem>> -> memref<128x128xf32, #tpu.memory_space<vmem>>
      %dma_start3A_293 = tpu.memref_slice %arg5[%mul3A_286] : memref<1536xi32, #tpu.memory_space<vmem>> -> memref<128xi32, #tpu.memory_space<vmem>>
      %dma_start3A_294 = arith.constant 0 : i32
      %dma_start3A_295 = arith.constant 0 : i32
      %dma_start3A_296 = tpu.memref_slice %arg2[%dma_start3A_294, %dma_start3A_295] : memref<1000000x128xf32, #tpu.memory_space<hbm>> -> memref<1000000x128xf32, #tpu.memory_space<hbm>>
      %dma_start3A_297 = tpu.memref_slice %arg8[%dma_start3A_288] : memref<4x!tpu.dma_semaphore, #tpu.memory_space<semaphore_mem>> -> memref<1x!tpu.dma_semaphore, #tpu.memory_space<semaphore_mem>>
      %dma_start3A_298 = tpu.memref_squeeze %dma_start3A_297 : memref<1x!tpu.dma_semaphore, #tpu.memory_space<semaphore_mem>> -> memref<!tpu.dma_semaphore, #tpu.memory_space<semaphore_mem>>
      tpu.enqueue_indirect_dma source(%dma_start3A_296 : memref<1000000x128xf32, #tpu.memory_space<hbm>>) target(%dma_start3A_292 : memref<128x128xf32, #tpu.memory_space<vmem>>) offsets(%dma_start3A_293 : memref<128xi32, #tpu.memory_space<vmem>>) semaphore(%dma_start3A_298 : memref<!tpu.dma_semaphore, #tpu.memory_space<semaphore_mem>>)
      %dma_wait3A_299 = arith.constant 2 : i32
      %dma_wait3A_300 = arith.constant 2 : i32
      %dma_wait3A_301 = arith.constant 0 : i32
      %dma_wait3A_302 = arith.constant 0 : i32
      %dma_wait3A_303 = tpu.memref_slice %arg6[%dma_wait3A_299, %dma_wait3A_301, %dma_wait3A_302] : memref<4x128x128xf32, #tpu.memory_space<vmem>> -> memref<1x128x128xf32, #tpu.memory_space<vmem>>
      %dma_wait3A_304 = tpu.memref_squeeze %dma_wait3A_303 : memref<1x128x128xf32, #tpu.memory_space<vmem>> -> memref<128x128xf32, #tpu.memory_space<vmem>>
      %dma_wait3A_305 = arith.constant 0 : i32
      %dma_wait3A_306 = tpu.memref_slice %arg5[%dma_wait3A_305] : memref<1536xi32, #tpu.memory_space<vmem>> -> memref<128xi32, #tpu.memory_space<vmem>>
      %dma_wait3A_307 = arith.constant 0 : i32
      %dma_wait3A_308 = arith.constant 0 : i32
      %dma_wait3A_309 = tpu.memref_slice %arg2[%dma_wait3A_307, %dma_wait3A_308] : memref<1000000x128xf32, #tpu.memory_space<hbm>> -> memref<1000000x128xf32, #tpu.memory_space<hbm>>
      %dma_wait3A_310 = tpu.memref_slice %arg8[%dma_wait3A_300] : memref<4x!tpu.dma_semaphore, #tpu.memory_space<semaphore_mem>> -> memref<1x!tpu.dma_semaphore, #tpu.memory_space<semaphore_mem>>
      %dma_wait3A_311 = tpu.memref_squeeze %dma_wait3A_310 : memref<1x!tpu.dma_semaphore, #tpu.memory_space<semaphore_mem>> -> memref<!tpu.dma_semaphore, #tpu.memory_space<semaphore_mem>>
      tpu.wait_indirect_dma semaphore(%dma_wait3A_311 : memref<!tpu.dma_semaphore, #tpu.memory_space<semaphore_mem>>) src(%dma_wait3A_309 : memref<1000000x128xf32, #tpu.memory_space<hbm>>) dst(%dma_wait3A_304 : memref<128x128xf32, #tpu.memory_space<vmem>>)
      %sub3A = arith.constant 2 : i32
      %sub3A_312 = arith.subi %add3A_266, %sub3A : i32
      %mul3A_313 = arith.constant 128 : i32
      %mul3A_314 = arith.muli %sub3A_312, %mul3A_313 : i32
      %add3A_315 = arith.addi %mul3A_2, %mul3A_314 : i32
      %dma_start3A_316 = arith.constant 2 : i32
      %dma_start3A_317 = arith.constant 2 : i32
      %dma_start3A_318 = arith.constant 0 : i32
      %dma_start3A_319 = arith.constant 0 : i32
      %dma_start3A_320 = tpu.memref_slice %arg6[%dma_start3A_316, %dma_start3A_318, %dma_start3A_319] : memref<4x128x128xf32, #tpu.memory_space<vmem>> -> memref<1x128x128xf32, #tpu.memory_space<vmem>>
      %dma_start3A_321 = tpu.memref_squeeze %dma_start3A_320 : memref<1x128x128xf32, #tpu.memory_space<vmem>> -> memref<128x128xf32, #tpu.memory_space<vmem>>
      %dma_start3A_322 = arith.constant 0 : i32
      %dma_start3A_323 = tpu.memref_slice %arg4[%add3A_315, %dma_start3A_322] : memref<49152x128xf32, #tpu.memory_space<hbm>> -> memref<128x128xf32, #tpu.memory_space<hbm>>
      %dma_start3A_324 = tpu.memref_slice %arg9[%dma_start3A_317] : memref<4x!tpu.dma_semaphore, #tpu.memory_space<semaphore_mem>> -> memref<1x!tpu.dma_semaphore, #tpu.memory_space<semaphore_mem>>
      %dma_start3A_325 = tpu.memref_squeeze %dma_start3A_324 : memref<1x!tpu.dma_semaphore, #tpu.memory_space<semaphore_mem>> -> memref<!tpu.dma_semaphore, #tpu.memory_space<semaphore_mem>>
      %dma_start3A_326 = arith.constant 0 : i32
      %dma_start3A_327 = tpu.memref_slice %arg4[%add3A_315, %dma_start3A_326] : memref<49152x128xf32, #tpu.memory_space<hbm>> -> memref<128x128xf32, #tpu.memory_space<hbm>>
      %dma_start3A_328 = arith.constant 0 : i32
      %dma_start3A_329 = arith.constant 0 : i32
      %dma_start3A_330 = tpu.memref_slice %arg6[%dma_start3A_316, %dma_start3A_328, %dma_start3A_329] : memref<4x128x128xf32, #tpu.memory_space<vmem>> -> memref<1x128x128xf32, #tpu.memory_space<vmem>>
      %dma_start3A_331 = tpu.memref_squeeze %dma_start3A_330 : memref<1x128x128xf32, #tpu.memory_space<vmem>> -> memref<128x128xf32, #tpu.memory_space<vmem>>
      tpu.enqueue_dma source(%dma_start3A_331 : memref<128x128xf32, #tpu.memory_space<vmem>>) target(%dma_start3A_327 : memref<128x128xf32, #tpu.memory_space<hbm>>) target_semaphore(%dma_start3A_325 : memref<!tpu.dma_semaphore, #tpu.memory_space<semaphore_mem>>)
      %mul3A_332 = arith.constant 4 : i32
      %mul3A_333 = arith.muli %scan3A_261, %mul3A_332 : i32
      %add3A_334 = arith.constant 1 : i32
      %add3A_335 = arith.addi %mul3A_333, %add3A_334 : i32
      %dma_wait3A_336 = arith.constant 1 : i32
      %dma_wait3A_337 = arith.constant 1 : i32
      %dma_wait3A_338 = arith.constant 0 : i32
      %dma_wait3A_339 = arith.constant 0 : i32
      %dma_wait3A_340 = tpu.memref_slice %arg6[%dma_wait3A_336, %dma_wait3A_338, %dma_wait3A_339] : memref<4x128x128xf32, #tpu.memory_space<vmem>> -> memref<1x128x128xf32, #tpu.memory_space<vmem>>
      %dma_wait3A_341 = tpu.memref_squeeze %dma_wait3A_340 : memref<1x128x128xf32, #tpu.memory_space<vmem>> -> memref<128x128xf32, #tpu.memory_space<vmem>>
      %dma_wait3A_342 = arith.constant 0 : i32
      %dma_wait3A_343 = arith.constant 0 : i32
      %dma_wait3A_344 = tpu.memref_slice %arg4[%dma_wait3A_342, %dma_wait3A_343] : memref<49152x128xf32, #tpu.memory_space<hbm>> -> memref<128x128xf32, #tpu.memory_space<hbm>>
      %dma_wait3A_345 = tpu.memref_slice %arg9[%dma_wait3A_337] : memref<4x!tpu.dma_semaphore, #tpu.memory_space<semaphore_mem>> -> memref<1x!tpu.dma_semaphore, #tpu.memory_space<semaphore_mem>>
      %dma_wait3A_346 = tpu.memref_squeeze %dma_wait3A_345 : memref<1x!tpu.dma_semaphore, #tpu.memory_space<semaphore_mem>> -> memref<!tpu.dma_semaphore, #tpu.memory_space<semaphore_mem>>
      %dma_wait3A_347 = arith.constant 0 : i32
      %dma_wait3A_348 = arith.constant 0 : i32
      %dma_wait3A_349 = tpu.memref_slice %arg4[%dma_wait3A_347, %dma_wait3A_348] : memref<49152x128xf32, #tpu.memory_space<hbm>> -> memref<128x128xf32, #tpu.memory_space<hbm>>
      %dma_wait3A_350 = arith.constant 0 : i32
      %dma_wait3A_351 = arith.constant 0 : i32
      %dma_wait3A_352 = tpu.memref_slice %arg6[%dma_wait3A_336, %dma_wait3A_350, %dma_wait3A_351] : memref<4x128x128xf32, #tpu.memory_space<vmem>> -> memref<1x128x128xf32, #tpu.memory_space<vmem>>
      %dma_wait3A_353 = tpu.memref_squeeze %dma_wait3A_352 : memref<1x128x128xf32, #tpu.memory_space<vmem>> -> memref<128x128xf32, #tpu.memory_space<vmem>>
      tpu.wait_dma2 semaphore(%dma_wait3A_346 : memref<!tpu.dma_semaphore, #tpu.memory_space<semaphore_mem>>) src(%dma_wait3A_353 : memref<128x128xf32, #tpu.memory_space<vmem>>) dst(%dma_wait3A_349 : memref<128x128xf32, #tpu.memory_space<hbm>>)
      %mul3A_354 = arith.constant 128 : i32
      %mul3A_355 = arith.muli %add3A_335, %mul3A_354 : i32
      %dma_start3A_356 = arith.constant 1 : i32
      %dma_start3A_357 = arith.constant 1 : i32
      %dma_start3A_358 = arith.constant 0 : i32
      %dma_start3A_359 = arith.constant 0 : i32
      %dma_start3A_360 = tpu.memref_slice %arg6[%dma_start3A_356, %dma_start3A_358, %dma_start3A_359] : memref<4x128x128xf32, #tpu.memory_space<vmem>> -> memref<1x128x128xf32, #tpu.memory_space<vmem>>
      %dma_start3A_361 = tpu.memref_squeeze %dma_start3A_360 : memref<1x128x128xf32, #tpu.memory_space<vmem>> -> memref<128x128xf32, #tpu.memory_space<vmem>>
      %dma_start3A_362 = tpu.memref_slice %arg5[%mul3A_355] : memref<1536xi32, #tpu.memory_space<vmem>> -> memref<128xi32, #tpu.memory_space<vmem>>
      %dma_start3A_363 = arith.constant 0 : i32
      %dma_start3A_364 = arith.constant 0 : i32
      %dma_start3A_365 = tpu.memref_slice %arg2[%dma_start3A_363, %dma_start3A_364] : memref<1000000x128xf32, #tpu.memory_space<hbm>> -> memref<1000000x128xf32, #tpu.memory_space<hbm>>
      %dma_start3A_366 = tpu.memref_slice %arg8[%dma_start3A_357] : memref<4x!tpu.dma_semaphore, #tpu.memory_space<semaphore_mem>> -> memref<1x!tpu.dma_semaphore, #tpu.memory_space<semaphore_mem>>
      %dma_start3A_367 = tpu.memref_squeeze %dma_start3A_366 : memref<1x!tpu.dma_semaphore, #tpu.memory_space<semaphore_mem>> -> memref<!tpu.dma_semaphore, #tpu.memory_space<semaphore_mem>>
      tpu.enqueue_indirect_dma source(%dma_start3A_365 : memref<1000000x128xf32, #tpu.memory_space<hbm>>) target(%dma_start3A_361 : memref<128x128xf32, #tpu.memory_space<vmem>>) offsets(%dma_start3A_362 : memref<128xi32, #tpu.memory_space<vmem>>) semaphore(%dma_start3A_367 : memref<!tpu.dma_semaphore, #tpu.memory_space<semaphore_mem>>)
      %dma_wait3A_368 = arith.constant 3 : i32
      %dma_wait3A_369 = arith.constant 3 : i32
      %dma_wait3A_370 = arith.constant 0 : i32
      %dma_wait3A_371 = arith.constant 0 : i32
      %dma_wait3A_372 = tpu.memref_slice %arg6[%dma_wait3A_368, %dma_wait3A_370, %dma_wait3A_371] : memref<4x128x128xf32, #tpu.memory_space<vmem>> -> memref<1x128x128xf32, #tpu.memory_space<vmem>>
      %dma_wait3A_373 = tpu.memref_squeeze %dma_wait3A_372 : memref<1x128x128xf32, #tpu.memory_space<vmem>> -> memref<128x128xf32, #tpu.memory_space<vmem>>
      %dma_wait3A_374 = arith.constant 0 : i32
      %dma_wait3A_375 = tpu.memref_slice %arg5[%dma_wait3A_374] : memref<1536xi32, #tpu.memory_space<vmem>> -> memref<128xi32, #tpu.memory_space<vmem>>
      %dma_wait3A_376 = arith.constant 0 : i32
      %dma_wait3A_377 = arith.constant 0 : i32
      %dma_wait3A_378 = tpu.memref_slice %arg2[%dma_wait3A_376, %dma_wait3A_377] : memref<1000000x128xf32, #tpu.memory_space<hbm>> -> memref<1000000x128xf32, #tpu.memory_space<hbm>>
      %dma_wait3A_379 = tpu.memref_slice %arg8[%dma_wait3A_369] : memref<4x!tpu.dma_semaphore, #tpu.memory_space<semaphore_mem>> -> memref<1x!tpu.dma_semaphore, #tpu.memory_space<semaphore_mem>>
      %dma_wait3A_380 = tpu.memref_squeeze %dma_wait3A_379 : memref<1x!tpu.dma_semaphore, #tpu.memory_space<semaphore_mem>> -> memref<!tpu.dma_semaphore, #tpu.memory_space<semaphore_mem>>
      tpu.wait_indirect_dma semaphore(%dma_wait3A_380 : memref<!tpu.dma_semaphore, #tpu.memory_space<semaphore_mem>>) src(%dma_wait3A_378 : memref<1000000x128xf32, #tpu.memory_space<hbm>>) dst(%dma_wait3A_373 : memref<128x128xf32, #tpu.memory_space<vmem>>)
      %sub3A_381 = arith.constant 2 : i32
      %sub3A_382 = arith.subi %add3A_335, %sub3A_381 : i32
      %mul3A_383 = arith.constant 128 : i32
      %mul3A_384 = arith.muli %sub3A_382, %mul3A_383 : i32
      %add3A_385 = arith.addi %mul3A_2, %mul3A_384 : i32
      %dma_start3A_386 = arith.constant 3 : i32
      %dma_start3A_387 = arith.constant 3 : i32
      %dma_start3A_388 = arith.constant 0 : i32
      %dma_start3A_389 = arith.constant 0 : i32
      %dma_start3A_390 = tpu.memref_slice %arg6[%dma_start3A_386, %dma_start3A_388, %dma_start3A_389] : memref<4x128x128xf32, #tpu.memory_space<vmem>> -> memref<1x128x128xf32, #tpu.memory_space<vmem>>
      %dma_start3A_391 = tpu.memref_squeeze %dma_start3A_390 : memref<1x128x128xf32, #tpu.memory_space<vmem>> -> memref<128x128xf32, #tpu.memory_space<vmem>>
      %dma_start3A_392 = arith.constant 0 : i32
      %dma_start3A_393 = tpu.memref_slice %arg4[%add3A_385, %dma_start3A_392] : memref<49152x128xf32, #tpu.memory_space<hbm>> -> memref<128x128xf32, #tpu.memory_space<hbm>>
      %dma_start3A_394 = tpu.memref_slice %arg9[%dma_start3A_387] : memref<4x!tpu.dma_semaphore, #tpu.memory_space<semaphore_mem>> -> memref<1x!tpu.dma_semaphore, #tpu.memory_space<semaphore_mem>>
      %dma_start3A_395 = tpu.memref_squeeze %dma_start3A_394 : memref<1x!tpu.dma_semaphore, #tpu.memory_space<semaphore_mem>> -> memref<!tpu.dma_semaphore, #tpu.memory_space<semaphore_mem>>
      %dma_start3A_396 = arith.constant 0 : i32
      %dma_start3A_397 = tpu.memref_slice %arg4[%add3A_385, %dma_start3A_396] : memref<49152x128xf32, #tpu.memory_space<hbm>> -> memref<128x128xf32, #tpu.memory_space<hbm>>
      %dma_start3A_398 = arith.constant 0 : i32
      %dma_start3A_399 = arith.constant 0 : i32
      %dma_start3A_400 = tpu.memref_slice %arg6[%dma_start3A_386, %dma_start3A_398, %dma_start3A_399] : memref<4x128x128xf32, #tpu.memory_space<vmem>> -> memref<1x128x128xf32, #tpu.memory_space<vmem>>
      %dma_start3A_401 = tpu.memref_squeeze %dma_start3A_400 : memref<1x128x128xf32, #tpu.memory_space<vmem>> -> memref<128x128xf32, #tpu.memory_space<vmem>>
      tpu.enqueue_dma source(%dma_start3A_401 : memref<128x128xf32, #tpu.memory_space<vmem>>) target(%dma_start3A_397 : memref<128x128xf32, #tpu.memory_space<hbm>>) target_semaphore(%dma_start3A_395 : memref<!tpu.dma_semaphore, #tpu.memory_space<semaphore_mem>>)
      %mul3A_402 = arith.constant 4 : i32
      %mul3A_403 = arith.muli %scan3A_261, %mul3A_402 : i32
      %add3A_404 = arith.constant 2 : i32
      %add3A_405 = arith.addi %mul3A_403, %add3A_404 : i32
      %dma_wait3A_406 = arith.constant 2 : i32
      %dma_wait3A_407 = arith.constant 2 : i32
      %dma_wait3A_408 = arith.constant 0 : i32
      %dma_wait3A_409 = arith.constant 0 : i32
      %dma_wait3A_410 = tpu.memref_slice %arg6[%dma_wait3A_406, %dma_wait3A_408, %dma_wait3A_409] : memref<4x128x128xf32, #tpu.memory_space<vmem>> -> memref<1x128x128xf32, #tpu.memory_space<vmem>>
      %dma_wait3A_411 = tpu.memref_squeeze %dma_wait3A_410 : memref<1x128x128xf32, #tpu.memory_space<vmem>> -> memref<128x128xf32, #tpu.memory_space<vmem>>
      %dma_wait3A_412 = arith.constant 0 : i32
      %dma_wait3A_413 = arith.constant 0 : i32
      %dma_wait3A_414 = tpu.memref_slice %arg4[%dma_wait3A_412, %dma_wait3A_413] : memref<49152x128xf32, #tpu.memory_space<hbm>> -> memref<128x128xf32, #tpu.memory_space<hbm>>
      %dma_wait3A_415 = tpu.memref_slice %arg9[%dma_wait3A_407] : memref<4x!tpu.dma_semaphore, #tpu.memory_space<semaphore_mem>> -> memref<1x!tpu.dma_semaphore, #tpu.memory_space<semaphore_mem>>
      %dma_wait3A_416 = tpu.memref_squeeze %dma_wait3A_415 : memref<1x!tpu.dma_semaphore, #tpu.memory_space<semaphore_mem>> -> memref<!tpu.dma_semaphore, #tpu.memory_space<semaphore_mem>>
      %dma_wait3A_417 = arith.constant 0 : i32
      %dma_wait3A_418 = arith.constant 0 : i32
      %dma_wait3A_419 = tpu.memref_slice %arg4[%dma_wait3A_417, %dma_wait3A_418] : memref<49152x128xf32, #tpu.memory_space<hbm>> -> memref<128x128xf32, #tpu.memory_space<hbm>>
      %dma_wait3A_420 = arith.constant 0 : i32
      %dma_wait3A_421 = arith.constant 0 : i32
      %dma_wait3A_422 = tpu.memref_slice %arg6[%dma_wait3A_406, %dma_wait3A_420, %dma_wait3A_421] : memref<4x128x128xf32, #tpu.memory_space<vmem>> -> memref<1x128x128xf32, #tpu.memory_space<vmem>>
      %dma_wait3A_423 = tpu.memref_squeeze %dma_wait3A_422 : memref<1x128x128xf32, #tpu.memory_space<vmem>> -> memref<128x128xf32, #tpu.memory_space<vmem>>
      tpu.wait_dma2 semaphore(%dma_wait3A_416 : memref<!tpu.dma_semaphore, #tpu.memory_space<semaphore_mem>>) src(%dma_wait3A_423 : memref<128x128xf32, #tpu.memory_space<vmem>>) dst(%dma_wait3A_419 : memref<128x128xf32, #tpu.memory_space<hbm>>)
      %mul3A_424 = arith.constant 128 : i32
      %mul3A_425 = arith.muli %add3A_405, %mul3A_424 : i32
      %dma_start3A_426 = arith.constant 2 : i32
      %dma_start3A_427 = arith.constant 2 : i32
      %dma_start3A_428 = arith.constant 0 : i32
      %dma_start3A_429 = arith.constant 0 : i32
      %dma_start3A_430 = tpu.memref_slice %arg6[%dma_start3A_426, %dma_start3A_428, %dma_start3A_429] : memref<4x128x128xf32, #tpu.memory_space<vmem>> -> memref<1x128x128xf32, #tpu.memory_space<vmem>>
      %dma_start3A_431 = tpu.memref_squeeze %dma_start3A_430 : memref<1x128x128xf32, #tpu.memory_space<vmem>> -> memref<128x128xf32, #tpu.memory_space<vmem>>
      %dma_start3A_432 = tpu.memref_slice %arg5[%mul3A_425] : memref<1536xi32, #tpu.memory_space<vmem>> -> memref<128xi32, #tpu.memory_space<vmem>>
      %dma_start3A_433 = arith.constant 0 : i32
      %dma_start3A_434 = arith.constant 0 : i32
      %dma_start3A_435 = tpu.memref_slice %arg2[%dma_start3A_433, %dma_start3A_434] : memref<1000000x128xf32, #tpu.memory_space<hbm>> -> memref<1000000x128xf32, #tpu.memory_space<hbm>>
      %dma_start3A_436 = tpu.memref_slice %arg8[%dma_start3A_427] : memref<4x!tpu.dma_semaphore, #tpu.memory_space<semaphore_mem>> -> memref<1x!tpu.dma_semaphore, #tpu.memory_space<semaphore_mem>>
      %dma_start3A_437 = tpu.memref_squeeze %dma_start3A_436 : memref<1x!tpu.dma_semaphore, #tpu.memory_space<semaphore_mem>> -> memref<!tpu.dma_semaphore, #tpu.memory_space<semaphore_mem>>
      tpu.enqueue_indirect_dma source(%dma_start3A_435 : memref<1000000x128xf32, #tpu.memory_space<hbm>>) target(%dma_start3A_431 : memref<128x128xf32, #tpu.memory_space<vmem>>) offsets(%dma_start3A_432 : memref<128xi32, #tpu.memory_space<vmem>>) semaphore(%dma_start3A_437 : memref<!tpu.dma_semaphore, #tpu.memory_space<semaphore_mem>>)
      %dma_wait3A_438 = arith.constant 0 : i32
      %dma_wait3A_439 = arith.constant 0 : i32
      %dma_wait3A_440 = arith.constant 0 : i32
      %dma_wait3A_441 = arith.constant 0 : i32
      %dma_wait3A_442 = tpu.memref_slice %arg6[%dma_wait3A_438, %dma_wait3A_440, %dma_wait3A_441] : memref<4x128x128xf32, #tpu.memory_space<vmem>> -> memref<1x128x128xf32, #tpu.memory_space<vmem>>
      %dma_wait3A_443 = tpu.memref_squeeze %dma_wait3A_442 : memref<1x128x128xf32, #tpu.memory_space<vmem>> -> memref<128x128xf32, #tpu.memory_space<vmem>>
      %dma_wait3A_444 = arith.constant 0 : i32
      %dma_wait3A_445 = tpu.memref_slice %arg5[%dma_wait3A_444] : memref<1536xi32, #tpu.memory_space<vmem>> -> memref<128xi32, #tpu.memory_space<vmem>>
      %dma_wait3A_446 = arith.constant 0 : i32
      %dma_wait3A_447 = arith.constant 0 : i32
      %dma_wait3A_448 = tpu.memref_slice %arg2[%dma_wait3A_446, %dma_wait3A_447] : memref<1000000x128xf32, #tpu.memory_space<hbm>> -> memref<1000000x128xf32, #tpu.memory_space<hbm>>
      %dma_wait3A_449 = tpu.memref_slice %arg8[%dma_wait3A_439] : memref<4x!tpu.dma_semaphore, #tpu.memory_space<semaphore_mem>> -> memref<1x!tpu.dma_semaphore, #tpu.memory_space<semaphore_mem>>
      %dma_wait3A_450 = tpu.memref_squeeze %dma_wait3A_449 : memref<1x!tpu.dma_semaphore, #tpu.memory_space<semaphore_mem>> -> memref<!tpu.dma_semaphore, #tpu.memory_space<semaphore_mem>>
      tpu.wait_indirect_dma semaphore(%dma_wait3A_450 : memref<!tpu.dma_semaphore, #tpu.memory_space<semaphore_mem>>) src(%dma_wait3A_448 : memref<1000000x128xf32, #tpu.memory_space<hbm>>) dst(%dma_wait3A_443 : memref<128x128xf32, #tpu.memory_space<vmem>>)
      %sub3A_451 = arith.constant 2 : i32
      %sub3A_452 = arith.subi %add3A_405, %sub3A_451 : i32
      %mul3A_453 = arith.constant 128 : i32
      %mul3A_454 = arith.muli %sub3A_452, %mul3A_453 : i32
      %add3A_455 = arith.addi %mul3A_2, %mul3A_454 : i32
      %dma_start3A_456 = arith.constant 0 : i32
      %dma_start3A_457 = arith.constant 0 : i32
      %dma_start3A_458 = arith.constant 0 : i32
      %dma_start3A_459 = arith.constant 0 : i32
      %dma_start3A_460 = tpu.memref_slice %arg6[%dma_start3A_456, %dma_start3A_458, %dma_start3A_459] : memref<4x128x128xf32, #tpu.memory_space<vmem>> -> memref<1x128x128xf32, #tpu.memory_space<vmem>>
      %dma_start3A_461 = tpu.memref_squeeze %dma_start3A_460 : memref<1x128x128xf32, #tpu.memory_space<vmem>> -> memref<128x128xf32, #tpu.memory_space<vmem>>
      %dma_start3A_462 = arith.constant 0 : i32
      %dma_start3A_463 = tpu.memref_slice %arg4[%add3A_455, %dma_start3A_462] : memref<49152x128xf32, #tpu.memory_space<hbm>> -> memref<128x128xf32, #tpu.memory_space<hbm>>
      %dma_start3A_464 = tpu.memref_slice %arg9[%dma_start3A_457] : memref<4x!tpu.dma_semaphore, #tpu.memory_space<semaphore_mem>> -> memref<1x!tpu.dma_semaphore, #tpu.memory_space<semaphore_mem>>
      %dma_start3A_465 = tpu.memref_squeeze %dma_start3A_464 : memref<1x!tpu.dma_semaphore, #tpu.memory_space<semaphore_mem>> -> memref<!tpu.dma_semaphore, #tpu.memory_space<semaphore_mem>>
      %dma_start3A_466 = arith.constant 0 : i32
      %dma_start3A_467 = tpu.memref_slice %arg4[%add3A_455, %dma_start3A_466] : memref<49152x128xf32, #tpu.memory_space<hbm>> -> memref<128x128xf32, #tpu.memory_space<hbm>>
      %dma_start3A_468 = arith.constant 0 : i32
      %dma_start3A_469 = arith.constant 0 : i32
      %dma_start3A_470 = tpu.memref_slice %arg6[%dma_start3A_456, %dma_start3A_468, %dma_start3A_469] : memref<4x128x128xf32, #tpu.memory_space<vmem>> -> memref<1x128x128xf32, #tpu.memory_space<vmem>>
      %dma_start3A_471 = tpu.memref_squeeze %dma_start3A_470 : memref<1x128x128xf32, #tpu.memory_space<vmem>> -> memref<128x128xf32, #tpu.memory_space<vmem>>
      tpu.enqueue_dma source(%dma_start3A_471 : memref<128x128xf32, #tpu.memory_space<vmem>>) target(%dma_start3A_467 : memref<128x128xf32, #tpu.memory_space<hbm>>) target_semaphore(%dma_start3A_465 : memref<!tpu.dma_semaphore, #tpu.memory_space<semaphore_mem>>)
      %mul3A_472 = arith.constant 4 : i32
      %mul3A_473 = arith.muli %scan3A_261, %mul3A_472 : i32
      %add3A_474 = arith.constant 3 : i32
      %add3A_475 = arith.addi %mul3A_473, %add3A_474 : i32
      %dma_wait3A_476 = arith.constant 3 : i32
      %dma_wait3A_477 = arith.constant 3 : i32
      %dma_wait3A_478 = arith.constant 0 : i32
      %dma_wait3A_479 = arith.constant 0 : i32
      %dma_wait3A_480 = tpu.memref_slice %arg6[%dma_wait3A_476, %dma_wait3A_478, %dma_wait3A_479] : memref<4x128x128xf32, #tpu.memory_space<vmem>> -> memref<1x128x128xf32, #tpu.memory_space<vmem>>
      %dma_wait3A_481 = tpu.memref_squeeze %dma_wait3A_480 : memref<1x128x128xf32, #tpu.memory_space<vmem>> -> memref<128x128xf32, #tpu.memory_space<vmem>>
      %dma_wait3A_482 = arith.constant 0 : i32
      %dma_wait3A_483 = arith.constant 0 : i32
      %dma_wait3A_484 = tpu.memref_slice %arg4[%dma_wait3A_482, %dma_wait3A_483] : memref<49152x128xf32, #tpu.memory_space<hbm>> -> memref<128x128xf32, #tpu.memory_space<hbm>>
      %dma_wait3A_485 = tpu.memref_slice %arg9[%dma_wait3A_477] : memref<4x!tpu.dma_semaphore, #tpu.memory_space<semaphore_mem>> -> memref<1x!tpu.dma_semaphore, #tpu.memory_space<semaphore_mem>>
      %dma_wait3A_486 = tpu.memref_squeeze %dma_wait3A_485 : memref<1x!tpu.dma_semaphore, #tpu.memory_space<semaphore_mem>> -> memref<!tpu.dma_semaphore, #tpu.memory_space<semaphore_mem>>
      %dma_wait3A_487 = arith.constant 0 : i32
      %dma_wait3A_488 = arith.constant 0 : i32
      %dma_wait3A_489 = tpu.memref_slice %arg4[%dma_wait3A_487, %dma_wait3A_488] : memref<49152x128xf32, #tpu.memory_space<hbm>> -> memref<128x128xf32, #tpu.memory_space<hbm>>
      %dma_wait3A_490 = arith.constant 0 : i32
      %dma_wait3A_491 = arith.constant 0 : i32
      %dma_wait3A_492 = tpu.memref_slice %arg6[%dma_wait3A_476, %dma_wait3A_490, %dma_wait3A_491] : memref<4x128x128xf32, #tpu.memory_space<vmem>> -> memref<1x128x128xf32, #tpu.memory_space<vmem>>
      %dma_wait3A_493 = tpu.memref_squeeze %dma_wait3A_492 : memref<1x128x128xf32, #tpu.memory_space<vmem>> -> memref<128x128xf32, #tpu.memory_space<vmem>>
      tpu.wait_dma2 semaphore(%dma_wait3A_486 : memref<!tpu.dma_semaphore, #tpu.memory_space<semaphore_mem>>) src(%dma_wait3A_493 : memref<128x128xf32, #tpu.memory_space<vmem>>) dst(%dma_wait3A_489 : memref<128x128xf32, #tpu.memory_space<hbm>>)
      %mul3A_494 = arith.constant 128 : i32
      %mul3A_495 = arith.muli %add3A_475, %mul3A_494 : i32
      %dma_start3A_496 = arith.constant 3 : i32
      %dma_start3A_497 = arith.constant 3 : i32
      %dma_start3A_498 = arith.constant 0 : i32
      %dma_start3A_499 = arith.constant 0 : i32
      %dma_start3A_500 = tpu.memref_slice %arg6[%dma_start3A_496, %dma_start3A_498, %dma_start3A_499] : memref<4x128x128xf32, #tpu.memory_space<vmem>> -> memref<1x128x128xf32, #tpu.memory_space<vmem>>
      %dma_start3A_501 = tpu.memref_squeeze %dma_start3A_500 : memref<1x128x128xf32, #tpu.memory_space<vmem>> -> memref<128x128xf32, #tpu.memory_space<vmem>>
      %dma_start3A_502 = tpu.memref_slice %arg5[%mul3A_495] : memref<1536xi32, #tpu.memory_space<vmem>> -> memref<128xi32, #tpu.memory_space<vmem>>
      %dma_start3A_503 = arith.constant 0 : i32
      %dma_start3A_504 = arith.constant 0 : i32
      %dma_start3A_505 = tpu.memref_slice %arg2[%dma_start3A_503, %dma_start3A_504] : memref<1000000x128xf32, #tpu.memory_space<hbm>> -> memref<1000000x128xf32, #tpu.memory_space<hbm>>
      %dma_start3A_506 = tpu.memref_slice %arg8[%dma_start3A_497] : memref<4x!tpu.dma_semaphore, #tpu.memory_space<semaphore_mem>> -> memref<1x!tpu.dma_semaphore, #tpu.memory_space<semaphore_mem>>
      %dma_start3A_507 = tpu.memref_squeeze %dma_start3A_506 : memref<1x!tpu.dma_semaphore, #tpu.memory_space<semaphore_mem>> -> memref<!tpu.dma_semaphore, #tpu.memory_space<semaphore_mem>>
      tpu.enqueue_indirect_dma source(%dma_start3A_505 : memref<1000000x128xf32, #tpu.memory_space<hbm>>) target(%dma_start3A_501 : memref<128x128xf32, #tpu.memory_space<vmem>>) offsets(%dma_start3A_502 : memref<128xi32, #tpu.memory_space<vmem>>) semaphore(%dma_start3A_507 : memref<!tpu.dma_semaphore, #tpu.memory_space<semaphore_mem>>)
      %dma_wait3A_508 = arith.constant 1 : i32
      %dma_wait3A_509 = arith.constant 1 : i32
      %dma_wait3A_510 = arith.constant 0 : i32
      %dma_wait3A_511 = arith.constant 0 : i32
      %dma_wait3A_512 = tpu.memref_slice %arg6[%dma_wait3A_508, %dma_wait3A_510, %dma_wait3A_511] : memref<4x128x128xf32, #tpu.memory_space<vmem>> -> memref<1x128x128xf32, #tpu.memory_space<vmem>>
      %dma_wait3A_513 = tpu.memref_squeeze %dma_wait3A_512 : memref<1x128x128xf32, #tpu.memory_space<vmem>> -> memref<128x128xf32, #tpu.memory_space<vmem>>
      %dma_wait3A_514 = arith.constant 0 : i32
      %dma_wait3A_515 = tpu.memref_slice %arg5[%dma_wait3A_514] : memref<1536xi32, #tpu.memory_space<vmem>> -> memref<128xi32, #tpu.memory_space<vmem>>
      %dma_wait3A_516 = arith.constant 0 : i32
      %dma_wait3A_517 = arith.constant 0 : i32
      %dma_wait3A_518 = tpu.memref_slice %arg2[%dma_wait3A_516, %dma_wait3A_517] : memref<1000000x128xf32, #tpu.memory_space<hbm>> -> memref<1000000x128xf32, #tpu.memory_space<hbm>>
      %dma_wait3A_519 = tpu.memref_slice %arg8[%dma_wait3A_509] : memref<4x!tpu.dma_semaphore, #tpu.memory_space<semaphore_mem>> -> memref<1x!tpu.dma_semaphore, #tpu.memory_space<semaphore_mem>>
      %dma_wait3A_520 = tpu.memref_squeeze %dma_wait3A_519 : memref<1x!tpu.dma_semaphore, #tpu.memory_space<semaphore_mem>> -> memref<!tpu.dma_semaphore, #tpu.memory_space<semaphore_mem>>
      tpu.wait_indirect_dma semaphore(%dma_wait3A_520 : memref<!tpu.dma_semaphore, #tpu.memory_space<semaphore_mem>>) src(%dma_wait3A_518 : memref<1000000x128xf32, #tpu.memory_space<hbm>>) dst(%dma_wait3A_513 : memref<128x128xf32, #tpu.memory_space<vmem>>)
      %sub3A_521 = arith.constant 2 : i32
      %sub3A_522 = arith.subi %add3A_475, %sub3A_521 : i32
      %mul3A_523 = arith.constant 128 : i32
      %mul3A_524 = arith.muli %sub3A_522, %mul3A_523 : i32
      %add3A_525 = arith.addi %mul3A_2, %mul3A_524 : i32
      %dma_start3A_526 = arith.constant 1 : i32
      %dma_start3A_527 = arith.constant 1 : i32
      %dma_start3A_528 = arith.constant 0 : i32
      %dma_start3A_529 = arith.constant 0 : i32
      %dma_start3A_530 = tpu.memref_slice %arg6[%dma_start3A_526, %dma_start3A_528, %dma_start3A_529] : memref<4x128x128xf32, #tpu.memory_space<vmem>> -> memref<1x128x128xf32, #tpu.memory_space<vmem>>
      %dma_start3A_531 = tpu.memref_squeeze %dma_start3A_530 : memref<1x128x128xf32, #tpu.memory_space<vmem>> -> memref<128x128xf32, #tpu.memory_space<vmem>>
      %dma_start3A_532 = arith.constant 0 : i32
      %dma_start3A_533 = tpu.memref_slice %arg4[%add3A_525, %dma_start3A_532] : memref<49152x128xf32, #tpu.memory_space<hbm>> -> memref<128x128xf32, #tpu.memory_space<hbm>>
      %dma_start3A_534 = tpu.memref_slice %arg9[%dma_start3A_527] : memref<4x!tpu.dma_semaphore, #tpu.memory_space<semaphore_mem>> -> memref<1x!tpu.dma_semaphore, #tpu.memory_space<semaphore_mem>>
      %dma_start3A_535 = tpu.memref_squeeze %dma_start3A_534 : memref<1x!tpu.dma_semaphore, #tpu.memory_space<semaphore_mem>> -> memref<!tpu.dma_semaphore, #tpu.memory_space<semaphore_mem>>
      %dma_start3A_536 = arith.constant 0 : i32
      %dma_start3A_537 = tpu.memref_slice %arg4[%add3A_525, %dma_start3A_536] : memref<49152x128xf32, #tpu.memory_space<hbm>> -> memref<128x128xf32, #tpu.memory_space<hbm>>
      %dma_start3A_538 = arith.constant 0 : i32
      %dma_start3A_539 = arith.constant 0 : i32
      %dma_start3A_540 = tpu.memref_slice %arg6[%dma_start3A_526, %dma_start3A_538, %dma_start3A_539] : memref<4x128x128xf32, #tpu.memory_space<vmem>> -> memref<1x128x128xf32, #tpu.memory_space<vmem>>
      %dma_start3A_541 = tpu.memref_squeeze %dma_start3A_540 : memref<1x128x128xf32, #tpu.memory_space<vmem>> -> memref<128x128xf32, #tpu.memory_space<vmem>>
      tpu.enqueue_dma source(%dma_start3A_541 : memref<128x128xf32, #tpu.memory_space<vmem>>) target(%dma_start3A_537 : memref<128x128xf32, #tpu.memory_space<hbm>>) target_semaphore(%dma_start3A_535 : memref<!tpu.dma_semaphore, #tpu.memory_space<semaphore_mem>>)
      %scan3A_542 = arith.constant 0 : i32
      scf.yield %scan3A_542 : i32
    }
    %scan3A_126 = arith.constant 2 : i32
    %dma_wait3A_127 = arith.constant 2 : i32
    %dma_wait3A_128 = arith.constant 2 : i32
    %dma_wait3A_129 = arith.constant 0 : i32
    %dma_wait3A_130 = arith.constant 0 : i32
    %dma_wait3A_131 = tpu.memref_slice %arg6[%dma_wait3A_127, %dma_wait3A_129, %dma_wait3A_130] : memref<4x128x128xf32, #tpu.memory_space<vmem>> -> memref<1x128x128xf32, #tpu.memory_space<vmem>>
    %dma_wait3A_132 = tpu.memref_squeeze %dma_wait3A_131 : memref<1x128x128xf32, #tpu.memory_space<vmem>> -> memref<128x128xf32, #tpu.memory_space<vmem>>
    %dma_wait3A_133 = arith.constant 0 : i32
    %dma_wait3A_134 = tpu.memref_slice %arg5[%dma_wait3A_133] : memref<1536xi32, #tpu.memory_space<vmem>> -> memref<128xi32, #tpu.memory_space<vmem>>
    %dma_wait3A_135 = arith.constant 0 : i32
    %dma_wait3A_136 = arith.constant 0 : i32
    %dma_wait3A_137 = tpu.memref_slice %arg2[%dma_wait3A_135, %dma_wait3A_136] : memref<1000000x128xf32, #tpu.memory_space<hbm>> -> memref<1000000x128xf32, #tpu.memory_space<hbm>>
    %dma_wait3A_138 = tpu.memref_slice %arg8[%dma_wait3A_128] : memref<4x!tpu.dma_semaphore, #tpu.memory_space<semaphore_mem>> -> memref<1x!tpu.dma_semaphore, #tpu.memory_space<semaphore_mem>>
    %dma_wait3A_139 = tpu.memref_squeeze %dma_wait3A_138 : memref<1x!tpu.dma_semaphore, #tpu.memory_space<semaphore_mem>> -> memref<!tpu.dma_semaphore, #tpu.memory_space<semaphore_mem>>
    tpu.wait_indirect_dma semaphore(%dma_wait3A_139 : memref<!tpu.dma_semaphore, #tpu.memory_space<semaphore_mem>>) src(%dma_wait3A_137 : memref<1000000x128xf32, #tpu.memory_space<hbm>>) dst(%dma_wait3A_132 : memref<128x128xf32, #tpu.memory_space<vmem>>)
    %add3A_140 = arith.constant 1280 : i32
    %add3A_141 = arith.addi %mul3A_2, %add3A_140 : i32
    %dma_start3A_142 = arith.constant 2 : i32
    %dma_start3A_143 = arith.constant 2 : i32
    %dma_start3A_144 = arith.constant 0 : i32
    %dma_start3A_145 = arith.constant 0 : i32
    %dma_start3A_146 = tpu.memref_slice %arg6[%dma_start3A_142, %dma_start3A_144, %dma_start3A_145] : memref<4x128x128xf32, #tpu.memory_space<vmem>> -> memref<1x128x128xf32, #tpu.memory_space<vmem>>
    %dma_start3A_147 = tpu.memref_squeeze %dma_start3A_146 : memref<1x128x128xf32, #tpu.memory_space<vmem>> -> memref<128x128xf32, #tpu.memory_space<vmem>>
    %dma_start3A_148 = arith.constant 0 : i32
    %dma_start3A_149 = tpu.memref_slice %arg4[%add3A_141, %dma_start3A_148] : memref<49152x128xf32, #tpu.memory_space<hbm>> -> memref<128x128xf32, #tpu.memory_space<hbm>>
    %dma_start3A_150 = tpu.memref_slice %arg9[%dma_start3A_143] : memref<4x!tpu.dma_semaphore, #tpu.memory_space<semaphore_mem>> -> memref<1x!tpu.dma_semaphore, #tpu.memory_space<semaphore_mem>>
    %dma_start3A_151 = tpu.memref_squeeze %dma_start3A_150 : memref<1x!tpu.dma_semaphore, #tpu.memory_space<semaphore_mem>> -> memref<!tpu.dma_semaphore, #tpu.memory_space<semaphore_mem>>
    %dma_start3A_152 = arith.constant 0 : i32
    %dma_start3A_153 = tpu.memref_slice %arg4[%add3A_141, %dma_start3A_152] : memref<49152x128xf32, #tpu.memory_space<hbm>> -> memref<128x128xf32, #tpu.memory_space<hbm>>
    %dma_start3A_154 = arith.constant 0 : i32
    %dma_start3A_155 = arith.constant 0 : i32
    %dma_start3A_156 = tpu.memref_slice %arg6[%dma_start3A_142, %dma_start3A_154, %dma_start3A_155] : memref<4x128x128xf32, #tpu.memory_space<vmem>> -> memref<1x128x128xf32, #tpu.memory_space<vmem>>
    %dma_start3A_157 = tpu.memref_squeeze %dma_start3A_156 : memref<1x128x128xf32, #tpu.memory_space<vmem>> -> memref<128x128xf32, #tpu.memory_space<vmem>>
    tpu.enqueue_dma source(%dma_start3A_157 : memref<128x128xf32, #tpu.memory_space<vmem>>) target(%dma_start3A_153 : memref<128x128xf32, #tpu.memory_space<hbm>>) target_semaphore(%dma_start3A_151 : memref<!tpu.dma_semaphore, #tpu.memory_space<semaphore_mem>>)
    %dma_wait3A_158 = arith.constant 3 : i32
    %dma_wait3A_159 = arith.constant 3 : i32
    %dma_wait3A_160 = arith.constant 0 : i32
    %dma_wait3A_161 = arith.constant 0 : i32
    %dma_wait3A_162 = tpu.memref_slice %arg6[%dma_wait3A_158, %dma_wait3A_160, %dma_wait3A_161] : memref<4x128x128xf32, #tpu.memory_space<vmem>> -> memref<1x128x128xf32, #tpu.memory_space<vmem>>
    %dma_wait3A_163 = tpu.memref_squeeze %dma_wait3A_162 : memref<1x128x128xf32, #tpu.memory_space<vmem>> -> memref<128x128xf32, #tpu.memory_space<vmem>>
    %dma_wait3A_164 = arith.constant 0 : i32
    %dma_wait3A_165 = tpu.memref_slice %arg5[%dma_wait3A_164] : memref<1536xi32, #tpu.memory_space<vmem>> -> memref<128xi32, #tpu.memory_space<vmem>>
    %dma_wait3A_166 = arith.constant 0 : i32
    %dma_wait3A_167 = arith.constant 0 : i32
    %dma_wait3A_168 = tpu.memref_slice %arg2[%dma_wait3A_166, %dma_wait3A_167] : memref<1000000x128xf32, #tpu.memory_space<hbm>> -> memref<1000000x128xf32, #tpu.memory_space<hbm>>
    %dma_wait3A_169 = tpu.memref_slice %arg8[%dma_wait3A_159] : memref<4x!tpu.dma_semaphore, #tpu.memory_space<semaphore_mem>> -> memref<1x!tpu.dma_semaphore, #tpu.memory_space<semaphore_mem>>
    %dma_wait3A_170 = tpu.memref_squeeze %dma_wait3A_169 : memref<1x!tpu.dma_semaphore, #tpu.memory_space<semaphore_mem>> -> memref<!tpu.dma_semaphore, #tpu.memory_space<semaphore_mem>>
    tpu.wait_indirect_dma semaphore(%dma_wait3A_170 : memref<!tpu.dma_semaphore, #tpu.memory_space<semaphore_mem>>) src(%dma_wait3A_168 : memref<1000000x128xf32, #tpu.memory_space<hbm>>) dst(%dma_wait3A_163 : memref<128x128xf32, #tpu.memory_space<vmem>>)
    %add3A_171 = arith.constant 1408 : i32
    %add3A_172 = arith.addi %mul3A_2, %add3A_171 : i32
    %dma_start3A_173 = arith.constant 3 : i32
    %dma_start3A_174 = arith.constant 3 : i32
    %dma_start3A_175 = arith.constant 0 : i32
    %dma_start3A_176 = arith.constant 0 : i32
    %dma_start3A_177 = tpu.memref_slice %arg6[%dma_start3A_173, %dma_start3A_175, %dma_start3A_176] : memref<4x128x128xf32, #tpu.memory_space<vmem>> -> memref<1x128x128xf32, #tpu.memory_space<vmem>>
    %dma_start3A_178 = tpu.memref_squeeze %dma_start3A_177 : memref<1x128x128xf32, #tpu.memory_space<vmem>> -> memref<128x128xf32, #tpu.memory_space<vmem>>
    %dma_start3A_179 = arith.constant 0 : i32
    %dma_start3A_180 = tpu.memref_slice %arg4[%add3A_172, %dma_start3A_179] : memref<49152x128xf32, #tpu.memory_space<hbm>> -> memref<128x128xf32, #tpu.memory_space<hbm>>
    %dma_start3A_181 = tpu.memref_slice %arg9[%dma_start3A_174] : memref<4x!tpu.dma_semaphore, #tpu.memory_space<semaphore_mem>> -> memref<1x!tpu.dma_semaphore, #tpu.memory_space<semaphore_mem>>
    %dma_start3A_182 = tpu.memref_squeeze %dma_start3A_181 : memref<1x!tpu.dma_semaphore, #tpu.memory_space<semaphore_mem>> -> memref<!tpu.dma_semaphore, #tpu.memory_space<semaphore_mem>>
    %dma_start3A_183 = arith.constant 0 : i32
    %dma_start3A_184 = tpu.memref_slice %arg4[%add3A_172, %dma_start3A_183] : memref<49152x128xf32, #tpu.memory_space<hbm>> -> memref<128x128xf32, #tpu.memory_space<hbm>>
    %dma_start3A_185 = arith.constant 0 : i32
    %dma_start3A_186 = arith.constant 0 : i32
    %dma_start3A_187 = tpu.memref_slice %arg6[%dma_start3A_173, %dma_start3A_185, %dma_start3A_186] : memref<4x128x128xf32, #tpu.memory_space<vmem>> -> memref<1x128x128xf32, #tpu.memory_space<vmem>>
    %dma_start3A_188 = tpu.memref_squeeze %dma_start3A_187 : memref<1x128x128xf32, #tpu.memory_space<vmem>> -> memref<128x128xf32, #tpu.memory_space<vmem>>
    tpu.enqueue_dma source(%dma_start3A_188 : memref<128x128xf32, #tpu.memory_space<vmem>>) target(%dma_start3A_184 : memref<128x128xf32, #tpu.memory_space<hbm>>) target_semaphore(%dma_start3A_182 : memref<!tpu.dma_semaphore, #tpu.memory_space<semaphore_mem>>)
    %dma_wait3A_189 = arith.constant 0 : i32
    %dma_wait3A_190 = arith.constant 0 : i32
    %dma_wait3A_191 = arith.constant 0 : i32
    %dma_wait3A_192 = arith.constant 0 : i32
    %dma_wait3A_193 = tpu.memref_slice %arg6[%dma_wait3A_189, %dma_wait3A_191, %dma_wait3A_192] : memref<4x128x128xf32, #tpu.memory_space<vmem>> -> memref<1x128x128xf32, #tpu.memory_space<vmem>>
    %dma_wait3A_194 = tpu.memref_squeeze %dma_wait3A_193 : memref<1x128x128xf32, #tpu.memory_space<vmem>> -> memref<128x128xf32, #tpu.memory_space<vmem>>
    %dma_wait3A_195 = arith.constant 0 : i32
    %dma_wait3A_196 = arith.constant 0 : i32
    %dma_wait3A_197 = tpu.memref_slice %arg4[%dma_wait3A_195, %dma_wait3A_196] : memref<49152x128xf32, #tpu.memory_space<hbm>> -> memref<128x128xf32, #tpu.memory_space<hbm>>
    %dma_wait3A_198 = tpu.memref_slice %arg9[%dma_wait3A_190] : memref<4x!tpu.dma_semaphore, #tpu.memory_space<semaphore_mem>> -> memref<1x!tpu.dma_semaphore, #tpu.memory_space<semaphore_mem>>
    %dma_wait3A_199 = tpu.memref_squeeze %dma_wait3A_198 : memref<1x!tpu.dma_semaphore, #tpu.memory_space<semaphore_mem>> -> memref<!tpu.dma_semaphore, #tpu.memory_space<semaphore_mem>>
    %dma_wait3A_200 = arith.constant 0 : i32
    %dma_wait3A_201 = arith.constant 0 : i32
    %dma_wait3A_202 = tpu.memref_slice %arg4[%dma_wait3A_200, %dma_wait3A_201] : memref<49152x128xf32, #tpu.memory_space<hbm>> -> memref<128x128xf32, #tpu.memory_space<hbm>>
    %dma_wait3A_203 = arith.constant 0 : i32
    %dma_wait3A_204 = arith.constant 0 : i32
    %dma_wait3A_205 = tpu.memref_slice %arg6[%dma_wait3A_189, %dma_wait3A_203, %dma_wait3A_204] : memref<4x128x128xf32, #tpu.memory_space<vmem>> -> memref<1x128x128xf32, #tpu.memory_space<vmem>>
    %dma_wait3A_206 = tpu.memref_squeeze %dma_wait3A_205 : memref<1x128x128xf32, #tpu.memory_space<vmem>> -> memref<128x128xf32, #tpu.memory_space<vmem>>
    tpu.wait_dma2 semaphore(%dma_wait3A_199 : memref<!tpu.dma_semaphore, #tpu.memory_space<semaphore_mem>>) src(%dma_wait3A_206 : memref<128x128xf32, #tpu.memory_space<vmem>>) dst(%dma_wait3A_202 : memref<128x128xf32, #tpu.memory_space<hbm>>)
    %dma_wait3A_207 = arith.constant 1 : i32
    %dma_wait3A_208 = arith.constant 1 : i32
    %dma_wait3A_209 = arith.constant 0 : i32
    %dma_wait3A_210 = arith.constant 0 : i32
    %dma_wait3A_211 = tpu.memref_slice %arg6[%dma_wait3A_207, %dma_wait3A_209, %dma_wait3A_210] : memref<4x128x128xf32, #tpu.memory_space<vmem>> -> memref<1x128x128xf32, #tpu.memory_space<vmem>>
    %dma_wait3A_212 = tpu.memref_squeeze %dma_wait3A_211 : memref<1x128x128xf32, #tpu.memory_space<vmem>> -> memref<128x128xf32, #tpu.memory_space<vmem>>
    %dma_wait3A_213 = arith.constant 0 : i32
    %dma_wait3A_214 = arith.constant 0 : i32
    %dma_wait3A_215 = tpu.memref_slice %arg4[%dma_wait3A_213, %dma_wait3A_214] : memref<49152x128xf32, #tpu.memory_space<hbm>> -> memref<128x128xf32, #tpu.memory_space<hbm>>
    %dma_wait3A_216 = tpu.memref_slice %arg9[%dma_wait3A_208] : memref<4x!tpu.dma_semaphore, #tpu.memory_space<semaphore_mem>> -> memref<1x!tpu.dma_semaphore, #tpu.memory_space<semaphore_mem>>
    %dma_wait3A_217 = tpu.memref_squeeze %dma_wait3A_216 : memref<1x!tpu.dma_semaphore, #tpu.memory_space<semaphore_mem>> -> memref<!tpu.dma_semaphore, #tpu.memory_space<semaphore_mem>>
    %dma_wait3A_218 = arith.constant 0 : i32
    %dma_wait3A_219 = arith.constant 0 : i32
    %dma_wait3A_220 = tpu.memref_slice %arg4[%dma_wait3A_218, %dma_wait3A_219] : memref<49152x128xf32, #tpu.memory_space<hbm>> -> memref<128x128xf32, #tpu.memory_space<hbm>>
    %dma_wait3A_221 = arith.constant 0 : i32
    %dma_wait3A_222 = arith.constant 0 : i32
    %dma_wait3A_223 = tpu.memref_slice %arg6[%dma_wait3A_207, %dma_wait3A_221, %dma_wait3A_222] : memref<4x128x128xf32, #tpu.memory_space<vmem>> -> memref<1x128x128xf32, #tpu.memory_space<vmem>>
    %dma_wait3A_224 = tpu.memref_squeeze %dma_wait3A_223 : memref<1x128x128xf32, #tpu.memory_space<vmem>> -> memref<128x128xf32, #tpu.memory_space<vmem>>
    tpu.wait_dma2 semaphore(%dma_wait3A_217 : memref<!tpu.dma_semaphore, #tpu.memory_space<semaphore_mem>>) src(%dma_wait3A_224 : memref<128x128xf32, #tpu.memory_space<vmem>>) dst(%dma_wait3A_220 : memref<128x128xf32, #tpu.memory_space<hbm>>)
    %dma_wait3A_225 = arith.constant 2 : i32
    %dma_wait3A_226 = arith.constant 2 : i32
    %dma_wait3A_227 = arith.constant 0 : i32
    %dma_wait3A_228 = arith.constant 0 : i32
    %dma_wait3A_229 = tpu.memref_slice %arg6[%dma_wait3A_225, %dma_wait3A_227, %dma_wait3A_228] : memref<4x128x128xf32, #tpu.memory_space<vmem>> -> memref<1x128x128xf32, #tpu.memory_space<vmem>>
    %dma_wait3A_230 = tpu.memref_squeeze %dma_wait3A_229 : memref<1x128x128xf32, #tpu.memory_space<vmem>> -> memref<128x128xf32, #tpu.memory_space<vmem>>
    %dma_wait3A_231 = arith.constant 0 : i32
    %dma_wait3A_232 = arith.constant 0 : i32
    %dma_wait3A_233 = tpu.memref_slice %arg4[%dma_wait3A_231, %dma_wait3A_232] : memref<49152x128xf32, #tpu.memory_space<hbm>> -> memref<128x128xf32, #tpu.memory_space<hbm>>
    %dma_wait3A_234 = tpu.memref_slice %arg9[%dma_wait3A_226] : memref<4x!tpu.dma_semaphore, #tpu.memory_space<semaphore_mem>> -> memref<1x!tpu.dma_semaphore, #tpu.memory_space<semaphore_mem>>
    %dma_wait3A_235 = tpu.memref_squeeze %dma_wait3A_234 : memref<1x!tpu.dma_semaphore, #tpu.memory_space<semaphore_mem>> -> memref<!tpu.dma_semaphore, #tpu.memory_space<semaphore_mem>>
    %dma_wait3A_236 = arith.constant 0 : i32
    %dma_wait3A_237 = arith.constant 0 : i32
    %dma_wait3A_238 = tpu.memref_slice %arg4[%dma_wait3A_236, %dma_wait3A_237] : memref<49152x128xf32, #tpu.memory_space<hbm>> -> memref<128x128xf32, #tpu.memory_space<hbm>>
    %dma_wait3A_239 = arith.constant 0 : i32
    %dma_wait3A_240 = arith.constant 0 : i32
    %dma_wait3A_241 = tpu.memref_slice %arg6[%dma_wait3A_225, %dma_wait3A_239, %dma_wait3A_240] : memref<4x128x128xf32, #tpu.memory_space<vmem>> -> memref<1x128x128xf32, #tpu.memory_space<vmem>>
    %dma_wait3A_242 = tpu.memref_squeeze %dma_wait3A_241 : memref<1x128x128xf32, #tpu.memory_space<vmem>> -> memref<128x128xf32, #tpu.memory_space<vmem>>
    tpu.wait_dma2 semaphore(%dma_wait3A_235 : memref<!tpu.dma_semaphore, #tpu.memory_space<semaphore_mem>>) src(%dma_wait3A_242 : memref<128x128xf32, #tpu.memory_space<vmem>>) dst(%dma_wait3A_238 : memref<128x128xf32, #tpu.memory_space<hbm>>)
    %dma_wait3A_243 = arith.constant 3 : i32
    %dma_wait3A_244 = arith.constant 3 : i32
    %dma_wait3A_245 = arith.constant 0 : i32
    %dma_wait3A_246 = arith.constant 0 : i32
    %dma_wait3A_247 = tpu.memref_slice %arg6[%dma_wait3A_243, %dma_wait3A_245, %dma_wait3A_246] : memref<4x128x128xf32, #tpu.memory_space<vmem>> -> memref<1x128x128xf32, #tpu.memory_space<vmem>>
    %dma_wait3A_248 = tpu.memref_squeeze %dma_wait3A_247 : memref<1x128x128xf32, #tpu.memory_space<vmem>> -> memref<128x128xf32, #tpu.memory_space<vmem>>
    %dma_wait3A_249 = arith.constant 0 : i32
    %dma_wait3A_250 = arith.constant 0 : i32
    %dma_wait3A_251 = tpu.memref_slice %arg4[%dma_wait3A_249, %dma_wait3A_250] : memref<49152x128xf32, #tpu.memory_space<hbm>> -> memref<128x128xf32, #tpu.memory_space<hbm>>
    %dma_wait3A_252 = tpu.memref_slice %arg9[%dma_wait3A_244] : memref<4x!tpu.dma_semaphore, #tpu.memory_space<semaphore_mem>> -> memref<1x!tpu.dma_semaphore, #tpu.memory_space<semaphore_mem>>
    %dma_wait3A_253 = tpu.memref_squeeze %dma_wait3A_252 : memref<1x!tpu.dma_semaphore, #tpu.memory_space<semaphore_mem>> -> memref<!tpu.dma_semaphore, #tpu.memory_space<semaphore_mem>>
    %dma_wait3A_254 = arith.constant 0 : i32
    %dma_wait3A_255 = arith.constant 0 : i32
    %dma_wait3A_256 = tpu.memref_slice %arg4[%dma_wait3A_254, %dma_wait3A_255] : memref<49152x128xf32, #tpu.memory_space<hbm>> -> memref<128x128xf32, #tpu.memory_space<hbm>>
    %dma_wait3A_257 = arith.constant 0 : i32
    %dma_wait3A_258 = arith.constant 0 : i32
    %dma_wait3A_259 = tpu.memref_slice %arg6[%dma_wait3A_243, %dma_wait3A_257, %dma_wait3A_258] : memref<4x128x128xf32, #tpu.memory_space<vmem>> -> memref<1x128x128xf32, #tpu.memory_space<vmem>>
    %dma_wait3A_260 = tpu.memref_squeeze %dma_wait3A_259 : memref<1x128x128xf32, #tpu.memory_space<vmem>> -> memref<128x128xf32, #tpu.memory_space<vmem>>
    tpu.wait_dma2 semaphore(%dma_wait3A_253 : memref<!tpu.dma_semaphore, #tpu.memory_space<semaphore_mem>>) src(%dma_wait3A_260 : memref<128x128xf32, #tpu.memory_space<vmem>>) dst(%dma_wait3A_256 : memref<128x128xf32, #tpu.memory_space<hbm>>)
    return
  }
}

#map = affine_map<(d0, d1) -> (0, 0)>
#map1 = affine_map<(d0, d1) -> (0)>
module attributes {stable_mosaic.version = 14 : i64} {
  func.func @body(%arg0: i32, %arg1: i32, %arg2: memref<1000000x128xf32, #tpu.memory_space<hbm>>, %arg3: memref<204800xi32, #tpu.memory_space<hbm>>, %arg4: memref<40960x128xf32, #tpu.memory_space<hbm>>, %arg5: memref<1280xi32, #tpu.memory_space<vmem>>, %arg6: memref<5x128x128xf32, #tpu.memory_space<vmem>>, %arg7: memref<!tpu.dma_semaphore, #tpu.memory_space<semaphore_mem>>, %arg8: memref<5x!tpu.dma_semaphore, #tpu.memory_space<semaphore_mem>>, %arg9: memref<5x!tpu.dma_semaphore, #tpu.memory_space<semaphore_mem>>) attributes {dimension_semantics = [#tpu.dimension_semantics<core_parallel>, #tpu.dimension_semantics<subcore_parallel>], iteration_bounds = array<i64: 2, 16>, scalar_prefetch = 0 : i64, scratch_operands = 5 : i64, tpu.core_type = #tpu.core_type<sc_vector_subcore>, window_params = [{transform_indices = #map}, {transform_indices = #map1}, {transform_indices = #map}]} {
    %mul3A = arith.constant 2 : i32
    %mul3A_0 = arith.muli %arg1, %mul3A : i32
    %add3A = arith.addi %mul3A_0, %arg0 : i32
    %mul3A_1 = arith.constant 1280 : i32
    %mul3A_2 = arith.muli %add3A, %mul3A_1 : i32
    %add3A_3 = arith.constant 98304 : i32
    %add3A_4 = arith.addi %add3A_3, %mul3A_2 : i32
    %dma_start3A = tpu.memref_slice %arg3[%add3A_4] : memref<204800xi32, #tpu.memory_space<hbm>> -> memref<1280xi32, #tpu.memory_space<hbm>>
    %dma_start3A_5 = tpu.memref_slice %arg3[%add3A_4] : memref<204800xi32, #tpu.memory_space<hbm>> -> memref<1280xi32, #tpu.memory_space<hbm>>
    tpu.enqueue_dma source(%dma_start3A_5 : memref<1280xi32, #tpu.memory_space<hbm>>) target(%arg5 : memref<1280xi32, #tpu.memory_space<vmem>>) target_semaphore(%arg7 : memref<!tpu.dma_semaphore, #tpu.memory_space<semaphore_mem>>)
    %dma_wait3A = tpu.memref_slice %arg3[%add3A_4] : memref<204800xi32, #tpu.memory_space<hbm>> -> memref<1280xi32, #tpu.memory_space<hbm>>
    %dma_wait3A_6 = tpu.memref_slice %arg3[%add3A_4] : memref<204800xi32, #tpu.memory_space<hbm>> -> memref<1280xi32, #tpu.memory_space<hbm>>
    tpu.wait_dma2 semaphore(%arg7 : memref<!tpu.dma_semaphore, #tpu.memory_space<semaphore_mem>>) src(%dma_wait3A_6 : memref<1280xi32, #tpu.memory_space<hbm>>) dst(%arg5 : memref<1280xi32, #tpu.memory_space<vmem>>)
    %dma_start3A_7 = arith.constant 0 : i32
    %dma_start3A_8 = arith.constant 0 : i32
    %dma_start3A_9 = arith.constant 0 : i32
    %dma_start3A_10 = arith.constant 0 : i32
    %dma_start3A_11 = tpu.memref_slice %arg6[%dma_start3A_7, %dma_start3A_9, %dma_start3A_10] : memref<5x128x128xf32, #tpu.memory_space<vmem>> -> memref<1x128x128xf32, #tpu.memory_space<vmem>>
    %dma_start3A_12 = tpu.memref_squeeze %dma_start3A_11 : memref<1x128x128xf32, #tpu.memory_space<vmem>> -> memref<128x128xf32, #tpu.memory_space<vmem>>
    %dma_start3A_13 = arith.constant 0 : i32
    %dma_start3A_14 = tpu.memref_slice %arg5[%dma_start3A_13] : memref<1280xi32, #tpu.memory_space<vmem>> -> memref<128xi32, #tpu.memory_space<vmem>>
    %dma_start3A_15 = arith.constant 0 : i32
    %dma_start3A_16 = arith.constant 0 : i32
    %dma_start3A_17 = tpu.memref_slice %arg2[%dma_start3A_15, %dma_start3A_16] : memref<1000000x128xf32, #tpu.memory_space<hbm>> -> memref<1000000x128xf32, #tpu.memory_space<hbm>>
    %dma_start3A_18 = tpu.memref_slice %arg8[%dma_start3A_8] : memref<5x!tpu.dma_semaphore, #tpu.memory_space<semaphore_mem>> -> memref<1x!tpu.dma_semaphore, #tpu.memory_space<semaphore_mem>>
    %dma_start3A_19 = tpu.memref_squeeze %dma_start3A_18 : memref<1x!tpu.dma_semaphore, #tpu.memory_space<semaphore_mem>> -> memref<!tpu.dma_semaphore, #tpu.memory_space<semaphore_mem>>
    tpu.enqueue_indirect_dma source(%dma_start3A_17 : memref<1000000x128xf32, #tpu.memory_space<hbm>>) target(%dma_start3A_12 : memref<128x128xf32, #tpu.memory_space<vmem>>) offsets(%dma_start3A_14 : memref<128xi32, #tpu.memory_space<vmem>>) semaphore(%dma_start3A_19 : memref<!tpu.dma_semaphore, #tpu.memory_space<semaphore_mem>>)
    %dma_start3A_20 = arith.constant 1 : i32
    %dma_start3A_21 = arith.constant 1 : i32
    %dma_start3A_22 = arith.constant 0 : i32
    %dma_start3A_23 = arith.constant 0 : i32
    %dma_start3A_24 = tpu.memref_slice %arg6[%dma_start3A_20, %dma_start3A_22, %dma_start3A_23] : memref<5x128x128xf32, #tpu.memory_space<vmem>> -> memref<1x128x128xf32, #tpu.memory_space<vmem>>
    %dma_start3A_25 = tpu.memref_squeeze %dma_start3A_24 : memref<1x128x128xf32, #tpu.memory_space<vmem>> -> memref<128x128xf32, #tpu.memory_space<vmem>>
    %dma_start3A_26 = arith.constant 128 : i32
    %dma_start3A_27 = tpu.memref_slice %arg5[%dma_start3A_26] : memref<1280xi32, #tpu.memory_space<vmem>> -> memref<128xi32, #tpu.memory_space<vmem>>
    %dma_start3A_28 = arith.constant 0 : i32
    %dma_start3A_29 = arith.constant 0 : i32
    %dma_start3A_30 = tpu.memref_slice %arg2[%dma_start3A_28, %dma_start3A_29] : memref<1000000x128xf32, #tpu.memory_space<hbm>> -> memref<1000000x128xf32, #tpu.memory_space<hbm>>
    %dma_start3A_31 = tpu.memref_slice %arg8[%dma_start3A_21] : memref<5x!tpu.dma_semaphore, #tpu.memory_space<semaphore_mem>> -> memref<1x!tpu.dma_semaphore, #tpu.memory_space<semaphore_mem>>
    %dma_start3A_32 = tpu.memref_squeeze %dma_start3A_31 : memref<1x!tpu.dma_semaphore, #tpu.memory_space<semaphore_mem>> -> memref<!tpu.dma_semaphore, #tpu.memory_space<semaphore_mem>>
    tpu.enqueue_indirect_dma source(%dma_start3A_30 : memref<1000000x128xf32, #tpu.memory_space<hbm>>) target(%dma_start3A_25 : memref<128x128xf32, #tpu.memory_space<vmem>>) offsets(%dma_start3A_27 : memref<128xi32, #tpu.memory_space<vmem>>) semaphore(%dma_start3A_32 : memref<!tpu.dma_semaphore, #tpu.memory_space<semaphore_mem>>)
    %dma_start3A_33 = arith.constant 2 : i32
    %dma_start3A_34 = arith.constant 2 : i32
    %dma_start3A_35 = arith.constant 0 : i32
    %dma_start3A_36 = arith.constant 0 : i32
    %dma_start3A_37 = tpu.memref_slice %arg6[%dma_start3A_33, %dma_start3A_35, %dma_start3A_36] : memref<5x128x128xf32, #tpu.memory_space<vmem>> -> memref<1x128x128xf32, #tpu.memory_space<vmem>>
    %dma_start3A_38 = tpu.memref_squeeze %dma_start3A_37 : memref<1x128x128xf32, #tpu.memory_space<vmem>> -> memref<128x128xf32, #tpu.memory_space<vmem>>
    %dma_start3A_39 = arith.constant 256 : i32
    %dma_start3A_40 = tpu.memref_slice %arg5[%dma_start3A_39] : memref<1280xi32, #tpu.memory_space<vmem>> -> memref<128xi32, #tpu.memory_space<vmem>>
    %dma_start3A_41 = arith.constant 0 : i32
    %dma_start3A_42 = arith.constant 0 : i32
    %dma_start3A_43 = tpu.memref_slice %arg2[%dma_start3A_41, %dma_start3A_42] : memref<1000000x128xf32, #tpu.memory_space<hbm>> -> memref<1000000x128xf32, #tpu.memory_space<hbm>>
    %dma_start3A_44 = tpu.memref_slice %arg8[%dma_start3A_34] : memref<5x!tpu.dma_semaphore, #tpu.memory_space<semaphore_mem>> -> memref<1x!tpu.dma_semaphore, #tpu.memory_space<semaphore_mem>>
    %dma_start3A_45 = tpu.memref_squeeze %dma_start3A_44 : memref<1x!tpu.dma_semaphore, #tpu.memory_space<semaphore_mem>> -> memref<!tpu.dma_semaphore, #tpu.memory_space<semaphore_mem>>
    tpu.enqueue_indirect_dma source(%dma_start3A_43 : memref<1000000x128xf32, #tpu.memory_space<hbm>>) target(%dma_start3A_38 : memref<128x128xf32, #tpu.memory_space<vmem>>) offsets(%dma_start3A_40 : memref<128xi32, #tpu.memory_space<vmem>>) semaphore(%dma_start3A_45 : memref<!tpu.dma_semaphore, #tpu.memory_space<semaphore_mem>>)
    %dma_wait3A_46 = arith.constant 0 : i32
    %dma_wait3A_47 = arith.constant 0 : i32
    %dma_wait3A_48 = arith.constant 0 : i32
    %dma_wait3A_49 = arith.constant 0 : i32
    %dma_wait3A_50 = tpu.memref_slice %arg6[%dma_wait3A_46, %dma_wait3A_48, %dma_wait3A_49] : memref<5x128x128xf32, #tpu.memory_space<vmem>> -> memref<1x128x128xf32, #tpu.memory_space<vmem>>
    %dma_wait3A_51 = tpu.memref_squeeze %dma_wait3A_50 : memref<1x128x128xf32, #tpu.memory_space<vmem>> -> memref<128x128xf32, #tpu.memory_space<vmem>>
    %dma_wait3A_52 = arith.constant 0 : i32
    %dma_wait3A_53 = tpu.memref_slice %arg5[%dma_wait3A_52] : memref<1280xi32, #tpu.memory_space<vmem>> -> memref<128xi32, #tpu.memory_space<vmem>>
    %dma_wait3A_54 = arith.constant 0 : i32
    %dma_wait3A_55 = arith.constant 0 : i32
    %dma_wait3A_56 = tpu.memref_slice %arg2[%dma_wait3A_54, %dma_wait3A_55] : memref<1000000x128xf32, #tpu.memory_space<hbm>> -> memref<1000000x128xf32, #tpu.memory_space<hbm>>
    %dma_wait3A_57 = tpu.memref_slice %arg8[%dma_wait3A_47] : memref<5x!tpu.dma_semaphore, #tpu.memory_space<semaphore_mem>> -> memref<1x!tpu.dma_semaphore, #tpu.memory_space<semaphore_mem>>
    %dma_wait3A_58 = tpu.memref_squeeze %dma_wait3A_57 : memref<1x!tpu.dma_semaphore, #tpu.memory_space<semaphore_mem>> -> memref<!tpu.dma_semaphore, #tpu.memory_space<semaphore_mem>>
    tpu.wait_indirect_dma semaphore(%dma_wait3A_58 : memref<!tpu.dma_semaphore, #tpu.memory_space<semaphore_mem>>) src(%dma_wait3A_56 : memref<1000000x128xf32, #tpu.memory_space<hbm>>) dst(%dma_wait3A_51 : memref<128x128xf32, #tpu.memory_space<vmem>>)
    %add3A_59 = arith.constant 0 : i32
    %add3A_60 = arith.addi %mul3A_2, %add3A_59 : i32
    %dma_start3A_61 = arith.constant 0 : i32
    %dma_start3A_62 = arith.constant 0 : i32
    %dma_start3A_63 = arith.constant 0 : i32
    %dma_start3A_64 = arith.constant 0 : i32
    %dma_start3A_65 = tpu.memref_slice %arg6[%dma_start3A_61, %dma_start3A_63, %dma_start3A_64] : memref<5x128x128xf32, #tpu.memory_space<vmem>> -> memref<1x128x128xf32, #tpu.memory_space<vmem>>
    %dma_start3A_66 = tpu.memref_squeeze %dma_start3A_65 : memref<1x128x128xf32, #tpu.memory_space<vmem>> -> memref<128x128xf32, #tpu.memory_space<vmem>>
    %dma_start3A_67 = arith.constant 0 : i32
    %dma_start3A_68 = tpu.memref_slice %arg4[%add3A_60, %dma_start3A_67] : memref<40960x128xf32, #tpu.memory_space<hbm>> -> memref<128x128xf32, #tpu.memory_space<hbm>>
    %dma_start3A_69 = tpu.memref_slice %arg9[%dma_start3A_62] : memref<5x!tpu.dma_semaphore, #tpu.memory_space<semaphore_mem>> -> memref<1x!tpu.dma_semaphore, #tpu.memory_space<semaphore_mem>>
    %dma_start3A_70 = tpu.memref_squeeze %dma_start3A_69 : memref<1x!tpu.dma_semaphore, #tpu.memory_space<semaphore_mem>> -> memref<!tpu.dma_semaphore, #tpu.memory_space<semaphore_mem>>
    %dma_start3A_71 = arith.constant 0 : i32
    %dma_start3A_72 = tpu.memref_slice %arg4[%add3A_60, %dma_start3A_71] : memref<40960x128xf32, #tpu.memory_space<hbm>> -> memref<128x128xf32, #tpu.memory_space<hbm>>
    %dma_start3A_73 = arith.constant 0 : i32
    %dma_start3A_74 = arith.constant 0 : i32
    %dma_start3A_75 = tpu.memref_slice %arg6[%dma_start3A_61, %dma_start3A_73, %dma_start3A_74] : memref<5x128x128xf32, #tpu.memory_space<vmem>> -> memref<1x128x128xf32, #tpu.memory_space<vmem>>
    %dma_start3A_76 = tpu.memref_squeeze %dma_start3A_75 : memref<1x128x128xf32, #tpu.memory_space<vmem>> -> memref<128x128xf32, #tpu.memory_space<vmem>>
    tpu.enqueue_dma source(%dma_start3A_76 : memref<128x128xf32, #tpu.memory_space<vmem>>) target(%dma_start3A_72 : memref<128x128xf32, #tpu.memory_space<hbm>>) target_semaphore(%dma_start3A_70 : memref<!tpu.dma_semaphore, #tpu.memory_space<semaphore_mem>>)
    %dma_start3A_77 = arith.constant 3 : i32
    %dma_start3A_78 = arith.constant 3 : i32
    %dma_start3A_79 = arith.constant 0 : i32
    %dma_start3A_80 = arith.constant 0 : i32
    %dma_start3A_81 = tpu.memref_slice %arg6[%dma_start3A_77, %dma_start3A_79, %dma_start3A_80] : memref<5x128x128xf32, #tpu.memory_space<vmem>> -> memref<1x128x128xf32, #tpu.memory_space<vmem>>
    %dma_start3A_82 = tpu.memref_squeeze %dma_start3A_81 : memref<1x128x128xf32, #tpu.memory_space<vmem>> -> memref<128x128xf32, #tpu.memory_space<vmem>>
    %dma_start3A_83 = arith.constant 384 : i32
    %dma_start3A_84 = tpu.memref_slice %arg5[%dma_start3A_83] : memref<1280xi32, #tpu.memory_space<vmem>> -> memref<128xi32, #tpu.memory_space<vmem>>
    %dma_start3A_85 = arith.constant 0 : i32
    %dma_start3A_86 = arith.constant 0 : i32
    %dma_start3A_87 = tpu.memref_slice %arg2[%dma_start3A_85, %dma_start3A_86] : memref<1000000x128xf32, #tpu.memory_space<hbm>> -> memref<1000000x128xf32, #tpu.memory_space<hbm>>
    %dma_start3A_88 = tpu.memref_slice %arg8[%dma_start3A_78] : memref<5x!tpu.dma_semaphore, #tpu.memory_space<semaphore_mem>> -> memref<1x!tpu.dma_semaphore, #tpu.memory_space<semaphore_mem>>
    %dma_start3A_89 = tpu.memref_squeeze %dma_start3A_88 : memref<1x!tpu.dma_semaphore, #tpu.memory_space<semaphore_mem>> -> memref<!tpu.dma_semaphore, #tpu.memory_space<semaphore_mem>>
    tpu.enqueue_indirect_dma source(%dma_start3A_87 : memref<1000000x128xf32, #tpu.memory_space<hbm>>) target(%dma_start3A_82 : memref<128x128xf32, #tpu.memory_space<vmem>>) offsets(%dma_start3A_84 : memref<128xi32, #tpu.memory_space<vmem>>) semaphore(%dma_start3A_89 : memref<!tpu.dma_semaphore, #tpu.memory_space<semaphore_mem>>)
    %dma_wait3A_90 = arith.constant 1 : i32
    %dma_wait3A_91 = arith.constant 1 : i32
    %dma_wait3A_92 = arith.constant 0 : i32
    %dma_wait3A_93 = arith.constant 0 : i32
    %dma_wait3A_94 = tpu.memref_slice %arg6[%dma_wait3A_90, %dma_wait3A_92, %dma_wait3A_93] : memref<5x128x128xf32, #tpu.memory_space<vmem>> -> memref<1x128x128xf32, #tpu.memory_space<vmem>>
    %dma_wait3A_95 = tpu.memref_squeeze %dma_wait3A_94 : memref<1x128x128xf32, #tpu.memory_space<vmem>> -> memref<128x128xf32, #tpu.memory_space<vmem>>
    %dma_wait3A_96 = arith.constant 0 : i32
    %dma_wait3A_97 = tpu.memref_slice %arg5[%dma_wait3A_96] : memref<1280xi32, #tpu.memory_space<vmem>> -> memref<128xi32, #tpu.memory_space<vmem>>
    %dma_wait3A_98 = arith.constant 0 : i32
    %dma_wait3A_99 = arith.constant 0 : i32
    %dma_wait3A_100 = tpu.memref_slice %arg2[%dma_wait3A_98, %dma_wait3A_99] : memref<1000000x128xf32, #tpu.memory_space<hbm>> -> memref<1000000x128xf32, #tpu.memory_space<hbm>>
    %dma_wait3A_101 = tpu.memref_slice %arg8[%dma_wait3A_91] : memref<5x!tpu.dma_semaphore, #tpu.memory_space<semaphore_mem>> -> memref<1x!tpu.dma_semaphore, #tpu.memory_space<semaphore_mem>>
    %dma_wait3A_102 = tpu.memref_squeeze %dma_wait3A_101 : memref<1x!tpu.dma_semaphore, #tpu.memory_space<semaphore_mem>> -> memref<!tpu.dma_semaphore, #tpu.memory_space<semaphore_mem>>
    tpu.wait_indirect_dma semaphore(%dma_wait3A_102 : memref<!tpu.dma_semaphore, #tpu.memory_space<semaphore_mem>>) src(%dma_wait3A_100 : memref<1000000x128xf32, #tpu.memory_space<hbm>>) dst(%dma_wait3A_95 : memref<128x128xf32, #tpu.memory_space<vmem>>)
    %add3A_103 = arith.constant 128 : i32
    %add3A_104 = arith.addi %mul3A_2, %add3A_103 : i32
    %dma_start3A_105 = arith.constant 1 : i32
    %dma_start3A_106 = arith.constant 1 : i32
    %dma_start3A_107 = arith.constant 0 : i32
    %dma_start3A_108 = arith.constant 0 : i32
    %dma_start3A_109 = tpu.memref_slice %arg6[%dma_start3A_105, %dma_start3A_107, %dma_start3A_108] : memref<5x128x128xf32, #tpu.memory_space<vmem>> -> memref<1x128x128xf32, #tpu.memory_space<vmem>>
    %dma_start3A_110 = tpu.memref_squeeze %dma_start3A_109 : memref<1x128x128xf32, #tpu.memory_space<vmem>> -> memref<128x128xf32, #tpu.memory_space<vmem>>
    %dma_start3A_111 = arith.constant 0 : i32
    %dma_start3A_112 = tpu.memref_slice %arg4[%add3A_104, %dma_start3A_111] : memref<40960x128xf32, #tpu.memory_space<hbm>> -> memref<128x128xf32, #tpu.memory_space<hbm>>
    %dma_start3A_113 = tpu.memref_slice %arg9[%dma_start3A_106] : memref<5x!tpu.dma_semaphore, #tpu.memory_space<semaphore_mem>> -> memref<1x!tpu.dma_semaphore, #tpu.memory_space<semaphore_mem>>
    %dma_start3A_114 = tpu.memref_squeeze %dma_start3A_113 : memref<1x!tpu.dma_semaphore, #tpu.memory_space<semaphore_mem>> -> memref<!tpu.dma_semaphore, #tpu.memory_space<semaphore_mem>>
    %dma_start3A_115 = arith.constant 0 : i32
    %dma_start3A_116 = tpu.memref_slice %arg4[%add3A_104, %dma_start3A_115] : memref<40960x128xf32, #tpu.memory_space<hbm>> -> memref<128x128xf32, #tpu.memory_space<hbm>>
    %dma_start3A_117 = arith.constant 0 : i32
    %dma_start3A_118 = arith.constant 0 : i32
    %dma_start3A_119 = tpu.memref_slice %arg6[%dma_start3A_105, %dma_start3A_117, %dma_start3A_118] : memref<5x128x128xf32, #tpu.memory_space<vmem>> -> memref<1x128x128xf32, #tpu.memory_space<vmem>>
    %dma_start3A_120 = tpu.memref_squeeze %dma_start3A_119 : memref<1x128x128xf32, #tpu.memory_space<vmem>> -> memref<128x128xf32, #tpu.memory_space<vmem>>
    tpu.enqueue_dma source(%dma_start3A_120 : memref<128x128xf32, #tpu.memory_space<vmem>>) target(%dma_start3A_116 : memref<128x128xf32, #tpu.memory_space<hbm>>) target_semaphore(%dma_start3A_114 : memref<!tpu.dma_semaphore, #tpu.memory_space<semaphore_mem>>)
    %dma_start3A_121 = arith.constant 4 : i32
    %dma_start3A_122 = arith.constant 4 : i32
    %dma_start3A_123 = arith.constant 0 : i32
    %dma_start3A_124 = arith.constant 0 : i32
    %dma_start3A_125 = tpu.memref_slice %arg6[%dma_start3A_121, %dma_start3A_123, %dma_start3A_124] : memref<5x128x128xf32, #tpu.memory_space<vmem>> -> memref<1x128x128xf32, #tpu.memory_space<vmem>>
    %dma_start3A_126 = tpu.memref_squeeze %dma_start3A_125 : memref<1x128x128xf32, #tpu.memory_space<vmem>> -> memref<128x128xf32, #tpu.memory_space<vmem>>
    %dma_start3A_127 = arith.constant 512 : i32
    %dma_start3A_128 = tpu.memref_slice %arg5[%dma_start3A_127] : memref<1280xi32, #tpu.memory_space<vmem>> -> memref<128xi32, #tpu.memory_space<vmem>>
    %dma_start3A_129 = arith.constant 0 : i32
    %dma_start3A_130 = arith.constant 0 : i32
    %dma_start3A_131 = tpu.memref_slice %arg2[%dma_start3A_129, %dma_start3A_130] : memref<1000000x128xf32, #tpu.memory_space<hbm>> -> memref<1000000x128xf32, #tpu.memory_space<hbm>>
    %dma_start3A_132 = tpu.memref_slice %arg8[%dma_start3A_122] : memref<5x!tpu.dma_semaphore, #tpu.memory_space<semaphore_mem>> -> memref<1x!tpu.dma_semaphore, #tpu.memory_space<semaphore_mem>>
    %dma_start3A_133 = tpu.memref_squeeze %dma_start3A_132 : memref<1x!tpu.dma_semaphore, #tpu.memory_space<semaphore_mem>> -> memref<!tpu.dma_semaphore, #tpu.memory_space<semaphore_mem>>
    tpu.enqueue_indirect_dma source(%dma_start3A_131 : memref<1000000x128xf32, #tpu.memory_space<hbm>>) target(%dma_start3A_126 : memref<128x128xf32, #tpu.memory_space<vmem>>) offsets(%dma_start3A_128 : memref<128xi32, #tpu.memory_space<vmem>>) semaphore(%dma_start3A_133 : memref<!tpu.dma_semaphore, #tpu.memory_space<semaphore_mem>>)
    %dma_wait3A_134 = arith.constant 2 : i32
    %dma_wait3A_135 = arith.constant 2 : i32
    %dma_wait3A_136 = arith.constant 0 : i32
    %dma_wait3A_137 = arith.constant 0 : i32
    %dma_wait3A_138 = tpu.memref_slice %arg6[%dma_wait3A_134, %dma_wait3A_136, %dma_wait3A_137] : memref<5x128x128xf32, #tpu.memory_space<vmem>> -> memref<1x128x128xf32, #tpu.memory_space<vmem>>
    %dma_wait3A_139 = tpu.memref_squeeze %dma_wait3A_138 : memref<1x128x128xf32, #tpu.memory_space<vmem>> -> memref<128x128xf32, #tpu.memory_space<vmem>>
    %dma_wait3A_140 = arith.constant 0 : i32
    %dma_wait3A_141 = tpu.memref_slice %arg5[%dma_wait3A_140] : memref<1280xi32, #tpu.memory_space<vmem>> -> memref<128xi32, #tpu.memory_space<vmem>>
    %dma_wait3A_142 = arith.constant 0 : i32
    %dma_wait3A_143 = arith.constant 0 : i32
    %dma_wait3A_144 = tpu.memref_slice %arg2[%dma_wait3A_142, %dma_wait3A_143] : memref<1000000x128xf32, #tpu.memory_space<hbm>> -> memref<1000000x128xf32, #tpu.memory_space<hbm>>
    %dma_wait3A_145 = tpu.memref_slice %arg8[%dma_wait3A_135] : memref<5x!tpu.dma_semaphore, #tpu.memory_space<semaphore_mem>> -> memref<1x!tpu.dma_semaphore, #tpu.memory_space<semaphore_mem>>
    %dma_wait3A_146 = tpu.memref_squeeze %dma_wait3A_145 : memref<1x!tpu.dma_semaphore, #tpu.memory_space<semaphore_mem>> -> memref<!tpu.dma_semaphore, #tpu.memory_space<semaphore_mem>>
    tpu.wait_indirect_dma semaphore(%dma_wait3A_146 : memref<!tpu.dma_semaphore, #tpu.memory_space<semaphore_mem>>) src(%dma_wait3A_144 : memref<1000000x128xf32, #tpu.memory_space<hbm>>) dst(%dma_wait3A_139 : memref<128x128xf32, #tpu.memory_space<vmem>>)
    %add3A_147 = arith.constant 256 : i32
    %add3A_148 = arith.addi %mul3A_2, %add3A_147 : i32
    %dma_start3A_149 = arith.constant 2 : i32
    %dma_start3A_150 = arith.constant 2 : i32
    %dma_start3A_151 = arith.constant 0 : i32
    %dma_start3A_152 = arith.constant 0 : i32
    %dma_start3A_153 = tpu.memref_slice %arg6[%dma_start3A_149, %dma_start3A_151, %dma_start3A_152] : memref<5x128x128xf32, #tpu.memory_space<vmem>> -> memref<1x128x128xf32, #tpu.memory_space<vmem>>
    %dma_start3A_154 = tpu.memref_squeeze %dma_start3A_153 : memref<1x128x128xf32, #tpu.memory_space<vmem>> -> memref<128x128xf32, #tpu.memory_space<vmem>>
    %dma_start3A_155 = arith.constant 0 : i32
    %dma_start3A_156 = tpu.memref_slice %arg4[%add3A_148, %dma_start3A_155] : memref<40960x128xf32, #tpu.memory_space<hbm>> -> memref<128x128xf32, #tpu.memory_space<hbm>>
    %dma_start3A_157 = tpu.memref_slice %arg9[%dma_start3A_150] : memref<5x!tpu.dma_semaphore, #tpu.memory_space<semaphore_mem>> -> memref<1x!tpu.dma_semaphore, #tpu.memory_space<semaphore_mem>>
    %dma_start3A_158 = tpu.memref_squeeze %dma_start3A_157 : memref<1x!tpu.dma_semaphore, #tpu.memory_space<semaphore_mem>> -> memref<!tpu.dma_semaphore, #tpu.memory_space<semaphore_mem>>
    %dma_start3A_159 = arith.constant 0 : i32
    %dma_start3A_160 = tpu.memref_slice %arg4[%add3A_148, %dma_start3A_159] : memref<40960x128xf32, #tpu.memory_space<hbm>> -> memref<128x128xf32, #tpu.memory_space<hbm>>
    %dma_start3A_161 = arith.constant 0 : i32
    %dma_start3A_162 = arith.constant 0 : i32
    %dma_start3A_163 = tpu.memref_slice %arg6[%dma_start3A_149, %dma_start3A_161, %dma_start3A_162] : memref<5x128x128xf32, #tpu.memory_space<vmem>> -> memref<1x128x128xf32, #tpu.memory_space<vmem>>
    %dma_start3A_164 = tpu.memref_squeeze %dma_start3A_163 : memref<1x128x128xf32, #tpu.memory_space<vmem>> -> memref<128x128xf32, #tpu.memory_space<vmem>>
    tpu.enqueue_dma source(%dma_start3A_164 : memref<128x128xf32, #tpu.memory_space<vmem>>) target(%dma_start3A_160 : memref<128x128xf32, #tpu.memory_space<hbm>>) target_semaphore(%dma_start3A_158 : memref<!tpu.dma_semaphore, #tpu.memory_space<semaphore_mem>>)
    %scan3A = arith.constant 0 : i32
    %scan3A_165 = arith.constant 1 : i32
    %mul3A_166 = arith.constant 5 : i32
    %mul3A_167 = arith.muli %scan3A_165, %mul3A_166 : i32
    %add3A_168 = arith.constant 0 : i32
    %add3A_169 = arith.addi %mul3A_167, %add3A_168 : i32
    %dma_wait3A_170 = arith.constant 0 : i32
    %dma_wait3A_171 = arith.constant 0 : i32
    %dma_wait3A_172 = arith.constant 0 : i32
    %dma_wait3A_173 = arith.constant 0 : i32
    %dma_wait3A_174 = tpu.memref_slice %arg6[%dma_wait3A_170, %dma_wait3A_172, %dma_wait3A_173] : memref<5x128x128xf32, #tpu.memory_space<vmem>> -> memref<1x128x128xf32, #tpu.memory_space<vmem>>
    %dma_wait3A_175 = tpu.memref_squeeze %dma_wait3A_174 : memref<1x128x128xf32, #tpu.memory_space<vmem>> -> memref<128x128xf32, #tpu.memory_space<vmem>>
    %dma_wait3A_176 = arith.constant 0 : i32
    %dma_wait3A_177 = arith.constant 0 : i32
    %dma_wait3A_178 = tpu.memref_slice %arg4[%dma_wait3A_176, %dma_wait3A_177] : memref<40960x128xf32, #tpu.memory_space<hbm>> -> memref<128x128xf32, #tpu.memory_space<hbm>>
    %dma_wait3A_179 = tpu.memref_slice %arg9[%dma_wait3A_171] : memref<5x!tpu.dma_semaphore, #tpu.memory_space<semaphore_mem>> -> memref<1x!tpu.dma_semaphore, #tpu.memory_space<semaphore_mem>>
    %dma_wait3A_180 = tpu.memref_squeeze %dma_wait3A_179 : memref<1x!tpu.dma_semaphore, #tpu.memory_space<semaphore_mem>> -> memref<!tpu.dma_semaphore, #tpu.memory_space<semaphore_mem>>
    %dma_wait3A_181 = arith.constant 0 : i32
    %dma_wait3A_182 = arith.constant 0 : i32
    %dma_wait3A_183 = tpu.memref_slice %arg4[%dma_wait3A_181, %dma_wait3A_182] : memref<40960x128xf32, #tpu.memory_space<hbm>> -> memref<128x128xf32, #tpu.memory_space<hbm>>
    %dma_wait3A_184 = arith.constant 0 : i32
    %dma_wait3A_185 = arith.constant 0 : i32
    %dma_wait3A_186 = tpu.memref_slice %arg6[%dma_wait3A_170, %dma_wait3A_184, %dma_wait3A_185] : memref<5x128x128xf32, #tpu.memory_space<vmem>> -> memref<1x128x128xf32, #tpu.memory_space<vmem>>
    %dma_wait3A_187 = tpu.memref_squeeze %dma_wait3A_186 : memref<1x128x128xf32, #tpu.memory_space<vmem>> -> memref<128x128xf32, #tpu.memory_space<vmem>>
    tpu.wait_dma2 semaphore(%dma_wait3A_180 : memref<!tpu.dma_semaphore, #tpu.memory_space<semaphore_mem>>) src(%dma_wait3A_187 : memref<128x128xf32, #tpu.memory_space<vmem>>) dst(%dma_wait3A_183 : memref<128x128xf32, #tpu.memory_space<hbm>>)
    %mul3A_188 = arith.constant 128 : i32
    %mul3A_189 = arith.muli %add3A_169, %mul3A_188 : i32
    %dma_start3A_190 = arith.constant 0 : i32
    %dma_start3A_191 = arith.constant 0 : i32
    %dma_start3A_192 = arith.constant 0 : i32
    %dma_start3A_193 = arith.constant 0 : i32
    %dma_start3A_194 = tpu.memref_slice %arg6[%dma_start3A_190, %dma_start3A_192, %dma_start3A_193] : memref<5x128x128xf32, #tpu.memory_space<vmem>> -> memref<1x128x128xf32, #tpu.memory_space<vmem>>
    %dma_start3A_195 = tpu.memref_squeeze %dma_start3A_194 : memref<1x128x128xf32, #tpu.memory_space<vmem>> -> memref<128x128xf32, #tpu.memory_space<vmem>>
    %dma_start3A_196 = tpu.memref_slice %arg5[%mul3A_189] : memref<1280xi32, #tpu.memory_space<vmem>> -> memref<128xi32, #tpu.memory_space<vmem>>
    %dma_start3A_197 = arith.constant 0 : i32
    %dma_start3A_198 = arith.constant 0 : i32
    %dma_start3A_199 = tpu.memref_slice %arg2[%dma_start3A_197, %dma_start3A_198] : memref<1000000x128xf32, #tpu.memory_space<hbm>> -> memref<1000000x128xf32, #tpu.memory_space<hbm>>
    %dma_start3A_200 = tpu.memref_slice %arg8[%dma_start3A_191] : memref<5x!tpu.dma_semaphore, #tpu.memory_space<semaphore_mem>> -> memref<1x!tpu.dma_semaphore, #tpu.memory_space<semaphore_mem>>
    %dma_start3A_201 = tpu.memref_squeeze %dma_start3A_200 : memref<1x!tpu.dma_semaphore, #tpu.memory_space<semaphore_mem>> -> memref<!tpu.dma_semaphore, #tpu.memory_space<semaphore_mem>>
    tpu.enqueue_indirect_dma source(%dma_start3A_199 : memref<1000000x128xf32, #tpu.memory_space<hbm>>) target(%dma_start3A_195 : memref<128x128xf32, #tpu.memory_space<vmem>>) offsets(%dma_start3A_196 : memref<128xi32, #tpu.memory_space<vmem>>) semaphore(%dma_start3A_201 : memref<!tpu.dma_semaphore, #tpu.memory_space<semaphore_mem>>)
    %dma_wait3A_202 = arith.constant 3 : i32
    %dma_wait3A_203 = arith.constant 3 : i32
    %dma_wait3A_204 = arith.constant 0 : i32
    %dma_wait3A_205 = arith.constant 0 : i32
    %dma_wait3A_206 = tpu.memref_slice %arg6[%dma_wait3A_202, %dma_wait3A_204, %dma_wait3A_205] : memref<5x128x128xf32, #tpu.memory_space<vmem>> -> memref<1x128x128xf32, #tpu.memory_space<vmem>>
    %dma_wait3A_207 = tpu.memref_squeeze %dma_wait3A_206 : memref<1x128x128xf32, #tpu.memory_space<vmem>> -> memref<128x128xf32, #tpu.memory_space<vmem>>
    %dma_wait3A_208 = arith.constant 0 : i32
    %dma_wait3A_209 = tpu.memref_slice %arg5[%dma_wait3A_208] : memref<1280xi32, #tpu.memory_space<vmem>> -> memref<128xi32, #tpu.memory_space<vmem>>
    %dma_wait3A_210 = arith.constant 0 : i32
    %dma_wait3A_211 = arith.constant 0 : i32
    %dma_wait3A_212 = tpu.memref_slice %arg2[%dma_wait3A_210, %dma_wait3A_211] : memref<1000000x128xf32, #tpu.memory_space<hbm>> -> memref<1000000x128xf32, #tpu.memory_space<hbm>>
    %dma_wait3A_213 = tpu.memref_slice %arg8[%dma_wait3A_203] : memref<5x!tpu.dma_semaphore, #tpu.memory_space<semaphore_mem>> -> memref<1x!tpu.dma_semaphore, #tpu.memory_space<semaphore_mem>>
    %dma_wait3A_214 = tpu.memref_squeeze %dma_wait3A_213 : memref<1x!tpu.dma_semaphore, #tpu.memory_space<semaphore_mem>> -> memref<!tpu.dma_semaphore, #tpu.memory_space<semaphore_mem>>
    tpu.wait_indirect_dma semaphore(%dma_wait3A_214 : memref<!tpu.dma_semaphore, #tpu.memory_space<semaphore_mem>>) src(%dma_wait3A_212 : memref<1000000x128xf32, #tpu.memory_space<hbm>>) dst(%dma_wait3A_207 : memref<128x128xf32, #tpu.memory_space<vmem>>)
    %sub3A = arith.constant 2 : i32
    %sub3A_215 = arith.subi %add3A_169, %sub3A : i32
    %mul3A_216 = arith.constant 128 : i32
    %mul3A_217 = arith.muli %sub3A_215, %mul3A_216 : i32
    %add3A_218 = arith.addi %mul3A_2, %mul3A_217 : i32
    %dma_start3A_219 = arith.constant 3 : i32
    %dma_start3A_220 = arith.constant 3 : i32
    %dma_start3A_221 = arith.constant 0 : i32
    %dma_start3A_222 = arith.constant 0 : i32
    %dma_start3A_223 = tpu.memref_slice %arg6[%dma_start3A_219, %dma_start3A_221, %dma_start3A_222] : memref<5x128x128xf32, #tpu.memory_space<vmem>> -> memref<1x128x128xf32, #tpu.memory_space<vmem>>
    %dma_start3A_224 = tpu.memref_squeeze %dma_start3A_223 : memref<1x128x128xf32, #tpu.memory_space<vmem>> -> memref<128x128xf32, #tpu.memory_space<vmem>>
    %dma_start3A_225 = arith.constant 0 : i32
    %dma_start3A_226 = tpu.memref_slice %arg4[%add3A_218, %dma_start3A_225] : memref<40960x128xf32, #tpu.memory_space<hbm>> -> memref<128x128xf32, #tpu.memory_space<hbm>>
    %dma_start3A_227 = tpu.memref_slice %arg9[%dma_start3A_220] : memref<5x!tpu.dma_semaphore, #tpu.memory_space<semaphore_mem>> -> memref<1x!tpu.dma_semaphore, #tpu.memory_space<semaphore_mem>>
    %dma_start3A_228 = tpu.memref_squeeze %dma_start3A_227 : memref<1x!tpu.dma_semaphore, #tpu.memory_space<semaphore_mem>> -> memref<!tpu.dma_semaphore, #tpu.memory_space<semaphore_mem>>
    %dma_start3A_229 = arith.constant 0 : i32
    %dma_start3A_230 = tpu.memref_slice %arg4[%add3A_218, %dma_start3A_229] : memref<40960x128xf32, #tpu.memory_space<hbm>> -> memref<128x128xf32, #tpu.memory_space<hbm>>
    %dma_start3A_231 = arith.constant 0 : i32
    %dma_start3A_232 = arith.constant 0 : i32
    %dma_start3A_233 = tpu.memref_slice %arg6[%dma_start3A_219, %dma_start3A_231, %dma_start3A_232] : memref<5x128x128xf32, #tpu.memory_space<vmem>> -> memref<1x128x128xf32, #tpu.memory_space<vmem>>
    %dma_start3A_234 = tpu.memref_squeeze %dma_start3A_233 : memref<1x128x128xf32, #tpu.memory_space<vmem>> -> memref<128x128xf32, #tpu.memory_space<vmem>>
    tpu.enqueue_dma source(%dma_start3A_234 : memref<128x128xf32, #tpu.memory_space<vmem>>) target(%dma_start3A_230 : memref<128x128xf32, #tpu.memory_space<hbm>>) target_semaphore(%dma_start3A_228 : memref<!tpu.dma_semaphore, #tpu.memory_space<semaphore_mem>>)
    %mul3A_235 = arith.constant 5 : i32
    %mul3A_236 = arith.muli %scan3A_165, %mul3A_235 : i32
    %add3A_237 = arith.constant 1 : i32
    %add3A_238 = arith.addi %mul3A_236, %add3A_237 : i32
    %dma_wait3A_239 = arith.constant 1 : i32
    %dma_wait3A_240 = arith.constant 1 : i32
    %dma_wait3A_241 = arith.constant 0 : i32
    %dma_wait3A_242 = arith.constant 0 : i32
    %dma_wait3A_243 = tpu.memref_slice %arg6[%dma_wait3A_239, %dma_wait3A_241, %dma_wait3A_242] : memref<5x128x128xf32, #tpu.memory_space<vmem>> -> memref<1x128x128xf32, #tpu.memory_space<vmem>>
    %dma_wait3A_244 = tpu.memref_squeeze %dma_wait3A_243 : memref<1x128x128xf32, #tpu.memory_space<vmem>> -> memref<128x128xf32, #tpu.memory_space<vmem>>
    %dma_wait3A_245 = arith.constant 0 : i32
    %dma_wait3A_246 = arith.constant 0 : i32
    %dma_wait3A_247 = tpu.memref_slice %arg4[%dma_wait3A_245, %dma_wait3A_246] : memref<40960x128xf32, #tpu.memory_space<hbm>> -> memref<128x128xf32, #tpu.memory_space<hbm>>
    %dma_wait3A_248 = tpu.memref_slice %arg9[%dma_wait3A_240] : memref<5x!tpu.dma_semaphore, #tpu.memory_space<semaphore_mem>> -> memref<1x!tpu.dma_semaphore, #tpu.memory_space<semaphore_mem>>
    %dma_wait3A_249 = tpu.memref_squeeze %dma_wait3A_248 : memref<1x!tpu.dma_semaphore, #tpu.memory_space<semaphore_mem>> -> memref<!tpu.dma_semaphore, #tpu.memory_space<semaphore_mem>>
    %dma_wait3A_250 = arith.constant 0 : i32
    %dma_wait3A_251 = arith.constant 0 : i32
    %dma_wait3A_252 = tpu.memref_slice %arg4[%dma_wait3A_250, %dma_wait3A_251] : memref<40960x128xf32, #tpu.memory_space<hbm>> -> memref<128x128xf32, #tpu.memory_space<hbm>>
    %dma_wait3A_253 = arith.constant 0 : i32
    %dma_wait3A_254 = arith.constant 0 : i32
    %dma_wait3A_255 = tpu.memref_slice %arg6[%dma_wait3A_239, %dma_wait3A_253, %dma_wait3A_254] : memref<5x128x128xf32, #tpu.memory_space<vmem>> -> memref<1x128x128xf32, #tpu.memory_space<vmem>>
    %dma_wait3A_256 = tpu.memref_squeeze %dma_wait3A_255 : memref<1x128x128xf32, #tpu.memory_space<vmem>> -> memref<128x128xf32, #tpu.memory_space<vmem>>
    tpu.wait_dma2 semaphore(%dma_wait3A_249 : memref<!tpu.dma_semaphore, #tpu.memory_space<semaphore_mem>>) src(%dma_wait3A_256 : memref<128x128xf32, #tpu.memory_space<vmem>>) dst(%dma_wait3A_252 : memref<128x128xf32, #tpu.memory_space<hbm>>)
    %mul3A_257 = arith.constant 128 : i32
    %mul3A_258 = arith.muli %add3A_238, %mul3A_257 : i32
    %dma_start3A_259 = arith.constant 1 : i32
    %dma_start3A_260 = arith.constant 1 : i32
    %dma_start3A_261 = arith.constant 0 : i32
    %dma_start3A_262 = arith.constant 0 : i32
    %dma_start3A_263 = tpu.memref_slice %arg6[%dma_start3A_259, %dma_start3A_261, %dma_start3A_262] : memref<5x128x128xf32, #tpu.memory_space<vmem>> -> memref<1x128x128xf32, #tpu.memory_space<vmem>>
    %dma_start3A_264 = tpu.memref_squeeze %dma_start3A_263 : memref<1x128x128xf32, #tpu.memory_space<vmem>> -> memref<128x128xf32, #tpu.memory_space<vmem>>
    %dma_start3A_265 = tpu.memref_slice %arg5[%mul3A_258] : memref<1280xi32, #tpu.memory_space<vmem>> -> memref<128xi32, #tpu.memory_space<vmem>>
    %dma_start3A_266 = arith.constant 0 : i32
    %dma_start3A_267 = arith.constant 0 : i32
    %dma_start3A_268 = tpu.memref_slice %arg2[%dma_start3A_266, %dma_start3A_267] : memref<1000000x128xf32, #tpu.memory_space<hbm>> -> memref<1000000x128xf32, #tpu.memory_space<hbm>>
    %dma_start3A_269 = tpu.memref_slice %arg8[%dma_start3A_260] : memref<5x!tpu.dma_semaphore, #tpu.memory_space<semaphore_mem>> -> memref<1x!tpu.dma_semaphore, #tpu.memory_space<semaphore_mem>>
    %dma_start3A_270 = tpu.memref_squeeze %dma_start3A_269 : memref<1x!tpu.dma_semaphore, #tpu.memory_space<semaphore_mem>> -> memref<!tpu.dma_semaphore, #tpu.memory_space<semaphore_mem>>
    tpu.enqueue_indirect_dma source(%dma_start3A_268 : memref<1000000x128xf32, #tpu.memory_space<hbm>>) target(%dma_start3A_264 : memref<128x128xf32, #tpu.memory_space<vmem>>) offsets(%dma_start3A_265 : memref<128xi32, #tpu.memory_space<vmem>>) semaphore(%dma_start3A_270 : memref<!tpu.dma_semaphore, #tpu.memory_space<semaphore_mem>>)
    %dma_wait3A_271 = arith.constant 4 : i32
    %dma_wait3A_272 = arith.constant 4 : i32
    %dma_wait3A_273 = arith.constant 0 : i32
    %dma_wait3A_274 = arith.constant 0 : i32
    %dma_wait3A_275 = tpu.memref_slice %arg6[%dma_wait3A_271, %dma_wait3A_273, %dma_wait3A_274] : memref<5x128x128xf32, #tpu.memory_space<vmem>> -> memref<1x128x128xf32, #tpu.memory_space<vmem>>
    %dma_wait3A_276 = tpu.memref_squeeze %dma_wait3A_275 : memref<1x128x128xf32, #tpu.memory_space<vmem>> -> memref<128x128xf32, #tpu.memory_space<vmem>>
    %dma_wait3A_277 = arith.constant 0 : i32
    %dma_wait3A_278 = tpu.memref_slice %arg5[%dma_wait3A_277] : memref<1280xi32, #tpu.memory_space<vmem>> -> memref<128xi32, #tpu.memory_space<vmem>>
    %dma_wait3A_279 = arith.constant 0 : i32
    %dma_wait3A_280 = arith.constant 0 : i32
    %dma_wait3A_281 = tpu.memref_slice %arg2[%dma_wait3A_279, %dma_wait3A_280] : memref<1000000x128xf32, #tpu.memory_space<hbm>> -> memref<1000000x128xf32, #tpu.memory_space<hbm>>
    %dma_wait3A_282 = tpu.memref_slice %arg8[%dma_wait3A_272] : memref<5x!tpu.dma_semaphore, #tpu.memory_space<semaphore_mem>> -> memref<1x!tpu.dma_semaphore, #tpu.memory_space<semaphore_mem>>
    %dma_wait3A_283 = tpu.memref_squeeze %dma_wait3A_282 : memref<1x!tpu.dma_semaphore, #tpu.memory_space<semaphore_mem>> -> memref<!tpu.dma_semaphore, #tpu.memory_space<semaphore_mem>>
    tpu.wait_indirect_dma semaphore(%dma_wait3A_283 : memref<!tpu.dma_semaphore, #tpu.memory_space<semaphore_mem>>) src(%dma_wait3A_281 : memref<1000000x128xf32, #tpu.memory_space<hbm>>) dst(%dma_wait3A_276 : memref<128x128xf32, #tpu.memory_space<vmem>>)
    %sub3A_284 = arith.constant 2 : i32
    %sub3A_285 = arith.subi %add3A_238, %sub3A_284 : i32
    %mul3A_286 = arith.constant 128 : i32
    %mul3A_287 = arith.muli %sub3A_285, %mul3A_286 : i32
    %add3A_288 = arith.addi %mul3A_2, %mul3A_287 : i32
    %dma_start3A_289 = arith.constant 4 : i32
    %dma_start3A_290 = arith.constant 4 : i32
    %dma_start3A_291 = arith.constant 0 : i32
    %dma_start3A_292 = arith.constant 0 : i32
    %dma_start3A_293 = tpu.memref_slice %arg6[%dma_start3A_289, %dma_start3A_291, %dma_start3A_292] : memref<5x128x128xf32, #tpu.memory_space<vmem>> -> memref<1x128x128xf32, #tpu.memory_space<vmem>>
    %dma_start3A_294 = tpu.memref_squeeze %dma_start3A_293 : memref<1x128x128xf32, #tpu.memory_space<vmem>> -> memref<128x128xf32, #tpu.memory_space<vmem>>
    %dma_start3A_295 = arith.constant 0 : i32
    %dma_start3A_296 = tpu.memref_slice %arg4[%add3A_288, %dma_start3A_295] : memref<40960x128xf32, #tpu.memory_space<hbm>> -> memref<128x128xf32, #tpu.memory_space<hbm>>
    %dma_start3A_297 = tpu.memref_slice %arg9[%dma_start3A_290] : memref<5x!tpu.dma_semaphore, #tpu.memory_space<semaphore_mem>> -> memref<1x!tpu.dma_semaphore, #tpu.memory_space<semaphore_mem>>
    %dma_start3A_298 = tpu.memref_squeeze %dma_start3A_297 : memref<1x!tpu.dma_semaphore, #tpu.memory_space<semaphore_mem>> -> memref<!tpu.dma_semaphore, #tpu.memory_space<semaphore_mem>>
    %dma_start3A_299 = arith.constant 0 : i32
    %dma_start3A_300 = tpu.memref_slice %arg4[%add3A_288, %dma_start3A_299] : memref<40960x128xf32, #tpu.memory_space<hbm>> -> memref<128x128xf32, #tpu.memory_space<hbm>>
    %dma_start3A_301 = arith.constant 0 : i32
    %dma_start3A_302 = arith.constant 0 : i32
    %dma_start3A_303 = tpu.memref_slice %arg6[%dma_start3A_289, %dma_start3A_301, %dma_start3A_302] : memref<5x128x128xf32, #tpu.memory_space<vmem>> -> memref<1x128x128xf32, #tpu.memory_space<vmem>>
    %dma_start3A_304 = tpu.memref_squeeze %dma_start3A_303 : memref<1x128x128xf32, #tpu.memory_space<vmem>> -> memref<128x128xf32, #tpu.memory_space<vmem>>
    tpu.enqueue_dma source(%dma_start3A_304 : memref<128x128xf32, #tpu.memory_space<vmem>>) target(%dma_start3A_300 : memref<128x128xf32, #tpu.memory_space<hbm>>) target_semaphore(%dma_start3A_298 : memref<!tpu.dma_semaphore, #tpu.memory_space<semaphore_mem>>)
    %mul3A_305 = arith.constant 5 : i32
    %mul3A_306 = arith.muli %scan3A_165, %mul3A_305 : i32
    %add3A_307 = arith.constant 2 : i32
    %add3A_308 = arith.addi %mul3A_306, %add3A_307 : i32
    %dma_wait3A_309 = arith.constant 2 : i32
    %dma_wait3A_310 = arith.constant 2 : i32
    %dma_wait3A_311 = arith.constant 0 : i32
    %dma_wait3A_312 = arith.constant 0 : i32
    %dma_wait3A_313 = tpu.memref_slice %arg6[%dma_wait3A_309, %dma_wait3A_311, %dma_wait3A_312] : memref<5x128x128xf32, #tpu.memory_space<vmem>> -> memref<1x128x128xf32, #tpu.memory_space<vmem>>
    %dma_wait3A_314 = tpu.memref_squeeze %dma_wait3A_313 : memref<1x128x128xf32, #tpu.memory_space<vmem>> -> memref<128x128xf32, #tpu.memory_space<vmem>>
    %dma_wait3A_315 = arith.constant 0 : i32
    %dma_wait3A_316 = arith.constant 0 : i32
    %dma_wait3A_317 = tpu.memref_slice %arg4[%dma_wait3A_315, %dma_wait3A_316] : memref<40960x128xf32, #tpu.memory_space<hbm>> -> memref<128x128xf32, #tpu.memory_space<hbm>>
    %dma_wait3A_318 = tpu.memref_slice %arg9[%dma_wait3A_310] : memref<5x!tpu.dma_semaphore, #tpu.memory_space<semaphore_mem>> -> memref<1x!tpu.dma_semaphore, #tpu.memory_space<semaphore_mem>>
    %dma_wait3A_319 = tpu.memref_squeeze %dma_wait3A_318 : memref<1x!tpu.dma_semaphore, #tpu.memory_space<semaphore_mem>> -> memref<!tpu.dma_semaphore, #tpu.memory_space<semaphore_mem>>
    %dma_wait3A_320 = arith.constant 0 : i32
    %dma_wait3A_321 = arith.constant 0 : i32
    %dma_wait3A_322 = tpu.memref_slice %arg4[%dma_wait3A_320, %dma_wait3A_321] : memref<40960x128xf32, #tpu.memory_space<hbm>> -> memref<128x128xf32, #tpu.memory_space<hbm>>
    %dma_wait3A_323 = arith.constant 0 : i32
    %dma_wait3A_324 = arith.constant 0 : i32
    %dma_wait3A_325 = tpu.memref_slice %arg6[%dma_wait3A_309, %dma_wait3A_323, %dma_wait3A_324] : memref<5x128x128xf32, #tpu.memory_space<vmem>> -> memref<1x128x128xf32, #tpu.memory_space<vmem>>
    %dma_wait3A_326 = tpu.memref_squeeze %dma_wait3A_325 : memref<1x128x128xf32, #tpu.memory_space<vmem>> -> memref<128x128xf32, #tpu.memory_space<vmem>>
    tpu.wait_dma2 semaphore(%dma_wait3A_319 : memref<!tpu.dma_semaphore, #tpu.memory_space<semaphore_mem>>) src(%dma_wait3A_326 : memref<128x128xf32, #tpu.memory_space<vmem>>) dst(%dma_wait3A_322 : memref<128x128xf32, #tpu.memory_space<hbm>>)
    %mul3A_327 = arith.constant 128 : i32
    %mul3A_328 = arith.muli %add3A_308, %mul3A_327 : i32
    %dma_start3A_329 = arith.constant 2 : i32
    %dma_start3A_330 = arith.constant 2 : i32
    %dma_start3A_331 = arith.constant 0 : i32
    %dma_start3A_332 = arith.constant 0 : i32
    %dma_start3A_333 = tpu.memref_slice %arg6[%dma_start3A_329, %dma_start3A_331, %dma_start3A_332] : memref<5x128x128xf32, #tpu.memory_space<vmem>> -> memref<1x128x128xf32, #tpu.memory_space<vmem>>
    %dma_start3A_334 = tpu.memref_squeeze %dma_start3A_333 : memref<1x128x128xf32, #tpu.memory_space<vmem>> -> memref<128x128xf32, #tpu.memory_space<vmem>>
    %dma_start3A_335 = tpu.memref_slice %arg5[%mul3A_328] : memref<1280xi32, #tpu.memory_space<vmem>> -> memref<128xi32, #tpu.memory_space<vmem>>
    %dma_start3A_336 = arith.constant 0 : i32
    %dma_start3A_337 = arith.constant 0 : i32
    %dma_start3A_338 = tpu.memref_slice %arg2[%dma_start3A_336, %dma_start3A_337] : memref<1000000x128xf32, #tpu.memory_space<hbm>> -> memref<1000000x128xf32, #tpu.memory_space<hbm>>
    %dma_start3A_339 = tpu.memref_slice %arg8[%dma_start3A_330] : memref<5x!tpu.dma_semaphore, #tpu.memory_space<semaphore_mem>> -> memref<1x!tpu.dma_semaphore, #tpu.memory_space<semaphore_mem>>
    %dma_start3A_340 = tpu.memref_squeeze %dma_start3A_339 : memref<1x!tpu.dma_semaphore, #tpu.memory_space<semaphore_mem>> -> memref<!tpu.dma_semaphore, #tpu.memory_space<semaphore_mem>>
    tpu.enqueue_indirect_dma source(%dma_start3A_338 : memref<1000000x128xf32, #tpu.memory_space<hbm>>) target(%dma_start3A_334 : memref<128x128xf32, #tpu.memory_space<vmem>>) offsets(%dma_start3A_335 : memref<128xi32, #tpu.memory_space<vmem>>) semaphore(%dma_start3A_340 : memref<!tpu.dma_semaphore, #tpu.memory_space<semaphore_mem>>)
    %dma_wait3A_341 = arith.constant 0 : i32
    %dma_wait3A_342 = arith.constant 0 : i32
    %dma_wait3A_343 = arith.constant 0 : i32
    %dma_wait3A_344 = arith.constant 0 : i32
    %dma_wait3A_345 = tpu.memref_slice %arg6[%dma_wait3A_341, %dma_wait3A_343, %dma_wait3A_344] : memref<5x128x128xf32, #tpu.memory_space<vmem>> -> memref<1x128x128xf32, #tpu.memory_space<vmem>>
    %dma_wait3A_346 = tpu.memref_squeeze %dma_wait3A_345 : memref<1x128x128xf32, #tpu.memory_space<vmem>> -> memref<128x128xf32, #tpu.memory_space<vmem>>
    %dma_wait3A_347 = arith.constant 0 : i32
    %dma_wait3A_348 = tpu.memref_slice %arg5[%dma_wait3A_347] : memref<1280xi32, #tpu.memory_space<vmem>> -> memref<128xi32, #tpu.memory_space<vmem>>
    %dma_wait3A_349 = arith.constant 0 : i32
    %dma_wait3A_350 = arith.constant 0 : i32
    %dma_wait3A_351 = tpu.memref_slice %arg2[%dma_wait3A_349, %dma_wait3A_350] : memref<1000000x128xf32, #tpu.memory_space<hbm>> -> memref<1000000x128xf32, #tpu.memory_space<hbm>>
    %dma_wait3A_352 = tpu.memref_slice %arg8[%dma_wait3A_342] : memref<5x!tpu.dma_semaphore, #tpu.memory_space<semaphore_mem>> -> memref<1x!tpu.dma_semaphore, #tpu.memory_space<semaphore_mem>>
    %dma_wait3A_353 = tpu.memref_squeeze %dma_wait3A_352 : memref<1x!tpu.dma_semaphore, #tpu.memory_space<semaphore_mem>> -> memref<!tpu.dma_semaphore, #tpu.memory_space<semaphore_mem>>
    tpu.wait_indirect_dma semaphore(%dma_wait3A_353 : memref<!tpu.dma_semaphore, #tpu.memory_space<semaphore_mem>>) src(%dma_wait3A_351 : memref<1000000x128xf32, #tpu.memory_space<hbm>>) dst(%dma_wait3A_346 : memref<128x128xf32, #tpu.memory_space<vmem>>)
    %sub3A_354 = arith.constant 2 : i32
    %sub3A_355 = arith.subi %add3A_308, %sub3A_354 : i32
    %mul3A_356 = arith.constant 128 : i32
    %mul3A_357 = arith.muli %sub3A_355, %mul3A_356 : i32
    %add3A_358 = arith.addi %mul3A_2, %mul3A_357 : i32
    %dma_start3A_359 = arith.constant 0 : i32
    %dma_start3A_360 = arith.constant 0 : i32
    %dma_start3A_361 = arith.constant 0 : i32
    %dma_start3A_362 = arith.constant 0 : i32
    %dma_start3A_363 = tpu.memref_slice %arg6[%dma_start3A_359, %dma_start3A_361, %dma_start3A_362] : memref<5x128x128xf32, #tpu.memory_space<vmem>> -> memref<1x128x128xf32, #tpu.memory_space<vmem>>
    %dma_start3A_364 = tpu.memref_squeeze %dma_start3A_363 : memref<1x128x128xf32, #tpu.memory_space<vmem>> -> memref<128x128xf32, #tpu.memory_space<vmem>>
    %dma_start3A_365 = arith.constant 0 : i32
    %dma_start3A_366 = tpu.memref_slice %arg4[%add3A_358, %dma_start3A_365] : memref<40960x128xf32, #tpu.memory_space<hbm>> -> memref<128x128xf32, #tpu.memory_space<hbm>>
    %dma_start3A_367 = tpu.memref_slice %arg9[%dma_start3A_360] : memref<5x!tpu.dma_semaphore, #tpu.memory_space<semaphore_mem>> -> memref<1x!tpu.dma_semaphore, #tpu.memory_space<semaphore_mem>>
    %dma_start3A_368 = tpu.memref_squeeze %dma_start3A_367 : memref<1x!tpu.dma_semaphore, #tpu.memory_space<semaphore_mem>> -> memref<!tpu.dma_semaphore, #tpu.memory_space<semaphore_mem>>
    %dma_start3A_369 = arith.constant 0 : i32
    %dma_start3A_370 = tpu.memref_slice %arg4[%add3A_358, %dma_start3A_369] : memref<40960x128xf32, #tpu.memory_space<hbm>> -> memref<128x128xf32, #tpu.memory_space<hbm>>
    %dma_start3A_371 = arith.constant 0 : i32
    %dma_start3A_372 = arith.constant 0 : i32
    %dma_start3A_373 = tpu.memref_slice %arg6[%dma_start3A_359, %dma_start3A_371, %dma_start3A_372] : memref<5x128x128xf32, #tpu.memory_space<vmem>> -> memref<1x128x128xf32, #tpu.memory_space<vmem>>
    %dma_start3A_374 = tpu.memref_squeeze %dma_start3A_373 : memref<1x128x128xf32, #tpu.memory_space<vmem>> -> memref<128x128xf32, #tpu.memory_space<vmem>>
    tpu.enqueue_dma source(%dma_start3A_374 : memref<128x128xf32, #tpu.memory_space<vmem>>) target(%dma_start3A_370 : memref<128x128xf32, #tpu.memory_space<hbm>>) target_semaphore(%dma_start3A_368 : memref<!tpu.dma_semaphore, #tpu.memory_space<semaphore_mem>>)
    %mul3A_375 = arith.constant 5 : i32
    %mul3A_376 = arith.muli %scan3A_165, %mul3A_375 : i32
    %add3A_377 = arith.constant 3 : i32
    %add3A_378 = arith.addi %mul3A_376, %add3A_377 : i32
    %dma_wait3A_379 = arith.constant 3 : i32
    %dma_wait3A_380 = arith.constant 3 : i32
    %dma_wait3A_381 = arith.constant 0 : i32
    %dma_wait3A_382 = arith.constant 0 : i32
    %dma_wait3A_383 = tpu.memref_slice %arg6[%dma_wait3A_379, %dma_wait3A_381, %dma_wait3A_382] : memref<5x128x128xf32, #tpu.memory_space<vmem>> -> memref<1x128x128xf32, #tpu.memory_space<vmem>>
    %dma_wait3A_384 = tpu.memref_squeeze %dma_wait3A_383 : memref<1x128x128xf32, #tpu.memory_space<vmem>> -> memref<128x128xf32, #tpu.memory_space<vmem>>
    %dma_wait3A_385 = arith.constant 0 : i32
    %dma_wait3A_386 = arith.constant 0 : i32
    %dma_wait3A_387 = tpu.memref_slice %arg4[%dma_wait3A_385, %dma_wait3A_386] : memref<40960x128xf32, #tpu.memory_space<hbm>> -> memref<128x128xf32, #tpu.memory_space<hbm>>
    %dma_wait3A_388 = tpu.memref_slice %arg9[%dma_wait3A_380] : memref<5x!tpu.dma_semaphore, #tpu.memory_space<semaphore_mem>> -> memref<1x!tpu.dma_semaphore, #tpu.memory_space<semaphore_mem>>
    %dma_wait3A_389 = tpu.memref_squeeze %dma_wait3A_388 : memref<1x!tpu.dma_semaphore, #tpu.memory_space<semaphore_mem>> -> memref<!tpu.dma_semaphore, #tpu.memory_space<semaphore_mem>>
    %dma_wait3A_390 = arith.constant 0 : i32
    %dma_wait3A_391 = arith.constant 0 : i32
    %dma_wait3A_392 = tpu.memref_slice %arg4[%dma_wait3A_390, %dma_wait3A_391] : memref<40960x128xf32, #tpu.memory_space<hbm>> -> memref<128x128xf32, #tpu.memory_space<hbm>>
    %dma_wait3A_393 = arith.constant 0 : i32
    %dma_wait3A_394 = arith.constant 0 : i32
    %dma_wait3A_395 = tpu.memref_slice %arg6[%dma_wait3A_379, %dma_wait3A_393, %dma_wait3A_394] : memref<5x128x128xf32, #tpu.memory_space<vmem>> -> memref<1x128x128xf32, #tpu.memory_space<vmem>>
    %dma_wait3A_396 = tpu.memref_squeeze %dma_wait3A_395 : memref<1x128x128xf32, #tpu.memory_space<vmem>> -> memref<128x128xf32, #tpu.memory_space<vmem>>
    tpu.wait_dma2 semaphore(%dma_wait3A_389 : memref<!tpu.dma_semaphore, #tpu.memory_space<semaphore_mem>>) src(%dma_wait3A_396 : memref<128x128xf32, #tpu.memory_space<vmem>>) dst(%dma_wait3A_392 : memref<128x128xf32, #tpu.memory_space<hbm>>)
    %mul3A_397 = arith.constant 128 : i32
    %mul3A_398 = arith.muli %add3A_378, %mul3A_397 : i32
    %dma_start3A_399 = arith.constant 3 : i32
    %dma_start3A_400 = arith.constant 3 : i32
    %dma_start3A_401 = arith.constant 0 : i32
    %dma_start3A_402 = arith.constant 0 : i32
    %dma_start3A_403 = tpu.memref_slice %arg6[%dma_start3A_399, %dma_start3A_401, %dma_start3A_402] : memref<5x128x128xf32, #tpu.memory_space<vmem>> -> memref<1x128x128xf32, #tpu.memory_space<vmem>>
    %dma_start3A_404 = tpu.memref_squeeze %dma_start3A_403 : memref<1x128x128xf32, #tpu.memory_space<vmem>> -> memref<128x128xf32, #tpu.memory_space<vmem>>
    %dma_start3A_405 = tpu.memref_slice %arg5[%mul3A_398] : memref<1280xi32, #tpu.memory_space<vmem>> -> memref<128xi32, #tpu.memory_space<vmem>>
    %dma_start3A_406 = arith.constant 0 : i32
    %dma_start3A_407 = arith.constant 0 : i32
    %dma_start3A_408 = tpu.memref_slice %arg2[%dma_start3A_406, %dma_start3A_407] : memref<1000000x128xf32, #tpu.memory_space<hbm>> -> memref<1000000x128xf32, #tpu.memory_space<hbm>>
    %dma_start3A_409 = tpu.memref_slice %arg8[%dma_start3A_400] : memref<5x!tpu.dma_semaphore, #tpu.memory_space<semaphore_mem>> -> memref<1x!tpu.dma_semaphore, #tpu.memory_space<semaphore_mem>>
    %dma_start3A_410 = tpu.memref_squeeze %dma_start3A_409 : memref<1x!tpu.dma_semaphore, #tpu.memory_space<semaphore_mem>> -> memref<!tpu.dma_semaphore, #tpu.memory_space<semaphore_mem>>
    tpu.enqueue_indirect_dma source(%dma_start3A_408 : memref<1000000x128xf32, #tpu.memory_space<hbm>>) target(%dma_start3A_404 : memref<128x128xf32, #tpu.memory_space<vmem>>) offsets(%dma_start3A_405 : memref<128xi32, #tpu.memory_space<vmem>>) semaphore(%dma_start3A_410 : memref<!tpu.dma_semaphore, #tpu.memory_space<semaphore_mem>>)
    %dma_wait3A_411 = arith.constant 1 : i32
    %dma_wait3A_412 = arith.constant 1 : i32
    %dma_wait3A_413 = arith.constant 0 : i32
    %dma_wait3A_414 = arith.constant 0 : i32
    %dma_wait3A_415 = tpu.memref_slice %arg6[%dma_wait3A_411, %dma_wait3A_413, %dma_wait3A_414] : memref<5x128x128xf32, #tpu.memory_space<vmem>> -> memref<1x128x128xf32, #tpu.memory_space<vmem>>
    %dma_wait3A_416 = tpu.memref_squeeze %dma_wait3A_415 : memref<1x128x128xf32, #tpu.memory_space<vmem>> -> memref<128x128xf32, #tpu.memory_space<vmem>>
    %dma_wait3A_417 = arith.constant 0 : i32
    %dma_wait3A_418 = tpu.memref_slice %arg5[%dma_wait3A_417] : memref<1280xi32, #tpu.memory_space<vmem>> -> memref<128xi32, #tpu.memory_space<vmem>>
    %dma_wait3A_419 = arith.constant 0 : i32
    %dma_wait3A_420 = arith.constant 0 : i32
    %dma_wait3A_421 = tpu.memref_slice %arg2[%dma_wait3A_419, %dma_wait3A_420] : memref<1000000x128xf32, #tpu.memory_space<hbm>> -> memref<1000000x128xf32, #tpu.memory_space<hbm>>
    %dma_wait3A_422 = tpu.memref_slice %arg8[%dma_wait3A_412] : memref<5x!tpu.dma_semaphore, #tpu.memory_space<semaphore_mem>> -> memref<1x!tpu.dma_semaphore, #tpu.memory_space<semaphore_mem>>
    %dma_wait3A_423 = tpu.memref_squeeze %dma_wait3A_422 : memref<1x!tpu.dma_semaphore, #tpu.memory_space<semaphore_mem>> -> memref<!tpu.dma_semaphore, #tpu.memory_space<semaphore_mem>>
    tpu.wait_indirect_dma semaphore(%dma_wait3A_423 : memref<!tpu.dma_semaphore, #tpu.memory_space<semaphore_mem>>) src(%dma_wait3A_421 : memref<1000000x128xf32, #tpu.memory_space<hbm>>) dst(%dma_wait3A_416 : memref<128x128xf32, #tpu.memory_space<vmem>>)
    %sub3A_424 = arith.constant 2 : i32
    %sub3A_425 = arith.subi %add3A_378, %sub3A_424 : i32
    %mul3A_426 = arith.constant 128 : i32
    %mul3A_427 = arith.muli %sub3A_425, %mul3A_426 : i32
    %add3A_428 = arith.addi %mul3A_2, %mul3A_427 : i32
    %dma_start3A_429 = arith.constant 1 : i32
    %dma_start3A_430 = arith.constant 1 : i32
    %dma_start3A_431 = arith.constant 0 : i32
    %dma_start3A_432 = arith.constant 0 : i32
    %dma_start3A_433 = tpu.memref_slice %arg6[%dma_start3A_429, %dma_start3A_431, %dma_start3A_432] : memref<5x128x128xf32, #tpu.memory_space<vmem>> -> memref<1x128x128xf32, #tpu.memory_space<vmem>>
    %dma_start3A_434 = tpu.memref_squeeze %dma_start3A_433 : memref<1x128x128xf32, #tpu.memory_space<vmem>> -> memref<128x128xf32, #tpu.memory_space<vmem>>
    %dma_start3A_435 = arith.constant 0 : i32
    %dma_start3A_436 = tpu.memref_slice %arg4[%add3A_428, %dma_start3A_435] : memref<40960x128xf32, #tpu.memory_space<hbm>> -> memref<128x128xf32, #tpu.memory_space<hbm>>
    %dma_start3A_437 = tpu.memref_slice %arg9[%dma_start3A_430] : memref<5x!tpu.dma_semaphore, #tpu.memory_space<semaphore_mem>> -> memref<1x!tpu.dma_semaphore, #tpu.memory_space<semaphore_mem>>
    %dma_start3A_438 = tpu.memref_squeeze %dma_start3A_437 : memref<1x!tpu.dma_semaphore, #tpu.memory_space<semaphore_mem>> -> memref<!tpu.dma_semaphore, #tpu.memory_space<semaphore_mem>>
    %dma_start3A_439 = arith.constant 0 : i32
    %dma_start3A_440 = tpu.memref_slice %arg4[%add3A_428, %dma_start3A_439] : memref<40960x128xf32, #tpu.memory_space<hbm>> -> memref<128x128xf32, #tpu.memory_space<hbm>>
    %dma_start3A_441 = arith.constant 0 : i32
    %dma_start3A_442 = arith.constant 0 : i32
    %dma_start3A_443 = tpu.memref_slice %arg6[%dma_start3A_429, %dma_start3A_441, %dma_start3A_442] : memref<5x128x128xf32, #tpu.memory_space<vmem>> -> memref<1x128x128xf32, #tpu.memory_space<vmem>>
    %dma_start3A_444 = tpu.memref_squeeze %dma_start3A_443 : memref<1x128x128xf32, #tpu.memory_space<vmem>> -> memref<128x128xf32, #tpu.memory_space<vmem>>
    tpu.enqueue_dma source(%dma_start3A_444 : memref<128x128xf32, #tpu.memory_space<vmem>>) target(%dma_start3A_440 : memref<128x128xf32, #tpu.memory_space<hbm>>) target_semaphore(%dma_start3A_438 : memref<!tpu.dma_semaphore, #tpu.memory_space<semaphore_mem>>)
    %mul3A_445 = arith.constant 5 : i32
    %mul3A_446 = arith.muli %scan3A_165, %mul3A_445 : i32
    %add3A_447 = arith.constant 4 : i32
    %add3A_448 = arith.addi %mul3A_446, %add3A_447 : i32
    %dma_wait3A_449 = arith.constant 4 : i32
    %dma_wait3A_450 = arith.constant 4 : i32
    %dma_wait3A_451 = arith.constant 0 : i32
    %dma_wait3A_452 = arith.constant 0 : i32
    %dma_wait3A_453 = tpu.memref_slice %arg6[%dma_wait3A_449, %dma_wait3A_451, %dma_wait3A_452] : memref<5x128x128xf32, #tpu.memory_space<vmem>> -> memref<1x128x128xf32, #tpu.memory_space<vmem>>
    %dma_wait3A_454 = tpu.memref_squeeze %dma_wait3A_453 : memref<1x128x128xf32, #tpu.memory_space<vmem>> -> memref<128x128xf32, #tpu.memory_space<vmem>>
    %dma_wait3A_455 = arith.constant 0 : i32
    %dma_wait3A_456 = arith.constant 0 : i32
    %dma_wait3A_457 = tpu.memref_slice %arg4[%dma_wait3A_455, %dma_wait3A_456] : memref<40960x128xf32, #tpu.memory_space<hbm>> -> memref<128x128xf32, #tpu.memory_space<hbm>>
    %dma_wait3A_458 = tpu.memref_slice %arg9[%dma_wait3A_450] : memref<5x!tpu.dma_semaphore, #tpu.memory_space<semaphore_mem>> -> memref<1x!tpu.dma_semaphore, #tpu.memory_space<semaphore_mem>>
    %dma_wait3A_459 = tpu.memref_squeeze %dma_wait3A_458 : memref<1x!tpu.dma_semaphore, #tpu.memory_space<semaphore_mem>> -> memref<!tpu.dma_semaphore, #tpu.memory_space<semaphore_mem>>
    %dma_wait3A_460 = arith.constant 0 : i32
    %dma_wait3A_461 = arith.constant 0 : i32
    %dma_wait3A_462 = tpu.memref_slice %arg4[%dma_wait3A_460, %dma_wait3A_461] : memref<40960x128xf32, #tpu.memory_space<hbm>> -> memref<128x128xf32, #tpu.memory_space<hbm>>
    %dma_wait3A_463 = arith.constant 0 : i32
    %dma_wait3A_464 = arith.constant 0 : i32
    %dma_wait3A_465 = tpu.memref_slice %arg6[%dma_wait3A_449, %dma_wait3A_463, %dma_wait3A_464] : memref<5x128x128xf32, #tpu.memory_space<vmem>> -> memref<1x128x128xf32, #tpu.memory_space<vmem>>
    %dma_wait3A_466 = tpu.memref_squeeze %dma_wait3A_465 : memref<1x128x128xf32, #tpu.memory_space<vmem>> -> memref<128x128xf32, #tpu.memory_space<vmem>>
    tpu.wait_dma2 semaphore(%dma_wait3A_459 : memref<!tpu.dma_semaphore, #tpu.memory_space<semaphore_mem>>) src(%dma_wait3A_466 : memref<128x128xf32, #tpu.memory_space<vmem>>) dst(%dma_wait3A_462 : memref<128x128xf32, #tpu.memory_space<hbm>>)
    %mul3A_467 = arith.constant 128 : i32
    %mul3A_468 = arith.muli %add3A_448, %mul3A_467 : i32
    %dma_start3A_469 = arith.constant 4 : i32
    %dma_start3A_470 = arith.constant 4 : i32
    %dma_start3A_471 = arith.constant 0 : i32
    %dma_start3A_472 = arith.constant 0 : i32
    %dma_start3A_473 = tpu.memref_slice %arg6[%dma_start3A_469, %dma_start3A_471, %dma_start3A_472] : memref<5x128x128xf32, #tpu.memory_space<vmem>> -> memref<1x128x128xf32, #tpu.memory_space<vmem>>
    %dma_start3A_474 = tpu.memref_squeeze %dma_start3A_473 : memref<1x128x128xf32, #tpu.memory_space<vmem>> -> memref<128x128xf32, #tpu.memory_space<vmem>>
    %dma_start3A_475 = tpu.memref_slice %arg5[%mul3A_468] : memref<1280xi32, #tpu.memory_space<vmem>> -> memref<128xi32, #tpu.memory_space<vmem>>
    %dma_start3A_476 = arith.constant 0 : i32
    %dma_start3A_477 = arith.constant 0 : i32
    %dma_start3A_478 = tpu.memref_slice %arg2[%dma_start3A_476, %dma_start3A_477] : memref<1000000x128xf32, #tpu.memory_space<hbm>> -> memref<1000000x128xf32, #tpu.memory_space<hbm>>
    %dma_start3A_479 = tpu.memref_slice %arg8[%dma_start3A_470] : memref<5x!tpu.dma_semaphore, #tpu.memory_space<semaphore_mem>> -> memref<1x!tpu.dma_semaphore, #tpu.memory_space<semaphore_mem>>
    %dma_start3A_480 = tpu.memref_squeeze %dma_start3A_479 : memref<1x!tpu.dma_semaphore, #tpu.memory_space<semaphore_mem>> -> memref<!tpu.dma_semaphore, #tpu.memory_space<semaphore_mem>>
    tpu.enqueue_indirect_dma source(%dma_start3A_478 : memref<1000000x128xf32, #tpu.memory_space<hbm>>) target(%dma_start3A_474 : memref<128x128xf32, #tpu.memory_space<vmem>>) offsets(%dma_start3A_475 : memref<128xi32, #tpu.memory_space<vmem>>) semaphore(%dma_start3A_480 : memref<!tpu.dma_semaphore, #tpu.memory_space<semaphore_mem>>)
    %dma_wait3A_481 = arith.constant 2 : i32
    %dma_wait3A_482 = arith.constant 2 : i32
    %dma_wait3A_483 = arith.constant 0 : i32
    %dma_wait3A_484 = arith.constant 0 : i32
    %dma_wait3A_485 = tpu.memref_slice %arg6[%dma_wait3A_481, %dma_wait3A_483, %dma_wait3A_484] : memref<5x128x128xf32, #tpu.memory_space<vmem>> -> memref<1x128x128xf32, #tpu.memory_space<vmem>>
    %dma_wait3A_486 = tpu.memref_squeeze %dma_wait3A_485 : memref<1x128x128xf32, #tpu.memory_space<vmem>> -> memref<128x128xf32, #tpu.memory_space<vmem>>
    %dma_wait3A_487 = arith.constant 0 : i32
    %dma_wait3A_488 = tpu.memref_slice %arg5[%dma_wait3A_487] : memref<1280xi32, #tpu.memory_space<vmem>> -> memref<128xi32, #tpu.memory_space<vmem>>
    %dma_wait3A_489 = arith.constant 0 : i32
    %dma_wait3A_490 = arith.constant 0 : i32
    %dma_wait3A_491 = tpu.memref_slice %arg2[%dma_wait3A_489, %dma_wait3A_490] : memref<1000000x128xf32, #tpu.memory_space<hbm>> -> memref<1000000x128xf32, #tpu.memory_space<hbm>>
    %dma_wait3A_492 = tpu.memref_slice %arg8[%dma_wait3A_482] : memref<5x!tpu.dma_semaphore, #tpu.memory_space<semaphore_mem>> -> memref<1x!tpu.dma_semaphore, #tpu.memory_space<semaphore_mem>>
    %dma_wait3A_493 = tpu.memref_squeeze %dma_wait3A_492 : memref<1x!tpu.dma_semaphore, #tpu.memory_space<semaphore_mem>> -> memref<!tpu.dma_semaphore, #tpu.memory_space<semaphore_mem>>
    tpu.wait_indirect_dma semaphore(%dma_wait3A_493 : memref<!tpu.dma_semaphore, #tpu.memory_space<semaphore_mem>>) src(%dma_wait3A_491 : memref<1000000x128xf32, #tpu.memory_space<hbm>>) dst(%dma_wait3A_486 : memref<128x128xf32, #tpu.memory_space<vmem>>)
    %sub3A_494 = arith.constant 2 : i32
    %sub3A_495 = arith.subi %add3A_448, %sub3A_494 : i32
    %mul3A_496 = arith.constant 128 : i32
    %mul3A_497 = arith.muli %sub3A_495, %mul3A_496 : i32
    %add3A_498 = arith.addi %mul3A_2, %mul3A_497 : i32
    %dma_start3A_499 = arith.constant 2 : i32
    %dma_start3A_500 = arith.constant 2 : i32
    %dma_start3A_501 = arith.constant 0 : i32
    %dma_start3A_502 = arith.constant 0 : i32
    %dma_start3A_503 = tpu.memref_slice %arg6[%dma_start3A_499, %dma_start3A_501, %dma_start3A_502] : memref<5x128x128xf32, #tpu.memory_space<vmem>> -> memref<1x128x128xf32, #tpu.memory_space<vmem>>
    %dma_start3A_504 = tpu.memref_squeeze %dma_start3A_503 : memref<1x128x128xf32, #tpu.memory_space<vmem>> -> memref<128x128xf32, #tpu.memory_space<vmem>>
    %dma_start3A_505 = arith.constant 0 : i32
    %dma_start3A_506 = tpu.memref_slice %arg4[%add3A_498, %dma_start3A_505] : memref<40960x128xf32, #tpu.memory_space<hbm>> -> memref<128x128xf32, #tpu.memory_space<hbm>>
    %dma_start3A_507 = tpu.memref_slice %arg9[%dma_start3A_500] : memref<5x!tpu.dma_semaphore, #tpu.memory_space<semaphore_mem>> -> memref<1x!tpu.dma_semaphore, #tpu.memory_space<semaphore_mem>>
    %dma_start3A_508 = tpu.memref_squeeze %dma_start3A_507 : memref<1x!tpu.dma_semaphore, #tpu.memory_space<semaphore_mem>> -> memref<!tpu.dma_semaphore, #tpu.memory_space<semaphore_mem>>
    %dma_start3A_509 = arith.constant 0 : i32
    %dma_start3A_510 = tpu.memref_slice %arg4[%add3A_498, %dma_start3A_509] : memref<40960x128xf32, #tpu.memory_space<hbm>> -> memref<128x128xf32, #tpu.memory_space<hbm>>
    %dma_start3A_511 = arith.constant 0 : i32
    %dma_start3A_512 = arith.constant 0 : i32
    %dma_start3A_513 = tpu.memref_slice %arg6[%dma_start3A_499, %dma_start3A_511, %dma_start3A_512] : memref<5x128x128xf32, #tpu.memory_space<vmem>> -> memref<1x128x128xf32, #tpu.memory_space<vmem>>
    %dma_start3A_514 = tpu.memref_squeeze %dma_start3A_513 : memref<1x128x128xf32, #tpu.memory_space<vmem>> -> memref<128x128xf32, #tpu.memory_space<vmem>>
    tpu.enqueue_dma source(%dma_start3A_514 : memref<128x128xf32, #tpu.memory_space<vmem>>) target(%dma_start3A_510 : memref<128x128xf32, #tpu.memory_space<hbm>>) target_semaphore(%dma_start3A_508 : memref<!tpu.dma_semaphore, #tpu.memory_space<semaphore_mem>>)
    %scan3A_515 = arith.constant 0 : i32
    %scan3A_516 = arith.constant 1 : i32
    %dma_wait3A_517 = arith.constant 3 : i32
    %dma_wait3A_518 = arith.constant 3 : i32
    %dma_wait3A_519 = arith.constant 0 : i32
    %dma_wait3A_520 = arith.constant 0 : i32
    %dma_wait3A_521 = tpu.memref_slice %arg6[%dma_wait3A_517, %dma_wait3A_519, %dma_wait3A_520] : memref<5x128x128xf32, #tpu.memory_space<vmem>> -> memref<1x128x128xf32, #tpu.memory_space<vmem>>
    %dma_wait3A_522 = tpu.memref_squeeze %dma_wait3A_521 : memref<1x128x128xf32, #tpu.memory_space<vmem>> -> memref<128x128xf32, #tpu.memory_space<vmem>>
    %dma_wait3A_523 = arith.constant 0 : i32
    %dma_wait3A_524 = tpu.memref_slice %arg5[%dma_wait3A_523] : memref<1280xi32, #tpu.memory_space<vmem>> -> memref<128xi32, #tpu.memory_space<vmem>>
    %dma_wait3A_525 = arith.constant 0 : i32
    %dma_wait3A_526 = arith.constant 0 : i32
    %dma_wait3A_527 = tpu.memref_slice %arg2[%dma_wait3A_525, %dma_wait3A_526] : memref<1000000x128xf32, #tpu.memory_space<hbm>> -> memref<1000000x128xf32, #tpu.memory_space<hbm>>
    %dma_wait3A_528 = tpu.memref_slice %arg8[%dma_wait3A_518] : memref<5x!tpu.dma_semaphore, #tpu.memory_space<semaphore_mem>> -> memref<1x!tpu.dma_semaphore, #tpu.memory_space<semaphore_mem>>
    %dma_wait3A_529 = tpu.memref_squeeze %dma_wait3A_528 : memref<1x!tpu.dma_semaphore, #tpu.memory_space<semaphore_mem>> -> memref<!tpu.dma_semaphore, #tpu.memory_space<semaphore_mem>>
    tpu.wait_indirect_dma semaphore(%dma_wait3A_529 : memref<!tpu.dma_semaphore, #tpu.memory_space<semaphore_mem>>) src(%dma_wait3A_527 : memref<1000000x128xf32, #tpu.memory_space<hbm>>) dst(%dma_wait3A_522 : memref<128x128xf32, #tpu.memory_space<vmem>>)
    %add3A_530 = arith.constant 1024 : i32
    %add3A_531 = arith.addi %mul3A_2, %add3A_530 : i32
    %dma_start3A_532 = arith.constant 3 : i32
    %dma_start3A_533 = arith.constant 3 : i32
    %dma_start3A_534 = arith.constant 0 : i32
    %dma_start3A_535 = arith.constant 0 : i32
    %dma_start3A_536 = tpu.memref_slice %arg6[%dma_start3A_532, %dma_start3A_534, %dma_start3A_535] : memref<5x128x128xf32, #tpu.memory_space<vmem>> -> memref<1x128x128xf32, #tpu.memory_space<vmem>>
    %dma_start3A_537 = tpu.memref_squeeze %dma_start3A_536 : memref<1x128x128xf32, #tpu.memory_space<vmem>> -> memref<128x128xf32, #tpu.memory_space<vmem>>
    %dma_start3A_538 = arith.constant 0 : i32
    %dma_start3A_539 = tpu.memref_slice %arg4[%add3A_531, %dma_start3A_538] : memref<40960x128xf32, #tpu.memory_space<hbm>> -> memref<128x128xf32, #tpu.memory_space<hbm>>
    %dma_start3A_540 = tpu.memref_slice %arg9[%dma_start3A_533] : memref<5x!tpu.dma_semaphore, #tpu.memory_space<semaphore_mem>> -> memref<1x!tpu.dma_semaphore, #tpu.memory_space<semaphore_mem>>
    %dma_start3A_541 = tpu.memref_squeeze %dma_start3A_540 : memref<1x!tpu.dma_semaphore, #tpu.memory_space<semaphore_mem>> -> memref<!tpu.dma_semaphore, #tpu.memory_space<semaphore_mem>>
    %dma_start3A_542 = arith.constant 0 : i32
    %dma_start3A_543 = tpu.memref_slice %arg4[%add3A_531, %dma_start3A_542] : memref<40960x128xf32, #tpu.memory_space<hbm>> -> memref<128x128xf32, #tpu.memory_space<hbm>>
    %dma_start3A_544 = arith.constant 0 : i32
    %dma_start3A_545 = arith.constant 0 : i32
    %dma_start3A_546 = tpu.memref_slice %arg6[%dma_start3A_532, %dma_start3A_544, %dma_start3A_545] : memref<5x128x128xf32, #tpu.memory_space<vmem>> -> memref<1x128x128xf32, #tpu.memory_space<vmem>>
    %dma_start3A_547 = tpu.memref_squeeze %dma_start3A_546 : memref<1x128x128xf32, #tpu.memory_space<vmem>> -> memref<128x128xf32, #tpu.memory_space<vmem>>
    tpu.enqueue_dma source(%dma_start3A_547 : memref<128x128xf32, #tpu.memory_space<vmem>>) target(%dma_start3A_543 : memref<128x128xf32, #tpu.memory_space<hbm>>) target_semaphore(%dma_start3A_541 : memref<!tpu.dma_semaphore, #tpu.memory_space<semaphore_mem>>)
    %dma_wait3A_548 = arith.constant 4 : i32
    %dma_wait3A_549 = arith.constant 4 : i32
    %dma_wait3A_550 = arith.constant 0 : i32
    %dma_wait3A_551 = arith.constant 0 : i32
    %dma_wait3A_552 = tpu.memref_slice %arg6[%dma_wait3A_548, %dma_wait3A_550, %dma_wait3A_551] : memref<5x128x128xf32, #tpu.memory_space<vmem>> -> memref<1x128x128xf32, #tpu.memory_space<vmem>>
    %dma_wait3A_553 = tpu.memref_squeeze %dma_wait3A_552 : memref<1x128x128xf32, #tpu.memory_space<vmem>> -> memref<128x128xf32, #tpu.memory_space<vmem>>
    %dma_wait3A_554 = arith.constant 0 : i32
    %dma_wait3A_555 = tpu.memref_slice %arg5[%dma_wait3A_554] : memref<1280xi32, #tpu.memory_space<vmem>> -> memref<128xi32, #tpu.memory_space<vmem>>
    %dma_wait3A_556 = arith.constant 0 : i32
    %dma_wait3A_557 = arith.constant 0 : i32
    %dma_wait3A_558 = tpu.memref_slice %arg2[%dma_wait3A_556, %dma_wait3A_557] : memref<1000000x128xf32, #tpu.memory_space<hbm>> -> memref<1000000x128xf32, #tpu.memory_space<hbm>>
    %dma_wait3A_559 = tpu.memref_slice %arg8[%dma_wait3A_549] : memref<5x!tpu.dma_semaphore, #tpu.memory_space<semaphore_mem>> -> memref<1x!tpu.dma_semaphore, #tpu.memory_space<semaphore_mem>>
    %dma_wait3A_560 = tpu.memref_squeeze %dma_wait3A_559 : memref<1x!tpu.dma_semaphore, #tpu.memory_space<semaphore_mem>> -> memref<!tpu.dma_semaphore, #tpu.memory_space<semaphore_mem>>
    tpu.wait_indirect_dma semaphore(%dma_wait3A_560 : memref<!tpu.dma_semaphore, #tpu.memory_space<semaphore_mem>>) src(%dma_wait3A_558 : memref<1000000x128xf32, #tpu.memory_space<hbm>>) dst(%dma_wait3A_553 : memref<128x128xf32, #tpu.memory_space<vmem>>)
    %add3A_561 = arith.constant 1152 : i32
    %add3A_562 = arith.addi %mul3A_2, %add3A_561 : i32
    %dma_start3A_563 = arith.constant 4 : i32
    %dma_start3A_564 = arith.constant 4 : i32
    %dma_start3A_565 = arith.constant 0 : i32
    %dma_start3A_566 = arith.constant 0 : i32
    %dma_start3A_567 = tpu.memref_slice %arg6[%dma_start3A_563, %dma_start3A_565, %dma_start3A_566] : memref<5x128x128xf32, #tpu.memory_space<vmem>> -> memref<1x128x128xf32, #tpu.memory_space<vmem>>
    %dma_start3A_568 = tpu.memref_squeeze %dma_start3A_567 : memref<1x128x128xf32, #tpu.memory_space<vmem>> -> memref<128x128xf32, #tpu.memory_space<vmem>>
    %dma_start3A_569 = arith.constant 0 : i32
    %dma_start3A_570 = tpu.memref_slice %arg4[%add3A_562, %dma_start3A_569] : memref<40960x128xf32, #tpu.memory_space<hbm>> -> memref<128x128xf32, #tpu.memory_space<hbm>>
    %dma_start3A_571 = tpu.memref_slice %arg9[%dma_start3A_564] : memref<5x!tpu.dma_semaphore, #tpu.memory_space<semaphore_mem>> -> memref<1x!tpu.dma_semaphore, #tpu.memory_space<semaphore_mem>>
    %dma_start3A_572 = tpu.memref_squeeze %dma_start3A_571 : memref<1x!tpu.dma_semaphore, #tpu.memory_space<semaphore_mem>> -> memref<!tpu.dma_semaphore, #tpu.memory_space<semaphore_mem>>
    %dma_start3A_573 = arith.constant 0 : i32
    %dma_start3A_574 = tpu.memref_slice %arg4[%add3A_562, %dma_start3A_573] : memref<40960x128xf32, #tpu.memory_space<hbm>> -> memref<128x128xf32, #tpu.memory_space<hbm>>
    %dma_start3A_575 = arith.constant 0 : i32
    %dma_start3A_576 = arith.constant 0 : i32
    %dma_start3A_577 = tpu.memref_slice %arg6[%dma_start3A_563, %dma_start3A_575, %dma_start3A_576] : memref<5x128x128xf32, #tpu.memory_space<vmem>> -> memref<1x128x128xf32, #tpu.memory_space<vmem>>
    %dma_start3A_578 = tpu.memref_squeeze %dma_start3A_577 : memref<1x128x128xf32, #tpu.memory_space<vmem>> -> memref<128x128xf32, #tpu.memory_space<vmem>>
    tpu.enqueue_dma source(%dma_start3A_578 : memref<128x128xf32, #tpu.memory_space<vmem>>) target(%dma_start3A_574 : memref<128x128xf32, #tpu.memory_space<hbm>>) target_semaphore(%dma_start3A_572 : memref<!tpu.dma_semaphore, #tpu.memory_space<semaphore_mem>>)
    %dma_wait3A_579 = arith.constant 0 : i32
    %dma_wait3A_580 = arith.constant 0 : i32
    %dma_wait3A_581 = arith.constant 0 : i32
    %dma_wait3A_582 = arith.constant 0 : i32
    %dma_wait3A_583 = tpu.memref_slice %arg6[%dma_wait3A_579, %dma_wait3A_581, %dma_wait3A_582] : memref<5x128x128xf32, #tpu.memory_space<vmem>> -> memref<1x128x128xf32, #tpu.memory_space<vmem>>
    %dma_wait3A_584 = tpu.memref_squeeze %dma_wait3A_583 : memref<1x128x128xf32, #tpu.memory_space<vmem>> -> memref<128x128xf32, #tpu.memory_space<vmem>>
    %dma_wait3A_585 = arith.constant 0 : i32
    %dma_wait3A_586 = arith.constant 0 : i32
    %dma_wait3A_587 = tpu.memref_slice %arg4[%dma_wait3A_585, %dma_wait3A_586] : memref<40960x128xf32, #tpu.memory_space<hbm>> -> memref<128x128xf32, #tpu.memory_space<hbm>>
    %dma_wait3A_588 = tpu.memref_slice %arg9[%dma_wait3A_580] : memref<5x!tpu.dma_semaphore, #tpu.memory_space<semaphore_mem>> -> memref<1x!tpu.dma_semaphore, #tpu.memory_space<semaphore_mem>>
    %dma_wait3A_589 = tpu.memref_squeeze %dma_wait3A_588 : memref<1x!tpu.dma_semaphore, #tpu.memory_space<semaphore_mem>> -> memref<!tpu.dma_semaphore, #tpu.memory_space<semaphore_mem>>
    %dma_wait3A_590 = arith.constant 0 : i32
    %dma_wait3A_591 = arith.constant 0 : i32
    %dma_wait3A_592 = tpu.memref_slice %arg4[%dma_wait3A_590, %dma_wait3A_591] : memref<40960x128xf32, #tpu.memory_space<hbm>> -> memref<128x128xf32, #tpu.memory_space<hbm>>
    %dma_wait3A_593 = arith.constant 0 : i32
    %dma_wait3A_594 = arith.constant 0 : i32
    %dma_wait3A_595 = tpu.memref_slice %arg6[%dma_wait3A_579, %dma_wait3A_593, %dma_wait3A_594] : memref<5x128x128xf32, #tpu.memory_space<vmem>> -> memref<1x128x128xf32, #tpu.memory_space<vmem>>
    %dma_wait3A_596 = tpu.memref_squeeze %dma_wait3A_595 : memref<1x128x128xf32, #tpu.memory_space<vmem>> -> memref<128x128xf32, #tpu.memory_space<vmem>>
    tpu.wait_dma2 semaphore(%dma_wait3A_589 : memref<!tpu.dma_semaphore, #tpu.memory_space<semaphore_mem>>) src(%dma_wait3A_596 : memref<128x128xf32, #tpu.memory_space<vmem>>) dst(%dma_wait3A_592 : memref<128x128xf32, #tpu.memory_space<hbm>>)
    %dma_wait3A_597 = arith.constant 1 : i32
    %dma_wait3A_598 = arith.constant 1 : i32
    %dma_wait3A_599 = arith.constant 0 : i32
    %dma_wait3A_600 = arith.constant 0 : i32
    %dma_wait3A_601 = tpu.memref_slice %arg6[%dma_wait3A_597, %dma_wait3A_599, %dma_wait3A_600] : memref<5x128x128xf32, #tpu.memory_space<vmem>> -> memref<1x128x128xf32, #tpu.memory_space<vmem>>
    %dma_wait3A_602 = tpu.memref_squeeze %dma_wait3A_601 : memref<1x128x128xf32, #tpu.memory_space<vmem>> -> memref<128x128xf32, #tpu.memory_space<vmem>>
    %dma_wait3A_603 = arith.constant 0 : i32
    %dma_wait3A_604 = arith.constant 0 : i32
    %dma_wait3A_605 = tpu.memref_slice %arg4[%dma_wait3A_603, %dma_wait3A_604] : memref<40960x128xf32, #tpu.memory_space<hbm>> -> memref<128x128xf32, #tpu.memory_space<hbm>>
    %dma_wait3A_606 = tpu.memref_slice %arg9[%dma_wait3A_598] : memref<5x!tpu.dma_semaphore, #tpu.memory_space<semaphore_mem>> -> memref<1x!tpu.dma_semaphore, #tpu.memory_space<semaphore_mem>>
    %dma_wait3A_607 = tpu.memref_squeeze %dma_wait3A_606 : memref<1x!tpu.dma_semaphore, #tpu.memory_space<semaphore_mem>> -> memref<!tpu.dma_semaphore, #tpu.memory_space<semaphore_mem>>
    %dma_wait3A_608 = arith.constant 0 : i32
    %dma_wait3A_609 = arith.constant 0 : i32
    %dma_wait3A_610 = tpu.memref_slice %arg4[%dma_wait3A_608, %dma_wait3A_609] : memref<40960x128xf32, #tpu.memory_space<hbm>> -> memref<128x128xf32, #tpu.memory_space<hbm>>
    %dma_wait3A_611 = arith.constant 0 : i32
    %dma_wait3A_612 = arith.constant 0 : i32
    %dma_wait3A_613 = tpu.memref_slice %arg6[%dma_wait3A_597, %dma_wait3A_611, %dma_wait3A_612] : memref<5x128x128xf32, #tpu.memory_space<vmem>> -> memref<1x128x128xf32, #tpu.memory_space<vmem>>
    %dma_wait3A_614 = tpu.memref_squeeze %dma_wait3A_613 : memref<1x128x128xf32, #tpu.memory_space<vmem>> -> memref<128x128xf32, #tpu.memory_space<vmem>>
    tpu.wait_dma2 semaphore(%dma_wait3A_607 : memref<!tpu.dma_semaphore, #tpu.memory_space<semaphore_mem>>) src(%dma_wait3A_614 : memref<128x128xf32, #tpu.memory_space<vmem>>) dst(%dma_wait3A_610 : memref<128x128xf32, #tpu.memory_space<hbm>>)
    %dma_wait3A_615 = arith.constant 2 : i32
    %dma_wait3A_616 = arith.constant 2 : i32
    %dma_wait3A_617 = arith.constant 0 : i32
    %dma_wait3A_618 = arith.constant 0 : i32
    %dma_wait3A_619 = tpu.memref_slice %arg6[%dma_wait3A_615, %dma_wait3A_617, %dma_wait3A_618] : memref<5x128x128xf32, #tpu.memory_space<vmem>> -> memref<1x128x128xf32, #tpu.memory_space<vmem>>
    %dma_wait3A_620 = tpu.memref_squeeze %dma_wait3A_619 : memref<1x128x128xf32, #tpu.memory_space<vmem>> -> memref<128x128xf32, #tpu.memory_space<vmem>>
    %dma_wait3A_621 = arith.constant 0 : i32
    %dma_wait3A_622 = arith.constant 0 : i32
    %dma_wait3A_623 = tpu.memref_slice %arg4[%dma_wait3A_621, %dma_wait3A_622] : memref<40960x128xf32, #tpu.memory_space<hbm>> -> memref<128x128xf32, #tpu.memory_space<hbm>>
    %dma_wait3A_624 = tpu.memref_slice %arg9[%dma_wait3A_616] : memref<5x!tpu.dma_semaphore, #tpu.memory_space<semaphore_mem>> -> memref<1x!tpu.dma_semaphore, #tpu.memory_space<semaphore_mem>>
    %dma_wait3A_625 = tpu.memref_squeeze %dma_wait3A_624 : memref<1x!tpu.dma_semaphore, #tpu.memory_space<semaphore_mem>> -> memref<!tpu.dma_semaphore, #tpu.memory_space<semaphore_mem>>
    %dma_wait3A_626 = arith.constant 0 : i32
    %dma_wait3A_627 = arith.constant 0 : i32
    %dma_wait3A_628 = tpu.memref_slice %arg4[%dma_wait3A_626, %dma_wait3A_627] : memref<40960x128xf32, #tpu.memory_space<hbm>> -> memref<128x128xf32, #tpu.memory_space<hbm>>
    %dma_wait3A_629 = arith.constant 0 : i32
    %dma_wait3A_630 = arith.constant 0 : i32
    %dma_wait3A_631 = tpu.memref_slice %arg6[%dma_wait3A_615, %dma_wait3A_629, %dma_wait3A_630] : memref<5x128x128xf32, #tpu.memory_space<vmem>> -> memref<1x128x128xf32, #tpu.memory_space<vmem>>
    %dma_wait3A_632 = tpu.memref_squeeze %dma_wait3A_631 : memref<1x128x128xf32, #tpu.memory_space<vmem>> -> memref<128x128xf32, #tpu.memory_space<vmem>>
    tpu.wait_dma2 semaphore(%dma_wait3A_625 : memref<!tpu.dma_semaphore, #tpu.memory_space<semaphore_mem>>) src(%dma_wait3A_632 : memref<128x128xf32, #tpu.memory_space<vmem>>) dst(%dma_wait3A_628 : memref<128x128xf32, #tpu.memory_space<hbm>>)
    %dma_wait3A_633 = arith.constant 3 : i32
    %dma_wait3A_634 = arith.constant 3 : i32
    %dma_wait3A_635 = arith.constant 0 : i32
    %dma_wait3A_636 = arith.constant 0 : i32
    %dma_wait3A_637 = tpu.memref_slice %arg6[%dma_wait3A_633, %dma_wait3A_635, %dma_wait3A_636] : memref<5x128x128xf32, #tpu.memory_space<vmem>> -> memref<1x128x128xf32, #tpu.memory_space<vmem>>
    %dma_wait3A_638 = tpu.memref_squeeze %dma_wait3A_637 : memref<1x128x128xf32, #tpu.memory_space<vmem>> -> memref<128x128xf32, #tpu.memory_space<vmem>>
    %dma_wait3A_639 = arith.constant 0 : i32
    %dma_wait3A_640 = arith.constant 0 : i32
    %dma_wait3A_641 = tpu.memref_slice %arg4[%dma_wait3A_639, %dma_wait3A_640] : memref<40960x128xf32, #tpu.memory_space<hbm>> -> memref<128x128xf32, #tpu.memory_space<hbm>>
    %dma_wait3A_642 = tpu.memref_slice %arg9[%dma_wait3A_634] : memref<5x!tpu.dma_semaphore, #tpu.memory_space<semaphore_mem>> -> memref<1x!tpu.dma_semaphore, #tpu.memory_space<semaphore_mem>>
    %dma_wait3A_643 = tpu.memref_squeeze %dma_wait3A_642 : memref<1x!tpu.dma_semaphore, #tpu.memory_space<semaphore_mem>> -> memref<!tpu.dma_semaphore, #tpu.memory_space<semaphore_mem>>
    %dma_wait3A_644 = arith.constant 0 : i32
    %dma_wait3A_645 = arith.constant 0 : i32
    %dma_wait3A_646 = tpu.memref_slice %arg4[%dma_wait3A_644, %dma_wait3A_645] : memref<40960x128xf32, #tpu.memory_space<hbm>> -> memref<128x128xf32, #tpu.memory_space<hbm>>
    %dma_wait3A_647 = arith.constant 0 : i32
    %dma_wait3A_648 = arith.constant 0 : i32
    %dma_wait3A_649 = tpu.memref_slice %arg6[%dma_wait3A_633, %dma_wait3A_647, %dma_wait3A_648] : memref<5x128x128xf32, #tpu.memory_space<vmem>> -> memref<1x128x128xf32, #tpu.memory_space<vmem>>
    %dma_wait3A_650 = tpu.memref_squeeze %dma_wait3A_649 : memref<1x128x128xf32, #tpu.memory_space<vmem>> -> memref<128x128xf32, #tpu.memory_space<vmem>>
    tpu.wait_dma2 semaphore(%dma_wait3A_643 : memref<!tpu.dma_semaphore, #tpu.memory_space<semaphore_mem>>) src(%dma_wait3A_650 : memref<128x128xf32, #tpu.memory_space<vmem>>) dst(%dma_wait3A_646 : memref<128x128xf32, #tpu.memory_space<hbm>>)
    %dma_wait3A_651 = arith.constant 4 : i32
    %dma_wait3A_652 = arith.constant 4 : i32
    %dma_wait3A_653 = arith.constant 0 : i32
    %dma_wait3A_654 = arith.constant 0 : i32
    %dma_wait3A_655 = tpu.memref_slice %arg6[%dma_wait3A_651, %dma_wait3A_653, %dma_wait3A_654] : memref<5x128x128xf32, #tpu.memory_space<vmem>> -> memref<1x128x128xf32, #tpu.memory_space<vmem>>
    %dma_wait3A_656 = tpu.memref_squeeze %dma_wait3A_655 : memref<1x128x128xf32, #tpu.memory_space<vmem>> -> memref<128x128xf32, #tpu.memory_space<vmem>>
    %dma_wait3A_657 = arith.constant 0 : i32
    %dma_wait3A_658 = arith.constant 0 : i32
    %dma_wait3A_659 = tpu.memref_slice %arg4[%dma_wait3A_657, %dma_wait3A_658] : memref<40960x128xf32, #tpu.memory_space<hbm>> -> memref<128x128xf32, #tpu.memory_space<hbm>>
    %dma_wait3A_660 = tpu.memref_slice %arg9[%dma_wait3A_652] : memref<5x!tpu.dma_semaphore, #tpu.memory_space<semaphore_mem>> -> memref<1x!tpu.dma_semaphore, #tpu.memory_space<semaphore_mem>>
    %dma_wait3A_661 = tpu.memref_squeeze %dma_wait3A_660 : memref<1x!tpu.dma_semaphore, #tpu.memory_space<semaphore_mem>> -> memref<!tpu.dma_semaphore, #tpu.memory_space<semaphore_mem>>
    %dma_wait3A_662 = arith.constant 0 : i32
    %dma_wait3A_663 = arith.constant 0 : i32
    %dma_wait3A_664 = tpu.memref_slice %arg4[%dma_wait3A_662, %dma_wait3A_663] : memref<40960x128xf32, #tpu.memory_space<hbm>> -> memref<128x128xf32, #tpu.memory_space<hbm>>
    %dma_wait3A_665 = arith.constant 0 : i32
    %dma_wait3A_666 = arith.constant 0 : i32
    %dma_wait3A_667 = tpu.memref_slice %arg6[%dma_wait3A_651, %dma_wait3A_665, %dma_wait3A_666] : memref<5x128x128xf32, #tpu.memory_space<vmem>> -> memref<1x128x128xf32, #tpu.memory_space<vmem>>
    %dma_wait3A_668 = tpu.memref_squeeze %dma_wait3A_667 : memref<1x128x128xf32, #tpu.memory_space<vmem>> -> memref<128x128xf32, #tpu.memory_space<vmem>>
    tpu.wait_dma2 semaphore(%dma_wait3A_661 : memref<!tpu.dma_semaphore, #tpu.memory_space<semaphore_mem>>) src(%dma_wait3A_668 : memref<128x128xf32, #tpu.memory_space<vmem>>) dst(%dma_wait3A_664 : memref<128x128xf32, #tpu.memory_space<hbm>>)
    return
  }
}

#map = affine_map<(d0, d1) -> (0, 0)>
#map1 = affine_map<(d0, d1) -> (0)>
module attributes {stable_mosaic.version = 14 : i64} {
  func.func @body(%arg0: i32, %arg1: i32, %arg2: memref<1000000x128xf32, #tpu.memory_space<hbm>>, %arg3: memref<204800xi32, #tpu.memory_space<hbm>>, %arg4: memref<32768x128xf32, #tpu.memory_space<hbm>>, %arg5: memref<1024xi32, #tpu.memory_space<vmem>>, %arg6: memref<4x128x128xf32, #tpu.memory_space<vmem>>, %arg7: memref<!tpu.dma_semaphore, #tpu.memory_space<semaphore_mem>>, %arg8: memref<4x!tpu.dma_semaphore, #tpu.memory_space<semaphore_mem>>, %arg9: memref<4x!tpu.dma_semaphore, #tpu.memory_space<semaphore_mem>>) attributes {dimension_semantics = [#tpu.dimension_semantics<core_parallel>, #tpu.dimension_semantics<subcore_parallel>], iteration_bounds = array<i64: 2, 16>, scalar_prefetch = 0 : i64, scratch_operands = 5 : i64, tpu.core_type = #tpu.core_type<sc_vector_subcore>, window_params = [{transform_indices = #map}, {transform_indices = #map1}, {transform_indices = #map}]} {
    %mul3A = arith.constant 2 : i32
    %mul3A_0 = arith.muli %arg1, %mul3A : i32
    %add3A = arith.addi %mul3A_0, %arg0 : i32
    %mul3A_1 = arith.constant 1024 : i32
    %mul3A_2 = arith.muli %add3A, %mul3A_1 : i32
    %add3A_3 = arith.constant 172032 : i32
    %add3A_4 = arith.addi %add3A_3, %mul3A_2 : i32
    %dma_start3A = tpu.memref_slice %arg3[%add3A_4] : memref<204800xi32, #tpu.memory_space<hbm>> -> memref<1024xi32, #tpu.memory_space<hbm>>
    %dma_start3A_5 = tpu.memref_slice %arg3[%add3A_4] : memref<204800xi32, #tpu.memory_space<hbm>> -> memref<1024xi32, #tpu.memory_space<hbm>>
    tpu.enqueue_dma source(%dma_start3A_5 : memref<1024xi32, #tpu.memory_space<hbm>>) target(%arg5 : memref<1024xi32, #tpu.memory_space<vmem>>) target_semaphore(%arg7 : memref<!tpu.dma_semaphore, #tpu.memory_space<semaphore_mem>>)
    %dma_wait3A = tpu.memref_slice %arg3[%add3A_4] : memref<204800xi32, #tpu.memory_space<hbm>> -> memref<1024xi32, #tpu.memory_space<hbm>>
    %dma_wait3A_6 = tpu.memref_slice %arg3[%add3A_4] : memref<204800xi32, #tpu.memory_space<hbm>> -> memref<1024xi32, #tpu.memory_space<hbm>>
    tpu.wait_dma2 semaphore(%arg7 : memref<!tpu.dma_semaphore, #tpu.memory_space<semaphore_mem>>) src(%dma_wait3A_6 : memref<1024xi32, #tpu.memory_space<hbm>>) dst(%arg5 : memref<1024xi32, #tpu.memory_space<vmem>>)
    %dma_start3A_7 = arith.constant 0 : i32
    %dma_start3A_8 = arith.constant 0 : i32
    %dma_start3A_9 = arith.constant 0 : i32
    %dma_start3A_10 = arith.constant 0 : i32
    %dma_start3A_11 = tpu.memref_slice %arg6[%dma_start3A_7, %dma_start3A_9, %dma_start3A_10] : memref<4x128x128xf32, #tpu.memory_space<vmem>> -> memref<1x128x128xf32, #tpu.memory_space<vmem>>
    %dma_start3A_12 = tpu.memref_squeeze %dma_start3A_11 : memref<1x128x128xf32, #tpu.memory_space<vmem>> -> memref<128x128xf32, #tpu.memory_space<vmem>>
    %dma_start3A_13 = arith.constant 0 : i32
    %dma_start3A_14 = tpu.memref_slice %arg5[%dma_start3A_13] : memref<1024xi32, #tpu.memory_space<vmem>> -> memref<128xi32, #tpu.memory_space<vmem>>
    %dma_start3A_15 = arith.constant 0 : i32
    %dma_start3A_16 = arith.constant 0 : i32
    %dma_start3A_17 = tpu.memref_slice %arg2[%dma_start3A_15, %dma_start3A_16] : memref<1000000x128xf32, #tpu.memory_space<hbm>> -> memref<1000000x128xf32, #tpu.memory_space<hbm>>
    %dma_start3A_18 = tpu.memref_slice %arg8[%dma_start3A_8] : memref<4x!tpu.dma_semaphore, #tpu.memory_space<semaphore_mem>> -> memref<1x!tpu.dma_semaphore, #tpu.memory_space<semaphore_mem>>
    %dma_start3A_19 = tpu.memref_squeeze %dma_start3A_18 : memref<1x!tpu.dma_semaphore, #tpu.memory_space<semaphore_mem>> -> memref<!tpu.dma_semaphore, #tpu.memory_space<semaphore_mem>>
    tpu.enqueue_indirect_dma source(%dma_start3A_17 : memref<1000000x128xf32, #tpu.memory_space<hbm>>) target(%dma_start3A_12 : memref<128x128xf32, #tpu.memory_space<vmem>>) offsets(%dma_start3A_14 : memref<128xi32, #tpu.memory_space<vmem>>) semaphore(%dma_start3A_19 : memref<!tpu.dma_semaphore, #tpu.memory_space<semaphore_mem>>)
    %dma_start3A_20 = arith.constant 1 : i32
    %dma_start3A_21 = arith.constant 1 : i32
    %dma_start3A_22 = arith.constant 0 : i32
    %dma_start3A_23 = arith.constant 0 : i32
    %dma_start3A_24 = tpu.memref_slice %arg6[%dma_start3A_20, %dma_start3A_22, %dma_start3A_23] : memref<4x128x128xf32, #tpu.memory_space<vmem>> -> memref<1x128x128xf32, #tpu.memory_space<vmem>>
    %dma_start3A_25 = tpu.memref_squeeze %dma_start3A_24 : memref<1x128x128xf32, #tpu.memory_space<vmem>> -> memref<128x128xf32, #tpu.memory_space<vmem>>
    %dma_start3A_26 = arith.constant 128 : i32
    %dma_start3A_27 = tpu.memref_slice %arg5[%dma_start3A_26] : memref<1024xi32, #tpu.memory_space<vmem>> -> memref<128xi32, #tpu.memory_space<vmem>>
    %dma_start3A_28 = arith.constant 0 : i32
    %dma_start3A_29 = arith.constant 0 : i32
    %dma_start3A_30 = tpu.memref_slice %arg2[%dma_start3A_28, %dma_start3A_29] : memref<1000000x128xf32, #tpu.memory_space<hbm>> -> memref<1000000x128xf32, #tpu.memory_space<hbm>>
    %dma_start3A_31 = tpu.memref_slice %arg8[%dma_start3A_21] : memref<4x!tpu.dma_semaphore, #tpu.memory_space<semaphore_mem>> -> memref<1x!tpu.dma_semaphore, #tpu.memory_space<semaphore_mem>>
    %dma_start3A_32 = tpu.memref_squeeze %dma_start3A_31 : memref<1x!tpu.dma_semaphore, #tpu.memory_space<semaphore_mem>> -> memref<!tpu.dma_semaphore, #tpu.memory_space<semaphore_mem>>
    tpu.enqueue_indirect_dma source(%dma_start3A_30 : memref<1000000x128xf32, #tpu.memory_space<hbm>>) target(%dma_start3A_25 : memref<128x128xf32, #tpu.memory_space<vmem>>) offsets(%dma_start3A_27 : memref<128xi32, #tpu.memory_space<vmem>>) semaphore(%dma_start3A_32 : memref<!tpu.dma_semaphore, #tpu.memory_space<semaphore_mem>>)
    %dma_start3A_33 = arith.constant 2 : i32
    %dma_start3A_34 = arith.constant 2 : i32
    %dma_start3A_35 = arith.constant 0 : i32
    %dma_start3A_36 = arith.constant 0 : i32
    %dma_start3A_37 = tpu.memref_slice %arg6[%dma_start3A_33, %dma_start3A_35, %dma_start3A_36] : memref<4x128x128xf32, #tpu.memory_space<vmem>> -> memref<1x128x128xf32, #tpu.memory_space<vmem>>
    %dma_start3A_38 = tpu.memref_squeeze %dma_start3A_37 : memref<1x128x128xf32, #tpu.memory_space<vmem>> -> memref<128x128xf32, #tpu.memory_space<vmem>>
    %dma_start3A_39 = arith.constant 256 : i32
    %dma_start3A_40 = tpu.memref_slice %arg5[%dma_start3A_39] : memref<1024xi32, #tpu.memory_space<vmem>> -> memref<128xi32, #tpu.memory_space<vmem>>
    %dma_start3A_41 = arith.constant 0 : i32
    %dma_start3A_42 = arith.constant 0 : i32
    %dma_start3A_43 = tpu.memref_slice %arg2[%dma_start3A_41, %dma_start3A_42] : memref<1000000x128xf32, #tpu.memory_space<hbm>> -> memref<1000000x128xf32, #tpu.memory_space<hbm>>
    %dma_start3A_44 = tpu.memref_slice %arg8[%dma_start3A_34] : memref<4x!tpu.dma_semaphore, #tpu.memory_space<semaphore_mem>> -> memref<1x!tpu.dma_semaphore, #tpu.memory_space<semaphore_mem>>
    %dma_start3A_45 = tpu.memref_squeeze %dma_start3A_44 : memref<1x!tpu.dma_semaphore, #tpu.memory_space<semaphore_mem>> -> memref<!tpu.dma_semaphore, #tpu.memory_space<semaphore_mem>>
    tpu.enqueue_indirect_dma source(%dma_start3A_43 : memref<1000000x128xf32, #tpu.memory_space<hbm>>) target(%dma_start3A_38 : memref<128x128xf32, #tpu.memory_space<vmem>>) offsets(%dma_start3A_40 : memref<128xi32, #tpu.memory_space<vmem>>) semaphore(%dma_start3A_45 : memref<!tpu.dma_semaphore, #tpu.memory_space<semaphore_mem>>)
    %dma_wait3A_46 = arith.constant 0 : i32
    %dma_wait3A_47 = arith.constant 0 : i32
    %dma_wait3A_48 = arith.constant 0 : i32
    %dma_wait3A_49 = arith.constant 0 : i32
    %dma_wait3A_50 = tpu.memref_slice %arg6[%dma_wait3A_46, %dma_wait3A_48, %dma_wait3A_49] : memref<4x128x128xf32, #tpu.memory_space<vmem>> -> memref<1x128x128xf32, #tpu.memory_space<vmem>>
    %dma_wait3A_51 = tpu.memref_squeeze %dma_wait3A_50 : memref<1x128x128xf32, #tpu.memory_space<vmem>> -> memref<128x128xf32, #tpu.memory_space<vmem>>
    %dma_wait3A_52 = arith.constant 0 : i32
    %dma_wait3A_53 = tpu.memref_slice %arg5[%dma_wait3A_52] : memref<1024xi32, #tpu.memory_space<vmem>> -> memref<128xi32, #tpu.memory_space<vmem>>
    %dma_wait3A_54 = arith.constant 0 : i32
    %dma_wait3A_55 = arith.constant 0 : i32
    %dma_wait3A_56 = tpu.memref_slice %arg2[%dma_wait3A_54, %dma_wait3A_55] : memref<1000000x128xf32, #tpu.memory_space<hbm>> -> memref<1000000x128xf32, #tpu.memory_space<hbm>>
    %dma_wait3A_57 = tpu.memref_slice %arg8[%dma_wait3A_47] : memref<4x!tpu.dma_semaphore, #tpu.memory_space<semaphore_mem>> -> memref<1x!tpu.dma_semaphore, #tpu.memory_space<semaphore_mem>>
    %dma_wait3A_58 = tpu.memref_squeeze %dma_wait3A_57 : memref<1x!tpu.dma_semaphore, #tpu.memory_space<semaphore_mem>> -> memref<!tpu.dma_semaphore, #tpu.memory_space<semaphore_mem>>
    tpu.wait_indirect_dma semaphore(%dma_wait3A_58 : memref<!tpu.dma_semaphore, #tpu.memory_space<semaphore_mem>>) src(%dma_wait3A_56 : memref<1000000x128xf32, #tpu.memory_space<hbm>>) dst(%dma_wait3A_51 : memref<128x128xf32, #tpu.memory_space<vmem>>)
    %add3A_59 = arith.constant 0 : i32
    %add3A_60 = arith.addi %mul3A_2, %add3A_59 : i32
    %dma_start3A_61 = arith.constant 0 : i32
    %dma_start3A_62 = arith.constant 0 : i32
    %dma_start3A_63 = arith.constant 0 : i32
    %dma_start3A_64 = arith.constant 0 : i32
    %dma_start3A_65 = tpu.memref_slice %arg6[%dma_start3A_61, %dma_start3A_63, %dma_start3A_64] : memref<4x128x128xf32, #tpu.memory_space<vmem>> -> memref<1x128x128xf32, #tpu.memory_space<vmem>>
    %dma_start3A_66 = tpu.memref_squeeze %dma_start3A_65 : memref<1x128x128xf32, #tpu.memory_space<vmem>> -> memref<128x128xf32, #tpu.memory_space<vmem>>
    %dma_start3A_67 = arith.constant 0 : i32
    %dma_start3A_68 = tpu.memref_slice %arg4[%add3A_60, %dma_start3A_67] : memref<32768x128xf32, #tpu.memory_space<hbm>> -> memref<128x128xf32, #tpu.memory_space<hbm>>
    %dma_start3A_69 = tpu.memref_slice %arg9[%dma_start3A_62] : memref<4x!tpu.dma_semaphore, #tpu.memory_space<semaphore_mem>> -> memref<1x!tpu.dma_semaphore, #tpu.memory_space<semaphore_mem>>
    %dma_start3A_70 = tpu.memref_squeeze %dma_start3A_69 : memref<1x!tpu.dma_semaphore, #tpu.memory_space<semaphore_mem>> -> memref<!tpu.dma_semaphore, #tpu.memory_space<semaphore_mem>>
    %dma_start3A_71 = arith.constant 0 : i32
    %dma_start3A_72 = tpu.memref_slice %arg4[%add3A_60, %dma_start3A_71] : memref<32768x128xf32, #tpu.memory_space<hbm>> -> memref<128x128xf32, #tpu.memory_space<hbm>>
    %dma_start3A_73 = arith.constant 0 : i32
    %dma_start3A_74 = arith.constant 0 : i32
    %dma_start3A_75 = tpu.memref_slice %arg6[%dma_start3A_61, %dma_start3A_73, %dma_start3A_74] : memref<4x128x128xf32, #tpu.memory_space<vmem>> -> memref<1x128x128xf32, #tpu.memory_space<vmem>>
    %dma_start3A_76 = tpu.memref_squeeze %dma_start3A_75 : memref<1x128x128xf32, #tpu.memory_space<vmem>> -> memref<128x128xf32, #tpu.memory_space<vmem>>
    tpu.enqueue_dma source(%dma_start3A_76 : memref<128x128xf32, #tpu.memory_space<vmem>>) target(%dma_start3A_72 : memref<128x128xf32, #tpu.memory_space<hbm>>) target_semaphore(%dma_start3A_70 : memref<!tpu.dma_semaphore, #tpu.memory_space<semaphore_mem>>)
    %dma_start3A_77 = arith.constant 3 : i32
    %dma_start3A_78 = arith.constant 3 : i32
    %dma_start3A_79 = arith.constant 0 : i32
    %dma_start3A_80 = arith.constant 0 : i32
    %dma_start3A_81 = tpu.memref_slice %arg6[%dma_start3A_77, %dma_start3A_79, %dma_start3A_80] : memref<4x128x128xf32, #tpu.memory_space<vmem>> -> memref<1x128x128xf32, #tpu.memory_space<vmem>>
    %dma_start3A_82 = tpu.memref_squeeze %dma_start3A_81 : memref<1x128x128xf32, #tpu.memory_space<vmem>> -> memref<128x128xf32, #tpu.memory_space<vmem>>
    %dma_start3A_83 = arith.constant 384 : i32
    %dma_start3A_84 = tpu.memref_slice %arg5[%dma_start3A_83] : memref<1024xi32, #tpu.memory_space<vmem>> -> memref<128xi32, #tpu.memory_space<vmem>>
    %dma_start3A_85 = arith.constant 0 : i32
    %dma_start3A_86 = arith.constant 0 : i32
    %dma_start3A_87 = tpu.memref_slice %arg2[%dma_start3A_85, %dma_start3A_86] : memref<1000000x128xf32, #tpu.memory_space<hbm>> -> memref<1000000x128xf32, #tpu.memory_space<hbm>>
    %dma_start3A_88 = tpu.memref_slice %arg8[%dma_start3A_78] : memref<4x!tpu.dma_semaphore, #tpu.memory_space<semaphore_mem>> -> memref<1x!tpu.dma_semaphore, #tpu.memory_space<semaphore_mem>>
    %dma_start3A_89 = tpu.memref_squeeze %dma_start3A_88 : memref<1x!tpu.dma_semaphore, #tpu.memory_space<semaphore_mem>> -> memref<!tpu.dma_semaphore, #tpu.memory_space<semaphore_mem>>
    tpu.enqueue_indirect_dma source(%dma_start3A_87 : memref<1000000x128xf32, #tpu.memory_space<hbm>>) target(%dma_start3A_82 : memref<128x128xf32, #tpu.memory_space<vmem>>) offsets(%dma_start3A_84 : memref<128xi32, #tpu.memory_space<vmem>>) semaphore(%dma_start3A_89 : memref<!tpu.dma_semaphore, #tpu.memory_space<semaphore_mem>>)
    %dma_wait3A_90 = arith.constant 1 : i32
    %dma_wait3A_91 = arith.constant 1 : i32
    %dma_wait3A_92 = arith.constant 0 : i32
    %dma_wait3A_93 = arith.constant 0 : i32
    %dma_wait3A_94 = tpu.memref_slice %arg6[%dma_wait3A_90, %dma_wait3A_92, %dma_wait3A_93] : memref<4x128x128xf32, #tpu.memory_space<vmem>> -> memref<1x128x128xf32, #tpu.memory_space<vmem>>
    %dma_wait3A_95 = tpu.memref_squeeze %dma_wait3A_94 : memref<1x128x128xf32, #tpu.memory_space<vmem>> -> memref<128x128xf32, #tpu.memory_space<vmem>>
    %dma_wait3A_96 = arith.constant 0 : i32
    %dma_wait3A_97 = tpu.memref_slice %arg5[%dma_wait3A_96] : memref<1024xi32, #tpu.memory_space<vmem>> -> memref<128xi32, #tpu.memory_space<vmem>>
    %dma_wait3A_98 = arith.constant 0 : i32
    %dma_wait3A_99 = arith.constant 0 : i32
    %dma_wait3A_100 = tpu.memref_slice %arg2[%dma_wait3A_98, %dma_wait3A_99] : memref<1000000x128xf32, #tpu.memory_space<hbm>> -> memref<1000000x128xf32, #tpu.memory_space<hbm>>
    %dma_wait3A_101 = tpu.memref_slice %arg8[%dma_wait3A_91] : memref<4x!tpu.dma_semaphore, #tpu.memory_space<semaphore_mem>> -> memref<1x!tpu.dma_semaphore, #tpu.memory_space<semaphore_mem>>
    %dma_wait3A_102 = tpu.memref_squeeze %dma_wait3A_101 : memref<1x!tpu.dma_semaphore, #tpu.memory_space<semaphore_mem>> -> memref<!tpu.dma_semaphore, #tpu.memory_space<semaphore_mem>>
    tpu.wait_indirect_dma semaphore(%dma_wait3A_102 : memref<!tpu.dma_semaphore, #tpu.memory_space<semaphore_mem>>) src(%dma_wait3A_100 : memref<1000000x128xf32, #tpu.memory_space<hbm>>) dst(%dma_wait3A_95 : memref<128x128xf32, #tpu.memory_space<vmem>>)
    %add3A_103 = arith.constant 128 : i32
    %add3A_104 = arith.addi %mul3A_2, %add3A_103 : i32
    %dma_start3A_105 = arith.constant 1 : i32
    %dma_start3A_106 = arith.constant 1 : i32
    %dma_start3A_107 = arith.constant 0 : i32
    %dma_start3A_108 = arith.constant 0 : i32
    %dma_start3A_109 = tpu.memref_slice %arg6[%dma_start3A_105, %dma_start3A_107, %dma_start3A_108] : memref<4x128x128xf32, #tpu.memory_space<vmem>> -> memref<1x128x128xf32, #tpu.memory_space<vmem>>
    %dma_start3A_110 = tpu.memref_squeeze %dma_start3A_109 : memref<1x128x128xf32, #tpu.memory_space<vmem>> -> memref<128x128xf32, #tpu.memory_space<vmem>>
    %dma_start3A_111 = arith.constant 0 : i32
    %dma_start3A_112 = tpu.memref_slice %arg4[%add3A_104, %dma_start3A_111] : memref<32768x128xf32, #tpu.memory_space<hbm>> -> memref<128x128xf32, #tpu.memory_space<hbm>>
    %dma_start3A_113 = tpu.memref_slice %arg9[%dma_start3A_106] : memref<4x!tpu.dma_semaphore, #tpu.memory_space<semaphore_mem>> -> memref<1x!tpu.dma_semaphore, #tpu.memory_space<semaphore_mem>>
    %dma_start3A_114 = tpu.memref_squeeze %dma_start3A_113 : memref<1x!tpu.dma_semaphore, #tpu.memory_space<semaphore_mem>> -> memref<!tpu.dma_semaphore, #tpu.memory_space<semaphore_mem>>
    %dma_start3A_115 = arith.constant 0 : i32
    %dma_start3A_116 = tpu.memref_slice %arg4[%add3A_104, %dma_start3A_115] : memref<32768x128xf32, #tpu.memory_space<hbm>> -> memref<128x128xf32, #tpu.memory_space<hbm>>
    %dma_start3A_117 = arith.constant 0 : i32
    %dma_start3A_118 = arith.constant 0 : i32
    %dma_start3A_119 = tpu.memref_slice %arg6[%dma_start3A_105, %dma_start3A_117, %dma_start3A_118] : memref<4x128x128xf32, #tpu.memory_space<vmem>> -> memref<1x128x128xf32, #tpu.memory_space<vmem>>
    %dma_start3A_120 = tpu.memref_squeeze %dma_start3A_119 : memref<1x128x128xf32, #tpu.memory_space<vmem>> -> memref<128x128xf32, #tpu.memory_space<vmem>>
    tpu.enqueue_dma source(%dma_start3A_120 : memref<128x128xf32, #tpu.memory_space<vmem>>) target(%dma_start3A_116 : memref<128x128xf32, #tpu.memory_space<hbm>>) target_semaphore(%dma_start3A_114 : memref<!tpu.dma_semaphore, #tpu.memory_space<semaphore_mem>>)
    %scan3A = arith.constant 0 : i32
    %scan3A_121 = arith.constant 1 : i32
    %mul3A_122 = arith.constant 4 : i32
    %mul3A_123 = arith.muli %scan3A_121, %mul3A_122 : i32
    %add3A_124 = arith.constant 0 : i32
    %add3A_125 = arith.addi %mul3A_123, %add3A_124 : i32
    %dma_wait3A_126 = arith.constant 0 : i32
    %dma_wait3A_127 = arith.constant 0 : i32
    %dma_wait3A_128 = arith.constant 0 : i32
    %dma_wait3A_129 = arith.constant 0 : i32
    %dma_wait3A_130 = tpu.memref_slice %arg6[%dma_wait3A_126, %dma_wait3A_128, %dma_wait3A_129] : memref<4x128x128xf32, #tpu.memory_space<vmem>> -> memref<1x128x128xf32, #tpu.memory_space<vmem>>
    %dma_wait3A_131 = tpu.memref_squeeze %dma_wait3A_130 : memref<1x128x128xf32, #tpu.memory_space<vmem>> -> memref<128x128xf32, #tpu.memory_space<vmem>>
    %dma_wait3A_132 = arith.constant 0 : i32
    %dma_wait3A_133 = arith.constant 0 : i32
    %dma_wait3A_134 = tpu.memref_slice %arg4[%dma_wait3A_132, %dma_wait3A_133] : memref<32768x128xf32, #tpu.memory_space<hbm>> -> memref<128x128xf32, #tpu.memory_space<hbm>>
    %dma_wait3A_135 = tpu.memref_slice %arg9[%dma_wait3A_127] : memref<4x!tpu.dma_semaphore, #tpu.memory_space<semaphore_mem>> -> memref<1x!tpu.dma_semaphore, #tpu.memory_space<semaphore_mem>>
    %dma_wait3A_136 = tpu.memref_squeeze %dma_wait3A_135 : memref<1x!tpu.dma_semaphore, #tpu.memory_space<semaphore_mem>> -> memref<!tpu.dma_semaphore, #tpu.memory_space<semaphore_mem>>
    %dma_wait3A_137 = arith.constant 0 : i32
    %dma_wait3A_138 = arith.constant 0 : i32
    %dma_wait3A_139 = tpu.memref_slice %arg4[%dma_wait3A_137, %dma_wait3A_138] : memref<32768x128xf32, #tpu.memory_space<hbm>> -> memref<128x128xf32, #tpu.memory_space<hbm>>
    %dma_wait3A_140 = arith.constant 0 : i32
    %dma_wait3A_141 = arith.constant 0 : i32
    %dma_wait3A_142 = tpu.memref_slice %arg6[%dma_wait3A_126, %dma_wait3A_140, %dma_wait3A_141] : memref<4x128x128xf32, #tpu.memory_space<vmem>> -> memref<1x128x128xf32, #tpu.memory_space<vmem>>
    %dma_wait3A_143 = tpu.memref_squeeze %dma_wait3A_142 : memref<1x128x128xf32, #tpu.memory_space<vmem>> -> memref<128x128xf32, #tpu.memory_space<vmem>>
    tpu.wait_dma2 semaphore(%dma_wait3A_136 : memref<!tpu.dma_semaphore, #tpu.memory_space<semaphore_mem>>) src(%dma_wait3A_143 : memref<128x128xf32, #tpu.memory_space<vmem>>) dst(%dma_wait3A_139 : memref<128x128xf32, #tpu.memory_space<hbm>>)
    %mul3A_144 = arith.constant 128 : i32
    %mul3A_145 = arith.muli %add3A_125, %mul3A_144 : i32
    %dma_start3A_146 = arith.constant 0 : i32
    %dma_start3A_147 = arith.constant 0 : i32
    %dma_start3A_148 = arith.constant 0 : i32
    %dma_start3A_149 = arith.constant 0 : i32
    %dma_start3A_150 = tpu.memref_slice %arg6[%dma_start3A_146, %dma_start3A_148, %dma_start3A_149] : memref<4x128x128xf32, #tpu.memory_space<vmem>> -> memref<1x128x128xf32, #tpu.memory_space<vmem>>
    %dma_start3A_151 = tpu.memref_squeeze %dma_start3A_150 : memref<1x128x128xf32, #tpu.memory_space<vmem>> -> memref<128x128xf32, #tpu.memory_space<vmem>>
    %dma_start3A_152 = tpu.memref_slice %arg5[%mul3A_145] : memref<1024xi32, #tpu.memory_space<vmem>> -> memref<128xi32, #tpu.memory_space<vmem>>
    %dma_start3A_153 = arith.constant 0 : i32
    %dma_start3A_154 = arith.constant 0 : i32
    %dma_start3A_155 = tpu.memref_slice %arg2[%dma_start3A_153, %dma_start3A_154] : memref<1000000x128xf32, #tpu.memory_space<hbm>> -> memref<1000000x128xf32, #tpu.memory_space<hbm>>
    %dma_start3A_156 = tpu.memref_slice %arg8[%dma_start3A_147] : memref<4x!tpu.dma_semaphore, #tpu.memory_space<semaphore_mem>> -> memref<1x!tpu.dma_semaphore, #tpu.memory_space<semaphore_mem>>
    %dma_start3A_157 = tpu.memref_squeeze %dma_start3A_156 : memref<1x!tpu.dma_semaphore, #tpu.memory_space<semaphore_mem>> -> memref<!tpu.dma_semaphore, #tpu.memory_space<semaphore_mem>>
    tpu.enqueue_indirect_dma source(%dma_start3A_155 : memref<1000000x128xf32, #tpu.memory_space<hbm>>) target(%dma_start3A_151 : memref<128x128xf32, #tpu.memory_space<vmem>>) offsets(%dma_start3A_152 : memref<128xi32, #tpu.memory_space<vmem>>) semaphore(%dma_start3A_157 : memref<!tpu.dma_semaphore, #tpu.memory_space<semaphore_mem>>)
    %dma_wait3A_158 = arith.constant 2 : i32
    %dma_wait3A_159 = arith.constant 2 : i32
    %dma_wait3A_160 = arith.constant 0 : i32
    %dma_wait3A_161 = arith.constant 0 : i32
    %dma_wait3A_162 = tpu.memref_slice %arg6[%dma_wait3A_158, %dma_wait3A_160, %dma_wait3A_161] : memref<4x128x128xf32, #tpu.memory_space<vmem>> -> memref<1x128x128xf32, #tpu.memory_space<vmem>>
    %dma_wait3A_163 = tpu.memref_squeeze %dma_wait3A_162 : memref<1x128x128xf32, #tpu.memory_space<vmem>> -> memref<128x128xf32, #tpu.memory_space<vmem>>
    %dma_wait3A_164 = arith.constant 0 : i32
    %dma_wait3A_165 = tpu.memref_slice %arg5[%dma_wait3A_164] : memref<1024xi32, #tpu.memory_space<vmem>> -> memref<128xi32, #tpu.memory_space<vmem>>
    %dma_wait3A_166 = arith.constant 0 : i32
    %dma_wait3A_167 = arith.constant 0 : i32
    %dma_wait3A_168 = tpu.memref_slice %arg2[%dma_wait3A_166, %dma_wait3A_167] : memref<1000000x128xf32, #tpu.memory_space<hbm>> -> memref<1000000x128xf32, #tpu.memory_space<hbm>>
    %dma_wait3A_169 = tpu.memref_slice %arg8[%dma_wait3A_159] : memref<4x!tpu.dma_semaphore, #tpu.memory_space<semaphore_mem>> -> memref<1x!tpu.dma_semaphore, #tpu.memory_space<semaphore_mem>>
    %dma_wait3A_170 = tpu.memref_squeeze %dma_wait3A_169 : memref<1x!tpu.dma_semaphore, #tpu.memory_space<semaphore_mem>> -> memref<!tpu.dma_semaphore, #tpu.memory_space<semaphore_mem>>
    tpu.wait_indirect_dma semaphore(%dma_wait3A_170 : memref<!tpu.dma_semaphore, #tpu.memory_space<semaphore_mem>>) src(%dma_wait3A_168 : memref<1000000x128xf32, #tpu.memory_space<hbm>>) dst(%dma_wait3A_163 : memref<128x128xf32, #tpu.memory_space<vmem>>)
    %sub3A = arith.constant 2 : i32
    %sub3A_171 = arith.subi %add3A_125, %sub3A : i32
    %mul3A_172 = arith.constant 128 : i32
    %mul3A_173 = arith.muli %sub3A_171, %mul3A_172 : i32
    %add3A_174 = arith.addi %mul3A_2, %mul3A_173 : i32
    %dma_start3A_175 = arith.constant 2 : i32
    %dma_start3A_176 = arith.constant 2 : i32
    %dma_start3A_177 = arith.constant 0 : i32
    %dma_start3A_178 = arith.constant 0 : i32
    %dma_start3A_179 = tpu.memref_slice %arg6[%dma_start3A_175, %dma_start3A_177, %dma_start3A_178] : memref<4x128x128xf32, #tpu.memory_space<vmem>> -> memref<1x128x128xf32, #tpu.memory_space<vmem>>
    %dma_start3A_180 = tpu.memref_squeeze %dma_start3A_179 : memref<1x128x128xf32, #tpu.memory_space<vmem>> -> memref<128x128xf32, #tpu.memory_space<vmem>>
    %dma_start3A_181 = arith.constant 0 : i32
    %dma_start3A_182 = tpu.memref_slice %arg4[%add3A_174, %dma_start3A_181] : memref<32768x128xf32, #tpu.memory_space<hbm>> -> memref<128x128xf32, #tpu.memory_space<hbm>>
    %dma_start3A_183 = tpu.memref_slice %arg9[%dma_start3A_176] : memref<4x!tpu.dma_semaphore, #tpu.memory_space<semaphore_mem>> -> memref<1x!tpu.dma_semaphore, #tpu.memory_space<semaphore_mem>>
    %dma_start3A_184 = tpu.memref_squeeze %dma_start3A_183 : memref<1x!tpu.dma_semaphore, #tpu.memory_space<semaphore_mem>> -> memref<!tpu.dma_semaphore, #tpu.memory_space<semaphore_mem>>
    %dma_start3A_185 = arith.constant 0 : i32
    %dma_start3A_186 = tpu.memref_slice %arg4[%add3A_174, %dma_start3A_185] : memref<32768x128xf32, #tpu.memory_space<hbm>> -> memref<128x128xf32, #tpu.memory_space<hbm>>
    %dma_start3A_187 = arith.constant 0 : i32
    %dma_start3A_188 = arith.constant 0 : i32
    %dma_start3A_189 = tpu.memref_slice %arg6[%dma_start3A_175, %dma_start3A_187, %dma_start3A_188] : memref<4x128x128xf32, #tpu.memory_space<vmem>> -> memref<1x128x128xf32, #tpu.memory_space<vmem>>
    %dma_start3A_190 = tpu.memref_squeeze %dma_start3A_189 : memref<1x128x128xf32, #tpu.memory_space<vmem>> -> memref<128x128xf32, #tpu.memory_space<vmem>>
    tpu.enqueue_dma source(%dma_start3A_190 : memref<128x128xf32, #tpu.memory_space<vmem>>) target(%dma_start3A_186 : memref<128x128xf32, #tpu.memory_space<hbm>>) target_semaphore(%dma_start3A_184 : memref<!tpu.dma_semaphore, #tpu.memory_space<semaphore_mem>>)
    %mul3A_191 = arith.constant 4 : i32
    %mul3A_192 = arith.muli %scan3A_121, %mul3A_191 : i32
    %add3A_193 = arith.constant 1 : i32
    %add3A_194 = arith.addi %mul3A_192, %add3A_193 : i32
    %dma_wait3A_195 = arith.constant 1 : i32
    %dma_wait3A_196 = arith.constant 1 : i32
    %dma_wait3A_197 = arith.constant 0 : i32
    %dma_wait3A_198 = arith.constant 0 : i32
    %dma_wait3A_199 = tpu.memref_slice %arg6[%dma_wait3A_195, %dma_wait3A_197, %dma_wait3A_198] : memref<4x128x128xf32, #tpu.memory_space<vmem>> -> memref<1x128x128xf32, #tpu.memory_space<vmem>>
    %dma_wait3A_200 = tpu.memref_squeeze %dma_wait3A_199 : memref<1x128x128xf32, #tpu.memory_space<vmem>> -> memref<128x128xf32, #tpu.memory_space<vmem>>
    %dma_wait3A_201 = arith.constant 0 : i32
    %dma_wait3A_202 = arith.constant 0 : i32
    %dma_wait3A_203 = tpu.memref_slice %arg4[%dma_wait3A_201, %dma_wait3A_202] : memref<32768x128xf32, #tpu.memory_space<hbm>> -> memref<128x128xf32, #tpu.memory_space<hbm>>
    %dma_wait3A_204 = tpu.memref_slice %arg9[%dma_wait3A_196] : memref<4x!tpu.dma_semaphore, #tpu.memory_space<semaphore_mem>> -> memref<1x!tpu.dma_semaphore, #tpu.memory_space<semaphore_mem>>
    %dma_wait3A_205 = tpu.memref_squeeze %dma_wait3A_204 : memref<1x!tpu.dma_semaphore, #tpu.memory_space<semaphore_mem>> -> memref<!tpu.dma_semaphore, #tpu.memory_space<semaphore_mem>>
    %dma_wait3A_206 = arith.constant 0 : i32
    %dma_wait3A_207 = arith.constant 0 : i32
    %dma_wait3A_208 = tpu.memref_slice %arg4[%dma_wait3A_206, %dma_wait3A_207] : memref<32768x128xf32, #tpu.memory_space<hbm>> -> memref<128x128xf32, #tpu.memory_space<hbm>>
    %dma_wait3A_209 = arith.constant 0 : i32
    %dma_wait3A_210 = arith.constant 0 : i32
    %dma_wait3A_211 = tpu.memref_slice %arg6[%dma_wait3A_195, %dma_wait3A_209, %dma_wait3A_210] : memref<4x128x128xf32, #tpu.memory_space<vmem>> -> memref<1x128x128xf32, #tpu.memory_space<vmem>>
    %dma_wait3A_212 = tpu.memref_squeeze %dma_wait3A_211 : memref<1x128x128xf32, #tpu.memory_space<vmem>> -> memref<128x128xf32, #tpu.memory_space<vmem>>
    tpu.wait_dma2 semaphore(%dma_wait3A_205 : memref<!tpu.dma_semaphore, #tpu.memory_space<semaphore_mem>>) src(%dma_wait3A_212 : memref<128x128xf32, #tpu.memory_space<vmem>>) dst(%dma_wait3A_208 : memref<128x128xf32, #tpu.memory_space<hbm>>)
    %mul3A_213 = arith.constant 128 : i32
    %mul3A_214 = arith.muli %add3A_194, %mul3A_213 : i32
    %dma_start3A_215 = arith.constant 1 : i32
    %dma_start3A_216 = arith.constant 1 : i32
    %dma_start3A_217 = arith.constant 0 : i32
    %dma_start3A_218 = arith.constant 0 : i32
    %dma_start3A_219 = tpu.memref_slice %arg6[%dma_start3A_215, %dma_start3A_217, %dma_start3A_218] : memref<4x128x128xf32, #tpu.memory_space<vmem>> -> memref<1x128x128xf32, #tpu.memory_space<vmem>>
    %dma_start3A_220 = tpu.memref_squeeze %dma_start3A_219 : memref<1x128x128xf32, #tpu.memory_space<vmem>> -> memref<128x128xf32, #tpu.memory_space<vmem>>
    %dma_start3A_221 = tpu.memref_slice %arg5[%mul3A_214] : memref<1024xi32, #tpu.memory_space<vmem>> -> memref<128xi32, #tpu.memory_space<vmem>>
    %dma_start3A_222 = arith.constant 0 : i32
    %dma_start3A_223 = arith.constant 0 : i32
    %dma_start3A_224 = tpu.memref_slice %arg2[%dma_start3A_222, %dma_start3A_223] : memref<1000000x128xf32, #tpu.memory_space<hbm>> -> memref<1000000x128xf32, #tpu.memory_space<hbm>>
    %dma_start3A_225 = tpu.memref_slice %arg8[%dma_start3A_216] : memref<4x!tpu.dma_semaphore, #tpu.memory_space<semaphore_mem>> -> memref<1x!tpu.dma_semaphore, #tpu.memory_space<semaphore_mem>>
    %dma_start3A_226 = tpu.memref_squeeze %dma_start3A_225 : memref<1x!tpu.dma_semaphore, #tpu.memory_space<semaphore_mem>> -> memref<!tpu.dma_semaphore, #tpu.memory_space<semaphore_mem>>
    tpu.enqueue_indirect_dma source(%dma_start3A_224 : memref<1000000x128xf32, #tpu.memory_space<hbm>>) target(%dma_start3A_220 : memref<128x128xf32, #tpu.memory_space<vmem>>) offsets(%dma_start3A_221 : memref<128xi32, #tpu.memory_space<vmem>>) semaphore(%dma_start3A_226 : memref<!tpu.dma_semaphore, #tpu.memory_space<semaphore_mem>>)
    %dma_wait3A_227 = arith.constant 3 : i32
    %dma_wait3A_228 = arith.constant 3 : i32
    %dma_wait3A_229 = arith.constant 0 : i32
    %dma_wait3A_230 = arith.constant 0 : i32
    %dma_wait3A_231 = tpu.memref_slice %arg6[%dma_wait3A_227, %dma_wait3A_229, %dma_wait3A_230] : memref<4x128x128xf32, #tpu.memory_space<vmem>> -> memref<1x128x128xf32, #tpu.memory_space<vmem>>
    %dma_wait3A_232 = tpu.memref_squeeze %dma_wait3A_231 : memref<1x128x128xf32, #tpu.memory_space<vmem>> -> memref<128x128xf32, #tpu.memory_space<vmem>>
    %dma_wait3A_233 = arith.constant 0 : i32
    %dma_wait3A_234 = tpu.memref_slice %arg5[%dma_wait3A_233] : memref<1024xi32, #tpu.memory_space<vmem>> -> memref<128xi32, #tpu.memory_space<vmem>>
    %dma_wait3A_235 = arith.constant 0 : i32
    %dma_wait3A_236 = arith.constant 0 : i32
    %dma_wait3A_237 = tpu.memref_slice %arg2[%dma_wait3A_235, %dma_wait3A_236] : memref<1000000x128xf32, #tpu.memory_space<hbm>> -> memref<1000000x128xf32, #tpu.memory_space<hbm>>
    %dma_wait3A_238 = tpu.memref_slice %arg8[%dma_wait3A_228] : memref<4x!tpu.dma_semaphore, #tpu.memory_space<semaphore_mem>> -> memref<1x!tpu.dma_semaphore, #tpu.memory_space<semaphore_mem>>
    %dma_wait3A_239 = tpu.memref_squeeze %dma_wait3A_238 : memref<1x!tpu.dma_semaphore, #tpu.memory_space<semaphore_mem>> -> memref<!tpu.dma_semaphore, #tpu.memory_space<semaphore_mem>>
    tpu.wait_indirect_dma semaphore(%dma_wait3A_239 : memref<!tpu.dma_semaphore, #tpu.memory_space<semaphore_mem>>) src(%dma_wait3A_237 : memref<1000000x128xf32, #tpu.memory_space<hbm>>) dst(%dma_wait3A_232 : memref<128x128xf32, #tpu.memory_space<vmem>>)
    %sub3A_240 = arith.constant 2 : i32
    %sub3A_241 = arith.subi %add3A_194, %sub3A_240 : i32
    %mul3A_242 = arith.constant 128 : i32
    %mul3A_243 = arith.muli %sub3A_241, %mul3A_242 : i32
    %add3A_244 = arith.addi %mul3A_2, %mul3A_243 : i32
    %dma_start3A_245 = arith.constant 3 : i32
    %dma_start3A_246 = arith.constant 3 : i32
    %dma_start3A_247 = arith.constant 0 : i32
    %dma_start3A_248 = arith.constant 0 : i32
    %dma_start3A_249 = tpu.memref_slice %arg6[%dma_start3A_245, %dma_start3A_247, %dma_start3A_248] : memref<4x128x128xf32, #tpu.memory_space<vmem>> -> memref<1x128x128xf32, #tpu.memory_space<vmem>>
    %dma_start3A_250 = tpu.memref_squeeze %dma_start3A_249 : memref<1x128x128xf32, #tpu.memory_space<vmem>> -> memref<128x128xf32, #tpu.memory_space<vmem>>
    %dma_start3A_251 = arith.constant 0 : i32
    %dma_start3A_252 = tpu.memref_slice %arg4[%add3A_244, %dma_start3A_251] : memref<32768x128xf32, #tpu.memory_space<hbm>> -> memref<128x128xf32, #tpu.memory_space<hbm>>
    %dma_start3A_253 = tpu.memref_slice %arg9[%dma_start3A_246] : memref<4x!tpu.dma_semaphore, #tpu.memory_space<semaphore_mem>> -> memref<1x!tpu.dma_semaphore, #tpu.memory_space<semaphore_mem>>
    %dma_start3A_254 = tpu.memref_squeeze %dma_start3A_253 : memref<1x!tpu.dma_semaphore, #tpu.memory_space<semaphore_mem>> -> memref<!tpu.dma_semaphore, #tpu.memory_space<semaphore_mem>>
    %dma_start3A_255 = arith.constant 0 : i32
    %dma_start3A_256 = tpu.memref_slice %arg4[%add3A_244, %dma_start3A_255] : memref<32768x128xf32, #tpu.memory_space<hbm>> -> memref<128x128xf32, #tpu.memory_space<hbm>>
    %dma_start3A_257 = arith.constant 0 : i32
    %dma_start3A_258 = arith.constant 0 : i32
    %dma_start3A_259 = tpu.memref_slice %arg6[%dma_start3A_245, %dma_start3A_257, %dma_start3A_258] : memref<4x128x128xf32, #tpu.memory_space<vmem>> -> memref<1x128x128xf32, #tpu.memory_space<vmem>>
    %dma_start3A_260 = tpu.memref_squeeze %dma_start3A_259 : memref<1x128x128xf32, #tpu.memory_space<vmem>> -> memref<128x128xf32, #tpu.memory_space<vmem>>
    tpu.enqueue_dma source(%dma_start3A_260 : memref<128x128xf32, #tpu.memory_space<vmem>>) target(%dma_start3A_256 : memref<128x128xf32, #tpu.memory_space<hbm>>) target_semaphore(%dma_start3A_254 : memref<!tpu.dma_semaphore, #tpu.memory_space<semaphore_mem>>)
    %mul3A_261 = arith.constant 4 : i32
    %mul3A_262 = arith.muli %scan3A_121, %mul3A_261 : i32
    %add3A_263 = arith.constant 2 : i32
    %add3A_264 = arith.addi %mul3A_262, %add3A_263 : i32
    %dma_wait3A_265 = arith.constant 2 : i32
    %dma_wait3A_266 = arith.constant 2 : i32
    %dma_wait3A_267 = arith.constant 0 : i32
    %dma_wait3A_268 = arith.constant 0 : i32
    %dma_wait3A_269 = tpu.memref_slice %arg6[%dma_wait3A_265, %dma_wait3A_267, %dma_wait3A_268] : memref<4x128x128xf32, #tpu.memory_space<vmem>> -> memref<1x128x128xf32, #tpu.memory_space<vmem>>
    %dma_wait3A_270 = tpu.memref_squeeze %dma_wait3A_269 : memref<1x128x128xf32, #tpu.memory_space<vmem>> -> memref<128x128xf32, #tpu.memory_space<vmem>>
    %dma_wait3A_271 = arith.constant 0 : i32
    %dma_wait3A_272 = arith.constant 0 : i32
    %dma_wait3A_273 = tpu.memref_slice %arg4[%dma_wait3A_271, %dma_wait3A_272] : memref<32768x128xf32, #tpu.memory_space<hbm>> -> memref<128x128xf32, #tpu.memory_space<hbm>>
    %dma_wait3A_274 = tpu.memref_slice %arg9[%dma_wait3A_266] : memref<4x!tpu.dma_semaphore, #tpu.memory_space<semaphore_mem>> -> memref<1x!tpu.dma_semaphore, #tpu.memory_space<semaphore_mem>>
    %dma_wait3A_275 = tpu.memref_squeeze %dma_wait3A_274 : memref<1x!tpu.dma_semaphore, #tpu.memory_space<semaphore_mem>> -> memref<!tpu.dma_semaphore, #tpu.memory_space<semaphore_mem>>
    %dma_wait3A_276 = arith.constant 0 : i32
    %dma_wait3A_277 = arith.constant 0 : i32
    %dma_wait3A_278 = tpu.memref_slice %arg4[%dma_wait3A_276, %dma_wait3A_277] : memref<32768x128xf32, #tpu.memory_space<hbm>> -> memref<128x128xf32, #tpu.memory_space<hbm>>
    %dma_wait3A_279 = arith.constant 0 : i32
    %dma_wait3A_280 = arith.constant 0 : i32
    %dma_wait3A_281 = tpu.memref_slice %arg6[%dma_wait3A_265, %dma_wait3A_279, %dma_wait3A_280] : memref<4x128x128xf32, #tpu.memory_space<vmem>> -> memref<1x128x128xf32, #tpu.memory_space<vmem>>
    %dma_wait3A_282 = tpu.memref_squeeze %dma_wait3A_281 : memref<1x128x128xf32, #tpu.memory_space<vmem>> -> memref<128x128xf32, #tpu.memory_space<vmem>>
    tpu.wait_dma2 semaphore(%dma_wait3A_275 : memref<!tpu.dma_semaphore, #tpu.memory_space<semaphore_mem>>) src(%dma_wait3A_282 : memref<128x128xf32, #tpu.memory_space<vmem>>) dst(%dma_wait3A_278 : memref<128x128xf32, #tpu.memory_space<hbm>>)
    %mul3A_283 = arith.constant 128 : i32
    %mul3A_284 = arith.muli %add3A_264, %mul3A_283 : i32
    %dma_start3A_285 = arith.constant 2 : i32
    %dma_start3A_286 = arith.constant 2 : i32
    %dma_start3A_287 = arith.constant 0 : i32
    %dma_start3A_288 = arith.constant 0 : i32
    %dma_start3A_289 = tpu.memref_slice %arg6[%dma_start3A_285, %dma_start3A_287, %dma_start3A_288] : memref<4x128x128xf32, #tpu.memory_space<vmem>> -> memref<1x128x128xf32, #tpu.memory_space<vmem>>
    %dma_start3A_290 = tpu.memref_squeeze %dma_start3A_289 : memref<1x128x128xf32, #tpu.memory_space<vmem>> -> memref<128x128xf32, #tpu.memory_space<vmem>>
    %dma_start3A_291 = tpu.memref_slice %arg5[%mul3A_284] : memref<1024xi32, #tpu.memory_space<vmem>> -> memref<128xi32, #tpu.memory_space<vmem>>
    %dma_start3A_292 = arith.constant 0 : i32
    %dma_start3A_293 = arith.constant 0 : i32
    %dma_start3A_294 = tpu.memref_slice %arg2[%dma_start3A_292, %dma_start3A_293] : memref<1000000x128xf32, #tpu.memory_space<hbm>> -> memref<1000000x128xf32, #tpu.memory_space<hbm>>
    %dma_start3A_295 = tpu.memref_slice %arg8[%dma_start3A_286] : memref<4x!tpu.dma_semaphore, #tpu.memory_space<semaphore_mem>> -> memref<1x!tpu.dma_semaphore, #tpu.memory_space<semaphore_mem>>
    %dma_start3A_296 = tpu.memref_squeeze %dma_start3A_295 : memref<1x!tpu.dma_semaphore, #tpu.memory_space<semaphore_mem>> -> memref<!tpu.dma_semaphore, #tpu.memory_space<semaphore_mem>>
    tpu.enqueue_indirect_dma source(%dma_start3A_294 : memref<1000000x128xf32, #tpu.memory_space<hbm>>) target(%dma_start3A_290 : memref<128x128xf32, #tpu.memory_space<vmem>>) offsets(%dma_start3A_291 : memref<128xi32, #tpu.memory_space<vmem>>) semaphore(%dma_start3A_296 : memref<!tpu.dma_semaphore, #tpu.memory_space<semaphore_mem>>)
    %dma_wait3A_297 = arith.constant 0 : i32
    %dma_wait3A_298 = arith.constant 0 : i32
    %dma_wait3A_299 = arith.constant 0 : i32
    %dma_wait3A_300 = arith.constant 0 : i32
    %dma_wait3A_301 = tpu.memref_slice %arg6[%dma_wait3A_297, %dma_wait3A_299, %dma_wait3A_300] : memref<4x128x128xf32, #tpu.memory_space<vmem>> -> memref<1x128x128xf32, #tpu.memory_space<vmem>>
    %dma_wait3A_302 = tpu.memref_squeeze %dma_wait3A_301 : memref<1x128x128xf32, #tpu.memory_space<vmem>> -> memref<128x128xf32, #tpu.memory_space<vmem>>
    %dma_wait3A_303 = arith.constant 0 : i32
    %dma_wait3A_304 = tpu.memref_slice %arg5[%dma_wait3A_303] : memref<1024xi32, #tpu.memory_space<vmem>> -> memref<128xi32, #tpu.memory_space<vmem>>
    %dma_wait3A_305 = arith.constant 0 : i32
    %dma_wait3A_306 = arith.constant 0 : i32
    %dma_wait3A_307 = tpu.memref_slice %arg2[%dma_wait3A_305, %dma_wait3A_306] : memref<1000000x128xf32, #tpu.memory_space<hbm>> -> memref<1000000x128xf32, #tpu.memory_space<hbm>>
    %dma_wait3A_308 = tpu.memref_slice %arg8[%dma_wait3A_298] : memref<4x!tpu.dma_semaphore, #tpu.memory_space<semaphore_mem>> -> memref<1x!tpu.dma_semaphore, #tpu.memory_space<semaphore_mem>>
    %dma_wait3A_309 = tpu.memref_squeeze %dma_wait3A_308 : memref<1x!tpu.dma_semaphore, #tpu.memory_space<semaphore_mem>> -> memref<!tpu.dma_semaphore, #tpu.memory_space<semaphore_mem>>
    tpu.wait_indirect_dma semaphore(%dma_wait3A_309 : memref<!tpu.dma_semaphore, #tpu.memory_space<semaphore_mem>>) src(%dma_wait3A_307 : memref<1000000x128xf32, #tpu.memory_space<hbm>>) dst(%dma_wait3A_302 : memref<128x128xf32, #tpu.memory_space<vmem>>)
    %sub3A_310 = arith.constant 2 : i32
    %sub3A_311 = arith.subi %add3A_264, %sub3A_310 : i32
    %mul3A_312 = arith.constant 128 : i32
    %mul3A_313 = arith.muli %sub3A_311, %mul3A_312 : i32
    %add3A_314 = arith.addi %mul3A_2, %mul3A_313 : i32
    %dma_start3A_315 = arith.constant 0 : i32
    %dma_start3A_316 = arith.constant 0 : i32
    %dma_start3A_317 = arith.constant 0 : i32
    %dma_start3A_318 = arith.constant 0 : i32
    %dma_start3A_319 = tpu.memref_slice %arg6[%dma_start3A_315, %dma_start3A_317, %dma_start3A_318] : memref<4x128x128xf32, #tpu.memory_space<vmem>> -> memref<1x128x128xf32, #tpu.memory_space<vmem>>
    %dma_start3A_320 = tpu.memref_squeeze %dma_start3A_319 : memref<1x128x128xf32, #tpu.memory_space<vmem>> -> memref<128x128xf32, #tpu.memory_space<vmem>>
    %dma_start3A_321 = arith.constant 0 : i32
    %dma_start3A_322 = tpu.memref_slice %arg4[%add3A_314, %dma_start3A_321] : memref<32768x128xf32, #tpu.memory_space<hbm>> -> memref<128x128xf32, #tpu.memory_space<hbm>>
    %dma_start3A_323 = tpu.memref_slice %arg9[%dma_start3A_316] : memref<4x!tpu.dma_semaphore, #tpu.memory_space<semaphore_mem>> -> memref<1x!tpu.dma_semaphore, #tpu.memory_space<semaphore_mem>>
    %dma_start3A_324 = tpu.memref_squeeze %dma_start3A_323 : memref<1x!tpu.dma_semaphore, #tpu.memory_space<semaphore_mem>> -> memref<!tpu.dma_semaphore, #tpu.memory_space<semaphore_mem>>
    %dma_start3A_325 = arith.constant 0 : i32
    %dma_start3A_326 = tpu.memref_slice %arg4[%add3A_314, %dma_start3A_325] : memref<32768x128xf32, #tpu.memory_space<hbm>> -> memref<128x128xf32, #tpu.memory_space<hbm>>
    %dma_start3A_327 = arith.constant 0 : i32
    %dma_start3A_328 = arith.constant 0 : i32
    %dma_start3A_329 = tpu.memref_slice %arg6[%dma_start3A_315, %dma_start3A_327, %dma_start3A_328] : memref<4x128x128xf32, #tpu.memory_space<vmem>> -> memref<1x128x128xf32, #tpu.memory_space<vmem>>
    %dma_start3A_330 = tpu.memref_squeeze %dma_start3A_329 : memref<1x128x128xf32, #tpu.memory_space<vmem>> -> memref<128x128xf32, #tpu.memory_space<vmem>>
    tpu.enqueue_dma source(%dma_start3A_330 : memref<128x128xf32, #tpu.memory_space<vmem>>) target(%dma_start3A_326 : memref<128x128xf32, #tpu.memory_space<hbm>>) target_semaphore(%dma_start3A_324 : memref<!tpu.dma_semaphore, #tpu.memory_space<semaphore_mem>>)
    %mul3A_331 = arith.constant 4 : i32
    %mul3A_332 = arith.muli %scan3A_121, %mul3A_331 : i32
    %add3A_333 = arith.constant 3 : i32
    %add3A_334 = arith.addi %mul3A_332, %add3A_333 : i32
    %dma_wait3A_335 = arith.constant 3 : i32
    %dma_wait3A_336 = arith.constant 3 : i32
    %dma_wait3A_337 = arith.constant 0 : i32
    %dma_wait3A_338 = arith.constant 0 : i32
    %dma_wait3A_339 = tpu.memref_slice %arg6[%dma_wait3A_335, %dma_wait3A_337, %dma_wait3A_338] : memref<4x128x128xf32, #tpu.memory_space<vmem>> -> memref<1x128x128xf32, #tpu.memory_space<vmem>>
    %dma_wait3A_340 = tpu.memref_squeeze %dma_wait3A_339 : memref<1x128x128xf32, #tpu.memory_space<vmem>> -> memref<128x128xf32, #tpu.memory_space<vmem>>
    %dma_wait3A_341 = arith.constant 0 : i32
    %dma_wait3A_342 = arith.constant 0 : i32
    %dma_wait3A_343 = tpu.memref_slice %arg4[%dma_wait3A_341, %dma_wait3A_342] : memref<32768x128xf32, #tpu.memory_space<hbm>> -> memref<128x128xf32, #tpu.memory_space<hbm>>
    %dma_wait3A_344 = tpu.memref_slice %arg9[%dma_wait3A_336] : memref<4x!tpu.dma_semaphore, #tpu.memory_space<semaphore_mem>> -> memref<1x!tpu.dma_semaphore, #tpu.memory_space<semaphore_mem>>
    %dma_wait3A_345 = tpu.memref_squeeze %dma_wait3A_344 : memref<1x!tpu.dma_semaphore, #tpu.memory_space<semaphore_mem>> -> memref<!tpu.dma_semaphore, #tpu.memory_space<semaphore_mem>>
    %dma_wait3A_346 = arith.constant 0 : i32
    %dma_wait3A_347 = arith.constant 0 : i32
    %dma_wait3A_348 = tpu.memref_slice %arg4[%dma_wait3A_346, %dma_wait3A_347] : memref<32768x128xf32, #tpu.memory_space<hbm>> -> memref<128x128xf32, #tpu.memory_space<hbm>>
    %dma_wait3A_349 = arith.constant 0 : i32
    %dma_wait3A_350 = arith.constant 0 : i32
    %dma_wait3A_351 = tpu.memref_slice %arg6[%dma_wait3A_335, %dma_wait3A_349, %dma_wait3A_350] : memref<4x128x128xf32, #tpu.memory_space<vmem>> -> memref<1x128x128xf32, #tpu.memory_space<vmem>>
    %dma_wait3A_352 = tpu.memref_squeeze %dma_wait3A_351 : memref<1x128x128xf32, #tpu.memory_space<vmem>> -> memref<128x128xf32, #tpu.memory_space<vmem>>
    tpu.wait_dma2 semaphore(%dma_wait3A_345 : memref<!tpu.dma_semaphore, #tpu.memory_space<semaphore_mem>>) src(%dma_wait3A_352 : memref<128x128xf32, #tpu.memory_space<vmem>>) dst(%dma_wait3A_348 : memref<128x128xf32, #tpu.memory_space<hbm>>)
    %mul3A_353 = arith.constant 128 : i32
    %mul3A_354 = arith.muli %add3A_334, %mul3A_353 : i32
    %dma_start3A_355 = arith.constant 3 : i32
    %dma_start3A_356 = arith.constant 3 : i32
    %dma_start3A_357 = arith.constant 0 : i32
    %dma_start3A_358 = arith.constant 0 : i32
    %dma_start3A_359 = tpu.memref_slice %arg6[%dma_start3A_355, %dma_start3A_357, %dma_start3A_358] : memref<4x128x128xf32, #tpu.memory_space<vmem>> -> memref<1x128x128xf32, #tpu.memory_space<vmem>>
    %dma_start3A_360 = tpu.memref_squeeze %dma_start3A_359 : memref<1x128x128xf32, #tpu.memory_space<vmem>> -> memref<128x128xf32, #tpu.memory_space<vmem>>
    %dma_start3A_361 = tpu.memref_slice %arg5[%mul3A_354] : memref<1024xi32, #tpu.memory_space<vmem>> -> memref<128xi32, #tpu.memory_space<vmem>>
    %dma_start3A_362 = arith.constant 0 : i32
    %dma_start3A_363 = arith.constant 0 : i32
    %dma_start3A_364 = tpu.memref_slice %arg2[%dma_start3A_362, %dma_start3A_363] : memref<1000000x128xf32, #tpu.memory_space<hbm>> -> memref<1000000x128xf32, #tpu.memory_space<hbm>>
    %dma_start3A_365 = tpu.memref_slice %arg8[%dma_start3A_356] : memref<4x!tpu.dma_semaphore, #tpu.memory_space<semaphore_mem>> -> memref<1x!tpu.dma_semaphore, #tpu.memory_space<semaphore_mem>>
    %dma_start3A_366 = tpu.memref_squeeze %dma_start3A_365 : memref<1x!tpu.dma_semaphore, #tpu.memory_space<semaphore_mem>> -> memref<!tpu.dma_semaphore, #tpu.memory_space<semaphore_mem>>
    tpu.enqueue_indirect_dma source(%dma_start3A_364 : memref<1000000x128xf32, #tpu.memory_space<hbm>>) target(%dma_start3A_360 : memref<128x128xf32, #tpu.memory_space<vmem>>) offsets(%dma_start3A_361 : memref<128xi32, #tpu.memory_space<vmem>>) semaphore(%dma_start3A_366 : memref<!tpu.dma_semaphore, #tpu.memory_space<semaphore_mem>>)
    %dma_wait3A_367 = arith.constant 1 : i32
    %dma_wait3A_368 = arith.constant 1 : i32
    %dma_wait3A_369 = arith.constant 0 : i32
    %dma_wait3A_370 = arith.constant 0 : i32
    %dma_wait3A_371 = tpu.memref_slice %arg6[%dma_wait3A_367, %dma_wait3A_369, %dma_wait3A_370] : memref<4x128x128xf32, #tpu.memory_space<vmem>> -> memref<1x128x128xf32, #tpu.memory_space<vmem>>
    %dma_wait3A_372 = tpu.memref_squeeze %dma_wait3A_371 : memref<1x128x128xf32, #tpu.memory_space<vmem>> -> memref<128x128xf32, #tpu.memory_space<vmem>>
    %dma_wait3A_373 = arith.constant 0 : i32
    %dma_wait3A_374 = tpu.memref_slice %arg5[%dma_wait3A_373] : memref<1024xi32, #tpu.memory_space<vmem>> -> memref<128xi32, #tpu.memory_space<vmem>>
    %dma_wait3A_375 = arith.constant 0 : i32
    %dma_wait3A_376 = arith.constant 0 : i32
    %dma_wait3A_377 = tpu.memref_slice %arg2[%dma_wait3A_375, %dma_wait3A_376] : memref<1000000x128xf32, #tpu.memory_space<hbm>> -> memref<1000000x128xf32, #tpu.memory_space<hbm>>
    %dma_wait3A_378 = tpu.memref_slice %arg8[%dma_wait3A_368] : memref<4x!tpu.dma_semaphore, #tpu.memory_space<semaphore_mem>> -> memref<1x!tpu.dma_semaphore, #tpu.memory_space<semaphore_mem>>
    %dma_wait3A_379 = tpu.memref_squeeze %dma_wait3A_378 : memref<1x!tpu.dma_semaphore, #tpu.memory_space<semaphore_mem>> -> memref<!tpu.dma_semaphore, #tpu.memory_space<semaphore_mem>>
    tpu.wait_indirect_dma semaphore(%dma_wait3A_379 : memref<!tpu.dma_semaphore, #tpu.memory_space<semaphore_mem>>) src(%dma_wait3A_377 : memref<1000000x128xf32, #tpu.memory_space<hbm>>) dst(%dma_wait3A_372 : memref<128x128xf32, #tpu.memory_space<vmem>>)
    %sub3A_380 = arith.constant 2 : i32
    %sub3A_381 = arith.subi %add3A_334, %sub3A_380 : i32
    %mul3A_382 = arith.constant 128 : i32
    %mul3A_383 = arith.muli %sub3A_381, %mul3A_382 : i32
    %add3A_384 = arith.addi %mul3A_2, %mul3A_383 : i32
    %dma_start3A_385 = arith.constant 1 : i32
    %dma_start3A_386 = arith.constant 1 : i32
    %dma_start3A_387 = arith.constant 0 : i32
    %dma_start3A_388 = arith.constant 0 : i32
    %dma_start3A_389 = tpu.memref_slice %arg6[%dma_start3A_385, %dma_start3A_387, %dma_start3A_388] : memref<4x128x128xf32, #tpu.memory_space<vmem>> -> memref<1x128x128xf32, #tpu.memory_space<vmem>>
    %dma_start3A_390 = tpu.memref_squeeze %dma_start3A_389 : memref<1x128x128xf32, #tpu.memory_space<vmem>> -> memref<128x128xf32, #tpu.memory_space<vmem>>
    %dma_start3A_391 = arith.constant 0 : i32
    %dma_start3A_392 = tpu.memref_slice %arg4[%add3A_384, %dma_start3A_391] : memref<32768x128xf32, #tpu.memory_space<hbm>> -> memref<128x128xf32, #tpu.memory_space<hbm>>
    %dma_start3A_393 = tpu.memref_slice %arg9[%dma_start3A_386] : memref<4x!tpu.dma_semaphore, #tpu.memory_space<semaphore_mem>> -> memref<1x!tpu.dma_semaphore, #tpu.memory_space<semaphore_mem>>
    %dma_start3A_394 = tpu.memref_squeeze %dma_start3A_393 : memref<1x!tpu.dma_semaphore, #tpu.memory_space<semaphore_mem>> -> memref<!tpu.dma_semaphore, #tpu.memory_space<semaphore_mem>>
    %dma_start3A_395 = arith.constant 0 : i32
    %dma_start3A_396 = tpu.memref_slice %arg4[%add3A_384, %dma_start3A_395] : memref<32768x128xf32, #tpu.memory_space<hbm>> -> memref<128x128xf32, #tpu.memory_space<hbm>>
    %dma_start3A_397 = arith.constant 0 : i32
    %dma_start3A_398 = arith.constant 0 : i32
    %dma_start3A_399 = tpu.memref_slice %arg6[%dma_start3A_385, %dma_start3A_397, %dma_start3A_398] : memref<4x128x128xf32, #tpu.memory_space<vmem>> -> memref<1x128x128xf32, #tpu.memory_space<vmem>>
    %dma_start3A_400 = tpu.memref_squeeze %dma_start3A_399 : memref<1x128x128xf32, #tpu.memory_space<vmem>> -> memref<128x128xf32, #tpu.memory_space<vmem>>
    tpu.enqueue_dma source(%dma_start3A_400 : memref<128x128xf32, #tpu.memory_space<vmem>>) target(%dma_start3A_396 : memref<128x128xf32, #tpu.memory_space<hbm>>) target_semaphore(%dma_start3A_394 : memref<!tpu.dma_semaphore, #tpu.memory_space<semaphore_mem>>)
    %scan3A_401 = arith.constant 0 : i32
    %scan3A_402 = arith.constant 1 : i32
    %dma_wait3A_403 = arith.constant 2 : i32
    %dma_wait3A_404 = arith.constant 2 : i32
    %dma_wait3A_405 = arith.constant 0 : i32
    %dma_wait3A_406 = arith.constant 0 : i32
    %dma_wait3A_407 = tpu.memref_slice %arg6[%dma_wait3A_403, %dma_wait3A_405, %dma_wait3A_406] : memref<4x128x128xf32, #tpu.memory_space<vmem>> -> memref<1x128x128xf32, #tpu.memory_space<vmem>>
    %dma_wait3A_408 = tpu.memref_squeeze %dma_wait3A_407 : memref<1x128x128xf32, #tpu.memory_space<vmem>> -> memref<128x128xf32, #tpu.memory_space<vmem>>
    %dma_wait3A_409 = arith.constant 0 : i32
    %dma_wait3A_410 = tpu.memref_slice %arg5[%dma_wait3A_409] : memref<1024xi32, #tpu.memory_space<vmem>> -> memref<128xi32, #tpu.memory_space<vmem>>
    %dma_wait3A_411 = arith.constant 0 : i32
    %dma_wait3A_412 = arith.constant 0 : i32
    %dma_wait3A_413 = tpu.memref_slice %arg2[%dma_wait3A_411, %dma_wait3A_412] : memref<1000000x128xf32, #tpu.memory_space<hbm>> -> memref<1000000x128xf32, #tpu.memory_space<hbm>>
    %dma_wait3A_414 = tpu.memref_slice %arg8[%dma_wait3A_404] : memref<4x!tpu.dma_semaphore, #tpu.memory_space<semaphore_mem>> -> memref<1x!tpu.dma_semaphore, #tpu.memory_space<semaphore_mem>>
    %dma_wait3A_415 = tpu.memref_squeeze %dma_wait3A_414 : memref<1x!tpu.dma_semaphore, #tpu.memory_space<semaphore_mem>> -> memref<!tpu.dma_semaphore, #tpu.memory_space<semaphore_mem>>
    tpu.wait_indirect_dma semaphore(%dma_wait3A_415 : memref<!tpu.dma_semaphore, #tpu.memory_space<semaphore_mem>>) src(%dma_wait3A_413 : memref<1000000x128xf32, #tpu.memory_space<hbm>>) dst(%dma_wait3A_408 : memref<128x128xf32, #tpu.memory_space<vmem>>)
    %add3A_416 = arith.constant 768 : i32
    %add3A_417 = arith.addi %mul3A_2, %add3A_416 : i32
    %dma_start3A_418 = arith.constant 2 : i32
    %dma_start3A_419 = arith.constant 2 : i32
    %dma_start3A_420 = arith.constant 0 : i32
    %dma_start3A_421 = arith.constant 0 : i32
    %dma_start3A_422 = tpu.memref_slice %arg6[%dma_start3A_418, %dma_start3A_420, %dma_start3A_421] : memref<4x128x128xf32, #tpu.memory_space<vmem>> -> memref<1x128x128xf32, #tpu.memory_space<vmem>>
    %dma_start3A_423 = tpu.memref_squeeze %dma_start3A_422 : memref<1x128x128xf32, #tpu.memory_space<vmem>> -> memref<128x128xf32, #tpu.memory_space<vmem>>
    %dma_start3A_424 = arith.constant 0 : i32
    %dma_start3A_425 = tpu.memref_slice %arg4[%add3A_417, %dma_start3A_424] : memref<32768x128xf32, #tpu.memory_space<hbm>> -> memref<128x128xf32, #tpu.memory_space<hbm>>
    %dma_start3A_426 = tpu.memref_slice %arg9[%dma_start3A_419] : memref<4x!tpu.dma_semaphore, #tpu.memory_space<semaphore_mem>> -> memref<1x!tpu.dma_semaphore, #tpu.memory_space<semaphore_mem>>
    %dma_start3A_427 = tpu.memref_squeeze %dma_start3A_426 : memref<1x!tpu.dma_semaphore, #tpu.memory_space<semaphore_mem>> -> memref<!tpu.dma_semaphore, #tpu.memory_space<semaphore_mem>>
    %dma_start3A_428 = arith.constant 0 : i32
    %dma_start3A_429 = tpu.memref_slice %arg4[%add3A_417, %dma_start3A_428] : memref<32768x128xf32, #tpu.memory_space<hbm>> -> memref<128x128xf32, #tpu.memory_space<hbm>>
    %dma_start3A_430 = arith.constant 0 : i32
    %dma_start3A_431 = arith.constant 0 : i32
    %dma_start3A_432 = tpu.memref_slice %arg6[%dma_start3A_418, %dma_start3A_430, %dma_start3A_431] : memref<4x128x128xf32, #tpu.memory_space<vmem>> -> memref<1x128x128xf32, #tpu.memory_space<vmem>>
    %dma_start3A_433 = tpu.memref_squeeze %dma_start3A_432 : memref<1x128x128xf32, #tpu.memory_space<vmem>> -> memref<128x128xf32, #tpu.memory_space<vmem>>
    tpu.enqueue_dma source(%dma_start3A_433 : memref<128x128xf32, #tpu.memory_space<vmem>>) target(%dma_start3A_429 : memref<128x128xf32, #tpu.memory_space<hbm>>) target_semaphore(%dma_start3A_427 : memref<!tpu.dma_semaphore, #tpu.memory_space<semaphore_mem>>)
    %dma_wait3A_434 = arith.constant 3 : i32
    %dma_wait3A_435 = arith.constant 3 : i32
    %dma_wait3A_436 = arith.constant 0 : i32
    %dma_wait3A_437 = arith.constant 0 : i32
    %dma_wait3A_438 = tpu.memref_slice %arg6[%dma_wait3A_434, %dma_wait3A_436, %dma_wait3A_437] : memref<4x128x128xf32, #tpu.memory_space<vmem>> -> memref<1x128x128xf32, #tpu.memory_space<vmem>>
    %dma_wait3A_439 = tpu.memref_squeeze %dma_wait3A_438 : memref<1x128x128xf32, #tpu.memory_space<vmem>> -> memref<128x128xf32, #tpu.memory_space<vmem>>
    %dma_wait3A_440 = arith.constant 0 : i32
    %dma_wait3A_441 = tpu.memref_slice %arg5[%dma_wait3A_440] : memref<1024xi32, #tpu.memory_space<vmem>> -> memref<128xi32, #tpu.memory_space<vmem>>
    %dma_wait3A_442 = arith.constant 0 : i32
    %dma_wait3A_443 = arith.constant 0 : i32
    %dma_wait3A_444 = tpu.memref_slice %arg2[%dma_wait3A_442, %dma_wait3A_443] : memref<1000000x128xf32, #tpu.memory_space<hbm>> -> memref<1000000x128xf32, #tpu.memory_space<hbm>>
    %dma_wait3A_445 = tpu.memref_slice %arg8[%dma_wait3A_435] : memref<4x!tpu.dma_semaphore, #tpu.memory_space<semaphore_mem>> -> memref<1x!tpu.dma_semaphore, #tpu.memory_space<semaphore_mem>>
    %dma_wait3A_446 = tpu.memref_squeeze %dma_wait3A_445 : memref<1x!tpu.dma_semaphore, #tpu.memory_space<semaphore_mem>> -> memref<!tpu.dma_semaphore, #tpu.memory_space<semaphore_mem>>
    tpu.wait_indirect_dma semaphore(%dma_wait3A_446 : memref<!tpu.dma_semaphore, #tpu.memory_space<semaphore_mem>>) src(%dma_wait3A_444 : memref<1000000x128xf32, #tpu.memory_space<hbm>>) dst(%dma_wait3A_439 : memref<128x128xf32, #tpu.memory_space<vmem>>)
    %add3A_447 = arith.constant 896 : i32
    %add3A_448 = arith.addi %mul3A_2, %add3A_447 : i32
    %dma_start3A_449 = arith.constant 3 : i32
    %dma_start3A_450 = arith.constant 3 : i32
    %dma_start3A_451 = arith.constant 0 : i32
    %dma_start3A_452 = arith.constant 0 : i32
    %dma_start3A_453 = tpu.memref_slice %arg6[%dma_start3A_449, %dma_start3A_451, %dma_start3A_452] : memref<4x128x128xf32, #tpu.memory_space<vmem>> -> memref<1x128x128xf32, #tpu.memory_space<vmem>>
    %dma_start3A_454 = tpu.memref_squeeze %dma_start3A_453 : memref<1x128x128xf32, #tpu.memory_space<vmem>> -> memref<128x128xf32, #tpu.memory_space<vmem>>
    %dma_start3A_455 = arith.constant 0 : i32
    %dma_start3A_456 = tpu.memref_slice %arg4[%add3A_448, %dma_start3A_455] : memref<32768x128xf32, #tpu.memory_space<hbm>> -> memref<128x128xf32, #tpu.memory_space<hbm>>
    %dma_start3A_457 = tpu.memref_slice %arg9[%dma_start3A_450] : memref<4x!tpu.dma_semaphore, #tpu.memory_space<semaphore_mem>> -> memref<1x!tpu.dma_semaphore, #tpu.memory_space<semaphore_mem>>
    %dma_start3A_458 = tpu.memref_squeeze %dma_start3A_457 : memref<1x!tpu.dma_semaphore, #tpu.memory_space<semaphore_mem>> -> memref<!tpu.dma_semaphore, #tpu.memory_space<semaphore_mem>>
    %dma_start3A_459 = arith.constant 0 : i32
    %dma_start3A_460 = tpu.memref_slice %arg4[%add3A_448, %dma_start3A_459] : memref<32768x128xf32, #tpu.memory_space<hbm>> -> memref<128x128xf32, #tpu.memory_space<hbm>>
    %dma_start3A_461 = arith.constant 0 : i32
    %dma_start3A_462 = arith.constant 0 : i32
    %dma_start3A_463 = tpu.memref_slice %arg6[%dma_start3A_449, %dma_start3A_461, %dma_start3A_462] : memref<4x128x128xf32, #tpu.memory_space<vmem>> -> memref<1x128x128xf32, #tpu.memory_space<vmem>>
    %dma_start3A_464 = tpu.memref_squeeze %dma_start3A_463 : memref<1x128x128xf32, #tpu.memory_space<vmem>> -> memref<128x128xf32, #tpu.memory_space<vmem>>
    tpu.enqueue_dma source(%dma_start3A_464 : memref<128x128xf32, #tpu.memory_space<vmem>>) target(%dma_start3A_460 : memref<128x128xf32, #tpu.memory_space<hbm>>) target_semaphore(%dma_start3A_458 : memref<!tpu.dma_semaphore, #tpu.memory_space<semaphore_mem>>)
    %dma_wait3A_465 = arith.constant 0 : i32
    %dma_wait3A_466 = arith.constant 0 : i32
    %dma_wait3A_467 = arith.constant 0 : i32
    %dma_wait3A_468 = arith.constant 0 : i32
    %dma_wait3A_469 = tpu.memref_slice %arg6[%dma_wait3A_465, %dma_wait3A_467, %dma_wait3A_468] : memref<4x128x128xf32, #tpu.memory_space<vmem>> -> memref<1x128x128xf32, #tpu.memory_space<vmem>>
    %dma_wait3A_470 = tpu.memref_squeeze %dma_wait3A_469 : memref<1x128x128xf32, #tpu.memory_space<vmem>> -> memref<128x128xf32, #tpu.memory_space<vmem>>
    %dma_wait3A_471 = arith.constant 0 : i32
    %dma_wait3A_472 = arith.constant 0 : i32
    %dma_wait3A_473 = tpu.memref_slice %arg4[%dma_wait3A_471, %dma_wait3A_472] : memref<32768x128xf32, #tpu.memory_space<hbm>> -> memref<128x128xf32, #tpu.memory_space<hbm>>
    %dma_wait3A_474 = tpu.memref_slice %arg9[%dma_wait3A_466] : memref<4x!tpu.dma_semaphore, #tpu.memory_space<semaphore_mem>> -> memref<1x!tpu.dma_semaphore, #tpu.memory_space<semaphore_mem>>
    %dma_wait3A_475 = tpu.memref_squeeze %dma_wait3A_474 : memref<1x!tpu.dma_semaphore, #tpu.memory_space<semaphore_mem>> -> memref<!tpu.dma_semaphore, #tpu.memory_space<semaphore_mem>>
    %dma_wait3A_476 = arith.constant 0 : i32
    %dma_wait3A_477 = arith.constant 0 : i32
    %dma_wait3A_478 = tpu.memref_slice %arg4[%dma_wait3A_476, %dma_wait3A_477] : memref<32768x128xf32, #tpu.memory_space<hbm>> -> memref<128x128xf32, #tpu.memory_space<hbm>>
    %dma_wait3A_479 = arith.constant 0 : i32
    %dma_wait3A_480 = arith.constant 0 : i32
    %dma_wait3A_481 = tpu.memref_slice %arg6[%dma_wait3A_465, %dma_wait3A_479, %dma_wait3A_480] : memref<4x128x128xf32, #tpu.memory_space<vmem>> -> memref<1x128x128xf32, #tpu.memory_space<vmem>>
    %dma_wait3A_482 = tpu.memref_squeeze %dma_wait3A_481 : memref<1x128x128xf32, #tpu.memory_space<vmem>> -> memref<128x128xf32, #tpu.memory_space<vmem>>
    tpu.wait_dma2 semaphore(%dma_wait3A_475 : memref<!tpu.dma_semaphore, #tpu.memory_space<semaphore_mem>>) src(%dma_wait3A_482 : memref<128x128xf32, #tpu.memory_space<vmem>>) dst(%dma_wait3A_478 : memref<128x128xf32, #tpu.memory_space<hbm>>)
    %dma_wait3A_483 = arith.constant 1 : i32
    %dma_wait3A_484 = arith.constant 1 : i32
    %dma_wait3A_485 = arith.constant 0 : i32
    %dma_wait3A_486 = arith.constant 0 : i32
    %dma_wait3A_487 = tpu.memref_slice %arg6[%dma_wait3A_483, %dma_wait3A_485, %dma_wait3A_486] : memref<4x128x128xf32, #tpu.memory_space<vmem>> -> memref<1x128x128xf32, #tpu.memory_space<vmem>>
    %dma_wait3A_488 = tpu.memref_squeeze %dma_wait3A_487 : memref<1x128x128xf32, #tpu.memory_space<vmem>> -> memref<128x128xf32, #tpu.memory_space<vmem>>
    %dma_wait3A_489 = arith.constant 0 : i32
    %dma_wait3A_490 = arith.constant 0 : i32
    %dma_wait3A_491 = tpu.memref_slice %arg4[%dma_wait3A_489, %dma_wait3A_490] : memref<32768x128xf32, #tpu.memory_space<hbm>> -> memref<128x128xf32, #tpu.memory_space<hbm>>
    %dma_wait3A_492 = tpu.memref_slice %arg9[%dma_wait3A_484] : memref<4x!tpu.dma_semaphore, #tpu.memory_space<semaphore_mem>> -> memref<1x!tpu.dma_semaphore, #tpu.memory_space<semaphore_mem>>
    %dma_wait3A_493 = tpu.memref_squeeze %dma_wait3A_492 : memref<1x!tpu.dma_semaphore, #tpu.memory_space<semaphore_mem>> -> memref<!tpu.dma_semaphore, #tpu.memory_space<semaphore_mem>>
    %dma_wait3A_494 = arith.constant 0 : i32
    %dma_wait3A_495 = arith.constant 0 : i32
    %dma_wait3A_496 = tpu.memref_slice %arg4[%dma_wait3A_494, %dma_wait3A_495] : memref<32768x128xf32, #tpu.memory_space<hbm>> -> memref<128x128xf32, #tpu.memory_space<hbm>>
    %dma_wait3A_497 = arith.constant 0 : i32
    %dma_wait3A_498 = arith.constant 0 : i32
    %dma_wait3A_499 = tpu.memref_slice %arg6[%dma_wait3A_483, %dma_wait3A_497, %dma_wait3A_498] : memref<4x128x128xf32, #tpu.memory_space<vmem>> -> memref<1x128x128xf32, #tpu.memory_space<vmem>>
    %dma_wait3A_500 = tpu.memref_squeeze %dma_wait3A_499 : memref<1x128x128xf32, #tpu.memory_space<vmem>> -> memref<128x128xf32, #tpu.memory_space<vmem>>
    tpu.wait_dma2 semaphore(%dma_wait3A_493 : memref<!tpu.dma_semaphore, #tpu.memory_space<semaphore_mem>>) src(%dma_wait3A_500 : memref<128x128xf32, #tpu.memory_space<vmem>>) dst(%dma_wait3A_496 : memref<128x128xf32, #tpu.memory_space<hbm>>)
    %dma_wait3A_501 = arith.constant 2 : i32
    %dma_wait3A_502 = arith.constant 2 : i32
    %dma_wait3A_503 = arith.constant 0 : i32
    %dma_wait3A_504 = arith.constant 0 : i32
    %dma_wait3A_505 = tpu.memref_slice %arg6[%dma_wait3A_501, %dma_wait3A_503, %dma_wait3A_504] : memref<4x128x128xf32, #tpu.memory_space<vmem>> -> memref<1x128x128xf32, #tpu.memory_space<vmem>>
    %dma_wait3A_506 = tpu.memref_squeeze %dma_wait3A_505 : memref<1x128x128xf32, #tpu.memory_space<vmem>> -> memref<128x128xf32, #tpu.memory_space<vmem>>
    %dma_wait3A_507 = arith.constant 0 : i32
    %dma_wait3A_508 = arith.constant 0 : i32
    %dma_wait3A_509 = tpu.memref_slice %arg4[%dma_wait3A_507, %dma_wait3A_508] : memref<32768x128xf32, #tpu.memory_space<hbm>> -> memref<128x128xf32, #tpu.memory_space<hbm>>
    %dma_wait3A_510 = tpu.memref_slice %arg9[%dma_wait3A_502] : memref<4x!tpu.dma_semaphore, #tpu.memory_space<semaphore_mem>> -> memref<1x!tpu.dma_semaphore, #tpu.memory_space<semaphore_mem>>
    %dma_wait3A_511 = tpu.memref_squeeze %dma_wait3A_510 : memref<1x!tpu.dma_semaphore, #tpu.memory_space<semaphore_mem>> -> memref<!tpu.dma_semaphore, #tpu.memory_space<semaphore_mem>>
    %dma_wait3A_512 = arith.constant 0 : i32
    %dma_wait3A_513 = arith.constant 0 : i32
    %dma_wait3A_514 = tpu.memref_slice %arg4[%dma_wait3A_512, %dma_wait3A_513] : memref<32768x128xf32, #tpu.memory_space<hbm>> -> memref<128x128xf32, #tpu.memory_space<hbm>>
    %dma_wait3A_515 = arith.constant 0 : i32
    %dma_wait3A_516 = arith.constant 0 : i32
    %dma_wait3A_517 = tpu.memref_slice %arg6[%dma_wait3A_501, %dma_wait3A_515, %dma_wait3A_516] : memref<4x128x128xf32, #tpu.memory_space<vmem>> -> memref<1x128x128xf32, #tpu.memory_space<vmem>>
    %dma_wait3A_518 = tpu.memref_squeeze %dma_wait3A_517 : memref<1x128x128xf32, #tpu.memory_space<vmem>> -> memref<128x128xf32, #tpu.memory_space<vmem>>
    tpu.wait_dma2 semaphore(%dma_wait3A_511 : memref<!tpu.dma_semaphore, #tpu.memory_space<semaphore_mem>>) src(%dma_wait3A_518 : memref<128x128xf32, #tpu.memory_space<vmem>>) dst(%dma_wait3A_514 : memref<128x128xf32, #tpu.memory_space<hbm>>)
    %dma_wait3A_519 = arith.constant 3 : i32
    %dma_wait3A_520 = arith.constant 3 : i32
    %dma_wait3A_521 = arith.constant 0 : i32
    %dma_wait3A_522 = arith.constant 0 : i32
    %dma_wait3A_523 = tpu.memref_slice %arg6[%dma_wait3A_519, %dma_wait3A_521, %dma_wait3A_522] : memref<4x128x128xf32, #tpu.memory_space<vmem>> -> memref<1x128x128xf32, #tpu.memory_space<vmem>>
    %dma_wait3A_524 = tpu.memref_squeeze %dma_wait3A_523 : memref<1x128x128xf32, #tpu.memory_space<vmem>> -> memref<128x128xf32, #tpu.memory_space<vmem>>
    %dma_wait3A_525 = arith.constant 0 : i32
    %dma_wait3A_526 = arith.constant 0 : i32
    %dma_wait3A_527 = tpu.memref_slice %arg4[%dma_wait3A_525, %dma_wait3A_526] : memref<32768x128xf32, #tpu.memory_space<hbm>> -> memref<128x128xf32, #tpu.memory_space<hbm>>
    %dma_wait3A_528 = tpu.memref_slice %arg9[%dma_wait3A_520] : memref<4x!tpu.dma_semaphore, #tpu.memory_space<semaphore_mem>> -> memref<1x!tpu.dma_semaphore, #tpu.memory_space<semaphore_mem>>
    %dma_wait3A_529 = tpu.memref_squeeze %dma_wait3A_528 : memref<1x!tpu.dma_semaphore, #tpu.memory_space<semaphore_mem>> -> memref<!tpu.dma_semaphore, #tpu.memory_space<semaphore_mem>>
    %dma_wait3A_530 = arith.constant 0 : i32
    %dma_wait3A_531 = arith.constant 0 : i32
    %dma_wait3A_532 = tpu.memref_slice %arg4[%dma_wait3A_530, %dma_wait3A_531] : memref<32768x128xf32, #tpu.memory_space<hbm>> -> memref<128x128xf32, #tpu.memory_space<hbm>>
    %dma_wait3A_533 = arith.constant 0 : i32
    %dma_wait3A_534 = arith.constant 0 : i32
    %dma_wait3A_535 = tpu.memref_slice %arg6[%dma_wait3A_519, %dma_wait3A_533, %dma_wait3A_534] : memref<4x128x128xf32, #tpu.memory_space<vmem>> -> memref<1x128x128xf32, #tpu.memory_space<vmem>>
    %dma_wait3A_536 = tpu.memref_squeeze %dma_wait3A_535 : memref<1x128x128xf32, #tpu.memory_space<vmem>> -> memref<128x128xf32, #tpu.memory_space<vmem>>
    tpu.wait_dma2 semaphore(%dma_wait3A_529 : memref<!tpu.dma_semaphore, #tpu.memory_space<semaphore_mem>>) src(%dma_wait3A_536 : memref<128x128xf32, #tpu.memory_space<vmem>>) dst(%dma_wait3A_532 : memref<128x128xf32, #tpu.memory_space<hbm>>)
    return
  }
}

module attributes {stable_mosaic.version = 14 : i64} {
  func.func @_mm_body_alias(%arg0: i32, %arg1: memref<8192x128xf32, #tpu.memory_space<vmem>>, %arg2: memref<128x128xf32, #tpu.memory_space<vmem>>, %arg3: memref<1x128xf32, #tpu.memory_space<vmem>>, %arg4: memref<204800x128xf32, #tpu.memory_space<any>>, %arg5: memref<8192x128xf32, #tpu.memory_space<vmem>>) attributes {dimension_semantics = [#tpu.dimension_semantics<arbitrary>], iteration_bounds = array<i64: 6>, scalar_prefetch = 0 : i64, scratch_operands = 0 : i64, tpu.core_type = #tpu.core_type<tc>, window_params = [{transform_indices = @transform_0, window_bounds = array<i64: 8192, 128>}, {pipeline_mode = #tpu.pipeline_mode<synchronous>, transform_indices = @transform_1, window_bounds = array<i64: 128, 128>}, {pipeline_mode = #tpu.pipeline_mode<synchronous>, transform_indices = @transform_2, window_bounds = array<i64: 1, 128>}, {}, {transform_indices = @transform_4, window_bounds = array<i64: 8192, 128>}]} {
    %get3A = arith.constant 0 : index
    %get3A_0 = arith.constant 0 : index
    %get3A_1 = vector.load %arg1[%get3A, %get3A_0] : memref<8192x128xf32, #tpu.memory_space<vmem>>, vector<8192x128xf32>
    %get3A_2 = arith.constant 0 : index
    %get3A_3 = arith.constant 0 : index
    %get3A_4 = vector.load %arg2[%get3A_2, %get3A_3] : memref<128x128xf32, #tpu.memory_space<vmem>>, vector<128x128xf32>
    %dot_general3A = arith.constant dense<0.000000e+00> : vector<8192x128xf32>
    %dot_general3A_5 = tpu.matmul %get3A_1, %get3A_4, %dot_general3A {dimension_numbers = #tpu.dot_dimension_numbers<[1], [0], [0], [1], [0, 0, 1, 1], [], []>, transpose_lhs_hint = false} : vector<8192x128xf32>, vector<128x128xf32>, vector<8192x128xf32> -> vector<8192x128xf32>
    %get3A_6 = arith.constant 0 : index
    %get3A_7 = arith.constant 0 : index
    %get3A_8 = vector.load %arg3[%get3A_6, %get3A_7] : memref<1x128xf32, #tpu.memory_space<vmem>>, vector<1x128xf32>
    %add3A = vector.broadcast %get3A_8 : vector<1x128xf32> to vector<8192x128xf32>
    %add3A_9 = arith.addf %dot_general3A_5, %add3A : vector<8192x128xf32>
    %swap3A = arith.constant 0 : index
    %swap3A_10 = arith.constant 0 : index
    %swap3A_11 = vector.load %arg5[%swap3A, %swap3A_10] : memref<8192x128xf32, #tpu.memory_space<vmem>>, vector<8192x128xf32>
    tpu.vector_store %arg5[%swap3A, %swap3A_10], %add3A_9 {strides = array<i32>} : memref<8192x128xf32, #tpu.memory_space<vmem>>, vector<8192x128xf32>,
    return
  }
  func.func @transform_0(%arg0: i32) -> (i32, i32) {
    %c0_i32 = arith.constant 0 : i32
    %c0_i32_0 = arith.constant 0 : i32
    return %arg0, %c0_i32 : i32, i32
  }
  func.func @transform_1(%arg0: i32) -> (i32, i32) {
    %c0_i32 = arith.constant 0 : i32
    %c0_i32_0 = arith.constant 0 : i32
    %c0_i32_1 = arith.constant 0 : i32
    return %c0_i32, %c0_i32_0 : i32, i32
  }
  func.func @transform_2(%arg0: i32) -> (i32, i32) {
    %c0_i32 = arith.constant 0 : i32
    %c0_i32_0 = arith.constant 0 : i32
    %c0_i32_1 = arith.constant 0 : i32
    return %c0_i32, %c0_i32_0 : i32, i32
  }
  func.func @transform_4(%arg0: i32) -> (i32, i32) {
    %add3A = arith.constant 6 : i32
    %add3A_0 = arith.addi %arg0, %add3A : i32
    %c0_i32 = arith.constant 0 : i32
    %c0_i32_1 = arith.constant 0 : i32
    return %add3A_0, %c0_i32 : i32, i32
  }
}

module attributes {stable_mosaic.version = 14 : i64} {
  func.func @_mm_body(%arg0: i32, %arg1: memref<8192x128xf32, #tpu.memory_space<vmem>>, %arg2: memref<128x128xf32, #tpu.memory_space<vmem>>, %arg3: memref<1x128xf32, #tpu.memory_space<vmem>>, %arg4: memref<8192x128xf32, #tpu.memory_space<vmem>>) attributes {dimension_semantics = [#tpu.dimension_semantics<arbitrary>], iteration_bounds = array<i64: 6>, scalar_prefetch = 0 : i64, scratch_operands = 0 : i64, tpu.core_type = #tpu.core_type<tc>, window_params = [{transform_indices = @transform_0, window_bounds = array<i64: 8192, 128>}, {pipeline_mode = #tpu.pipeline_mode<synchronous>, transform_indices = @transform_1, window_bounds = array<i64: 128, 128>}, {pipeline_mode = #tpu.pipeline_mode<synchronous>, transform_indices = @transform_2, window_bounds = array<i64: 1, 128>}, {transform_indices = @transform_3, window_bounds = array<i64: 8192, 128>}]} {
    %get3A = arith.constant 0 : index
    %get3A_0 = arith.constant 0 : index
    %get3A_1 = vector.load %arg1[%get3A, %get3A_0] : memref<8192x128xf32, #tpu.memory_space<vmem>>, vector<8192x128xf32>
    %get3A_2 = arith.constant 0 : index
    %get3A_3 = arith.constant 0 : index
    %get3A_4 = vector.load %arg2[%get3A_2, %get3A_3] : memref<128x128xf32, #tpu.memory_space<vmem>>, vector<128x128xf32>
    %dot_general3A = arith.constant dense<0.000000e+00> : vector<8192x128xf32>
    %dot_general3A_5 = tpu.matmul %get3A_1, %get3A_4, %dot_general3A {dimension_numbers = #tpu.dot_dimension_numbers<[1], [0], [0], [1], [0, 0, 1, 1], [], []>, transpose_lhs_hint = false} : vector<8192x128xf32>, vector<128x128xf32>, vector<8192x128xf32> -> vector<8192x128xf32>
    %get3A_6 = arith.constant 0 : index
    %get3A_7 = arith.constant 0 : index
    %get3A_8 = vector.load %arg3[%get3A_6, %get3A_7] : memref<1x128xf32, #tpu.memory_space<vmem>>, vector<1x128xf32>
    %add3A = vector.broadcast %get3A_8 : vector<1x128xf32> to vector<8192x128xf32>
    %add3A_9 = arith.addf %dot_general3A_5, %add3A : vector<8192x128xf32>
    %swap3A = arith.constant 0 : index
    %swap3A_10 = arith.constant 0 : index
    %swap3A_11 = vector.load %arg4[%swap3A, %swap3A_10] : memref<8192x128xf32, #tpu.memory_space<vmem>>, vector<8192x128xf32>
    tpu.vector_store %arg4[%swap3A, %swap3A_10], %add3A_9 {strides = array<i32>} : memref<8192x128xf32, #tpu.memory_space<vmem>>, vector<8192x128xf32>,
    return
  }
  func.func @transform_0(%arg0: i32) -> (i32, i32) {
    %c0_i32 = arith.constant 0 : i32
    %c0_i32_0 = arith.constant 0 : i32
    return %arg0, %c0_i32 : i32, i32
  }
  func.func @transform_1(%arg0: i32) -> (i32, i32) {
    %c0_i32 = arith.constant 0 : i32
    %c0_i32_0 = arith.constant 0 : i32
    %c0_i32_1 = arith.constant 0 : i32
    return %c0_i32, %c0_i32_0 : i32, i32
  }
  func.func @transform_2(%arg0: i32) -> (i32, i32) {
    %c0_i32 = arith.constant 0 : i32
    %c0_i32_0 = arith.constant 0 : i32
    %c0_i32_1 = arith.constant 0 : i32
    return %c0_i32, %c0_i32_0 : i32, i32
  }
  func.func @transform_3(%arg0: i32) -> (i32, i32) {
    %c0_i32 = arith.constant 0 : i32
    %c0_i32_0 = arith.constant 0 : i32
    return %arg0, %c0_i32 : i32, i32
  }
}

module attributes {stable_mosaic.version = 14 : i64} {
  func.func @_mm_body_alias(%arg0: i32, %arg1: memref<8192x128xf32, #tpu.memory_space<vmem>>, %arg2: memref<128x128xf32, #tpu.memory_space<vmem>>, %arg3: memref<1x128xf32, #tpu.memory_space<vmem>>, %arg4: memref<204800x128xf32, #tpu.memory_space<any>>, %arg5: memref<8192x128xf32, #tpu.memory_space<vmem>>) attributes {dimension_semantics = [#tpu.dimension_semantics<arbitrary>], iteration_bounds = array<i64: 5>, scalar_prefetch = 0 : i64, scratch_operands = 0 : i64, tpu.core_type = #tpu.core_type<tc>, window_params = [{transform_indices = @transform_0, window_bounds = array<i64: 8192, 128>}, {pipeline_mode = #tpu.pipeline_mode<synchronous>, transform_indices = @transform_1, window_bounds = array<i64: 128, 128>}, {pipeline_mode = #tpu.pipeline_mode<synchronous>, transform_indices = @transform_2, window_bounds = array<i64: 1, 128>}, {}, {transform_indices = @transform_4, window_bounds = array<i64: 8192, 128>}]} {
    %get3A = arith.constant 0 : index
    %get3A_0 = arith.constant 0 : index
    %get3A_1 = vector.load %arg1[%get3A, %get3A_0] : memref<8192x128xf32, #tpu.memory_space<vmem>>, vector<8192x128xf32>
    %get3A_2 = arith.constant 0 : index
    %get3A_3 = arith.constant 0 : index
    %get3A_4 = vector.load %arg2[%get3A_2, %get3A_3] : memref<128x128xf32, #tpu.memory_space<vmem>>, vector<128x128xf32>
    %dot_general3A = arith.constant dense<0.000000e+00> : vector<8192x128xf32>
    %dot_general3A_5 = tpu.matmul %get3A_1, %get3A_4, %dot_general3A {dimension_numbers = #tpu.dot_dimension_numbers<[1], [0], [0], [1], [0, 0, 1, 1], [], []>, transpose_lhs_hint = false} : vector<8192x128xf32>, vector<128x128xf32>, vector<8192x128xf32> -> vector<8192x128xf32>
    %get3A_6 = arith.constant 0 : index
    %get3A_7 = arith.constant 0 : index
    %get3A_8 = vector.load %arg3[%get3A_6, %get3A_7] : memref<1x128xf32, #tpu.memory_space<vmem>>, vector<1x128xf32>
    %add3A = vector.broadcast %get3A_8 : vector<1x128xf32> to vector<8192x128xf32>
    %add3A_9 = arith.addf %dot_general3A_5, %add3A : vector<8192x128xf32>
    %swap3A = arith.constant 0 : index
    %swap3A_10 = arith.constant 0 : index
    %swap3A_11 = vector.load %arg5[%swap3A, %swap3A_10] : memref<8192x128xf32, #tpu.memory_space<vmem>>, vector<8192x128xf32>
    tpu.vector_store %arg5[%swap3A, %swap3A_10], %add3A_9 {strides = array<i32>} : memref<8192x128xf32, #tpu.memory_space<vmem>>, vector<8192x128xf32>,
    return
  }
  func.func @transform_0(%arg0: i32) -> (i32, i32) {
    %c0_i32 = arith.constant 0 : i32
    %c0_i32_0 = arith.constant 0 : i32
    return %arg0, %c0_i32 : i32, i32
  }
  func.func @transform_1(%arg0: i32) -> (i32, i32) {
    %c0_i32 = arith.constant 0 : i32
    %c0_i32_0 = arith.constant 0 : i32
    %c0_i32_1 = arith.constant 0 : i32
    return %c0_i32, %c0_i32_0 : i32, i32
  }
  func.func @transform_2(%arg0: i32) -> (i32, i32) {
    %c0_i32 = arith.constant 0 : i32
    %c0_i32_0 = arith.constant 0 : i32
    %c0_i32_1 = arith.constant 0 : i32
    return %c0_i32, %c0_i32_0 : i32, i32
  }
  func.func @transform_4(%arg0: i32) -> (i32, i32) {
    %add3A = arith.constant 12 : i32
    %add3A_0 = arith.addi %arg0, %add3A : i32
    %c0_i32 = arith.constant 0 : i32
    %c0_i32_1 = arith.constant 0 : i32
    return %add3A_0, %c0_i32 : i32, i32
  }
}

module attributes {stable_mosaic.version = 14 : i64} {
  func.func @_mm_body_alias(%arg0: i32, %arg1: memref<8192x128xf32, #tpu.memory_space<vmem>>, %arg2: memref<128x128xf32, #tpu.memory_space<vmem>>, %arg3: memref<1x128xf32, #tpu.memory_space<vmem>>, %arg4: memref<204800x128xf32, #tpu.memory_space<any>>, %arg5: memref<8192x128xf32, #tpu.memory_space<vmem>>) attributes {dimension_semantics = [#tpu.dimension_semantics<arbitrary>], iteration_bounds = array<i64: 4>, scalar_prefetch = 0 : i64, scratch_operands = 0 : i64, tpu.core_type = #tpu.core_type<tc>, window_params = [{transform_indices = @transform_0, window_bounds = array<i64: 8192, 128>}, {pipeline_mode = #tpu.pipeline_mode<synchronous>, transform_indices = @transform_1, window_bounds = array<i64: 128, 128>}, {pipeline_mode = #tpu.pipeline_mode<synchronous>, transform_indices = @transform_2, window_bounds = array<i64: 1, 128>}, {}, {transform_indices = @transform_4, window_bounds = array<i64: 8192, 128>}]} {
    %get3A = arith.constant 0 : index
    %get3A_0 = arith.constant 0 : index
    %get3A_1 = vector.load %arg1[%get3A, %get3A_0] : memref<8192x128xf32, #tpu.memory_space<vmem>>, vector<8192x128xf32>
    %get3A_2 = arith.constant 0 : index
    %get3A_3 = arith.constant 0 : index
    %get3A_4 = vector.load %arg2[%get3A_2, %get3A_3] : memref<128x128xf32, #tpu.memory_space<vmem>>, vector<128x128xf32>
    %dot_general3A = arith.constant dense<0.000000e+00> : vector<8192x128xf32>
    %dot_general3A_5 = tpu.matmul %get3A_1, %get3A_4, %dot_general3A {dimension_numbers = #tpu.dot_dimension_numbers<[1], [0], [0], [1], [0, 0, 1, 1], [], []>, transpose_lhs_hint = false} : vector<8192x128xf32>, vector<128x128xf32>, vector<8192x128xf32> -> vector<8192x128xf32>
    %get3A_6 = arith.constant 0 : index
    %get3A_7 = arith.constant 0 : index
    %get3A_8 = vector.load %arg3[%get3A_6, %get3A_7] : memref<1x128xf32, #tpu.memory_space<vmem>>, vector<1x128xf32>
    %add3A = vector.broadcast %get3A_8 : vector<1x128xf32> to vector<8192x128xf32>
    %add3A_9 = arith.addf %dot_general3A_5, %add3A : vector<8192x128xf32>
    %swap3A = arith.constant 0 : index
    %swap3A_10 = arith.constant 0 : index
    %swap3A_11 = vector.load %arg5[%swap3A, %swap3A_10] : memref<8192x128xf32, #tpu.memory_space<vmem>>, vector<8192x128xf32>
    tpu.vector_store %arg5[%swap3A, %swap3A_10], %add3A_9 {strides = array<i32>} : memref<8192x128xf32, #tpu.memory_space<vmem>>, vector<8192x128xf32>,
    return
  }
  func.func @transform_0(%arg0: i32) -> (i32, i32) {
    %c0_i32 = arith.constant 0 : i32
    %c0_i32_0 = arith.constant 0 : i32
    return %arg0, %c0_i32 : i32, i32
  }
  func.func @transform_1(%arg0: i32) -> (i32, i32) {
    %c0_i32 = arith.constant 0 : i32
    %c0_i32_0 = arith.constant 0 : i32
    %c0_i32_1 = arith.constant 0 : i32
    return %c0_i32, %c0_i32_0 : i32, i32
  }
  func.func @transform_2(%arg0: i32) -> (i32, i32) {
    %c0_i32 = arith.constant 0 : i32
    %c0_i32_0 = arith.constant 0 : i32
    %c0_i32_1 = arith.constant 0 : i32
    return %c0_i32, %c0_i32_0 : i32, i32
  }
  func.func @transform_4(%arg0: i32) -> (i32, i32) {
    %add3A = arith.constant 17 : i32
    %add3A_0 = arith.addi %arg0, %add3A : i32
    %c0_i32 = arith.constant 0 : i32
    %c0_i32_1 = arith.constant 0 : i32
    return %add3A_0, %c0_i32 : i32, i32
  }
}

module attributes {stable_mosaic.version = 14 : i64} {
  func.func @_mm_body_alias(%arg0: i32, %arg1: memref<8192x128xf32, #tpu.memory_space<vmem>>, %arg2: memref<128x128xf32, #tpu.memory_space<vmem>>, %arg3: memref<1x128xf32, #tpu.memory_space<vmem>>, %arg4: memref<204800x128xf32, #tpu.memory_space<any>>, %arg5: memref<8192x128xf32, #tpu.memory_space<vmem>>) attributes {dimension_semantics = [#tpu.dimension_semantics<arbitrary>], iteration_bounds = array<i64: 4>, scalar_prefetch = 0 : i64, scratch_operands = 0 : i64, tpu.core_type = #tpu.core_type<tc>, window_params = [{transform_indices = @transform_0, window_bounds = array<i64: 8192, 128>}, {pipeline_mode = #tpu.pipeline_mode<synchronous>, transform_indices = @transform_1, window_bounds = array<i64: 128, 128>}, {pipeline_mode = #tpu.pipeline_mode<synchronous>, transform_indices = @transform_2, window_bounds = array<i64: 1, 128>}, {}, {transform_indices = @transform_4, window_bounds = array<i64: 8192, 128>}]} {
    %get3A = arith.constant 0 : index
    %get3A_0 = arith.constant 0 : index
    %get3A_1 = vector.load %arg1[%get3A, %get3A_0] : memref<8192x128xf32, #tpu.memory_space<vmem>>, vector<8192x128xf32>
    %get3A_2 = arith.constant 0 : index
    %get3A_3 = arith.constant 0 : index
    %get3A_4 = vector.load %arg2[%get3A_2, %get3A_3] : memref<128x128xf32, #tpu.memory_space<vmem>>, vector<128x128xf32>
    %dot_general3A = arith.constant dense<0.000000e+00> : vector<8192x128xf32>
    %dot_general3A_5 = tpu.matmul %get3A_1, %get3A_4, %dot_general3A {dimension_numbers = #tpu.dot_dimension_numbers<[1], [0], [0], [1], [0, 0, 1, 1], [], []>, transpose_lhs_hint = false} : vector<8192x128xf32>, vector<128x128xf32>, vector<8192x128xf32> -> vector<8192x128xf32>
    %get3A_6 = arith.constant 0 : index
    %get3A_7 = arith.constant 0 : index
    %get3A_8 = vector.load %arg3[%get3A_6, %get3A_7] : memref<1x128xf32, #tpu.memory_space<vmem>>, vector<1x128xf32>
    %add3A = vector.broadcast %get3A_8 : vector<1x128xf32> to vector<8192x128xf32>
    %add3A_9 = arith.addf %dot_general3A_5, %add3A : vector<8192x128xf32>
    %swap3A = arith.constant 0 : index
    %swap3A_10 = arith.constant 0 : index
    %swap3A_11 = vector.load %arg5[%swap3A, %swap3A_10] : memref<8192x128xf32, #tpu.memory_space<vmem>>, vector<8192x128xf32>
    tpu.vector_store %arg5[%swap3A, %swap3A_10], %add3A_9 {strides = array<i32>} : memref<8192x128xf32, #tpu.memory_space<vmem>>, vector<8192x128xf32>,
    return
  }
  func.func @transform_0(%arg0: i32) -> (i32, i32) {
    %c0_i32 = arith.constant 0 : i32
    %c0_i32_0 = arith.constant 0 : i32
    return %arg0, %c0_i32 : i32, i32
  }
  func.func @transform_1(%arg0: i32) -> (i32, i32) {
    %c0_i32 = arith.constant 0 : i32
    %c0_i32_0 = arith.constant 0 : i32
    %c0_i32_1 = arith.constant 0 : i32
    return %c0_i32, %c0_i32_0 : i32, i32
  }
  func.func @transform_2(%arg0: i32) -> (i32, i32) {
    %c0_i32 = arith.constant 0 : i32
    %c0_i32_0 = arith.constant 0 : i32
    %c0_i32_1 = arith.constant 0 : i32
    return %c0_i32, %c0_i32_0 : i32, i32
  }
  func.func @transform_4(%arg0: i32) -> (i32, i32) {
    %add3A = arith.constant 21 : i32
    %add3A_0 = arith.addi %arg0, %add3A : i32
    %c0_i32 = arith.constant 0 : i32
    %c0_i32_1 = arith.constant 0 : i32
    return %add3A_0, %c0_i32 : i32, i32
  }
}

</mosaic_0001>

<sc_bundles>
// kernel: kernel.12.cloned.1.call-start
scs
__scs_entry_jumppad:
0x0: {  	(pc) =	sbr.rel $0x88, $3  }
0x1: {  	(tag) =	ssettag $0x0;
	lr =	simm.s32 $0x1  }
0x2: {  	[smem:$0x3F9D] =	sst lr;
	_ =	strace $0xD0000000  }
0x3: {  	_ = 	snop  }
0x4: {  	_ = 	snop  }
0x5: {  	_ = 	snop  }
0x6: {  	_ = 	snop  }
0x7: {  	_ = 	snop  }
__scs_overlays_trampoline_lowered:
0x8: {  	[smem:$0x3FAC] =	sst s0  }
0x9: {  	[smem:$0x3FAD] =	sst s1  }
0xa: {  	[smem:$0x3FAE] =	sst s2  }
0xb: {  	[smem:$0x3FAF] =	sst s3  }
0xc: {  	[smem:$0x3FB0] =	sst s4  }
0xd: {  	[smem:$0x3FB1] =	sst s5  }
0xe: {  	[smem:$0x3FB2] =	sst s6  }
0xf: {  	[smem:$0x3FB3] =	sst s7  }
0x10: {  	[smem:$0x3FB4] =	sst s8  }
0x11: {  	[smem:$0x3FB5] =	sst s9;
	s0 =	simm.s32 @!p0 $0x0  }
0x12: {  	s1 =	sld [smem:$0x3F9B];
	s0 =	simm.s32 @p0 $0x1  }
0x13: {  	[smem:$0x3FB6] =	sst s0;
	s0 =	simm.s32 @!p1 $0x0  }
0x14: {  	s2 =	sld [smem:$0x3F9A];
	s0 =	simm.s32 @p1 $0x1  }
0x15: {  	[smem:$0x3FB7] =	sst s0;
	s0 =	simm.s32 @!p2 $0x0  }
0x16: {  	s3 =	sld [smem:$0x3FDB];
	s0 =	simm.s32 @p2 $0x1  }
0x17: {  	s4 =	simm.s32 $0x1BF5;
	[smem:$0x3FB9] =	sst s0  }
0x18: {  	s0 =	sld [smem:$0x3F9C];
	_ =	swait.ge [sflag:s4], $0x0  }
0x19: {  	s7 =	sld [smem:$0x3F9D]  }
0x1a: {  	s8 =	sadd.s32 $0xFFFFE003, lr  }
0x1b: {  	s9 =	sadd.s32 $0xFFFFFEF7, lr;
	s5 =	simm.s32 $0xFFFFFFFF;
	p2 =	slt.u32 s8, $0xFFFFF086  }
0x1c: {  	p1 =	slt.u32 s9, $0xF7A;
	s5 =	simm.s32 @!p2 $0x0  }
0x1d: {  	s5 =	simm.s32 @p1 $0x1;
	p0 =	seq.s32 s7, s2  }
0x1e: {  	s7 =	smul.u32 @!p0 $0xF7A, s2;
	p2 =	seq.s32 @!p0 s5, $0x0  }
0x1f: {  	s9 =	smul.u32 $0xF7A, s1;
	s8 =	simm.s32 @!p0 $0x1BF5;
	p2 =	por !p2, p0  }
0x20: {  	[sflag:s8] =	ssyncset.s32 @!p0 $0xFFFFF086;
	s6 =	sadd.s32 @!p0 s3, s7;
	s7 =	simm.s32 @!p0 $0x108  }
0x21: {  	s3 =	sadd.s32 s3, s9;
	s6 =	sadd.s32 @!p0 $0x88, s6;
	s7 =	simm.s32 @p2 $0x1082  }
0x22: {  	[simem:s7], [sflag:s8] =	dma.local @!p0 [hbm:s6], $0xF7A  }
0x23: {  	s9 =	sor.u32 $0xD0000000, s2;
	s6 =	simm.s32 $0x108;
	_ =	swait.ge @!p0 [sflag:s8], $0x0  }
0x24: {  	s3 =	sadd.s32 $0x88, s3;
	s6 =	simm.s32 @!p1 $0x1082;
	[sflag:s4] =	ssyncset.s32 $0xFFFFF086  }
0x25: {  	[simem:s6], [sflag:s4] =	dma.local [hbm:s3], $0xF7A  }
0x26: {  	[smem:$0x3F9D] =	sst s1;
	(tag) =	ssettag s2;
	_ =	strace s9  }
0x27: {  	s1 =	sld [smem:$0x3FAD]  }
0x28: {  	s2 =	sld [smem:$0x3FAE]  }
0x29: {  	s4 =	sld [smem:$0x3FB0]  }
0x2a: {  	p0 =	seq.s32 s5, $0x0;
	s5 =	sld [smem:$0x3FB1]  }
0x2b: {  	s6 =	sld [smem:$0x3FB2]  }
0x2c: {  	s7 =	sld [smem:$0x3FB3]  }
0x2d: {  	s3 =	simm.s32 $0x108;
	s8 =	sld [smem:$0x3FB4]  }
0x2e: {  	s3 =	simm.s32 @!p0 $0x1082;
	s9 =	sld [smem:$0x3FB5]  }
0x2f: {  	lr =	sadd.s32 s0, s3;
	s0 =	sld [smem:$0x3FAC]  }
0x30: {  	s3 =	sld [smem:$0x3FAF]  }
0x31: {  	[smem:$0x3FB8] =	sst s10  }
0x32: {  	s10 =	sld [smem:$0x3FB6];
	_ =	sdelay $0x3  }
0x33: {  	p0 =	seq.s32 s10, $0x1;
	s10 =	sld [smem:$0x3FB8];
	_ =	sdelay $0x3  }
0x34: {  	[smem:$0x3FB8] =	sst s10  }
0x35: {  	s10 =	sld [smem:$0x3FB7];
	_ =	sdelay $0x3  }
0x36: {  	p1 =	seq.s32 s10, $0x1;
	s10 =	sld [smem:$0x3FB8];
	_ =	sdelay $0x3  }
0x37: {  	[smem:$0x3FB8] =	sst s10  }
0x38: {  	s10 =	sld [smem:$0x3FB9]  }
0x39: {  	_ = 	snop;
	(pc) =	sbr.ind lr, $3  }
0x3a: {  	_ = 	snop  }
0x3b: {  	_ = 	snop  }
0x3c: {  	p2 =	seq.s32 s10, $0x1;
	s10 =	sld [smem:$0x3FB8]  }
0x3d: {  	_ =	shalt  }
0x3e: {  	_ =	shalt  }
0x3f: {  	_ =	shalt  }
0x40: {  	_ =	shalt  }
0x41: {  	_ =	shalt  }
0x42: {  	_ =	shalt  }
0x43: {  	_ =	shalt  }
0x44: {  	_ =	shalt  }
0x45: {  	_ =	shalt  }
0x46: {  	_ =	shalt  }
0x47: {  	_ =	shalt  }
0x48: {  	_ =	shalt  }
0x49: {  	_ =	shalt  }
0x4a: {  	_ =	shalt  }
0x4b: {  	_ =	shalt  }
0x4c: {  	_ =	shalt  }
0x4d: {  	_ =	shalt  }
0x4e: {  	_ =	shalt  }
0x4f: {  	_ =	shalt  }
0x50: {  	_ =	shalt  }
0x51: {  	_ =	shalt  }
0x52: {  	_ =	shalt  }
0x53: {  	_ =	shalt  }
0x54: {  	_ =	shalt  }
0x55: {  	_ =	shalt  }
0x56: {  	_ =	shalt  }
0x57: {  	_ =	shalt  }
0x58: {  	_ =	shalt  }
0x59: {  	_ =	shalt  }
0x5a: {  	_ =	shalt  }
0x5b: {  	_ =	shalt  }
0x5c: {  	_ =	shalt  }
0x5d: {  	_ =	shalt  }
0x5e: {  	_ =	shalt  }
0x5f: {  	_ =	shalt  }
0x60: {  	_ =	shalt  }
0x61: {  	_ =	shalt  }
0x62: {  	_ =	shalt  }
0x63: {  	_ =	shalt  }
0x64: {  	_ =	shalt  }
0x65: {  	_ =	shalt  }
0x66: {  	_ =	shalt  }
0x67: {  	_ =	shalt  }
0x68: {  	_ =	shalt  }
0x69: {  	_ =	shalt  }
0x6a: {  	_ =	shalt  }
0x6b: {  	_ =	shalt  }
0x6c: {  	_ =	shalt  }
0x6d: {  	_ =	shalt  }
0x6e: {  	_ =	shalt  }
0x6f: {  	_ =	shalt  }
0x70: {  	_ =	shalt  }
0x71: {  	_ =	shalt  }
0x72: {  	_ =	shalt  }
0x73: {  	_ =	shalt  }
0x74: {  	_ =	shalt  }
0x75: {  	_ =	shalt  }
0x76: {  	_ =	shalt  }
0x77: {  	_ =	shalt  }
0x78: {  	_ =	shalt  }
0x79: {  	_ =	shalt  }
0x7a: {  	_ =	shalt  }
0x7b: {  	_ =	shalt  }
0x7c: {  	_ =	shalt  }
0x7d: {  	_ =	shalt  }
0x7e: {  	_ =	shalt  }
0x7f: {  	_ =	shalt  }
0x80: {  	_ =	shalt  }
0x81: {  	_ =	shalt  }
0x82: {  	_ =	shalt  }
0x83: {  	_ =	shalt  }
0x84: {  	_ =	shalt  }
0x85: {  	_ =	shalt  }
0x86: {  	_ =	shalt  }
0x87: {  	_ =	shalt  }
.Lfunc_end0:
.L_simem_size_0:
called_computation_lowered:
.L_overlay_start_0:
0x88: {  	s2 =	sld [smem:$0x3FD9]  }
0x89: {  	s3 =	sld [smem:$0x3FFE];
	_ =	sdelay $0x1  }
0x8a: {  	s1 =	srdreg.scid  }
0x8b: {  	s0 =	sand.u32 $0x1, s1  }
0x8c: {  	s17 =	sshll.u32 s0, $0xA;
	s2 =	sadd.s32 s3, s2  }
0x8d: {  	s2 =	sadd.s32 s2, s17  }
0x8e: {  	[smem:$0x3FC4] =	sst s2  }
0x8f: {  	_ = 	snop  }
0x90: {  	s2 =	sld [smem:$0x3FC8];
	(tm) =	ssettm $0x1  }
0x91: {  	s18 =	sld [smem:$0x3FFB];
	_ =	sdelay $0x3  }
0x92: {  	_ =	strace s18  }
0x93: {  	s3 =	sld [smem:$0x3FFC];
	_ =	sdelay $0x3  }
0x94: {  	_ =	strace s3  }
0x95: {  	s3 =	sld [smem:$0x3FFD];
	_ =	sdelay $0x3  }
0x96: {  	_ =	strace s3  }
0x97: {  	_ =	strace $0x8FFFFFFF  }
0x98: {  	s19 =	sld [smem:$0x3FDB];
	_ =	sdelay $0x1  }
0x99: {  	s4 =	simm.s32 $_scs_section_size  }
0x9a: {  	s5 =	simm.s32 $_size__tile_overlayer_lowered;
	s6 =	simm.s32 $_tile_overlayer_lowered  }
0x9b: {  	s22 =	simm.s32 $0x1BFF;
	s21 =	sshll.u32 s6, $0x1;
	s3 =	sadd.s32 s4, s19  }
0x9c: {  	s7 =	simm.s32 $0x0;
	s20 =	sshll.u32 s5, $0x1;
	s5 =	sadd.s32 s21, s3  }
0x9d: {  	[timem:s7], [sflag:s22] =	dma.local [hbm:s5], s20  }
0x9e: {  	_ =	swait.ge [sflag:s22], s20  }
0x9f: {  	s4 =	ssub.s32 $0x0, s20;
	[sflag:s22] =	ssyncset.done $0x0  }
0xa0: {  	[sflag:s22] =	ssyncadd.s32 s4;
	_ =	sdelay $0x1  }
0xa1: {  	s23 =	simm.s32 $0x1B8B  }
0xa2: {  	_ =	swait.ge [sflag:s23], $0x1  }
0xa3: {  	[sflag:s23] =	ssyncset.done $0x0  }
0xa4: {  	s25 =	simm.s32 $0x1B8E;
	s24 =	sld [smem:$0x3FFE];
	[sflag:s23] =	ssyncadd.s32 $0xFFFFFFFF  }
0xa5: {  	s26 =	simm.s32 $execute0_lowered;
	[smem:$0x3FD2] =	sst s25  }
0xa6: {  	s5 =	sshll.u32 s26, $0x1;
	_ =	strace $0x80000046;
	[dreg:$0x1] =	wrdreg $0xFFFFFFFF  }
0xa7: {  	s28 =	simm.s32 $_size_execute0_lowered;
	s3 =	sadd.s32 s3, s5;
	[dreg:$0x0] =	wrdreg $0x0  }
0xa8: {  	s5 =	sshll.u32 s28, $0x1;
	[dreg:$0x2] =	wrdreg s3  }
0xa9: {  	[dreg:$0x3] =	wrdreg s5  }
0xaa: {  	[dreg:$0x4] =	wrdreg $0xC0  }
0xab: {  	_ =	task [dreg:s7], $0x5FFFF  }
0xac: {  	[dreg:$0x1] =	wrdreg $0xFFFFFFFF  }
0xad: {  	[dreg:$0x0] =	wrdreg $0x60  }
0xae: {  	[dreg:$0x2] =	wrdreg s2  }
0xaf: {  	[dreg:$0x3] =	wrdreg s24  }
0xb0: {  	[dreg:$0x4] =	wrdreg $0x9  }
0xb1: {  	_ =	task.clear_ibuf [dreg:s7], $0x5FFFF;
	_ =	strace $0x90000046  }
0xb2: {  	s29 =	simm.s32 $0x9;
	_ =	strace $0x80000048  }
0xb3: {  	_ =	swait.ge [sflag:s29], $0x1  }
0xb4: {  	[sflag:s29] =	ssyncadd.s32 $0xFFFFFFFF  }
0xb5: {  	_ =	strace $0x90000048  }
0xb6: {  	_ =	sfence  }
0xb7: {  	s30 =	sld [smem:$0x0];
	_ =	sdelay $0x2  }
0xb8: {  	s31 =	sshll.u32 s1, $0xD;
	s1 =	sshrl.u32 s1, $0x2  }
0xb9: {  	s3 =	sand.u32 $0x4000, s31;
	s1 =	sadd.s32 s1, s30  }
0xba: {  	s0 =	sor.u32 s3, s0;
	s1 =	sshll.u32 s1, $0x11  }
0xbb: {  	s0 =	sor.u32 s1, s0  }
0xbc: {  	s0 =	sadd.s32 $0x8F2B, s0  }
0xbd: {  	[sflag:s0] =	ssyncadd.remote.s32 $0x1  }
0xbe: {  	_ =	sfence.sel $0xFFFF  }
0xbf: {  	[dreg:$0x0] =	wrdreg $0xFFFFFFFF;
	(pc) =	sbr.abs _section_cstart, $3  }
0xc0: {  	[dreg:$0x1] =	wrdreg $0xFFFFFFFF  }
0xc1: {  	_ =	task.clear_ibuf [dreg:s7], $0x2FFFF;
	_ =	strace $0x9FFFFFFF  }
0xc2: {  	(tm) =	ssettm $0x7FFFFFFF  }
0xc3: {  	_ =	shalt  }
tec
execute0_lowered:
.L_overlay_start_1:
0x0: {  	(tag) =	ssettag $0x1  }
0x1: {  	s0 =	srdreg.scid;
	s3 =	rddreg [dreg:$0x0]  }
0x2: {  	s1 =	stileid.u32;
	s4 =	rddreg [dreg:$0x1]  }
0x3: {  	s2 =	simm.s32 $0x0;
	s30 =	simm.s32 $0x1;
	s12 =	simm.s32 $0x80  }
0x4: {  	s16 =	simm.s32 $0x600;
	s11 =	simm.s32 $0x4600;
	s31 =	simm.s32 $0x100  }
0x5: {  	s10 =	simm.s32 $0x8600;
	s29 =	simm.s32 $0x180;
	s7 =	simm.s32 $0xC600  }
0x6: {  	s17 =	simm.s32 $0x3;
	s0 =	sand.u32 $0x1, s0;
	s1 =	sshll.u32 s1, $0x1  }
0x7: {  	s28 =	simm.s32 $0x200;
	s15 =	simm.s32 $0x4;
	s1 =	sor.u32 s0, s1  }
0x8: {  	s14 =	simm.s32 $0x5;
	p0 =	por $0x0, $0x0;
	s5 =	smul.u32 $0xC0, s1  }
0x9: {  	s9 =	simm.s32 $0x9;
	[smem:$0x7FF] =	sst s2;
	s6 =	smul.u32 $0x6000, s1  }
0xa: {  	_ =	strace $0x80000047;
	s0 =	ssub.s32 $0x2, s0;
	s1 =	smul.u32 $0x30000, s1  }
0xb: {  	s24 =	sshrl.u32 s0, $0x1;
	s5 =	sadd.s32 s5, s4;
	s4 =	sadd.s32 $0x8200, s4  }
0xc: {  	s1 =	sshrl.u32 s1, $0x3;
	s5 =	sadd.s32 $0x1E00, s5;
	s22 =	sadd.s32 s4, s6  }
0xd: {  	s1 =	sadd.s32 s4, s1;
	[dreg:$0x3] =	wrdreg s5;
	s18 =	sadd.s32 $0x800, s22  }
0xe: {  	s0 =	ssub.s32 s0, s24;
	s4 =	sadd.s32 $0x5000, s1;
	[dreg:$0x4] =	wrdreg s18  }
0xf: {  	s24 =	simm.s32 $0x380;
	s1 =	sadd.s32 $0x5800, s1;
	[dreg:$0x5] =	wrdreg s4  }
0x10: {  	s0 =	smax.u32 s0, $0x1;
	s19 =	sadd.s32 $0x1000, s22;
	[dreg:$0x6] =	wrdreg s1  }
0x11: {  	s6 =	simm.s32 $0x8;
	s20 =	sadd.s32 $0x1800, s22;
	[dreg:$0x7] =	wrdreg s19  }
0x12: {  	p1 =	sne.s32 s0, $0x1;
	s21 =	sadd.s32 $0x2000, s22;
	[dreg:$0x8] =	wrdreg s20  }
0x13: {  	s23 =	sadd.s32 $0x2800, s22;
	s25 =	sadd.s32 $0x3000, s22;
	[dreg:$0x9] =	wrdreg s21  }
0x14: {  	s26 =	sadd.s32 $0x3800, s22;
	s13 =	sadd.s32 $0x4000, s22;
	[dreg:$0xa] =	wrdreg s23  }
.Ltmp0:
0x15: {  	s8 =	sadd.s32 $0x4800, s22;
	[dreg:$0xb] =	wrdreg s25;
	(pc) =	sbr.rel @!p1 .LBB2_3-.Ltmp0, $4  }
0x16: {  	s5 =	simm.s32 $0x7;
	[dreg:$0xc] =	wrdreg s26;
	s18 =	simm.s32 $0x2  }
0x17: {  	s4 =	simm.s32 $0x6;
	s26 =	simm.s32 $0x280;
	s25 =	simm.s32 $0x300  }
0x18: {  	s1 =	sadd.s32 $0xFFFFFFFF, s0;
	s23 =	simm.s32 $0x400;
	s21 =	simm.s32 $0x480  }
0x19: {  	s20 =	simm.s32 $0x500;
	s19 =	simm.s32 $0x580;
	s0 =	rddreg [dreg:$0x3]  }
0x1a: {  	[tilespmem:s2], [sflag:$0x1] =	stream.linear.gather [hbm4b:s0+s2], $0x600, $0x38;
	[tilespmem:$0x10600] =	vst v63  }
0x1b: {  	_ =	swait.ge [sflag:s30], $0x600  }
0x1c: {  	[sflag:s30] =	ssyncset.done $0x0  }
0x1d: {  	[sflag:s30] =	ssyncadd.s32 $0xFFFFFA00  }
0x1e: {  	[tilespmem:s16], [sflag:$0x2] =	stream.indirect.gather [hbm4b:s3+s12], $0x80, s2, s12, $0xb8;
	[tilespmem:$0x10600] =	vst v63  }
0x1f: {  	_ = 	snop  }
0x20: {  	[tilespmem:s11], [sflag:$0x3] =	stream.indirect.gather [hbm4b:s3+s12], $0x80, s12, s12, $0xb8;
	[tilespmem:$0x10600] =	vst v63  }
0x21: {  	_ = 	snop  }
0x22: {  	[tilespmem:s10], [sflag:$0x4] =	stream.indirect.gather [hbm4b:s3+s12], $0x80, s31, s12, $0xb8;
	[tilespmem:$0x10600] =	vst v63  }
0x23: {  	_ =	swait.ge [sflag:s18], $0x4000  }
0x24: {  	[sflag:s18] =	ssyncset.done $0x0  }
0x25: {  	[sflag:s18] =	ssyncadd.s32 $0xFFFFC000  }
0x26: {  	[hbm4b:s22+s2] =	stream.linear.scatter [tilespmem:s16], [sflag:$0x6], $0x4000, $0x38;
	[tilespmem:$0x10600] =	vst v63  }
0x27: {  	_ = 	snop  }
0x28: {  	[tilespmem:s7], [sflag:$0x5] =	stream.indirect.gather [hbm4b:s3+s12], $0x80, s29, s12, $0xb8;
	[tilespmem:$0x10600] =	vst v63  }
0x29: {  	_ =	swait.ge [sflag:s17], $0x4000  }
0x2a: {  	[sflag:s17] =	ssyncset.done $0x0  }
0x2b: {  	s0 =	rddreg [dreg:$0x4];
	[sflag:s17] =	ssyncadd.s32 $0xFFFFC000  }
0x2c: {  	[hbm4b:s0+s2] =	stream.linear.scatter [tilespmem:s11], [sflag:$0x7], $0x4000, $0x38;
	[tilespmem:$0x10600] =	vst v63  }
0x2d: {  	_ =	swait.ge [sflag:s4], $0x4000  }
0x2e: {  	[sflag:s4] =	ssyncset.done $0x0  }
0x2f: {  	[sflag:s4] =	ssyncadd.s32 $0xFFFFC000  }
0x30: {  	[tilespmem:s16], [sflag:$0x2] =	stream.indirect.gather [hbm4b:s3+s12], $0x80, s28, s12, $0xb8;
	[tilespmem:$0x10600] =	vst v63  }
0x31: {  	_ =	swait.ge [sflag:s15], $0x4000  }
0x32: {  	[sflag:s15] =	ssyncset.done $0x0  }
0x33: {  	s0 =	rddreg [dreg:$0x7];
	[sflag:s15] =	ssyncadd.s32 $0xFFFFC000  }
0x34: {  	[hbm4b:s0+s2] =	stream.linear.scatter [tilespmem:s10], [sflag:$0x8], $0x4000, $0x38;
	[tilespmem:$0x10600] =	vst v63  }
0x35: {  	_ =	swait.ge [sflag:s5], $0x4000  }
0x36: {  	[sflag:s5] =	ssyncset.done $0x0  }
0x37: {  	[sflag:s5] =	ssyncadd.s32 $0xFFFFC000  }
0x38: {  	[tilespmem:s11], [sflag:$0x3] =	stream.indirect.gather [hbm4b:s3+s12], $0x80, s26, s12, $0xb8;
	[tilespmem:$0x10600] =	vst v63  }
0x39: {  	_ =	swait.ge [sflag:s14], $0x4000  }
0x3a: {  	[sflag:s14] =	ssyncset.done $0x0  }
0x3b: {  	s0 =	rddreg [dreg:$0x8];
	[sflag:s14] =	ssyncadd.s32 $0xFFFFC000  }
0x3c: {  	[hbm4b:s0+s2] =	stream.linear.scatter [tilespmem:s7], [sflag:$0x9], $0x4000, $0x38;
	[tilespmem:$0x10600] =	vst v63  }
0x3d: {  	_ =	swait.ge [sflag:s6], $0x4000  }
0x3e: {  	[sflag:s6] =	ssyncset.done $0x0  }
0x3f: {  	[sflag:s6] =	ssyncadd.s32 $0xFFFFC000  }
0x40: {  	[tilespmem:s10], [sflag:$0x4] =	stream.indirect.gather [hbm4b:s3+s12], $0x80, s25, s12, $0xb8;
	[tilespmem:$0x10600] =	vst v63  }
0x41: {  	_ =	swait.ge [sflag:s18], $0x4000  }
0x42: {  	[sflag:s18] =	ssyncset.done $0x0  }
0x43: {  	s0 =	rddreg [dreg:$0x9];
	[sflag:s18] =	ssyncadd.s32 $0xFFFFC000  }
0x44: {  	[hbm4b:s0+s2] =	stream.linear.scatter [tilespmem:s16], [sflag:$0x6], $0x4000, $0x38;
	[tilespmem:$0x10600] =	vst v63  }
0x45: {  	_ =	swait.ge [sflag:s9], $0x4000  }
0x46: {  	[sflag:s9] =	ssyncset.done $0x0  }
0x47: {  	[sflag:s9] =	ssyncadd.s32 $0xFFFFC000  }
0x48: {  	[tilespmem:s7], [sflag:$0x5] =	stream.indirect.gather [hbm4b:s3+s12], $0x80, s24, s12, $0xb8;
	[tilespmem:$0x10600] =	vst v63  }
0x49: {  	_ =	swait.ge [sflag:s17], $0x4000  }
0x4a: {  	[sflag:s17] =	ssyncset.done $0x0  }
0x4b: {  	s0 =	rddreg [dreg:$0xa];
	[sflag:s17] =	ssyncadd.s32 $0xFFFFC000  }
0x4c: {  	[hbm4b:s0+s2] =	stream.linear.scatter [tilespmem:s11], [sflag:$0x7], $0x4000, $0x38;
	[tilespmem:$0x10600] =	vst v63  }
0x4d: {  	_ =	swait.ge [sflag:s4], $0x4000  }
0x4e: {  	[sflag:s4] =	ssyncset.done $0x0  }
0x4f: {  	[sflag:s4] =	ssyncadd.s32 $0xFFFFC000  }
0x50: {  	[tilespmem:s16], [sflag:$0x2] =	stream.indirect.gather [hbm4b:s3+s12], $0x80, s23, s12, $0xb8;
	[tilespmem:$0x10600] =	vst v63  }
0x51: {  	_ =	swait.ge [sflag:s15], $0x4000  }
0x52: {  	[sflag:s15] =	ssyncset.done $0x0  }
0x53: {  	s0 =	rddreg [dreg:$0xb];
	[sflag:s15] =	ssyncadd.s32 $0xFFFFC000  }
0x54: {  	[hbm4b:s0+s2] =	stream.linear.scatter [tilespmem:s10], [sflag:$0x8], $0x4000, $0x38;
	[tilespmem:$0x10600] =	vst v63  }
0x55: {  	_ =	swait.ge [sflag:s5], $0x4000  }
0x56: {  	[sflag:s5] =	ssyncset.done $0x0  }
0x57: {  	[sflag:s5] =	ssyncadd.s32 $0xFFFFC000  }
0x58: {  	[tilespmem:s11], [sflag:$0x3] =	stream.indirect.gather [hbm4b:s3+s12], $0x80, s21, s12, $0xb8;
	[tilespmem:$0x10600] =	vst v63  }
0x59: {  	_ =	swait.ge [sflag:s14], $0x4000  }
0x5a: {  	[sflag:s14] =	ssyncset.done $0x0  }
0x5b: {  	s0 =	rddreg [dreg:$0xc];
	[sflag:s14] =	ssyncadd.s32 $0xFFFFC000  }
0x5c: {  	[hbm4b:s0+s2] =	stream.linear.scatter [tilespmem:s7], [sflag:$0x9], $0x4000, $0x38;
	[tilespmem:$0x10600] =	vst v63  }
0x5d: {  	_ =	swait.ge [sflag:s6], $0x4000  }
0x5e: {  	[sflag:s6] =	ssyncset.done $0x0  }
0x5f: {  	[sflag:s6] =	ssyncadd.s32 $0xFFFFC000  }
0x60: {  	[tilespmem:s10], [sflag:$0x4] =	stream.indirect.gather [hbm4b:s3+s12], $0x80, s20, s12, $0xb8;
	[tilespmem:$0x10600] =	vst v63  }
0x61: {  	_ =	swait.ge [sflag:s18], $0x4000  }
0x62: {  	[sflag:s18] =	ssyncset.done $0x0  }
0x63: {  	[sflag:s18] =	ssyncadd.s32 $0xFFFFC000  }
0x64: {  	[hbm4b:s13+s2] =	stream.linear.scatter [tilespmem:s16], [sflag:$0x6], $0x4000, $0x38;
	[tilespmem:$0x10600] =	vst v63  }
0x65: {  	_ =	swait.ge [sflag:s9], $0x4000  }
0x66: {  	[sflag:s9] =	ssyncset.done $0x0  }
0x67: {  	[sflag:s9] =	ssyncadd.s32 $0xFFFFC000  }
0x68: {  	[tilespmem:s7], [sflag:$0x5] =	stream.indirect.gather [hbm4b:s3+s12], $0x80, s19, s12, $0xb8;
	[tilespmem:$0x10600] =	vst v63  }
0x69: {  	_ =	swait.ge [sflag:s17], $0x4000  }
0x6a: {  	[sflag:s17] =	ssyncset.done $0x0  }
0x6b: {  	[sflag:s17] =	ssyncadd.s32 $0xFFFFC000  }
0x6c: {  	[hbm4b:s8+s2] =	stream.linear.scatter [tilespmem:s11], [sflag:$0x7], $0x4000, $0x38;
	[tilespmem:$0x10600] =	vst v63  }
0x6d: {  	_ =	swait.ge [sflag:s15], $0x4000  }
0x6e: {  	[sflag:s15] =	ssyncset.done $0x0  }
0x6f: {  	s0 =	rddreg [dreg:$0x5];
	[sflag:s15] =	ssyncadd.s32 $0xFFFFC000  }
0x70: {  	[hbm4b:s0+s2] =	stream.linear.scatter [tilespmem:s10], [sflag:$0x8], $0x4000, $0x38;
	[tilespmem:$0x10600] =	vst v63  }
0x71: {  	_ =	swait.ge [sflag:s14], $0x4000  }
0x72: {  	[sflag:s14] =	ssyncset.done $0x0  }
0x73: {  	s0 =	rddreg [dreg:$0x6];
	[sflag:s14] =	ssyncadd.s32 $0xFFFFC000  }
0x74: {  	[hbm4b:s0+s2] =	stream.linear.scatter [tilespmem:s7], [sflag:$0x9], $0x4000, $0x38;
	[tilespmem:$0x10600] =	vst v63  }
0x75: {  	_ =	swait.ge [sflag:s4], $0x4000  }
0x76: {  	[sflag:s4] =	ssyncset.done $0x0  }
0x77: {  	[sflag:s4] =	ssyncadd.s32 $0xFFFFC000  }
0x78: {  	_ =	swait.ge [sflag:s5], $0x4000  }
0x79: {  	[sflag:s5] =	ssyncset.done $0x0  }
0x7a: {  	p1 =	sne.s32 s1, $0x1;
	[sflag:s5] =	ssyncadd.s32 $0xFFFFC000  }
.Ltmp1:
0x7b: {  	_ =	swait.ge [sflag:s6], $0x4000;
	(pc) =	sbr.rel @!p1 .LBB2_3-.Ltmp1, $4  }
0x7c: {  	[sflag:s6] =	ssyncset.done $0x0  }
0x7d: {  	[sflag:s6] =	ssyncadd.s32 $0xFFFFC000  }
0x7e: {  	s1 =	sadd.s32 $0xFFFFFFFF, s1;
	_ =	swait.ge [sflag:s9], $0x4000  }
0x7f: {  	p0 =	por $0x1, $0x1;
	s0 =	rddreg [dreg:$0x3];
	[sflag:s9] =	ssyncset.done $0x0  }
.LBB2_2:
0x80: {  	[sflag:s9] =	ssyncadd.s32 $0xFFFFC000  }
0x81: {  	[tilespmem:s2], [sflag:$0x1] =	stream.linear.gather [hbm4b:s0+s2], $0x600, $0x38;
	[tilespmem:$0x10600] =	vst v63  }
0x82: {  	_ =	swait.ge [sflag:s30], $0x600  }
0x83: {  	[sflag:s30] =	ssyncset.done $0x0  }
0x84: {  	[sflag:s30] =	ssyncadd.s32 $0xFFFFFA00  }
0x85: {  	[tilespmem:s16], [sflag:$0x2] =	stream.indirect.gather [hbm4b:s3+s12], $0x80, s2, s12, $0xb8;
	[tilespmem:$0x10600] =	vst v63  }
0x86: {  	_ = 	snop  }
0x87: {  	[tilespmem:s11], [sflag:$0x3] =	stream.indirect.gather [hbm4b:s3+s12], $0x80, s12, s12, $0xb8;
	[tilespmem:$0x10600] =	vst v63  }
0x88: {  	_ = 	snop  }
0x89: {  	[tilespmem:s10], [sflag:$0x4] =	stream.indirect.gather [hbm4b:s3+s12], $0x80, s31, s12, $0xb8;
	[tilespmem:$0x10600] =	vst v63  }
0x8a: {  	_ =	swait.ge [sflag:s18], $0x4000  }
0x8b: {  	[sflag:s18] =	ssyncset.done $0x0  }
0x8c: {  	[sflag:s18] =	ssyncadd.s32 $0xFFFFC000  }
0x8d: {  	[hbm4b:s22+s2] =	stream.linear.scatter [tilespmem:s16], [sflag:$0x6], $0x4000, $0x38;
	[tilespmem:$0x10600] =	vst v63  }
0x8e: {  	_ = 	snop  }
0x8f: {  	[tilespmem:s7], [sflag:$0x5] =	stream.indirect.gather [hbm4b:s3+s12], $0x80, s29, s12, $0xb8;
	[tilespmem:$0x10600] =	vst v63  }
0x90: {  	_ =	swait.ge [sflag:s17], $0x4000  }
0x91: {  	[sflag:s17] =	ssyncset.done $0x0  }
0x92: {  	s0 =	rddreg [dreg:$0x4];
	[sflag:s17] =	ssyncadd.s32 $0xFFFFC000  }
0x93: {  	[hbm4b:s0+s2] =	stream.linear.scatter [tilespmem:s11], [sflag:$0x7], $0x4000, $0x38;
	[tilespmem:$0x10600] =	vst v63  }
0x94: {  	_ =	swait.ge [sflag:s4], $0x4000  }
0x95: {  	[sflag:s4] =	ssyncset.done $0x0  }
0x96: {  	[sflag:s4] =	ssyncadd.s32 $0xFFFFC000  }
0x97: {  	[tilespmem:s16], [sflag:$0x2] =	stream.indirect.gather [hbm4b:s3+s12], $0x80, s28, s12, $0xb8;
	[tilespmem:$0x10600] =	vst v63  }
0x98: {  	_ =	swait.ge [sflag:s15], $0x4000  }
0x99: {  	[sflag:s15] =	ssyncset.done $0x0  }
0x9a: {  	s0 =	rddreg [dreg:$0x7];
	[sflag:s15] =	ssyncadd.s32 $0xFFFFC000  }
0x9b: {  	[hbm4b:s0+s2] =	stream.linear.scatter [tilespmem:s10], [sflag:$0x8], $0x4000, $0x38;
	[tilespmem:$0x10600] =	vst v63  }
0x9c: {  	_ =	swait.ge [sflag:s5], $0x4000  }
0x9d: {  	[sflag:s5] =	ssyncset.done $0x0  }
0x9e: {  	[sflag:s5] =	ssyncadd.s32 $0xFFFFC000  }
0x9f: {  	[tilespmem:s11], [sflag:$0x3] =	stream.indirect.gather [hbm4b:s3+s12], $0x80, s26, s12, $0xb8;
	[tilespmem:$0x10600] =	vst v63  }
0xa0: {  	_ =	swait.ge [sflag:s14], $0x4000  }
0xa1: {  	[sflag:s14] =	ssyncset.done $0x0  }
0xa2: {  	s0 =	rddreg [dreg:$0x8];
	[sflag:s14] =	ssyncadd.s32 $0xFFFFC000  }
0xa3: {  	[hbm4b:s0+s2] =	stream.linear.scatter [tilespmem:s7], [sflag:$0x9], $0x4000, $0x38;
	[tilespmem:$0x10600] =	vst v63  }
0xa4: {  	_ =	swait.ge [sflag:s6], $0x4000  }
0xa5: {  	[sflag:s6] =	ssyncset.done $0x0  }
0xa6: {  	[sflag:s6] =	ssyncadd.s32 $0xFFFFC000  }
0xa7: {  	[tilespmem:s10], [sflag:$0x4] =	stream.indirect.gather [hbm4b:s3+s12], $0x80, s25, s12, $0xb8;
	[tilespmem:$0x10600] =	vst v63  }
0xa8: {  	_ =	swait.ge [sflag:s18], $0x4000  }
0xa9: {  	[sflag:s18] =	ssyncset.done $0x0  }
0xaa: {  	s0 =	rddreg [dreg:$0x9];
	[sflag:s18] =	ssyncadd.s32 $0xFFFFC000  }
0xab: {  	[hbm4b:s0+s2] =	stream.linear.scatter [tilespmem:s16], [sflag:$0x6], $0x4000, $0x38;
	[tilespmem:$0x10600] =	vst v63  }
0xac: {  	_ =	swait.ge [sflag:s9], $0x4000  }
0xad: {  	[sflag:s9] =	ssyncset.done $0x0  }
0xae: {  	[sflag:s9] =	ssyncadd.s32 $0xFFFFC000  }
0xaf: {  	[tilespmem:s7], [sflag:$0x5] =	stream.indirect.gather [hbm4b:s3+s12], $0x80, s24, s12, $0xb8;
	[tilespmem:$0x10600] =	vst v63  }
0xb0: {  	_ =	swait.ge [sflag:s17], $0x4000  }
0xb1: {  	[sflag:s17] =	ssyncset.done $0x0  }
0xb2: {  	s0 =	rddreg [dreg:$0xa];
	[sflag:s17] =	ssyncadd.s32 $0xFFFFC000  }
0xb3: {  	[hbm4b:s0+s2] =	stream.linear.scatter [tilespmem:s11], [sflag:$0x7], $0x4000, $0x38;
	[tilespmem:$0x10600] =	vst v63  }
0xb4: {  	_ =	swait.ge [sflag:s4], $0x4000  }
0xb5: {  	[sflag:s4] =	ssyncset.done $0x0  }
0xb6: {  	[sflag:s4] =	ssyncadd.s32 $0xFFFFC000  }
0xb7: {  	[tilespmem:s16], [sflag:$0x2] =	stream.indirect.gather [hbm4b:s3+s12], $0x80, s23, s12, $0xb8;
	[tilespmem:$0x10600] =	vst v63  }
0xb8: {  	_ =	swait.ge [sflag:s15], $0x4000  }
0xb9: {  	[sflag:s15] =	ssyncset.done $0x0  }
0xba: {  	s0 =	rddreg [dreg:$0xb];
	[sflag:s15] =	ssyncadd.s32 $0xFFFFC000  }
0xbb: {  	[hbm4b:s0+s2] =	stream.linear.scatter [tilespmem:s10], [sflag:$0x8], $0x4000, $0x38;
	[tilespmem:$0x10600] =	vst v63  }
0xbc: {  	_ =	swait.ge [sflag:s5], $0x4000  }
0xbd: {  	[sflag:s5] =	ssyncset.done $0x0  }
0xbe: {  	[sflag:s5] =	ssyncadd.s32 $0xFFFFC000  }
0xbf: {  	[tilespmem:s11], [sflag:$0x3] =	stream.indirect.gather [hbm4b:s3+s12], $0x80, s21, s12, $0xb8;
	[tilespmem:$0x10600] =	vst v63  }
0xc0: {  	_ =	swait.ge [sflag:s14], $0x4000  }
0xc1: {  	[sflag:s14] =	ssyncset.done $0x0  }
0xc2: {  	s0 =	rddreg [dreg:$0xc];
	[sflag:s14] =	ssyncadd.s32 $0xFFFFC000  }
0xc3: {  	[hbm4b:s0+s2] =	stream.linear.scatter [tilespmem:s7], [sflag:$0x9], $0x4000, $0x38;
	[tilespmem:$0x10600] =	vst v63  }
0xc4: {  	_ =	swait.ge [sflag:s6], $0x4000  }
0xc5: {  	[sflag:s6] =	ssyncset.done $0x0  }
0xc6: {  	[sflag:s6] =	ssyncadd.s32 $0xFFFFC000  }
0xc7: {  	[tilespmem:s10], [sflag:$0x4] =	stream.indirect.gather [hbm4b:s3+s12], $0x80, s20, s12, $0xb8;
	[tilespmem:$0x10600] =	vst v63  }
0xc8: {  	_ =	swait.ge [sflag:s18], $0x4000  }
0xc9: {  	[sflag:s18] =	ssyncset.done $0x0  }
0xca: {  	[sflag:s18] =	ssyncadd.s32 $0xFFFFC000  }
0xcb: {  	[hbm4b:s13+s2] =	stream.linear.scatter [tilespmem:s16], [sflag:$0x6], $0x4000, $0x38;
	[tilespmem:$0x10600] =	vst v63  }
0xcc: {  	_ =	swait.ge [sflag:s9], $0x4000  }
0xcd: {  	[sflag:s9] =	ssyncset.done $0x0  }
0xce: {  	[sflag:s9] =	ssyncadd.s32 $0xFFFFC000  }
0xcf: {  	[tilespmem:s7], [sflag:$0x5] =	stream.indirect.gather [hbm4b:s3+s12], $0x80, s19, s12, $0xb8;
	[tilespmem:$0x10600] =	vst v63  }
0xd0: {  	_ =	swait.ge [sflag:s17], $0x4000  }
0xd1: {  	[sflag:s17] =	ssyncset.done $0x0  }
0xd2: {  	[sflag:s17] =	ssyncadd.s32 $0xFFFFC000  }
0xd3: {  	[hbm4b:s8+s2] =	stream.linear.scatter [tilespmem:s11], [sflag:$0x7], $0x4000, $0x38;
	[tilespmem:$0x10600] =	vst v63  }
0xd4: {  	_ =	swait.ge [sflag:s15], $0x4000  }
0xd5: {  	[sflag:s15] =	ssyncset.done $0x0  }
0xd6: {  	s0 =	rddreg [dreg:$0x5];
	[sflag:s15] =	ssyncadd.s32 $0xFFFFC000  }
0xd7: {  	[hbm4b:s0+s2] =	stream.linear.scatter [tilespmem:s10], [sflag:$0x8], $0x4000, $0x38;
	[tilespmem:$0x10600] =	vst v63  }
0xd8: {  	_ =	swait.ge [sflag:s14], $0x4000  }
0xd9: {  	[sflag:s14] =	ssyncset.done $0x0  }
0xda: {  	s0 =	rddreg [dreg:$0x6];
	[sflag:s14] =	ssyncadd.s32 $0xFFFFC000  }
0xdb: {  	[hbm4b:s0+s2] =	stream.linear.scatter [tilespmem:s7], [sflag:$0x9], $0x4000, $0x38;
	[tilespmem:$0x10600] =	vst v63  }
0xdc: {  	_ =	swait.ge [sflag:s4], $0x4000  }
0xdd: {  	[sflag:s4] =	ssyncset.done $0x0  }
0xde: {  	[sflag:s4] =	ssyncadd.s32 $0xFFFFC000  }
0xdf: {  	_ =	swait.ge [sflag:s5], $0x4000  }
0xe0: {  	[sflag:s5] =	ssyncset.done $0x0  }
0xe1: {  	p1 =	sne.s32 s1, $0x1;
	[sflag:s5] =	ssyncadd.s32 $0xFFFFC000  }
.Ltmp2:
0xe2: {  	_ =	swait.ge [sflag:s6], $0x4000;
	(pc) =	sbr.rel @p1 .LBB2_2-.Ltmp2, $4  }
0xe3: {  	[sflag:s6] =	ssyncset.done $0x0  }
0xe4: {  	[sflag:s6] =	ssyncadd.s32 $0xFFFFC000  }
0xe5: {  	_ =	swait.ge [sflag:s9], $0x4000  }
0xe6: {  	s1 =	sadd.s32 $0xFFFFFFFF, s1;
	s0 =	rddreg [dreg:$0x3];
	[sflag:s9] =	ssyncset.done $0x0  }
.LBB2_3:
0xe7: {  	[sflag:s9] =	ssyncadd.s32 @p0 $0xFFFFC000  }
0xe8: {  	[tilespmem:s2], [sflag:$0x1] =	stream.linear.gather [hbm4b:s0+s2], $0x600, $0x38;
	[tilespmem:$0x10600] =	vst v63  }
0xe9: {  	_ =	swait.ge [sflag:s30], $0x600  }
0xea: {  	[sflag:s30] =	ssyncset.done $0x0  }
0xeb: {  	[sflag:s30] =	ssyncadd.s32 $0xFFFFFA00  }
0xec: {  	[tilespmem:s16], [sflag:$0x2] =	stream.indirect.gather [hbm4b:s3+s12], $0x80, s2, s12, $0xb8;
	[tilespmem:$0x10600] =	vst v63  }
0xed: {  	_ = 	snop  }
0xee: {  	[tilespmem:s11], [sflag:$0x3] =	stream.indirect.gather [hbm4b:s3+s12], $0x80, s12, s12, $0xb8;
	[tilespmem:$0x10600] =	vst v63  }
0xef: {  	_ = 	snop  }
0xf0: {  	[tilespmem:s10], [sflag:$0x4] =	stream.indirect.gather [hbm4b:s3+s12], $0x80, s31, s12, $0xb8;
	[tilespmem:$0x10600] =	vst v63  }
0xf1: {  	_ =	swait.ge [sflag:s18], $0x4000  }
0xf2: {  	[sflag:s18] =	ssyncset.done $0x0  }
0xf3: {  	[sflag:s18] =	ssyncadd.s32 $0xFFFFC000  }
0xf4: {  	[hbm4b:s22+s2] =	stream.linear.scatter [tilespmem:s16], [sflag:$0x6], $0x4000, $0x38;
	[tilespmem:$0x10600] =	vst v63  }
0xf5: {  	_ = 	snop  }
0xf6: {  	[tilespmem:s7], [sflag:$0x5] =	stream.indirect.gather [hbm4b:s3+s12], $0x80, s29, s12, $0xb8;
	[tilespmem:$0x10600] =	vst v63  }
0xf7: {  	_ =	swait.ge [sflag:s17], $0x4000  }
0xf8: {  	[sflag:s17] =	ssyncset.done $0x0  }
0xf9: {  	s30 =	rddreg [dreg:$0x4];
	[sflag:s17] =	ssyncadd.s32 $0xFFFFC000  }
0xfa: {  	[hbm4b:s30+s2] =	stream.linear.scatter [tilespmem:s11], [sflag:$0x7], $0x4000, $0x38;
	[tilespmem:$0x10600] =	vst v63  }
0xfb: {  	_ =	swait.ge [sflag:s4], $0x4000  }
0xfc: {  	[sflag:s4] =	ssyncset.done $0x0  }
0xfd: {  	[sflag:s4] =	ssyncadd.s32 $0xFFFFC000  }
0xfe: {  	[tilespmem:s16], [sflag:$0x2] =	stream.indirect.gather [hbm4b:s3+s12], $0x80, s28, s12, $0xb8;
	[tilespmem:$0x10600] =	vst v63  }
0xff: {  	_ =	swait.ge [sflag:s15], $0x4000  }
0x100: {  	[sflag:s15] =	ssyncset.done $0x0  }
0x101: {  	s31 =	rddreg [dreg:$0x7];
	[sflag:s15] =	ssyncadd.s32 $0xFFFFC000  }
0x102: {  	[hbm4b:s31+s2] =	stream.linear.scatter [tilespmem:s10], [sflag:$0x8], $0x4000, $0x38;
	[tilespmem:$0x10600] =	vst v63  }
0x103: {  	_ =	swait.ge [sflag:s5], $0x4000  }
0x104: {  	[sflag:s5] =	ssyncset.done $0x0  }
0x105: {  	[sflag:s5] =	ssyncadd.s32 $0xFFFFC000  }
0x106: {  	[tilespmem:s11], [sflag:$0x3] =	stream.indirect.gather [hbm4b:s3+s12], $0x80, s26, s12, $0xb8;
	[tilespmem:$0x10600] =	vst v63  }
0x107: {  	_ =	swait.ge [sflag:s14], $0x4000  }
0x108: {  	[sflag:s14] =	ssyncset.done $0x0  }
0x109: {  	s1 =	rddreg [dreg:$0x8];
	[sflag:s14] =	ssyncadd.s32 $0xFFFFC000  }
0x10a: {  	[hbm4b:s1+s2] =	stream.linear.scatter [tilespmem:s7], [sflag:$0x9], $0x4000, $0x38;
	[tilespmem:$0x10600] =	vst v63  }
0x10b: {  	_ =	swait.ge [sflag:s6], $0x4000  }
0x10c: {  	[sflag:s6] =	ssyncset.done $0x0  }
0x10d: {  	[sflag:s6] =	ssyncadd.s32 $0xFFFFC000  }
0x10e: {  	[tilespmem:s10], [sflag:$0x4] =	stream.indirect.gather [hbm4b:s3+s12], $0x80, s25, s12, $0xb8;
	[tilespmem:$0x10600] =	vst v63  }
0x10f: {  	_ =	swait.ge [sflag:s18], $0x4000  }
0x110: {  	[sflag:s18] =	ssyncset.done $0x0  }
0x111: {  	s22 =	rddreg [dreg:$0x9];
	[sflag:s18] =	ssyncadd.s32 $0xFFFFC000  }
0x112: {  	[hbm4b:s22+s2] =	stream.linear.scatter [tilespmem:s16], [sflag:$0x6], $0x4000, $0x38;
	[tilespmem:$0x10600] =	vst v63  }
0x113: {  	_ =	swait.ge [sflag:s9], $0x4000  }
0x114: {  	[sflag:s9] =	ssyncset.done $0x0  }
0x115: {  	[sflag:s9] =	ssyncadd.s32 $0xFFFFC000  }
0x116: {  	[tilespmem:s7], [sflag:$0x5] =	stream.indirect.gather [hbm4b:s3+s12], $0x80, s24, s12, $0xb8;
	[tilespmem:$0x10600] =	vst v63  }
0x117: {  	_ =	swait.ge [sflag:s17], $0x4000  }
0x118: {  	[sflag:s17] =	ssyncset.done $0x0  }
0x119: {  	s25 =	rddreg [dreg:$0xa];
	[sflag:s17] =	ssyncadd.s32 $0xFFFFC000  }
0x11a: {  	[hbm4b:s25+s2] =	stream.linear.scatter [tilespmem:s11], [sflag:$0x7], $0x4000, $0x38;
	[tilespmem:$0x10600] =	vst v63  }
0x11b: {  	_ =	swait.ge [sflag:s4], $0x4000  }
0x11c: {  	[sflag:s4] =	ssyncset.done $0x0  }
0x11d: {  	[sflag:s4] =	ssyncadd.s32 $0xFFFFC000  }
0x11e: {  	[tilespmem:s16], [sflag:$0x2] =	stream.indirect.gather [hbm4b:s3+s12], $0x80, s23, s12, $0xb8;
	[tilespmem:$0x10600] =	vst v63  }
0x11f: {  	_ =	swait.ge [sflag:s15], $0x4000  }
0x120: {  	[sflag:s15] =	ssyncset.done $0x0  }
0x121: {  	s26 =	rddreg [dreg:$0xb];
	[sflag:s15] =	ssyncadd.s32 $0xFFFFC000  }
0x122: {  	[hbm4b:s26+s2] =	stream.linear.scatter [tilespmem:s10], [sflag:$0x8], $0x4000, $0x38;
	[tilespmem:$0x10600] =	vst v63  }
0x123: {  	_ =	swait.ge [sflag:s5], $0x4000  }
0x124: {  	[sflag:s5] =	ssyncset.done $0x0  }
0x125: {  	[sflag:s5] =	ssyncadd.s32 $0xFFFFC000  }
0x126: {  	[tilespmem:s11], [sflag:$0x3] =	stream.indirect.gather [hbm4b:s3+s12], $0x80, s21, s12, $0xb8;
	[tilespmem:$0x10600] =	vst v63  }
0x127: {  	_ =	swait.ge [sflag:s14], $0x4000  }
0x128: {  	[sflag:s14] =	ssyncset.done $0x0  }
0x129: {  	s28 =	rddreg [dreg:$0xc];
	[sflag:s14] =	ssyncadd.s32 $0xFFFFC000  }
0x12a: {  	[hbm4b:s28+s2] =	stream.linear.scatter [tilespmem:s7], [sflag:$0x9], $0x4000, $0x38;
	[tilespmem:$0x10600] =	vst v63  }
0x12b: {  	_ =	swait.ge [sflag:s6], $0x4000  }
0x12c: {  	[sflag:s6] =	ssyncset.done $0x0  }
0x12d: {  	[sflag:s6] =	ssyncadd.s32 $0xFFFFC000  }
0x12e: {  	[tilespmem:s10], [sflag:$0x4] =	stream.indirect.gather [hbm4b:s3+s12], $0x80, s20, s12, $0xb8;
	[tilespmem:$0x10600] =	vst v63  }
0x12f: {  	_ =	swait.ge [sflag:s18], $0x4000  }
0x130: {  	[sflag:s18] =	ssyncset.done $0x0  }
0x131: {  	[sflag:s18] =	ssyncadd.s32 $0xFFFFC000  }
0x132: {  	[hbm4b:s13+s2] =	stream.linear.scatter [tilespmem:s16], [sflag:$0x6], $0x4000, $0x38;
	[tilespmem:$0x10600] =	vst v63  }
0x133: {  	_ =	swait.ge [sflag:s9], $0x4000  }
0x134: {  	[sflag:s9] =	ssyncset.done $0x0  }
0x135: {  	[sflag:s9] =	ssyncadd.s32 $0xFFFFC000  }
0x136: {  	[tilespmem:s7], [sflag:$0x5] =	stream.indirect.gather [hbm4b:s3+s12], $0x80, s19, s12, $0xb8;
	[tilespmem:$0x10600] =	vst v63  }
0x137: {  	_ =	swait.ge [sflag:s17], $0x4000  }
0x138: {  	[sflag:s17] =	ssyncset.done $0x0  }
0x139: {  	[sflag:s17] =	ssyncadd.s32 $0xFFFFC000  }
0x13a: {  	[hbm4b:s8+s2] =	stream.linear.scatter [tilespmem:s11], [sflag:$0x7], $0x4000, $0x38;
	[tilespmem:$0x10600] =	vst v63  }
0x13b: {  	_ =	swait.ge [sflag:s15], $0x4000  }
0x13c: {  	[sflag:s15] =	ssyncset.done $0x0  }
0x13d: {  	s29 =	rddreg [dreg:$0x5];
	[sflag:s15] =	ssyncadd.s32 $0xFFFFC000  }
0x13e: {  	[hbm4b:s29+s2] =	stream.linear.scatter [tilespmem:s10], [sflag:$0x8], $0x4000, $0x38;
	[tilespmem:$0x10600] =	vst v63  }
0x13f: {  	_ =	swait.ge [sflag:s14], $0x4000  }
0x140: {  	[sflag:s14] =	ssyncset.done $0x0  }
0x141: {  	s30 =	rddreg [dreg:$0x6];
	[sflag:s14] =	ssyncadd.s32 $0xFFFFC000  }
0x142: {  	[hbm4b:s30+s2] =	stream.linear.scatter [tilespmem:s7], [sflag:$0x9], $0x4000, $0x38;
	[tilespmem:$0x10600] =	vst v63  }
0x143: {  	_ =	swait.ge [sflag:s4], $0x4000  }
0x144: {  	[sflag:s4] =	ssyncset.done $0x0  }
0x145: {  	[sflag:s4] =	ssyncadd.s32 $0xFFFFC000  }
0x146: {  	_ =	swait.ge [sflag:s5], $0x4000  }
0x147: {  	[sflag:s5] =	ssyncset.done $0x0  }
0x148: {  	[sflag:s5] =	ssyncadd.s32 $0xFFFFC000  }
0x149: {  	_ =	swait.ge [sflag:s6], $0x4000  }
0x14a: {  	[sflag:s6] =	ssyncset.done $0x0  }
0x14b: {  	[sflag:s6] =	ssyncadd.s32 $0xFFFFC000  }
0x14c: {  	_ =	swait.ge [sflag:s9], $0x4000  }
0x14d: {  	[sflag:s9] =	ssyncset.done $0x0  }
0x14e: {  	[sflag:s9] =	ssyncadd.s32 $0xFFFFC000  }
0x14f: {  	_ =	sfence.sel $0x180000  }
0x150: {  	[bflag:$0x0] =	sbarrier.arrive $0xFFFF  }
0x151: {  	_ =	strace $0x90000047  }
0x152: {  	s31 =	stileid.u32;
	[bflag:$0x2] =	sbarrier.arrive $0xFFFF  }
0x153: {  	p0 =	sne.s32 s31, $0x0;
	s0 =	rddreg [dreg:$0x2]  }
0x154: {  	s0 =	sadd.s32 @!p0 $0x100000, s0  }
0x155: {  	[sflag:s0] =	ssyncadd.tile.s32 @!p0 $0x1;
	_ =	shalt  }
.Lfunc_end2:
_tile_overlayer_lowered:
.L_overlay_start_2:
0x156: {  	(tag) =	ssettag $0x2  }
0x157: {  	s0 =	rddreg [dreg:$0x0];
	s2 =	stileid.u32  }
0x158: {  	s1 =	rddreg [dreg:$0x1];
	p0 =	sne.s32 s2, $0x0  }
0x159: {  	s3 =	rddreg [dreg:$0x2];
	[bflag:$0x3] =	sbarrier.arrive $0xFFFF;
	s2 =	simm.s32 @!p0 $0x1C0A  }
0x15a: {  	[timem:s3], [sflag:s2] =	dma.local @!p0 [hbm:s0], s1  }
0x15b: {  	s0 =	simm.s32 @!p0 $0xA  }
0x15c: {  	_ =	swait.ge @!p0 [sflag:s0], s1  }
0x15d: {  	s1 =	ssub.s32 @!p0 $0x0, s1;
	[sflag:s0] =	ssyncset.done @!p0 $0x0  }
0x15e: {  	[sflag:s0] =	ssyncadd.s32 @!p0 s1  }
0x15f: {  	[bflag:$0x3] =	sbarrier.arrive $0xFFFF  }
0x160: {  	_ =	shalt  }

// kernel: kernel.15.cloned.1.call-start
scs
__scs_entry_jumppad:
0x0: {  	(pc) =	sbr.rel $0x88, $3  }
0x1: {  	(tag) =	ssettag $0x0;
	lr =	simm.s32 $0x1  }
0x2: {  	[smem:$0x3F9D] =	sst lr;
	_ =	strace $0xD0000000  }
0x3: {  	_ = 	snop  }
0x4: {  	_ = 	snop  }
0x5: {  	_ = 	snop  }
0x6: {  	_ = 	snop  }
0x7: {  	_ = 	snop  }
__scs_overlays_trampoline_lowered:
0x8: {  	[smem:$0x3FAC] =	sst s0  }
0x9: {  	[smem:$0x3FAD] =	sst s1  }
0xa: {  	[smem:$0x3FAE] =	sst s2  }
0xb: {  	[smem:$0x3FAF] =	sst s3  }
0xc: {  	[smem:$0x3FB0] =	sst s4  }
0xd: {  	[smem:$0x3FB1] =	sst s5  }
0xe: {  	[smem:$0x3FB2] =	sst s6  }
0xf: {  	[smem:$0x3FB3] =	sst s7  }
0x10: {  	[smem:$0x3FB4] =	sst s8  }
0x11: {  	[smem:$0x3FB5] =	sst s9;
	s0 =	simm.s32 @!p0 $0x0  }
0x12: {  	s1 =	sld [smem:$0x3F9B];
	s0 =	simm.s32 @p0 $0x1  }
0x13: {  	[smem:$0x3FB6] =	sst s0;
	s0 =	simm.s32 @!p1 $0x0  }
0x14: {  	s2 =	sld [smem:$0x3F9A];
	s0 =	simm.s32 @p1 $0x1  }
0x15: {  	[smem:$0x3FB7] =	sst s0;
	s0 =	simm.s32 @!p2 $0x0  }
0x16: {  	s3 =	sld [smem:$0x3FDB];
	s0 =	simm.s32 @p2 $0x1  }
0x17: {  	s4 =	simm.s32 $0x1BF5;
	[smem:$0x3FB9] =	sst s0  }
0x18: {  	s0 =	sld [smem:$0x3F9C];
	_ =	swait.ge [sflag:s4], $0x0  }
0x19: {  	s7 =	sld [smem:$0x3F9D]  }
0x1a: {  	s8 =	sadd.s32 $0xFFFFE003, lr  }
0x1b: {  	s9 =	sadd.s32 $0xFFFFFEF7, lr;
	s5 =	simm.s32 $0xFFFFFFFF;
	p2 =	slt.u32 s8, $0xFFFFF086  }
0x1c: {  	p1 =	slt.u32 s9, $0xF7A;
	s5 =	simm.s32 @!p2 $0x0  }
0x1d: {  	s5 =	simm.s32 @p1 $0x1;
	p0 =	seq.s32 s7, s2  }
0x1e: {  	s7 =	smul.u32 @!p0 $0xF7A, s2;
	p2 =	seq.s32 @!p0 s5, $0x0  }
0x1f: {  	s9 =	smul.u32 $0xF7A, s1;
	s8 =	simm.s32 @!p0 $0x1BF5;
	p2 =	por !p2, p0  }
0x20: {  	[sflag:s8] =	ssyncset.s32 @!p0 $0xFFFFF086;
	s6 =	sadd.s32 @!p0 s3, s7;
	s7 =	simm.s32 @!p0 $0x108  }
0x21: {  	s3 =	sadd.s32 s3, s9;
	s6 =	sadd.s32 @!p0 $0x88, s6;
	s7 =	simm.s32 @p2 $0x1082  }
0x22: {  	[simem:s7], [sflag:s8] =	dma.local @!p0 [hbm:s6], $0xF7A  }
0x23: {  	s9 =	sor.u32 $0xD0000000, s2;
	s6 =	simm.s32 $0x108;
	_ =	swait.ge @!p0 [sflag:s8], $0x0  }
0x24: {  	s3 =	sadd.s32 $0x88, s3;
	s6 =	simm.s32 @!p1 $0x1082;
	[sflag:s4] =	ssyncset.s32 $0xFFFFF086  }
0x25: {  	[simem:s6], [sflag:s4] =	dma.local [hbm:s3], $0xF7A  }
0x26: {  	[smem:$0x3F9D] =	sst s1;
	(tag) =	ssettag s2;
	_ =	strace s9  }
0x27: {  	s1 =	sld [smem:$0x3FAD]  }
0x28: {  	s2 =	sld [smem:$0x3FAE]  }
0x29: {  	s4 =	sld [smem:$0x3FB0]  }
0x2a: {  	p0 =	seq.s32 s5, $0x0;
	s5 =	sld [smem:$0x3FB1]  }
0x2b: {  	s6 =	sld [smem:$0x3FB2]  }
0x2c: {  	s7 =	sld [smem:$0x3FB3]  }
0x2d: {  	s3 =	simm.s32 $0x108;
	s8 =	sld [smem:$0x3FB4]  }
0x2e: {  	s3 =	simm.s32 @!p0 $0x1082;
	s9 =	sld [smem:$0x3FB5]  }
0x2f: {  	lr =	sadd.s32 s0, s3;
	s0 =	sld [smem:$0x3FAC]  }
0x30: {  	s3 =	sld [smem:$0x3FAF]  }
0x31: {  	[smem:$0x3FB8] =	sst s10  }
0x32: {  	s10 =	sld [smem:$0x3FB6];
	_ =	sdelay $0x3  }
0x33: {  	p0 =	seq.s32 s10, $0x1;
	s10 =	sld [smem:$0x3FB8];
	_ =	sdelay $0x3  }
0x34: {  	[smem:$0x3FB8] =	sst s10  }
0x35: {  	s10 =	sld [smem:$0x3FB7];
	_ =	sdelay $0x3  }
0x36: {  	p1 =	seq.s32 s10, $0x1;
	s10 =	sld [smem:$0x3FB8];
	_ =	sdelay $0x3  }
0x37: {  	[smem:$0x3FB8] =	sst s10  }
0x38: {  	s10 =	sld [smem:$0x3FB9]  }
0x39: {  	_ = 	snop;
	(pc) =	sbr.ind lr, $3  }
0x3a: {  	_ = 	snop  }
0x3b: {  	_ = 	snop  }
0x3c: {  	p2 =	seq.s32 s10, $0x1;
	s10 =	sld [smem:$0x3FB8]  }
0x3d: {  	_ =	shalt  }
0x3e: {  	_ =	shalt  }
0x3f: {  	_ =	shalt  }
0x40: {  	_ =	shalt  }
0x41: {  	_ =	shalt  }
0x42: {  	_ =	shalt  }
0x43: {  	_ =	shalt  }
0x44: {  	_ =	shalt  }
0x45: {  	_ =	shalt  }
0x46: {  	_ =	shalt  }
0x47: {  	_ =	shalt  }
0x48: {  	_ =	shalt  }
0x49: {  	_ =	shalt  }
0x4a: {  	_ =	shalt  }
0x4b: {  	_ =	shalt  }
0x4c: {  	_ =	shalt  }
0x4d: {  	_ =	shalt  }
0x4e: {  	_ =	shalt  }
0x4f: {  	_ =	shalt  }
0x50: {  	_ =	shalt  }
0x51: {  	_ =	shalt  }
0x52: {  	_ =	shalt  }
0x53: {  	_ =	shalt  }
0x54: {  	_ =	shalt  }
0x55: {  	_ =	shalt  }
0x56: {  	_ =	shalt  }
0x57: {  	_ =	shalt  }
0x58: {  	_ =	shalt  }
0x59: {  	_ =	shalt  }
0x5a: {  	_ =	shalt  }
0x5b: {  	_ =	shalt  }
0x5c: {  	_ =	shalt  }
0x5d: {  	_ =	shalt  }
0x5e: {  	_ =	shalt  }
0x5f: {  	_ =	shalt  }
0x60: {  	_ =	shalt  }
0x61: {  	_ =	shalt  }
0x62: {  	_ =	shalt  }
0x63: {  	_ =	shalt  }
0x64: {  	_ =	shalt  }
0x65: {  	_ =	shalt  }
0x66: {  	_ =	shalt  }
0x67: {  	_ =	shalt  }
0x68: {  	_ =	shalt  }
0x69: {  	_ =	shalt  }
0x6a: {  	_ =	shalt  }
0x6b: {  	_ =	shalt  }
0x6c: {  	_ =	shalt  }
0x6d: {  	_ =	shalt  }
0x6e: {  	_ =	shalt  }
0x6f: {  	_ =	shalt  }
0x70: {  	_ =	shalt  }
0x71: {  	_ =	shalt  }
0x72: {  	_ =	shalt  }
0x73: {  	_ =	shalt  }
0x74: {  	_ =	shalt  }
0x75: {  	_ =	shalt  }
0x76: {  	_ =	shalt  }
0x77: {  	_ =	shalt  }
0x78: {  	_ =	shalt  }
0x79: {  	_ =	shalt  }
0x7a: {  	_ =	shalt  }
0x7b: {  	_ =	shalt  }
0x7c: {  	_ =	shalt  }
0x7d: {  	_ =	shalt  }
0x7e: {  	_ =	shalt  }
0x7f: {  	_ =	shalt  }
0x80: {  	_ =	shalt  }
0x81: {  	_ =	shalt  }
0x82: {  	_ =	shalt  }
0x83: {  	_ =	shalt  }
0x84: {  	_ =	shalt  }
0x85: {  	_ =	shalt  }
0x86: {  	_ =	shalt  }
0x87: {  	_ =	shalt  }
.Lfunc_end0:
.L_simem_size_0:
called_computation.1_lowered:
.L_overlay_start_0:
0x88: {  	s2 =	sld [smem:$0x3FD9]  }
0x89: {  	s3 =	sld [smem:$0x3FFE];
	_ =	sdelay $0x1  }
0x8a: {  	s1 =	srdreg.scid  }
0x8b: {  	s0 =	sand.u32 $0x1, s1  }
0x8c: {  	s17 =	sshll.u32 s0, $0xA;
	s2 =	sadd.s32 s3, s2  }
0x8d: {  	s2 =	sadd.s32 s2, s17  }
0x8e: {  	[smem:$0x3FC4] =	sst s2  }
0x8f: {  	_ = 	snop  }
0x90: {  	s18 =	sld [smem:$0x3FC8];
	(tm) =	ssettm $0x1  }
0x91: {  	s19 =	sld [smem:$0x3FFB];
	_ =	sdelay $0x3  }
0x92: {  	_ =	strace s19  }
0x93: {  	s2 =	sld [smem:$0x3FFC];
	_ =	sdelay $0x3  }
0x94: {  	_ =	strace s2  }
0x95: {  	s2 =	sld [smem:$0x3FFD];
	_ =	sdelay $0x3  }
0x96: {  	_ =	strace s2  }
0x97: {  	_ =	strace $0x8FFFFFFF  }
0x98: {  	s20 =	sld [smem:$0x3FDB];
	_ =	sdelay $0x1  }
0x99: {  	s4 =	simm.s32 $_scs_section_size  }
0x9a: {  	s5 =	simm.s32 $_size__tile_overlayer_lowered;
	s6 =	simm.s32 $_tile_overlayer_lowered  }
0x9b: {  	s7 =	simm.s32 $0x1BFF;
	s21 =	sshll.u32 s6, $0x1;
	s4 =	sadd.s32 s4, s20  }
0x9c: {  	s22 =	simm.s32 $0x0;
	s5 =	sshll.u32 s5, $0x1;
	s6 =	sadd.s32 s21, s4  }
0x9d: {  	[timem:s22], [sflag:s7] =	dma.local [hbm:s6], s5  }
0x9e: {  	_ =	swait.ge [sflag:s7], s5  }
0x9f: {  	s5 =	ssub.s32 $0x0, s5;
	[sflag:s7] =	ssyncset.done $0x0  }
0xa0: {  	[sflag:s7] =	ssyncadd.s32 s5;
	_ =	sdelay $0x1  }
0xa1: {  	s23 =	simm.s32 $0x1B8B  }
0xa2: {  	_ =	swait.ge [sflag:s23], $0x1  }
0xa3: {  	[sflag:s23] =	ssyncset.done $0x0  }
0xa4: {  	[sflag:s23] =	ssyncadd.s32 $0xFFFFFFFF  }
0xa5: {  	s5 =	sld [smem:$0x0]  }
0xa6: {  	s6 =	sand.u32 $0xFFFFFFFE, s1  }
0xa7: {  	p0 =	sne.s32 s1, s6  }
0xa8: {  	s6 =	sshll.u32 @p0 s6, $0xE  }
0xa9: {  	s6 =	sadd.s32 @p0 $0x11B8D, s6;
	s7 =	sshll.u32 @p0 s5, $0x11  }
0xaa: {  	s6 =	sor.u32 @p0 s7, s6  }
0xab: {  	[sflag:s6] =	ssyncadd.remote.s32 @p0 $0x1;
	_ =	sdelay $0x1  }
0xac: {  	s6 =	simm.s32 @p0 $0x1B8D  }
0xad: {  	_ =	swait.eq @p0 [sflag:s6], $0x1  }
0xae: {  	[sflag:s6] =	ssyncadd.s32 @p0 $0xFFFFFFFF  }
0xaf: {  	s7 =	sshll.u32 @!p0 s1, $0xE  }
0xb0: {  	s7 =	sor.u32 @!p0 $0x4000, s7;
	s6 =	simm.s32 @!p0 $0x1B8D  }
0xb1: {  	s5 =	sshll.u32 @!p0 s5, $0x11;
	s7 =	sadd.s32 @!p0 $0x11B8D, s7;
	_ =	swait.eq @!p0 [sflag:s6], $0x1  }
0xb2: {  	s5 =	sor.u32 @!p0 s5, s7;
	[sflag:s6] =	ssyncadd.s32 @!p0 $0xFFFFFFFF  }
0xb3: {  	s25 =	simm.s32 $0x1B8E;
	s24 =	sld [smem:$0x3FFE];
	[sflag:s5] =	ssyncadd.remote.s32 @!p0 $0x1  }
0xb4: {  	s26 =	simm.s32 $execute0_lowered;
	[smem:$0x3FD2] =	sst s25  }
0xb5: {  	s6 =	sshll.u32 s26, $0x1;
	_ =	strace $0x80000049;
	[dreg:$0x1] =	wrdreg $0xFFFFFFFF  }
0xb6: {  	s28 =	simm.s32 $_size_execute0_lowered;
	s4 =	sadd.s32 s4, s6;
	[dreg:$0x0] =	wrdreg $0x0  }
0xb7: {  	s6 =	sshll.u32 s28, $0x1;
	[dreg:$0x2] =	wrdreg s4  }
0xb8: {  	[dreg:$0x3] =	wrdreg s6  }
0xb9: {  	[dreg:$0x4] =	wrdreg $0xC0  }
0xba: {  	_ =	task [dreg:s22], $0x5FFFF  }
0xbb: {  	[dreg:$0x1] =	wrdreg $0xFFFFFFFF  }
0xbc: {  	[dreg:$0x0] =	wrdreg $0x60  }
0xbd: {  	[dreg:$0x2] =	wrdreg s18  }
0xbe: {  	[dreg:$0x3] =	wrdreg s24  }
0xbf: {  	[dreg:$0x4] =	wrdreg $0xA  }
0xc0: {  	_ =	task.clear_ibuf [dreg:s22], $0x5FFFF;
	_ =	strace $0x90000049  }
0xc1: {  	s29 =	simm.s32 $0xA;
	_ =	strace $0x8000004B  }
0xc2: {  	_ =	swait.ge [sflag:s29], $0x1  }
0xc3: {  	[sflag:s29] =	ssyncadd.s32 $0xFFFFFFFF  }
0xc4: {  	_ =	strace $0x9000004B  }
0xc5: {  	_ =	sfence  }
0xc6: {  	s30 =	sld [smem:$0x0];
	_ =	sdelay $0x2  }
0xc7: {  	s31 =	sshll.u32 s1, $0xD;
	s1 =	sshrl.u32 s1, $0x2  }
0xc8: {  	s4 =	sand.u32 $0x4000, s31;
	s1 =	sadd.s32 s1, s30  }
0xc9: {  	s0 =	sor.u32 s4, s0;
	s1 =	sshll.u32 s1, $0x11  }
0xca: {  	s0 =	sor.u32 s1, s0  }
0xcb: {  	s0 =	sadd.s32 $0x8F2B, s0  }
0xcc: {  	[sflag:s0] =	ssyncadd.remote.s32 $0x1  }
0xcd: {  	_ =	sfence.sel $0xFFFF  }
0xce: {  	[dreg:$0x0] =	wrdreg $0xFFFFFFFF;
	(pc) =	sbr.abs _section_cstart, $3  }
0xcf: {  	[dreg:$0x1] =	wrdreg $0xFFFFFFFF  }
0xd0: {  	_ =	task.clear_ibuf [dreg:s22], $0x2FFFF;
	_ =	strace $0x9FFFFFFF  }
0xd1: {  	(tm) =	ssettm $0x7FFFFFFF  }
tec
execute0_lowered:
.L_overlay_start_1:
0x0: {  	(tag) =	ssettag $0x1  }
0x1: {  	s0 =	srdreg.scid;
	s3 =	rddreg [dreg:$0x0]  }
0x2: {  	s1 =	stileid.u32;
	s4 =	rddreg [dreg:$0x1];
	s2 =	simm.s32 $0x0  }
0x3: {  	s30 =	simm.s32 $0x1;
	s12 =	simm.s32 $0x80;
	s16 =	simm.s32 $0x600  }
0x4: {  	s11 =	simm.s32 $0x4600;
	s31 =	simm.s32 $0x100;
	s10 =	simm.s32 $0x8600  }
0x5: {  	s29 =	simm.s32 $0x180;
	s28 =	simm.s32 $0x200;
	s15 =	simm.s32 $0x4  }
0x6: {  	s14 =	simm.s32 $0x5;
	s0 =	sand.u32 $0x1, s0;
	s1 =	sshll.u32 s1, $0x1  }
0x7: {  	p0 =	por $0x0, $0x0;
	s9 =	simm.s32 $0x9;
	s1 =	sor.u32 s0, s1  }
0x8: {  	[smem:$0x7FF] =	sst s2;
	s0 =	ssub.s32 $0x2, s0;
	s5 =	smul.u32 $0x600, s1  }
0x9: {  	s7 =	sadd.s32 $0xC8200, s4;
	s6 =	smul.u32 $0x6000, s1;
	s24 =	sshrl.u32 s0, $0x1  }
0xa: {  	_ =	strace $0x8000004A;
	s1 =	smul.u32 $0x30000, s1;
	s0 =	ssub.s32 s0, s24  }
0xb: {  	s24 =	simm.s32 $0x380;
	s5 =	sshrl.u32 s5, $0x3;
	s22 =	sadd.s32 s7, s6  }
0xc: {  	s1 =	sshrl.u32 s1, $0x3;
	s0 =	smax.u32 s0, $0x1;
	s6 =	simm.s32 $0x8  }
0xd: {  	s4 =	sadd.s32 s4, s5;
	s17 =	sadd.s32 $0x800, s22;
	s1 =	sadd.s32 s7, s1  }
0xe: {  	s19 =	sadd.s32 $0x1000, s22;
	s20 =	sadd.s32 $0x1800, s22;
	[dreg:$0x4] =	wrdreg s17  }
0xf: {  	s21 =	sadd.s32 $0x2000, s22;
	s23 =	sadd.s32 $0x2800, s22;
	[dreg:$0x7] =	wrdreg s19  }
0x10: {  	s25 =	sadd.s32 $0x3000, s22;
	s26 =	sadd.s32 $0x3800, s22;
	[dreg:$0x8] =	wrdreg s20  }
0x11: {  	s13 =	sadd.s32 $0x4000, s22;
	s8 =	sadd.s32 $0x4800, s22;
	[dreg:$0x9] =	wrdreg s21  }
0x12: {  	s7 =	simm.s32 $0xC600;
	s5 =	simm.s32 $0x7;
	[dreg:$0xa] =	wrdreg s23  }
0x13: {  	p1 =	sne.s32 s0, $0x1;
	s4 =	sadd.s32 $0x3600, s4;
	[dreg:$0xb] =	wrdreg s25  }
0x14: {  	s18 =	sadd.s32 $0x5000, s1;
	s1 =	sadd.s32 $0x5800, s1;
	[dreg:$0xc] =	wrdreg s26  }
.Ltmp0:
0x15: {  	s17 =	simm.s32 $0x3;
	s26 =	simm.s32 $0x280;
	(pc) =	sbr.rel @!p1 .LBB2_3-.Ltmp0, $4  }
0x16: {  	s25 =	simm.s32 $0x300;
	s23 =	simm.s32 $0x400;
	[dreg:$0x3] =	wrdreg s4  }
0x17: {  	s21 =	simm.s32 $0x480;
	s20 =	simm.s32 $0x500;
	[dreg:$0x5] =	wrdreg s18  }
0x18: {  	s19 =	simm.s32 $0x580;
	[dreg:$0x6] =	wrdreg s1;
	s18 =	simm.s32 $0x2  }
0x19: {  	s4 =	simm.s32 $0x6;
	s1 =	sadd.s32 $0xFFFFFFFF, s0;
	s0 =	rddreg [dreg:$0x3]  }
0x1a: {  	[tilespmem:s2], [sflag:$0x1] =	stream.linear.gather [hbm4b:s0+s2], $0x600, $0x38;
	[tilespmem:$0x10600] =	vst v63  }
0x1b: {  	_ =	swait.ge [sflag:s30], $0x600  }
0x1c: {  	[sflag:s30] =	ssyncset.done $0x0  }
0x1d: {  	[sflag:s30] =	ssyncadd.s32 $0xFFFFFA00  }
0x1e: {  	[tilespmem:s16], [sflag:$0x2] =	stream.indirect.gather [hbm4b:s3+s12], $0x80, s2, s12, $0xb8;
	[tilespmem:$0x10600] =	vst v63  }
0x1f: {  	_ = 	snop  }
0x20: {  	[tilespmem:s11], [sflag:$0x3] =	stream.indirect.gather [hbm4b:s3+s12], $0x80, s12, s12, $0xb8;
	[tilespmem:$0x10600] =	vst v63  }
0x21: {  	_ = 	snop  }
0x22: {  	[tilespmem:s10], [sflag:$0x4] =	stream.indirect.gather [hbm4b:s3+s12], $0x80, s31, s12, $0xb8;
	[tilespmem:$0x10600] =	vst v63  }
0x23: {  	_ =	swait.ge [sflag:s18], $0x4000  }
0x24: {  	[sflag:s18] =	ssyncset.done $0x0  }
0x25: {  	[sflag:s18] =	ssyncadd.s32 $0xFFFFC000  }
0x26: {  	[hbm4b:s22+s2] =	stream.linear.scatter [tilespmem:s16], [sflag:$0x6], $0x4000, $0x38;
	[tilespmem:$0x10600] =	vst v63  }
0x27: {  	_ = 	snop  }
0x28: {  	[tilespmem:s7], [sflag:$0x5] =	stream.indirect.gather [hbm4b:s3+s12], $0x80, s29, s12, $0xb8;
	[tilespmem:$0x10600] =	vst v63  }
0x29: {  	_ =	swait.ge [sflag:s17], $0x4000  }
0x2a: {  	[sflag:s17] =	ssyncset.done $0x0  }
0x2b: {  	s0 =	rddreg [dreg:$0x4];
	[sflag:s17] =	ssyncadd.s32 $0xFFFFC000  }
0x2c: {  	[hbm4b:s0+s2] =	stream.linear.scatter [tilespmem:s11], [sflag:$0x7], $0x4000, $0x38;
	[tilespmem:$0x10600] =	vst v63  }
0x2d: {  	_ =	swait.ge [sflag:s4], $0x4000  }
0x2e: {  	[sflag:s4] =	ssyncset.done $0x0  }
0x2f: {  	[sflag:s4] =	ssyncadd.s32 $0xFFFFC000  }
0x30: {  	[tilespmem:s16], [sflag:$0x2] =	stream.indirect.gather [hbm4b:s3+s12], $0x80, s28, s12, $0xb8;
	[tilespmem:$0x10600] =	vst v63  }
0x31: {  	_ =	swait.ge [sflag:s15], $0x4000  }
0x32: {  	[sflag:s15] =	ssyncset.done $0x0  }
0x33: {  	s0 =	rddreg [dreg:$0x7];
	[sflag:s15] =	ssyncadd.s32 $0xFFFFC000  }
0x34: {  	[hbm4b:s0+s2] =	stream.linear.scatter [tilespmem:s10], [sflag:$0x8], $0x4000, $0x38;
	[tilespmem:$0x10600] =	vst v63  }
0x35: {  	_ =	swait.ge [sflag:s5], $0x4000  }
0x36: {  	[sflag:s5] =	ssyncset.done $0x0  }
0x37: {  	[sflag:s5] =	ssyncadd.s32 $0xFFFFC000  }
0x38: {  	[tilespmem:s11], [sflag:$0x3] =	stream.indirect.gather [hbm4b:s3+s12], $0x80, s26, s12, $0xb8;
	[tilespmem:$0x10600] =	vst v63  }
0x39: {  	_ =	swait.ge [sflag:s14], $0x4000  }
0x3a: {  	[sflag:s14] =	ssyncset.done $0x0  }
0x3b: {  	s0 =	rddreg [dreg:$0x8];
	[sflag:s14] =	ssyncadd.s32 $0xFFFFC000  }
0x3c: {  	[hbm4b:s0+s2] =	stream.linear.scatter [tilespmem:s7], [sflag:$0x9], $0x4000, $0x38;
	[tilespmem:$0x10600] =	vst v63  }
0x3d: {  	_ =	swait.ge [sflag:s6], $0x4000  }
0x3e: {  	[sflag:s6] =	ssyncset.done $0x0  }
0x3f: {  	[sflag:s6] =	ssyncadd.s32 $0xFFFFC000  }
0x40: {  	[tilespmem:s10], [sflag:$0x4] =	stream.indirect.gather [hbm4b:s3+s12], $0x80, s25, s12, $0xb8;
	[tilespmem:$0x10600] =	vst v63  }
0x41: {  	_ =	swait.ge [sflag:s18], $0x4000  }
0x42: {  	[sflag:s18] =	ssyncset.done $0x0  }
0x43: {  	s0 =	rddreg [dreg:$0x9];
	[sflag:s18] =	ssyncadd.s32 $0xFFFFC000  }
0x44: {  	[hbm4b:s0+s2] =	stream.linear.scatter [tilespmem:s16], [sflag:$0x6], $0x4000, $0x38;
	[tilespmem:$0x10600] =	vst v63  }
0x45: {  	_ =	swait.ge [sflag:s9], $0x4000  }
0x46: {  	[sflag:s9] =	ssyncset.done $0x0  }
0x47: {  	[sflag:s9] =	ssyncadd.s32 $0xFFFFC000  }
0x48: {  	[tilespmem:s7], [sflag:$0x5] =	stream.indirect.gather [hbm4b:s3+s12], $0x80, s24, s12, $0xb8;
	[tilespmem:$0x10600] =	vst v63  }
0x49: {  	_ =	swait.ge [sflag:s17], $0x4000  }
0x4a: {  	[sflag:s17] =	ssyncset.done $0x0  }
0x4b: {  	s0 =	rddreg [dreg:$0xa];
	[sflag:s17] =	ssyncadd.s32 $0xFFFFC000  }
0x4c: {  	[hbm4b:s0+s2] =	stream.linear.scatter [tilespmem:s11], [sflag:$0x7], $0x4000, $0x38;
	[tilespmem:$0x10600] =	vst v63  }
0x4d: {  	_ =	swait.ge [sflag:s4], $0x4000  }
0x4e: {  	[sflag:s4] =	ssyncset.done $0x0  }
0x4f: {  	[sflag:s4] =	ssyncadd.s32 $0xFFFFC000  }
0x50: {  	[tilespmem:s16], [sflag:$0x2] =	stream.indirect.gather [hbm4b:s3+s12], $0x80, s23, s12, $0xb8;
	[tilespmem:$0x10600] =	vst v63  }
0x51: {  	_ =	swait.ge [sflag:s15], $0x4000  }
0x52: {  	[sflag:s15] =	ssyncset.done $0x0  }
0x53: {  	s0 =	rddreg [dreg:$0xb];
	[sflag:s15] =	ssyncadd.s32 $0xFFFFC000  }
0x54: {  	[hbm4b:s0+s2] =	stream.linear.scatter [tilespmem:s10], [sflag:$0x8], $0x4000, $0x38;
	[tilespmem:$0x10600] =	vst v63  }
0x55: {  	_ =	swait.ge [sflag:s5], $0x4000  }
0x56: {  	[sflag:s5] =	ssyncset.done $0x0  }
0x57: {  	[sflag:s5] =	ssyncadd.s32 $0xFFFFC000  }
0x58: {  	[tilespmem:s11], [sflag:$0x3] =	stream.indirect.gather [hbm4b:s3+s12], $0x80, s21, s12, $0xb8;
	[tilespmem:$0x10600] =	vst v63  }
0x59: {  	_ =	swait.ge [sflag:s14], $0x4000  }
0x5a: {  	[sflag:s14] =	ssyncset.done $0x0  }
0x5b: {  	s0 =	rddreg [dreg:$0xc];
	[sflag:s14] =	ssyncadd.s32 $0xFFFFC000  }
0x5c: {  	[hbm4b:s0+s2] =	stream.linear.scatter [tilespmem:s7], [sflag:$0x9], $0x4000, $0x38;
	[tilespmem:$0x10600] =	vst v63  }
0x5d: {  	_ =	swait.ge [sflag:s6], $0x4000  }
0x5e: {  	[sflag:s6] =	ssyncset.done $0x0  }
0x5f: {  	[sflag:s6] =	ssyncadd.s32 $0xFFFFC000  }
0x60: {  	[tilespmem:s10], [sflag:$0x4] =	stream.indirect.gather [hbm4b:s3+s12], $0x80, s20, s12, $0xb8;
	[tilespmem:$0x10600] =	vst v63  }
0x61: {  	_ =	swait.ge [sflag:s18], $0x4000  }
0x62: {  	[sflag:s18] =	ssyncset.done $0x0  }
0x63: {  	[sflag:s18] =	ssyncadd.s32 $0xFFFFC000  }
0x64: {  	[hbm4b:s13+s2] =	stream.linear.scatter [tilespmem:s16], [sflag:$0x6], $0x4000, $0x38;
	[tilespmem:$0x10600] =	vst v63  }
0x65: {  	_ =	swait.ge [sflag:s9], $0x4000  }
0x66: {  	[sflag:s9] =	ssyncset.done $0x0  }
0x67: {  	[sflag:s9] =	ssyncadd.s32 $0xFFFFC000  }
0x68: {  	[tilespmem:s7], [sflag:$0x5] =	stream.indirect.gather [hbm4b:s3+s12], $0x80, s19, s12, $0xb8;
	[tilespmem:$0x10600] =	vst v63  }
0x69: {  	_ =	swait.ge [sflag:s17], $0x4000  }
0x6a: {  	[sflag:s17] =	ssyncset.done $0x0  }
0x6b: {  	[sflag:s17] =	ssyncadd.s32 $0xFFFFC000  }
0x6c: {  	[hbm4b:s8+s2] =	stream.linear.scatter [tilespmem:s11], [sflag:$0x7], $0x4000, $0x38;
	[tilespmem:$0x10600] =	vst v63  }
0x6d: {  	_ =	swait.ge [sflag:s15], $0x4000  }
0x6e: {  	[sflag:s15] =	ssyncset.done $0x0  }
0x6f: {  	s0 =	rddreg [dreg:$0x5];
	[sflag:s15] =	ssyncadd.s32 $0xFFFFC000  }
0x70: {  	[hbm4b:s0+s2] =	stream.linear.scatter [tilespmem:s10], [sflag:$0x8], $0x4000, $0x38;
	[tilespmem:$0x10600] =	vst v63  }
0x71: {  	_ =	swait.ge [sflag:s14], $0x4000  }
0x72: {  	[sflag:s14] =	ssyncset.done $0x0  }
0x73: {  	s0 =	rddreg [dreg:$0x6];
	[sflag:s14] =	ssyncadd.s32 $0xFFFFC000  }
0x74: {  	[hbm4b:s0+s2] =	stream.linear.scatter [tilespmem:s7], [sflag:$0x9], $0x4000, $0x38;
	[tilespmem:$0x10600] =	vst v63  }
0x75: {  	_ =	swait.ge [sflag:s4], $0x4000  }
0x76: {  	[sflag:s4] =	ssyncset.done $0x0  }
0x77: {  	[sflag:s4] =	ssyncadd.s32 $0xFFFFC000  }
0x78: {  	_ =	swait.ge [sflag:s5], $0x4000  }
0x79: {  	[sflag:s5] =	ssyncset.done $0x0  }
0x7a: {  	p1 =	sne.s32 s1, $0x1;
	[sflag:s5] =	ssyncadd.s32 $0xFFFFC000  }
.Ltmp1:
0x7b: {  	_ =	swait.ge [sflag:s6], $0x4000;
	(pc) =	sbr.rel @!p1 .LBB2_3-.Ltmp1, $4  }
0x7c: {  	[sflag:s6] =	ssyncset.done $0x0  }
0x7d: {  	[sflag:s6] =	ssyncadd.s32 $0xFFFFC000  }
0x7e: {  	s1 =	sadd.s32 $0xFFFFFFFF, s1;
	_ =	swait.ge [sflag:s9], $0x4000  }
0x7f: {  	p0 =	por $0x1, $0x1;
	s0 =	rddreg [dreg:$0x3];
	[sflag:s9] =	ssyncset.done $0x0  }
.LBB2_2:
0x80: {  	[sflag:s9] =	ssyncadd.s32 $0xFFFFC000  }
0x81: {  	[tilespmem:s2], [sflag:$0x1] =	stream.linear.gather [hbm4b:s0+s2], $0x600, $0x38;
	[tilespmem:$0x10600] =	vst v63  }
0x82: {  	_ =	swait.ge [sflag:s30], $0x600  }
0x83: {  	[sflag:s30] =	ssyncset.done $0x0  }
0x84: {  	[sflag:s30] =	ssyncadd.s32 $0xFFFFFA00  }
0x85: {  	[tilespmem:s16], [sflag:$0x2] =	stream.indirect.gather [hbm4b:s3+s12], $0x80, s2, s12, $0xb8;
	[tilespmem:$0x10600] =	vst v63  }
0x86: {  	_ = 	snop  }
0x87: {  	[tilespmem:s11], [sflag:$0x3] =	stream.indirect.gather [hbm4b:s3+s12], $0x80, s12, s12, $0xb8;
	[tilespmem:$0x10600] =	vst v63  }
0x88: {  	_ = 	snop  }
0x89: {  	[tilespmem:s10], [sflag:$0x4] =	stream.indirect.gather [hbm4b:s3+s12], $0x80, s31, s12, $0xb8;
	[tilespmem:$0x10600] =	vst v63  }
0x8a: {  	_ =	swait.ge [sflag:s18], $0x4000  }
0x8b: {  	[sflag:s18] =	ssyncset.done $0x0  }
0x8c: {  	[sflag:s18] =	ssyncadd.s32 $0xFFFFC000  }
0x8d: {  	[hbm4b:s22+s2] =	stream.linear.scatter [tilespmem:s16], [sflag:$0x6], $0x4000, $0x38;
	[tilespmem:$0x10600] =	vst v63  }
0x8e: {  	_ = 	snop  }
0x8f: {  	[tilespmem:s7], [sflag:$0x5] =	stream.indirect.gather [hbm4b:s3+s12], $0x80, s29, s12, $0xb8;
	[tilespmem:$0x10600] =	vst v63  }
0x90: {  	_ =	swait.ge [sflag:s17], $0x4000  }
0x91: {  	[sflag:s17] =	ssyncset.done $0x0  }
0x92: {  	s0 =	rddreg [dreg:$0x4];
	[sflag:s17] =	ssyncadd.s32 $0xFFFFC000  }
0x93: {  	[hbm4b:s0+s2] =	stream.linear.scatter [tilespmem:s11], [sflag:$0x7], $0x4000, $0x38;
	[tilespmem:$0x10600] =	vst v63  }
0x94: {  	_ =	swait.ge [sflag:s4], $0x4000  }
0x95: {  	[sflag:s4] =	ssyncset.done $0x0  }
0x96: {  	[sflag:s4] =	ssyncadd.s32 $0xFFFFC000  }
0x97: {  	[tilespmem:s16], [sflag:$0x2] =	stream.indirect.gather [hbm4b:s3+s12], $0x80, s28, s12, $0xb8;
	[tilespmem:$0x10600] =	vst v63  }
0x98: {  	_ =	swait.ge [sflag:s15], $0x4000  }
0x99: {  	[sflag:s15] =	ssyncset.done $0x0  }
0x9a: {  	s0 =	rddreg [dreg:$0x7];
	[sflag:s15] =	ssyncadd.s32 $0xFFFFC000  }
0x9b: {  	[hbm4b:s0+s2] =	stream.linear.scatter [tilespmem:s10], [sflag:$0x8], $0x4000, $0x38;
	[tilespmem:$0x10600] =	vst v63  }
0x9c: {  	_ =	swait.ge [sflag:s5], $0x4000  }
0x9d: {  	[sflag:s5] =	ssyncset.done $0x0  }
0x9e: {  	[sflag:s5] =	ssyncadd.s32 $0xFFFFC000  }
0x9f: {  	[tilespmem:s11], [sflag:$0x3] =	stream.indirect.gather [hbm4b:s3+s12], $0x80, s26, s12, $0xb8;
	[tilespmem:$0x10600] =	vst v63  }
0xa0: {  	_ =	swait.ge [sflag:s14], $0x4000  }
0xa1: {  	[sflag:s14] =	ssyncset.done $0x0  }
0xa2: {  	s0 =	rddreg [dreg:$0x8];
	[sflag:s14] =	ssyncadd.s32 $0xFFFFC000  }
0xa3: {  	[hbm4b:s0+s2] =	stream.linear.scatter [tilespmem:s7], [sflag:$0x9], $0x4000, $0x38;
	[tilespmem:$0x10600] =	vst v63  }
0xa4: {  	_ =	swait.ge [sflag:s6], $0x4000  }
0xa5: {  	[sflag:s6] =	ssyncset.done $0x0  }
0xa6: {  	[sflag:s6] =	ssyncadd.s32 $0xFFFFC000  }
0xa7: {  	[tilespmem:s10], [sflag:$0x4] =	stream.indirect.gather [hbm4b:s3+s12], $0x80, s25, s12, $0xb8;
	[tilespmem:$0x10600] =	vst v63  }
0xa8: {  	_ =	swait.ge [sflag:s18], $0x4000  }
0xa9: {  	[sflag:s18] =	ssyncset.done $0x0  }
0xaa: {  	s0 =	rddreg [dreg:$0x9];
	[sflag:s18] =	ssyncadd.s32 $0xFFFFC000  }
0xab: {  	[hbm4b:s0+s2] =	stream.linear.scatter [tilespmem:s16], [sflag:$0x6], $0x4000, $0x38;
	[tilespmem:$0x10600] =	vst v63  }
0xac: {  	_ =	swait.ge [sflag:s9], $0x4000  }
0xad: {  	[sflag:s9] =	ssyncset.done $0x0  }
0xae: {  	[sflag:s9] =	ssyncadd.s32 $0xFFFFC000  }
0xaf: {  	[tilespmem:s7], [sflag:$0x5] =	stream.indirect.gather [hbm4b:s3+s12], $0x80, s24, s12, $0xb8;
	[tilespmem:$0x10600] =	vst v63  }
0xb0: {  	_ =	swait.ge [sflag:s17], $0x4000  }
0xb1: {  	[sflag:s17] =	ssyncset.done $0x0  }
0xb2: {  	s0 =	rddreg [dreg:$0xa];
	[sflag:s17] =	ssyncadd.s32 $0xFFFFC000  }
0xb3: {  	[hbm4b:s0+s2] =	stream.linear.scatter [tilespmem:s11], [sflag:$0x7], $0x4000, $0x38;
	[tilespmem:$0x10600] =	vst v63  }
0xb4: {  	_ =	swait.ge [sflag:s4], $0x4000  }
0xb5: {  	[sflag:s4] =	ssyncset.done $0x0  }
0xb6: {  	[sflag:s4] =	ssyncadd.s32 $0xFFFFC000  }
0xb7: {  	[tilespmem:s16], [sflag:$0x2] =	stream.indirect.gather [hbm4b:s3+s12], $0x80, s23, s12, $0xb8;
	[tilespmem:$0x10600] =	vst v63  }
0xb8: {  	_ =	swait.ge [sflag:s15], $0x4000  }
0xb9: {  	[sflag:s15] =	ssyncset.done $0x0  }
0xba: {  	s0 =	rddreg [dreg:$0xb];
	[sflag:s15] =	ssyncadd.s32 $0xFFFFC000  }
0xbb: {  	[hbm4b:s0+s2] =	stream.linear.scatter [tilespmem:s10], [sflag:$0x8], $0x4000, $0x38;
	[tilespmem:$0x10600] =	vst v63  }
0xbc: {  	_ =	swait.ge [sflag:s5], $0x4000  }
0xbd: {  	[sflag:s5] =	ssyncset.done $0x0  }
0xbe: {  	[sflag:s5] =	ssyncadd.s32 $0xFFFFC000  }
0xbf: {  	[tilespmem:s11], [sflag:$0x3] =	stream.indirect.gather [hbm4b:s3+s12], $0x80, s21, s12, $0xb8;
	[tilespmem:$0x10600] =	vst v63  }
0xc0: {  	_ =	swait.ge [sflag:s14], $0x4000  }
0xc1: {  	[sflag:s14] =	ssyncset.done $0x0  }
0xc2: {  	s0 =	rddreg [dreg:$0xc];
	[sflag:s14] =	ssyncadd.s32 $0xFFFFC000  }
0xc3: {  	[hbm4b:s0+s2] =	stream.linear.scatter [tilespmem:s7], [sflag:$0x9], $0x4000, $0x38;
	[tilespmem:$0x10600] =	vst v63  }
0xc4: {  	_ =	swait.ge [sflag:s6], $0x4000  }
0xc5: {  	[sflag:s6] =	ssyncset.done $0x0  }
0xc6: {  	[sflag:s6] =	ssyncadd.s32 $0xFFFFC000  }
0xc7: {  	[tilespmem:s10], [sflag:$0x4] =	stream.indirect.gather [hbm4b:s3+s12], $0x80, s20, s12, $0xb8;
	[tilespmem:$0x10600] =	vst v63  }
0xc8: {  	_ =	swait.ge [sflag:s18], $0x4000  }
0xc9: {  	[sflag:s18] =	ssyncset.done $0x0  }
0xca: {  	[sflag:s18] =	ssyncadd.s32 $0xFFFFC000  }
0xcb: {  	[hbm4b:s13+s2] =	stream.linear.scatter [tilespmem:s16], [sflag:$0x6], $0x4000, $0x38;
	[tilespmem:$0x10600] =	vst v63  }
0xcc: {  	_ =	swait.ge [sflag:s9], $0x4000  }
0xcd: {  	[sflag:s9] =	ssyncset.done $0x0  }
0xce: {  	[sflag:s9] =	ssyncadd.s32 $0xFFFFC000  }
0xcf: {  	[tilespmem:s7], [sflag:$0x5] =	stream.indirect.gather [hbm4b:s3+s12], $0x80, s19, s12, $0xb8;
	[tilespmem:$0x10600] =	vst v63  }
0xd0: {  	_ =	swait.ge [sflag:s17], $0x4000  }
0xd1: {  	[sflag:s17] =	ssyncset.done $0x0  }
0xd2: {  	[sflag:s17] =	ssyncadd.s32 $0xFFFFC000  }
0xd3: {  	[hbm4b:s8+s2] =	stream.linear.scatter [tilespmem:s11], [sflag:$0x7], $0x4000, $0x38;
	[tilespmem:$0x10600] =	vst v63  }
0xd4: {  	_ =	swait.ge [sflag:s15], $0x4000  }
0xd5: {  	[sflag:s15] =	ssyncset.done $0x0  }
0xd6: {  	s0 =	rddreg [dreg:$0x5];
	[sflag:s15] =	ssyncadd.s32 $0xFFFFC000  }
0xd7: {  	[hbm4b:s0+s2] =	stream.linear.scatter [tilespmem:s10], [sflag:$0x8], $0x4000, $0x38;
	[tilespmem:$0x10600] =	vst v63  }
0xd8: {  	_ =	swait.ge [sflag:s14], $0x4000  }
0xd9: {  	[sflag:s14] =	ssyncset.done $0x0  }
0xda: {  	s0 =	rddreg [dreg:$0x6];
	[sflag:s14] =	ssyncadd.s32 $0xFFFFC000  }
0xdb: {  	[hbm4b:s0+s2] =	stream.linear.scatter [tilespmem:s7], [sflag:$0x9], $0x4000, $0x38;
	[tilespmem:$0x10600] =	vst v63  }
0xdc: {  	_ =	swait.ge [sflag:s4], $0x4000  }
0xdd: {  	[sflag:s4] =	ssyncset.done $0x0  }
0xde: {  	[sflag:s4] =	ssyncadd.s32 $0xFFFFC000  }
0xdf: {  	_ =	swait.ge [sflag:s5], $0x4000  }
0xe0: {  	[sflag:s5] =	ssyncset.done $0x0  }
0xe1: {  	p1 =	sne.s32 s1, $0x1;
	[sflag:s5] =	ssyncadd.s32 $0xFFFFC000  }
.Ltmp2:
0xe2: {  	_ =	swait.ge [sflag:s6], $0x4000;
	(pc) =	sbr.rel @p1 .LBB2_2-.Ltmp2, $4  }
0xe3: {  	[sflag:s6] =	ssyncset.done $0x0  }
0xe4: {  	[sflag:s6] =	ssyncadd.s32 $0xFFFFC000  }
0xe5: {  	_ =	swait.ge [sflag:s9], $0x4000  }
0xe6: {  	s1 =	sadd.s32 $0xFFFFFFFF, s1;
	s0 =	rddreg [dreg:$0x3];
	[sflag:s9] =	ssyncset.done $0x0  }
.LBB2_3:
0xe7: {  	[sflag:s9] =	ssyncadd.s32 @p0 $0xFFFFC000  }
0xe8: {  	[tilespmem:s2], [sflag:$0x1] =	stream.linear.gather [hbm4b:s0+s2], $0x600, $0x38;
	[tilespmem:$0x10600] =	vst v63  }
0xe9: {  	_ =	swait.ge [sflag:s30], $0x600  }
0xea: {  	[sflag:s30] =	ssyncset.done $0x0  }
0xeb: {  	[sflag:s30] =	ssyncadd.s32 $0xFFFFFA00  }
0xec: {  	[tilespmem:s16], [sflag:$0x2] =	stream.indirect.gather [hbm4b:s3+s12], $0x80, s2, s12, $0xb8;
	[tilespmem:$0x10600] =	vst v63  }
0xed: {  	_ = 	snop  }
0xee: {  	[tilespmem:s11], [sflag:$0x3] =	stream.indirect.gather [hbm4b:s3+s12], $0x80, s12, s12, $0xb8;
	[tilespmem:$0x10600] =	vst v63  }
0xef: {  	_ = 	snop  }
0xf0: {  	[tilespmem:s10], [sflag:$0x4] =	stream.indirect.gather [hbm4b:s3+s12], $0x80, s31, s12, $0xb8;
	[tilespmem:$0x10600] =	vst v63  }
0xf1: {  	_ =	swait.ge [sflag:s18], $0x4000  }
0xf2: {  	[sflag:s18] =	ssyncset.done $0x0  }
0xf3: {  	[sflag:s18] =	ssyncadd.s32 $0xFFFFC000  }
0xf4: {  	[hbm4b:s22+s2] =	stream.linear.scatter [tilespmem:s16], [sflag:$0x6], $0x4000, $0x38;
	[tilespmem:$0x10600] =	vst v63  }
0xf5: {  	_ = 	snop  }
0xf6: {  	[tilespmem:s7], [sflag:$0x5] =	stream.indirect.gather [hbm4b:s3+s12], $0x80, s29, s12, $0xb8;
	[tilespmem:$0x10600] =	vst v63  }
0xf7: {  	_ =	swait.ge [sflag:s17], $0x4000  }
0xf8: {  	[sflag:s17] =	ssyncset.done $0x0  }
0xf9: {  	s30 =	rddreg [dreg:$0x4];
	[sflag:s17] =	ssyncadd.s32 $0xFFFFC000  }
0xfa: {  	[hbm4b:s30+s2] =	stream.linear.scatter [tilespmem:s11], [sflag:$0x7], $0x4000, $0x38;
	[tilespmem:$0x10600] =	vst v63  }
0xfb: {  	_ =	swait.ge [sflag:s4], $0x4000  }
0xfc: {  	[sflag:s4] =	ssyncset.done $0x0  }
0xfd: {  	[sflag:s4] =	ssyncadd.s32 $0xFFFFC000  }
0xfe: {  	[tilespmem:s16], [sflag:$0x2] =	stream.indirect.gather [hbm4b:s3+s12], $0x80, s28, s12, $0xb8;
	[tilespmem:$0x10600] =	vst v63  }
0xff: {  	_ =	swait.ge [sflag:s15], $0x4000  }
0x100: {  	[sflag:s15] =	ssyncset.done $0x0  }
0x101: {  	s31 =	rddreg [dreg:$0x7];
	[sflag:s15] =	ssyncadd.s32 $0xFFFFC000  }
0x102: {  	[hbm4b:s31+s2] =	stream.linear.scatter [tilespmem:s10], [sflag:$0x8], $0x4000, $0x38;
	[tilespmem:$0x10600] =	vst v63  }
0x103: {  	_ =	swait.ge [sflag:s5], $0x4000  }
0x104: {  	[sflag:s5] =	ssyncset.done $0x0  }
0x105: {  	[sflag:s5] =	ssyncadd.s32 $0xFFFFC000  }
0x106: {  	[tilespmem:s11], [sflag:$0x3] =	stream.indirect.gather [hbm4b:s3+s12], $0x80, s26, s12, $0xb8;
	[tilespmem:$0x10600] =	vst v63  }
0x107: {  	_ =	swait.ge [sflag:s14], $0x4000  }
0x108: {  	[sflag:s14] =	ssyncset.done $0x0  }
0x109: {  	s1 =	rddreg [dreg:$0x8];
	[sflag:s14] =	ssyncadd.s32 $0xFFFFC000  }
0x10a: {  	[hbm4b:s1+s2] =	stream.linear.scatter [tilespmem:s7], [sflag:$0x9], $0x4000, $0x38;
	[tilespmem:$0x10600] =	vst v63  }
0x10b: {  	_ =	swait.ge [sflag:s6], $0x4000  }
0x10c: {  	[sflag:s6] =	ssyncset.done $0x0  }
0x10d: {  	[sflag:s6] =	ssyncadd.s32 $0xFFFFC000  }
0x10e: {  	[tilespmem:s10], [sflag:$0x4] =	stream.indirect.gather [hbm4b:s3+s12], $0x80, s25, s12, $0xb8;
	[tilespmem:$0x10600] =	vst v63  }
0x10f: {  	_ =	swait.ge [sflag:s18], $0x4000  }
0x110: {  	[sflag:s18] =	ssyncset.done $0x0  }
0x111: {  	s22 =	rddreg [dreg:$0x9];
	[sflag:s18] =	ssyncadd.s32 $0xFFFFC000  }
0x112: {  	[hbm4b:s22+s2] =	stream.linear.scatter [tilespmem:s16], [sflag:$0x6], $0x4000, $0x38;
	[tilespmem:$0x10600] =	vst v63  }
0x113: {  	_ =	swait.ge [sflag:s9], $0x4000  }
0x114: {  	[sflag:s9] =	ssyncset.done $0x0  }
0x115: {  	[sflag:s9] =	ssyncadd.s32 $0xFFFFC000  }
0x116: {  	[tilespmem:s7], [sflag:$0x5] =	stream.indirect.gather [hbm4b:s3+s12], $0x80, s24, s12, $0xb8;
	[tilespmem:$0x10600] =	vst v63  }
0x117: {  	_ =	swait.ge [sflag:s17], $0x4000  }
0x118: {  	[sflag:s17] =	ssyncset.done $0x0  }
0x119: {  	s25 =	rddreg [dreg:$0xa];
	[sflag:s17] =	ssyncadd.s32 $0xFFFFC000  }
0x11a: {  	[hbm4b:s25+s2] =	stream.linear.scatter [tilespmem:s11], [sflag:$0x7], $0x4000, $0x38;
	[tilespmem:$0x10600] =	vst v63  }
0x11b: {  	_ =	swait.ge [sflag:s4], $0x4000  }
0x11c: {  	[sflag:s4] =	ssyncset.done $0x0  }
0x11d: {  	[sflag:s4] =	ssyncadd.s32 $0xFFFFC000  }
0x11e: {  	[tilespmem:s16], [sflag:$0x2] =	stream.indirect.gather [hbm4b:s3+s12], $0x80, s23, s12, $0xb8;
	[tilespmem:$0x10600] =	vst v63  }
0x11f: {  	_ =	swait.ge [sflag:s15], $0x4000  }
0x120: {  	[sflag:s15] =	ssyncset.done $0x0  }
0x121: {  	s26 =	rddreg [dreg:$0xb];
	[sflag:s15] =	ssyncadd.s32 $0xFFFFC000  }
0x122: {  	[hbm4b:s26+s2] =	stream.linear.scatter [tilespmem:s10], [sflag:$0x8], $0x4000, $0x38;
	[tilespmem:$0x10600] =	vst v63  }
0x123: {  	_ =	swait.ge [sflag:s5], $0x4000  }
0x124: {  	[sflag:s5] =	ssyncset.done $0x0  }
0x125: {  	[sflag:s5] =	ssyncadd.s32 $0xFFFFC000  }
0x126: {  	[tilespmem:s11], [sflag:$0x3] =	stream.indirect.gather [hbm4b:s3+s12], $0x80, s21, s12, $0xb8;
	[tilespmem:$0x10600] =	vst v63  }
0x127: {  	_ =	swait.ge [sflag:s14], $0x4000  }
0x128: {  	[sflag:s14] =	ssyncset.done $0x0  }
0x129: {  	s28 =	rddreg [dreg:$0xc];
	[sflag:s14] =	ssyncadd.s32 $0xFFFFC000  }
0x12a: {  	[hbm4b:s28+s2] =	stream.linear.scatter [tilespmem:s7], [sflag:$0x9], $0x4000, $0x38;
	[tilespmem:$0x10600] =	vst v63  }
0x12b: {  	_ =	swait.ge [sflag:s6], $0x4000  }
0x12c: {  	[sflag:s6] =	ssyncset.done $0x0  }
0x12d: {  	[sflag:s6] =	ssyncadd.s32 $0xFFFFC000  }
0x12e: {  	[tilespmem:s10], [sflag:$0x4] =	stream.indirect.gather [hbm4b:s3+s12], $0x80, s20, s12, $0xb8;
	[tilespmem:$0x10600] =	vst v63  }
0x12f: {  	_ =	swait.ge [sflag:s18], $0x4000  }
0x130: {  	[sflag:s18] =	ssyncset.done $0x0  }
0x131: {  	[sflag:s18] =	ssyncadd.s32 $0xFFFFC000  }
0x132: {  	[hbm4b:s13+s2] =	stream.linear.scatter [tilespmem:s16], [sflag:$0x6], $0x4000, $0x38;
	[tilespmem:$0x10600] =	vst v63  }
0x133: {  	_ =	swait.ge [sflag:s9], $0x4000  }
0x134: {  	[sflag:s9] =	ssyncset.done $0x0  }
0x135: {  	[sflag:s9] =	ssyncadd.s32 $0xFFFFC000  }
0x136: {  	[tilespmem:s7], [sflag:$0x5] =	stream.indirect.gather [hbm4b:s3+s12], $0x80, s19, s12, $0xb8;
	[tilespmem:$0x10600] =	vst v63  }
0x137: {  	_ =	swait.ge [sflag:s17], $0x4000  }
0x138: {  	[sflag:s17] =	ssyncset.done $0x0  }
0x139: {  	[sflag:s17] =	ssyncadd.s32 $0xFFFFC000  }
0x13a: {  	[hbm4b:s8+s2] =	stream.linear.scatter [tilespmem:s11], [sflag:$0x7], $0x4000, $0x38;
	[tilespmem:$0x10600] =	vst v63  }
0x13b: {  	_ =	swait.ge [sflag:s15], $0x4000  }
0x13c: {  	[sflag:s15] =	ssyncset.done $0x0  }
0x13d: {  	s29 =	rddreg [dreg:$0x5];
	[sflag:s15] =	ssyncadd.s32 $0xFFFFC000  }
0x13e: {  	[hbm4b:s29+s2] =	stream.linear.scatter [tilespmem:s10], [sflag:$0x8], $0x4000, $0x38;
	[tilespmem:$0x10600] =	vst v63  }
0x13f: {  	_ =	swait.ge [sflag:s14], $0x4000  }
0x140: {  	[sflag:s14] =	ssyncset.done $0x0  }
0x141: {  	s30 =	rddreg [dreg:$0x6];
	[sflag:s14] =	ssyncadd.s32 $0xFFFFC000  }
0x142: {  	[hbm4b:s30+s2] =	stream.linear.scatter [tilespmem:s7], [sflag:$0x9], $0x4000, $0x38;
	[tilespmem:$0x10600] =	vst v63  }
0x143: {  	_ =	swait.ge [sflag:s4], $0x4000  }
0x144: {  	[sflag:s4] =	ssyncset.done $0x0  }
0x145: {  	[sflag:s4] =	ssyncadd.s32 $0xFFFFC000  }
0x146: {  	_ =	swait.ge [sflag:s5], $0x4000  }
0x147: {  	[sflag:s5] =	ssyncset.done $0x0  }
0x148: {  	[sflag:s5] =	ssyncadd.s32 $0xFFFFC000  }
0x149: {  	_ =	swait.ge [sflag:s6], $0x4000  }
0x14a: {  	[sflag:s6] =	ssyncset.done $0x0  }
0x14b: {  	[sflag:s6] =	ssyncadd.s32 $0xFFFFC000  }
0x14c: {  	_ =	swait.ge [sflag:s9], $0x4000  }
0x14d: {  	[sflag:s9] =	ssyncset.done $0x0  }
0x14e: {  	[sflag:s9] =	ssyncadd.s32 $0xFFFFC000  }
0x14f: {  	_ =	sfence.sel $0x180000  }
0x150: {  	[bflag:$0x0] =	sbarrier.arrive $0xFFFF  }
0x151: {  	_ =	strace $0x9000004A  }
0x152: {  	s31 =	stileid.u32;
	[bflag:$0x2] =	sbarrier.arrive $0xFFFF  }
0x153: {  	p0 =	sne.s32 s31, $0x0;
	s0 =	rddreg [dreg:$0x2]  }
0x154: {  	s0 =	sadd.s32 @!p0 $0x100000, s0  }
0x155: {  	[sflag:s0] =	ssyncadd.tile.s32 @!p0 $0x1;
	_ =	shalt  }
.Lfunc_end2:
_tile_overlayer_lowered:
.L_overlay_start_2:
0x156: {  	(tag) =	ssettag $0x2  }
0x157: {  	s0 =	rddreg [dreg:$0x0];
	s2 =	stileid.u32  }
0x158: {  	s1 =	rddreg [dreg:$0x1];
	p0 =	sne.s32 s2, $0x0  }
0x159: {  	s3 =	rddreg [dreg:$0x2];
	[bflag:$0x3] =	sbarrier.arrive $0xFFFF;
	s2 =	simm.s32 @!p0 $0x1C0A  }
0x15a: {  	[timem:s3], [sflag:s2] =	dma.local @!p0 [hbm:s0], s1  }
0x15b: {  	s0 =	simm.s32 @!p0 $0xA  }
0x15c: {  	_ =	swait.ge @!p0 [sflag:s0], s1  }
0x15d: {  	s1 =	ssub.s32 @!p0 $0x0, s1;
	[sflag:s0] =	ssyncset.done @!p0 $0x0  }
0x15e: {  	[sflag:s0] =	ssyncadd.s32 @!p0 s1  }
0x15f: {  	[bflag:$0x3] =	sbarrier.arrive $0xFFFF  }
0x160: {  	_ =	shalt  }

// kernel: kernel.18.cloned.1.call-start
scs
__scs_entry_jumppad:
0x0: {  	(pc) =	sbr.rel $0x88, $3  }
0x1: {  	(tag) =	ssettag $0x0;
	lr =	simm.s32 $0x1  }
0x2: {  	[smem:$0x3F9D] =	sst lr;
	_ =	strace $0xD0000000  }
0x3: {  	_ = 	snop  }
0x4: {  	_ = 	snop  }
0x5: {  	_ = 	snop  }
0x6: {  	_ = 	snop  }
0x7: {  	_ = 	snop  }
__scs_overlays_trampoline_lowered:
0x8: {  	[smem:$0x3FAC] =	sst s0  }
0x9: {  	[smem:$0x3FAD] =	sst s1  }
0xa: {  	[smem:$0x3FAE] =	sst s2  }
0xb: {  	[smem:$0x3FAF] =	sst s3  }
0xc: {  	[smem:$0x3FB0] =	sst s4  }
0xd: {  	[smem:$0x3FB1] =	sst s5  }
0xe: {  	[smem:$0x3FB2] =	sst s6  }
0xf: {  	[smem:$0x3FB3] =	sst s7  }
0x10: {  	[smem:$0x3FB4] =	sst s8  }
0x11: {  	[smem:$0x3FB5] =	sst s9;
	s0 =	simm.s32 @!p0 $0x0  }
0x12: {  	s1 =	sld [smem:$0x3F9B];
	s0 =	simm.s32 @p0 $0x1  }
0x13: {  	[smem:$0x3FB6] =	sst s0;
	s0 =	simm.s32 @!p1 $0x0  }
0x14: {  	s2 =	sld [smem:$0x3F9A];
	s0 =	simm.s32 @p1 $0x1  }
0x15: {  	[smem:$0x3FB7] =	sst s0;
	s0 =	simm.s32 @!p2 $0x0  }
0x16: {  	s3 =	sld [smem:$0x3FDB];
	s0 =	simm.s32 @p2 $0x1  }
0x17: {  	s4 =	simm.s32 $0x1BF5;
	[smem:$0x3FB9] =	sst s0  }
0x18: {  	s0 =	sld [smem:$0x3F9C];
	_ =	swait.ge [sflag:s4], $0x0  }
0x19: {  	s7 =	sld [smem:$0x3F9D]  }
0x1a: {  	s8 =	sadd.s32 $0xFFFFE003, lr  }
0x1b: {  	s9 =	sadd.s32 $0xFFFFFEF7, lr;
	s5 =	simm.s32 $0xFFFFFFFF;
	p2 =	slt.u32 s8, $0xFFFFF086  }
0x1c: {  	p1 =	slt.u32 s9, $0xF7A;
	s5 =	simm.s32 @!p2 $0x0  }
0x1d: {  	s5 =	simm.s32 @p1 $0x1;
	p0 =	seq.s32 s7, s2  }
0x1e: {  	s7 =	smul.u32 @!p0 $0xF7A, s2;
	p2 =	seq.s32 @!p0 s5, $0x0  }
0x1f: {  	s9 =	smul.u32 $0xF7A, s1;
	s8 =	simm.s32 @!p0 $0x1BF5;
	p2 =	por !p2, p0  }
0x20: {  	[sflag:s8] =	ssyncset.s32 @!p0 $0xFFFFF086;
	s6 =	sadd.s32 @!p0 s3, s7;
	s7 =	simm.s32 @!p0 $0x108  }
0x21: {  	s3 =	sadd.s32 s3, s9;
	s6 =	sadd.s32 @!p0 $0x88, s6;
	s7 =	simm.s32 @p2 $0x1082  }
0x22: {  	[simem:s7], [sflag:s8] =	dma.local @!p0 [hbm:s6], $0xF7A  }
0x23: {  	s9 =	sor.u32 $0xD0000000, s2;
	s6 =	simm.s32 $0x108;
	_ =	swait.ge @!p0 [sflag:s8], $0x0  }
0x24: {  	s3 =	sadd.s32 $0x88, s3;
	s6 =	simm.s32 @!p1 $0x1082;
	[sflag:s4] =	ssyncset.s32 $0xFFFFF086  }
0x25: {  	[simem:s6], [sflag:s4] =	dma.local [hbm:s3], $0xF7A  }
0x26: {  	[smem:$0x3F9D] =	sst s1;
	(tag) =	ssettag s2;
	_ =	strace s9  }
0x27: {  	s1 =	sld [smem:$0x3FAD]  }
0x28: {  	s2 =	sld [smem:$0x3FAE]  }
0x29: {  	s4 =	sld [smem:$0x3FB0]  }
0x2a: {  	p0 =	seq.s32 s5, $0x0;
	s5 =	sld [smem:$0x3FB1]  }
0x2b: {  	s6 =	sld [smem:$0x3FB2]  }
0x2c: {  	s7 =	sld [smem:$0x3FB3]  }
0x2d: {  	s3 =	simm.s32 $0x108;
	s8 =	sld [smem:$0x3FB4]  }
0x2e: {  	s3 =	simm.s32 @!p0 $0x1082;
	s9 =	sld [smem:$0x3FB5]  }
0x2f: {  	lr =	sadd.s32 s0, s3;
	s0 =	sld [smem:$0x3FAC]  }
0x30: {  	s3 =	sld [smem:$0x3FAF]  }
0x31: {  	[smem:$0x3FB8] =	sst s10  }
0x32: {  	s10 =	sld [smem:$0x3FB6];
	_ =	sdelay $0x3  }
0x33: {  	p0 =	seq.s32 s10, $0x1;
	s10 =	sld [smem:$0x3FB8];
	_ =	sdelay $0x3  }
0x34: {  	[smem:$0x3FB8] =	sst s10  }
0x35: {  	s10 =	sld [smem:$0x3FB7];
	_ =	sdelay $0x3  }
0x36: {  	p1 =	seq.s32 s10, $0x1;
	s10 =	sld [smem:$0x3FB8];
	_ =	sdelay $0x3  }
0x37: {  	[smem:$0x3FB8] =	sst s10  }
0x38: {  	s10 =	sld [smem:$0x3FB9]  }
0x39: {  	_ = 	snop;
	(pc) =	sbr.ind lr, $3  }
0x3a: {  	_ = 	snop  }
0x3b: {  	_ = 	snop  }
0x3c: {  	p2 =	seq.s32 s10, $0x1;
	s10 =	sld [smem:$0x3FB8]  }
0x3d: {  	_ =	shalt  }
0x3e: {  	_ =	shalt  }
0x3f: {  	_ =	shalt  }
0x40: {  	_ =	shalt  }
0x41: {  	_ =	shalt  }
0x42: {  	_ =	shalt  }
0x43: {  	_ =	shalt  }
0x44: {  	_ =	shalt  }
0x45: {  	_ =	shalt  }
0x46: {  	_ =	shalt  }
0x47: {  	_ =	shalt  }
0x48: {  	_ =	shalt  }
0x49: {  	_ =	shalt  }
0x4a: {  	_ =	shalt  }
0x4b: {  	_ =	shalt  }
0x4c: {  	_ =	shalt  }
0x4d: {  	_ =	shalt  }
0x4e: {  	_ =	shalt  }
0x4f: {  	_ =	shalt  }
0x50: {  	_ =	shalt  }
0x51: {  	_ =	shalt  }
0x52: {  	_ =	shalt  }
0x53: {  	_ =	shalt  }
0x54: {  	_ =	shalt  }
0x55: {  	_ =	shalt  }
0x56: {  	_ =	shalt  }
0x57: {  	_ =	shalt  }
0x58: {  	_ =	shalt  }
0x59: {  	_ =	shalt  }
0x5a: {  	_ =	shalt  }
0x5b: {  	_ =	shalt  }
0x5c: {  	_ =	shalt  }
0x5d: {  	_ =	shalt  }
0x5e: {  	_ =	shalt  }
0x5f: {  	_ =	shalt  }
0x60: {  	_ =	shalt  }
0x61: {  	_ =	shalt  }
0x62: {  	_ =	shalt  }
0x63: {  	_ =	shalt  }
0x64: {  	_ =	shalt  }
0x65: {  	_ =	shalt  }
0x66: {  	_ =	shalt  }
0x67: {  	_ =	shalt  }
0x68: {  	_ =	shalt  }
0x69: {  	_ =	shalt  }
0x6a: {  	_ =	shalt  }
0x6b: {  	_ =	shalt  }
0x6c: {  	_ =	shalt  }
0x6d: {  	_ =	shalt  }
0x6e: {  	_ =	shalt  }
0x6f: {  	_ =	shalt  }
0x70: {  	_ =	shalt  }
0x71: {  	_ =	shalt  }
0x72: {  	_ =	shalt  }
0x73: {  	_ =	shalt  }
0x74: {  	_ =	shalt  }
0x75: {  	_ =	shalt  }
0x76: {  	_ =	shalt  }
0x77: {  	_ =	shalt  }
0x78: {  	_ =	shalt  }
0x79: {  	_ =	shalt  }
0x7a: {  	_ =	shalt  }
0x7b: {  	_ =	shalt  }
0x7c: {  	_ =	shalt  }
0x7d: {  	_ =	shalt  }
0x7e: {  	_ =	shalt  }
0x7f: {  	_ =	shalt  }
0x80: {  	_ =	shalt  }
0x81: {  	_ =	shalt  }
0x82: {  	_ =	shalt  }
0x83: {  	_ =	shalt  }
0x84: {  	_ =	shalt  }
0x85: {  	_ =	shalt  }
0x86: {  	_ =	shalt  }
0x87: {  	_ =	shalt  }
.Lfunc_end0:
.L_simem_size_0:
called_computation.2_lowered:
.L_overlay_start_0:
0x88: {  	s2 =	sld [smem:$0x3FD9]  }
0x89: {  	s3 =	sld [smem:$0x3FFE];
	_ =	sdelay $0x1  }
0x8a: {  	s1 =	srdreg.scid  }
0x8b: {  	s0 =	sand.u32 $0x1, s1  }
0x8c: {  	s17 =	sshll.u32 s0, $0xA;
	s2 =	sadd.s32 s3, s2  }
0x8d: {  	s2 =	sadd.s32 s2, s17  }
0x8e: {  	[smem:$0x3FC4] =	sst s2  }
0x8f: {  	_ = 	snop  }
0x90: {  	s18 =	sld [smem:$0x3FC8];
	(tm) =	ssettm $0x1  }
0x91: {  	s19 =	sld [smem:$0x3FFB];
	_ =	sdelay $0x3  }
0x92: {  	_ =	strace s19  }
0x93: {  	s2 =	sld [smem:$0x3FFC];
	_ =	sdelay $0x3  }
0x94: {  	_ =	strace s2  }
0x95: {  	s2 =	sld [smem:$0x3FFD];
	_ =	sdelay $0x3  }
0x96: {  	_ =	strace s2  }
0x97: {  	_ =	strace $0x8FFFFFFF  }
0x98: {  	s20 =	sld [smem:$0x3FDB];
	_ =	sdelay $0x1  }
0x99: {  	s4 =	simm.s32 $_scs_section_size  }
0x9a: {  	s5 =	simm.s32 $_size__tile_overlayer_lowered;
	s6 =	simm.s32 $_tile_overlayer_lowered  }
0x9b: {  	s7 =	simm.s32 $0x1BFF;
	s21 =	sshll.u32 s6, $0x1;
	s4 =	sadd.s32 s4, s20  }
0x9c: {  	s22 =	simm.s32 $0x0;
	s5 =	sshll.u32 s5, $0x1;
	s6 =	sadd.s32 s21, s4  }
0x9d: {  	[timem:s22], [sflag:s7] =	dma.local [hbm:s6], s5  }
0x9e: {  	_ =	swait.ge [sflag:s7], s5  }
0x9f: {  	s5 =	ssub.s32 $0x0, s5;
	[sflag:s7] =	ssyncset.done $0x0  }
0xa0: {  	[sflag:s7] =	ssyncadd.s32 s5;
	_ =	sdelay $0x1  }
0xa1: {  	s23 =	simm.s32 $0x1B8B  }
0xa2: {  	_ =	swait.ge [sflag:s23], $0x1  }
0xa3: {  	[sflag:s23] =	ssyncset.done $0x0  }
0xa4: {  	[sflag:s23] =	ssyncadd.s32 $0xFFFFFFFF  }
0xa5: {  	s5 =	sld [smem:$0x0]  }
0xa6: {  	s6 =	sand.u32 $0xFFFFFFFE, s1  }
0xa7: {  	p0 =	sne.s32 s1, s6  }
0xa8: {  	s6 =	sshll.u32 @p0 s6, $0xE  }
0xa9: {  	s6 =	sadd.s32 @p0 $0x11B8D, s6;
	s7 =	sshll.u32 @p0 s5, $0x11  }
0xaa: {  	s6 =	sor.u32 @p0 s7, s6  }
0xab: {  	[sflag:s6] =	ssyncadd.remote.s32 @p0 $0x1;
	_ =	sdelay $0x1  }
0xac: {  	s6 =	simm.s32 @p0 $0x1B8D  }
0xad: {  	_ =	swait.eq @p0 [sflag:s6], $0x1  }
0xae: {  	[sflag:s6] =	ssyncadd.s32 @p0 $0xFFFFFFFF  }
0xaf: {  	s7 =	sshll.u32 @!p0 s1, $0xE  }
0xb0: {  	s7 =	sor.u32 @!p0 $0x4000, s7;
	s6 =	simm.s32 @!p0 $0x1B8D  }
0xb1: {  	s5 =	sshll.u32 @!p0 s5, $0x11;
	s7 =	sadd.s32 @!p0 $0x11B8D, s7;
	_ =	swait.eq @!p0 [sflag:s6], $0x1  }
0xb2: {  	s5 =	sor.u32 @!p0 s5, s7;
	[sflag:s6] =	ssyncadd.s32 @!p0 $0xFFFFFFFF  }
0xb3: {  	s25 =	simm.s32 $0x1B8E;
	s24 =	sld [smem:$0x3FFE];
	[sflag:s5] =	ssyncadd.remote.s32 @!p0 $0x1  }
0xb4: {  	s26 =	simm.s32 $execute0_lowered;
	[smem:$0x3FD2] =	sst s25  }
0xb5: {  	s6 =	sshll.u32 s26, $0x1;
	_ =	strace $0x8000004C;
	[dreg:$0x1] =	wrdreg $0xFFFFFFFF  }
0xb6: {  	s28 =	simm.s32 $_size_execute0_lowered;
	s4 =	sadd.s32 s4, s6;
	[dreg:$0x0] =	wrdreg $0x0  }
0xb7: {  	s6 =	sshll.u32 s28, $0x1;
	[dreg:$0x2] =	wrdreg s4  }
0xb8: {  	[dreg:$0x3] =	wrdreg s6  }
0xb9: {  	[dreg:$0x4] =	wrdreg $0xC0  }
0xba: {  	_ =	task [dreg:s22], $0x5FFFF  }
0xbb: {  	[dreg:$0x1] =	wrdreg $0xFFFFFFFF  }
0xbc: {  	[dreg:$0x0] =	wrdreg $0x60  }
0xbd: {  	[dreg:$0x2] =	wrdreg s18  }
0xbe: {  	[dreg:$0x3] =	wrdreg s24  }
0xbf: {  	[dreg:$0x4] =	wrdreg $0xB  }
0xc0: {  	_ =	task.clear_ibuf [dreg:s22], $0x5FFFF;
	_ =	strace $0x9000004C  }
0xc1: {  	s29 =	simm.s32 $0xB;
	_ =	strace $0x8000004E  }
0xc2: {  	_ =	swait.ge [sflag:s29], $0x1  }
0xc3: {  	[sflag:s29] =	ssyncadd.s32 $0xFFFFFFFF  }
0xc4: {  	_ =	strace $0x9000004E  }
0xc5: {  	_ =	sfence  }
0xc6: {  	s30 =	sld [smem:$0x0];
	_ =	sdelay $0x2  }
0xc7: {  	s31 =	sshll.u32 s1, $0xD;
	s1 =	sshrl.u32 s1, $0x2  }
0xc8: {  	s4 =	sand.u32 $0x4000, s31;
	s1 =	sadd.s32 s1, s30  }
0xc9: {  	s0 =	sor.u32 s4, s0;
	s1 =	sshll.u32 s1, $0x11  }
0xca: {  	s0 =	sor.u32 s1, s0  }
0xcb: {  	s0 =	sadd.s32 $0x8F2B, s0  }
0xcc: {  	[sflag:s0] =	ssyncadd.remote.s32 $0x1  }
0xcd: {  	_ =	sfence.sel $0xFFFF  }
0xce: {  	[dreg:$0x0] =	wrdreg $0xFFFFFFFF;
	(pc) =	sbr.abs _section_cstart, $3  }
0xcf: {  	[dreg:$0x1] =	wrdreg $0xFFFFFFFF  }
0xd0: {  	_ =	task.clear_ibuf [dreg:s22], $0x2FFFF;
	_ =	strace $0x9FFFFFFF  }
0xd1: {  	(tm) =	ssettm $0x7FFFFFFF  }
tec
execute0_lowered:
.L_overlay_start_1:
0x0: {  	(tag) =	ssettag $0x1  }
0x1: {  	s0 =	srdreg.scid  }
0x2: {  	s1 =	stileid.u32;
	s3 =	rddreg [dreg:$0x0]  }
0x3: {  	s4 =	rddreg [dreg:$0x1];
	s2 =	simm.s32 $0x0;
	s30 =	simm.s32 $0x1  }
0x4: {  	s13 =	simm.s32 $0x80;
	s16 =	simm.s32 $0x4500;
	s31 =	simm.s32 $0x100  }
0x5: {  	s12 =	simm.s32 $0x8500;
	s29 =	simm.s32 $0x180;
	s9 =	simm.s32 $0xC500  }
0x6: {  	s28 =	simm.s32 $0x200;
	s15 =	simm.s32 $0x5;
	s14 =	simm.s32 $0x6  }
0x7: {  	p0 =	por $0x0, $0x0;
	s0 =	sand.u32 $0x1, s0;
	s1 =	sshll.u32 s1, $0x1  }
0x8: {  	s11 =	simm.s32 $0x9;
	s10 =	simm.s32 $0xA;
	s1 =	sor.u32 s0, s1  }
0x9: {  	s8 =	simm.s32 $0xB;
	[smem:$0x7FF] =	sst s2;
	s5 =	smul.u32 $0x500, s1  }
0xa: {  	s7 =	sadd.s32 $0x188200, s4;
	s0 =	ssub.s32 $0x2, s0;
	s6 =	smul.u32 $0x5000, s1  }
0xb: {  	_ =	strace $0x8000004D;
	s1 =	smul.u32 $0x28000, s1;
	s25 =	sshrl.u32 s0, $0x1  }
0xc: {  	s0 =	ssub.s32 s0, s25;
	s5 =	sshrl.u32 s5, $0x3;
	s21 =	sadd.s32 s7, s6  }
0xd: {  	s1 =	sshrl.u32 s1, $0x3;
	s4 =	sadd.s32 s4, s5;
	s17 =	sadd.s32 $0x800, s21  }
0xe: {  	s1 =	sadd.s32 s7, s1;
	s4 =	sadd.s32 $0x4E00, s4;
	[dreg:$0x4] =	wrdreg s17  }
0xf: {  	s25 =	simm.s32 $0x300;
	s18 =	sadd.s32 $0x1000, s1;
	[dreg:$0x3] =	wrdreg s4  }
0x10: {  	s0 =	smax.u32 s0, $0x1;
	s19 =	sadd.s32 $0x1800, s1;
	[dreg:$0x5] =	wrdreg s18  }
0x11: {  	s6 =	simm.s32 $0x8;
	s20 =	sadd.s32 $0x2000, s1;
	[dreg:$0x6] =	wrdreg s19  }
0x12: {  	s7 =	simm.s32 $0x10500;
	s22 =	sadd.s32 $0x2800, s1;
	[dreg:$0x7] =	wrdreg s20  }
0x13: {  	s5 =	simm.s32 $0x7;
	s23 =	sadd.s32 $0x3000, s1;
	[dreg:$0x8] =	wrdreg s22  }
0x14: {  	p1 =	sne.s32 s0, $0x1;
	s24 =	sadd.s32 $0x3800, s1;
	[dreg:$0x9] =	wrdreg s23  }
.Ltmp0:
0x15: {  	s26 =	sadd.s32 $0x4000, s1;
	[dreg:$0xa] =	wrdreg s24;
	(pc) =	sbr.rel @!p1 .LBB2_3-.Ltmp0, $4  }
0x16: {  	s17 =	simm.s32 $0x4;
	[dreg:$0xb] =	wrdreg s26;
	s4 =	sadd.s32 $0x4800, s1  }
0x17: {  	s19 =	simm.s32 $0x500;
	s20 =	simm.s32 $0x2;
	s18 =	simm.s32 $0x3  }
0x18: {  	s26 =	simm.s32 $0x280;
	s1 =	sadd.s32 $0xFFFFFFFF, s0;
	s24 =	simm.s32 $0x380  }
0x19: {  	s23 =	simm.s32 $0x400;
	s22 =	simm.s32 $0x480;
	s0 =	rddreg [dreg:$0x3]  }
0x1a: {  	[tilespmem:s2], [sflag:$0x1] =	stream.linear.gather [hbm4b:s0+s2], $0x500, $0x38;
	[tilespmem:$0x14500] =	vst v63  }
0x1b: {  	_ =	swait.ge [sflag:s30], $0x500  }
0x1c: {  	[sflag:s30] =	ssyncset.done $0x0  }
0x1d: {  	[sflag:s30] =	ssyncadd.s32 $0xFFFFFB00  }
0x1e: {  	[tilespmem:s19], [sflag:$0x2] =	stream.indirect.gather [hbm4b:s3+s13], $0x80, s2, s13, $0xb8;
	[tilespmem:$0x14500] =	vst v63  }
0x1f: {  	_ = 	snop  }
0x20: {  	[tilespmem:s16], [sflag:$0x3] =	stream.indirect.gather [hbm4b:s3+s13], $0x80, s13, s13, $0xb8;
	[tilespmem:$0x14500] =	vst v63  }
0x21: {  	_ = 	snop  }
0x22: {  	[tilespmem:s12], [sflag:$0x4] =	stream.indirect.gather [hbm4b:s3+s13], $0x80, s31, s13, $0xb8;
	[tilespmem:$0x14500] =	vst v63  }
0x23: {  	_ =	swait.ge [sflag:s20], $0x4000  }
0x24: {  	[sflag:s20] =	ssyncset.done $0x0  }
0x25: {  	[sflag:s20] =	ssyncadd.s32 $0xFFFFC000  }
0x26: {  	[hbm4b:s21+s2] =	stream.linear.scatter [tilespmem:s19], [sflag:$0x7], $0x4000, $0x38;
	[tilespmem:$0x14500] =	vst v63  }
0x27: {  	_ = 	snop  }
0x28: {  	[tilespmem:s9], [sflag:$0x5] =	stream.indirect.gather [hbm4b:s3+s13], $0x80, s29, s13, $0xb8;
	[tilespmem:$0x14500] =	vst v63  }
0x29: {  	_ =	swait.ge [sflag:s18], $0x4000  }
0x2a: {  	[sflag:s18] =	ssyncset.done $0x0  }
0x2b: {  	s0 =	rddreg [dreg:$0x4];
	[sflag:s18] =	ssyncadd.s32 $0xFFFFC000  }
0x2c: {  	[hbm4b:s0+s2] =	stream.linear.scatter [tilespmem:s16], [sflag:$0x8], $0x4000, $0x38;
	[tilespmem:$0x14500] =	vst v63  }
0x2d: {  	_ = 	snop  }
0x2e: {  	[tilespmem:s7], [sflag:$0x6] =	stream.indirect.gather [hbm4b:s3+s13], $0x80, s28, s13, $0xb8;
	[tilespmem:$0x14500] =	vst v63  }
0x2f: {  	_ =	swait.ge [sflag:s17], $0x4000  }
0x30: {  	[sflag:s17] =	ssyncset.done $0x0  }
0x31: {  	s0 =	rddreg [dreg:$0x5];
	[sflag:s17] =	ssyncadd.s32 $0xFFFFC000  }
0x32: {  	[hbm4b:s0+s2] =	stream.linear.scatter [tilespmem:s12], [sflag:$0x9], $0x4000, $0x38;
	[tilespmem:$0x14500] =	vst v63  }
0x33: {  	_ =	swait.ge [sflag:s5], $0x4000  }
0x34: {  	[sflag:s5] =	ssyncset.done $0x0  }
0x35: {  	[sflag:s5] =	ssyncadd.s32 $0xFFFFC000  }
0x36: {  	[tilespmem:s19], [sflag:$0x2] =	stream.indirect.gather [hbm4b:s3+s13], $0x80, s26, s13, $0xb8;
	[tilespmem:$0x14500] =	vst v63  }
0x37: {  	_ =	swait.ge [sflag:s15], $0x4000  }
0x38: {  	[sflag:s15] =	ssyncset.done $0x0  }
0x39: {  	s0 =	rddreg [dreg:$0x6];
	[sflag:s15] =	ssyncadd.s32 $0xFFFFC000  }
0x3a: {  	[hbm4b:s0+s2] =	stream.linear.scatter [tilespmem:s9], [sflag:$0xA], $0x4000, $0x38;
	[tilespmem:$0x14500] =	vst v63  }
0x3b: {  	_ =	swait.ge [sflag:s6], $0x4000  }
0x3c: {  	[sflag:s6] =	ssyncset.done $0x0  }
0x3d: {  	[sflag:s6] =	ssyncadd.s32 $0xFFFFC000  }
0x3e: {  	[tilespmem:s16], [sflag:$0x3] =	stream.indirect.gather [hbm4b:s3+s13], $0x80, s25, s13, $0xb8;
	[tilespmem:$0x14500] =	vst v63  }
0x3f: {  	_ =	swait.ge [sflag:s14], $0x4000  }
0x40: {  	[sflag:s14] =	ssyncset.done $0x0  }
0x41: {  	s0 =	rddreg [dreg:$0x7];
	[sflag:s14] =	ssyncadd.s32 $0xFFFFC000  }
0x42: {  	[hbm4b:s0+s2] =	stream.linear.scatter [tilespmem:s7], [sflag:$0xB], $0x4000, $0x38;
	[tilespmem:$0x14500] =	vst v63  }
0x43: {  	_ =	swait.ge [sflag:s11], $0x4000  }
0x44: {  	[sflag:s11] =	ssyncset.done $0x0  }
0x45: {  	[sflag:s11] =	ssyncadd.s32 $0xFFFFC000  }
0x46: {  	[tilespmem:s12], [sflag:$0x4] =	stream.indirect.gather [hbm4b:s3+s13], $0x80, s24, s13, $0xb8;
	[tilespmem:$0x14500] =	vst v63  }
0x47: {  	_ =	swait.ge [sflag:s20], $0x4000  }
0x48: {  	[sflag:s20] =	ssyncset.done $0x0  }
0x49: {  	s0 =	rddreg [dreg:$0x8];
	[sflag:s20] =	ssyncadd.s32 $0xFFFFC000  }
0x4a: {  	[hbm4b:s0+s2] =	stream.linear.scatter [tilespmem:s19], [sflag:$0x7], $0x4000, $0x38;
	[tilespmem:$0x14500] =	vst v63  }
0x4b: {  	_ =	swait.ge [sflag:s10], $0x4000  }
0x4c: {  	[sflag:s10] =	ssyncset.done $0x0  }
0x4d: {  	[sflag:s10] =	ssyncadd.s32 $0xFFFFC000  }
0x4e: {  	[tilespmem:s9], [sflag:$0x5] =	stream.indirect.gather [hbm4b:s3+s13], $0x80, s23, s13, $0xb8;
	[tilespmem:$0x14500] =	vst v63  }
0x4f: {  	_ =	swait.ge [sflag:s18], $0x4000  }
0x50: {  	[sflag:s18] =	ssyncset.done $0x0  }
0x51: {  	s0 =	rddreg [dreg:$0x9];
	[sflag:s18] =	ssyncadd.s32 $0xFFFFC000  }
0x52: {  	[hbm4b:s0+s2] =	stream.linear.scatter [tilespmem:s16], [sflag:$0x8], $0x4000, $0x38;
	[tilespmem:$0x14500] =	vst v63  }
0x53: {  	_ =	swait.ge [sflag:s8], $0x4000  }
0x54: {  	[sflag:s8] =	ssyncset.done $0x0  }
0x55: {  	[sflag:s8] =	ssyncadd.s32 $0xFFFFC000  }
0x56: {  	[tilespmem:s7], [sflag:$0x6] =	stream.indirect.gather [hbm4b:s3+s13], $0x80, s22, s13, $0xb8;
	[tilespmem:$0x14500] =	vst v63  }
0x57: {  	_ =	swait.ge [sflag:s17], $0x4000  }
0x58: {  	[sflag:s17] =	ssyncset.done $0x0  }
0x59: {  	s0 =	rddreg [dreg:$0xa];
	[sflag:s17] =	ssyncadd.s32 $0xFFFFC000  }
0x5a: {  	[hbm4b:s0+s2] =	stream.linear.scatter [tilespmem:s12], [sflag:$0x9], $0x4000, $0x38;
	[tilespmem:$0x14500] =	vst v63  }
0x5b: {  	_ =	swait.ge [sflag:s15], $0x4000  }
0x5c: {  	[sflag:s15] =	ssyncset.done $0x0  }
0x5d: {  	s0 =	rddreg [dreg:$0xb];
	[sflag:s15] =	ssyncadd.s32 $0xFFFFC000  }
0x5e: {  	[hbm4b:s0+s2] =	stream.linear.scatter [tilespmem:s9], [sflag:$0xA], $0x4000, $0x38;
	[tilespmem:$0x14500] =	vst v63  }
0x5f: {  	_ =	swait.ge [sflag:s14], $0x4000  }
0x60: {  	[sflag:s14] =	ssyncset.done $0x0  }
0x61: {  	[sflag:s14] =	ssyncadd.s32 $0xFFFFC000  }
0x62: {  	[hbm4b:s4+s2] =	stream.linear.scatter [tilespmem:s7], [sflag:$0xB], $0x4000, $0x38;
	[tilespmem:$0x14500] =	vst v63  }
0x63: {  	_ =	swait.ge [sflag:s5], $0x4000  }
0x64: {  	[sflag:s5] =	ssyncset.done $0x0  }
0x65: {  	[sflag:s5] =	ssyncadd.s32 $0xFFFFC000  }
0x66: {  	_ =	swait.ge [sflag:s6], $0x4000  }
0x67: {  	[sflag:s6] =	ssyncset.done $0x0  }
0x68: {  	[sflag:s6] =	ssyncadd.s32 $0xFFFFC000  }
0x69: {  	_ =	swait.ge [sflag:s11], $0x4000  }
0x6a: {  	[sflag:s11] =	ssyncset.done $0x0  }
0x6b: {  	p1 =	sne.s32 s1, $0x1;
	[sflag:s11] =	ssyncadd.s32 $0xFFFFC000  }
.Ltmp1:
0x6c: {  	_ =	swait.ge [sflag:s10], $0x4000;
	(pc) =	sbr.rel @!p1 .LBB2_3-.Ltmp1, $4  }
0x6d: {  	[sflag:s10] =	ssyncset.done $0x0  }
0x6e: {  	[sflag:s10] =	ssyncadd.s32 $0xFFFFC000  }
0x6f: {  	s1 =	sadd.s32 $0xFFFFFFFF, s1;
	_ =	swait.ge [sflag:s8], $0x4000  }
0x70: {  	p0 =	por $0x1, $0x1;
	s0 =	rddreg [dreg:$0x3];
	[sflag:s8] =	ssyncset.done $0x0  }
.LBB2_2:
0x71: {  	[sflag:s8] =	ssyncadd.s32 $0xFFFFC000  }
0x72: {  	[tilespmem:s2], [sflag:$0x1] =	stream.linear.gather [hbm4b:s0+s2], $0x500, $0x38;
	[tilespmem:$0x14500] =	vst v63  }
0x73: {  	_ =	swait.ge [sflag:s30], $0x500  }
0x74: {  	[sflag:s30] =	ssyncset.done $0x0  }
0x75: {  	[sflag:s30] =	ssyncadd.s32 $0xFFFFFB00  }
0x76: {  	[tilespmem:s19], [sflag:$0x2] =	stream.indirect.gather [hbm4b:s3+s13], $0x80, s2, s13, $0xb8;
	[tilespmem:$0x14500] =	vst v63  }
0x77: {  	_ = 	snop  }
0x78: {  	[tilespmem:s16], [sflag:$0x3] =	stream.indirect.gather [hbm4b:s3+s13], $0x80, s13, s13, $0xb8;
	[tilespmem:$0x14500] =	vst v63  }
0x79: {  	_ = 	snop  }
0x7a: {  	[tilespmem:s12], [sflag:$0x4] =	stream.indirect.gather [hbm4b:s3+s13], $0x80, s31, s13, $0xb8;
	[tilespmem:$0x14500] =	vst v63  }
0x7b: {  	_ =	swait.ge [sflag:s20], $0x4000  }
0x7c: {  	[sflag:s20] =	ssyncset.done $0x0  }
0x7d: {  	[sflag:s20] =	ssyncadd.s32 $0xFFFFC000  }
0x7e: {  	[hbm4b:s21+s2] =	stream.linear.scatter [tilespmem:s19], [sflag:$0x7], $0x4000, $0x38;
	[tilespmem:$0x14500] =	vst v63  }
0x7f: {  	_ = 	snop  }
0x80: {  	[tilespmem:s9], [sflag:$0x5] =	stream.indirect.gather [hbm4b:s3+s13], $0x80, s29, s13, $0xb8;
	[tilespmem:$0x14500] =	vst v63  }
0x81: {  	_ =	swait.ge [sflag:s18], $0x4000  }
0x82: {  	[sflag:s18] =	ssyncset.done $0x0  }
0x83: {  	s0 =	rddreg [dreg:$0x4];
	[sflag:s18] =	ssyncadd.s32 $0xFFFFC000  }
0x84: {  	[hbm4b:s0+s2] =	stream.linear.scatter [tilespmem:s16], [sflag:$0x8], $0x4000, $0x38;
	[tilespmem:$0x14500] =	vst v63  }
0x85: {  	_ = 	snop  }
0x86: {  	[tilespmem:s7], [sflag:$0x6] =	stream.indirect.gather [hbm4b:s3+s13], $0x80, s28, s13, $0xb8;
	[tilespmem:$0x14500] =	vst v63  }
0x87: {  	_ =	swait.ge [sflag:s17], $0x4000  }
0x88: {  	[sflag:s17] =	ssyncset.done $0x0  }
0x89: {  	s0 =	rddreg [dreg:$0x5];
	[sflag:s17] =	ssyncadd.s32 $0xFFFFC000  }
0x8a: {  	[hbm4b:s0+s2] =	stream.linear.scatter [tilespmem:s12], [sflag:$0x9], $0x4000, $0x38;
	[tilespmem:$0x14500] =	vst v63  }
0x8b: {  	_ =	swait.ge [sflag:s5], $0x4000  }
0x8c: {  	[sflag:s5] =	ssyncset.done $0x0  }
0x8d: {  	[sflag:s5] =	ssyncadd.s32 $0xFFFFC000  }
0x8e: {  	[tilespmem:s19], [sflag:$0x2] =	stream.indirect.gather [hbm4b:s3+s13], $0x80, s26, s13, $0xb8;
	[tilespmem:$0x14500] =	vst v63  }
0x8f: {  	_ =	swait.ge [sflag:s15], $0x4000  }
0x90: {  	[sflag:s15] =	ssyncset.done $0x0  }
0x91: {  	s0 =	rddreg [dreg:$0x6];
	[sflag:s15] =	ssyncadd.s32 $0xFFFFC000  }
0x92: {  	[hbm4b:s0+s2] =	stream.linear.scatter [tilespmem:s9], [sflag:$0xA], $0x4000, $0x38;
	[tilespmem:$0x14500] =	vst v63  }
0x93: {  	_ =	swait.ge [sflag:s6], $0x4000  }
0x94: {  	[sflag:s6] =	ssyncset.done $0x0  }
0x95: {  	[sflag:s6] =	ssyncadd.s32 $0xFFFFC000  }
0x96: {  	[tilespmem:s16], [sflag:$0x3] =	stream.indirect.gather [hbm4b:s3+s13], $0x80, s25, s13, $0xb8;
	[tilespmem:$0x14500] =	vst v63  }
0x97: {  	_ =	swait.ge [sflag:s14], $0x4000  }
0x98: {  	[sflag:s14] =	ssyncset.done $0x0  }
0x99: {  	s0 =	rddreg [dreg:$0x7];
	[sflag:s14] =	ssyncadd.s32 $0xFFFFC000  }
0x9a: {  	[hbm4b:s0+s2] =	stream.linear.scatter [tilespmem:s7], [sflag:$0xB], $0x4000, $0x38;
	[tilespmem:$0x14500] =	vst v63  }
0x9b: {  	_ =	swait.ge [sflag:s11], $0x4000  }
0x9c: {  	[sflag:s11] =	ssyncset.done $0x0  }
0x9d: {  	[sflag:s11] =	ssyncadd.s32 $0xFFFFC000  }
0x9e: {  	[tilespmem:s12], [sflag:$0x4] =	stream.indirect.gather [hbm4b:s3+s13], $0x80, s24, s13, $0xb8;
	[tilespmem:$0x14500] =	vst v63  }
0x9f: {  	_ =	swait.ge [sflag:s20], $0x4000  }
0xa0: {  	[sflag:s20] =	ssyncset.done $0x0  }
0xa1: {  	s0 =	rddreg [dreg:$0x8];
	[sflag:s20] =	ssyncadd.s32 $0xFFFFC000  }
0xa2: {  	[hbm4b:s0+s2] =	stream.linear.scatter [tilespmem:s19], [sflag:$0x7], $0x4000, $0x38;
	[tilespmem:$0x14500] =	vst v63  }
0xa3: {  	_ =	swait.ge [sflag:s10], $0x4000  }
0xa4: {  	[sflag:s10] =	ssyncset.done $0x0  }
0xa5: {  	[sflag:s10] =	ssyncadd.s32 $0xFFFFC000  }
0xa6: {  	[tilespmem:s9], [sflag:$0x5] =	stream.indirect.gather [hbm4b:s3+s13], $0x80, s23, s13, $0xb8;
	[tilespmem:$0x14500] =	vst v63  }
0xa7: {  	_ =	swait.ge [sflag:s18], $0x4000  }
0xa8: {  	[sflag:s18] =	ssyncset.done $0x0  }
0xa9: {  	s0 =	rddreg [dreg:$0x9];
	[sflag:s18] =	ssyncadd.s32 $0xFFFFC000  }
0xaa: {  	[hbm4b:s0+s2] =	stream.linear.scatter [tilespmem:s16], [sflag:$0x8], $0x4000, $0x38;
	[tilespmem:$0x14500] =	vst v63  }
0xab: {  	_ =	swait.ge [sflag:s8], $0x4000  }
0xac: {  	[sflag:s8] =	ssyncset.done $0x0  }
0xad: {  	[sflag:s8] =	ssyncadd.s32 $0xFFFFC000  }
0xae: {  	[tilespmem:s7], [sflag:$0x6] =	stream.indirect.gather [hbm4b:s3+s13], $0x80, s22, s13, $0xb8;
	[tilespmem:$0x14500] =	vst v63  }
0xaf: {  	_ =	swait.ge [sflag:s17], $0x4000  }
0xb0: {  	[sflag:s17] =	ssyncset.done $0x0  }
0xb1: {  	s0 =	rddreg [dreg:$0xa];
	[sflag:s17] =	ssyncadd.s32 $0xFFFFC000  }
0xb2: {  	[hbm4b:s0+s2] =	stream.linear.scatter [tilespmem:s12], [sflag:$0x9], $0x4000, $0x38;
	[tilespmem:$0x14500] =	vst v63  }
0xb3: {  	_ =	swait.ge [sflag:s15], $0x4000  }
0xb4: {  	[sflag:s15] =	ssyncset.done $0x0  }
0xb5: {  	s0 =	rddreg [dreg:$0xb];
	[sflag:s15] =	ssyncadd.s32 $0xFFFFC000  }
0xb6: {  	[hbm4b:s0+s2] =	stream.linear.scatter [tilespmem:s9], [sflag:$0xA], $0x4000, $0x38;
	[tilespmem:$0x14500] =	vst v63  }
0xb7: {  	_ =	swait.ge [sflag:s14], $0x4000  }
0xb8: {  	[sflag:s14] =	ssyncset.done $0x0  }
0xb9: {  	[sflag:s14] =	ssyncadd.s32 $0xFFFFC000  }
0xba: {  	[hbm4b:s4+s2] =	stream.linear.scatter [tilespmem:s7], [sflag:$0xB], $0x4000, $0x38;
	[tilespmem:$0x14500] =	vst v63  }
0xbb: {  	_ =	swait.ge [sflag:s5], $0x4000  }
0xbc: {  	[sflag:s5] =	ssyncset.done $0x0  }
0xbd: {  	[sflag:s5] =	ssyncadd.s32 $0xFFFFC000  }
0xbe: {  	_ =	swait.ge [sflag:s6], $0x4000  }
0xbf: {  	[sflag:s6] =	ssyncset.done $0x0  }
0xc0: {  	[sflag:s6] =	ssyncadd.s32 $0xFFFFC000  }
0xc1: {  	_ =	swait.ge [sflag:s11], $0x4000  }
0xc2: {  	[sflag:s11] =	ssyncset.done $0x0  }
0xc3: {  	p1 =	sne.s32 s1, $0x1;
	[sflag:s11] =	ssyncadd.s32 $0xFFFFC000  }
.Ltmp2:
0xc4: {  	_ =	swait.ge [sflag:s10], $0x4000;
	(pc) =	sbr.rel @p1 .LBB2_2-.Ltmp2, $4  }
0xc5: {  	[sflag:s10] =	ssyncset.done $0x0  }
0xc6: {  	[sflag:s10] =	ssyncadd.s32 $0xFFFFC000  }
0xc7: {  	_ =	swait.ge [sflag:s8], $0x4000  }
0xc8: {  	s1 =	sadd.s32 $0xFFFFFFFF, s1;
	s0 =	rddreg [dreg:$0x3];
	[sflag:s8] =	ssyncset.done $0x0  }
.LBB2_3:
0xc9: {  	[sflag:s8] =	ssyncadd.s32 @p0 $0xFFFFC000  }
0xca: {  	[tilespmem:s2], [sflag:$0x1] =	stream.linear.gather [hbm4b:s0+s2], $0x500, $0x38;
	[tilespmem:$0x14500] =	vst v63  }
0xcb: {  	_ =	swait.ge [sflag:s30], $0x500  }
0xcc: {  	[sflag:s30] =	ssyncset.done $0x0  }
0xcd: {  	[sflag:s30] =	ssyncadd.s32 $0xFFFFFB00  }
0xce: {  	[tilespmem:s19], [sflag:$0x2] =	stream.indirect.gather [hbm4b:s3+s13], $0x80, s2, s13, $0xb8;
	[tilespmem:$0x14500] =	vst v63  }
0xcf: {  	_ = 	snop  }
0xd0: {  	[tilespmem:s16], [sflag:$0x3] =	stream.indirect.gather [hbm4b:s3+s13], $0x80, s13, s13, $0xb8;
	[tilespmem:$0x14500] =	vst v63  }
0xd1: {  	_ = 	snop  }
0xd2: {  	[tilespmem:s12], [sflag:$0x4] =	stream.indirect.gather [hbm4b:s3+s13], $0x80, s31, s13, $0xb8;
	[tilespmem:$0x14500] =	vst v63  }
0xd3: {  	_ =	swait.ge [sflag:s20], $0x4000  }
0xd4: {  	[sflag:s20] =	ssyncset.done $0x0  }
0xd5: {  	[sflag:s20] =	ssyncadd.s32 $0xFFFFC000  }
0xd6: {  	[hbm4b:s21+s2] =	stream.linear.scatter [tilespmem:s19], [sflag:$0x7], $0x4000, $0x38;
	[tilespmem:$0x14500] =	vst v63  }
0xd7: {  	_ = 	snop  }
0xd8: {  	[tilespmem:s9], [sflag:$0x5] =	stream.indirect.gather [hbm4b:s3+s13], $0x80, s29, s13, $0xb8;
	[tilespmem:$0x14500] =	vst v63  }
0xd9: {  	_ =	swait.ge [sflag:s18], $0x4000  }
0xda: {  	[sflag:s18] =	ssyncset.done $0x0  }
0xdb: {  	s31 =	rddreg [dreg:$0x4];
	[sflag:s18] =	ssyncadd.s32 $0xFFFFC000  }
0xdc: {  	[hbm4b:s31+s2] =	stream.linear.scatter [tilespmem:s16], [sflag:$0x8], $0x4000, $0x38;
	[tilespmem:$0x14500] =	vst v63  }
0xdd: {  	_ = 	snop  }
0xde: {  	[tilespmem:s7], [sflag:$0x6] =	stream.indirect.gather [hbm4b:s3+s13], $0x80, s28, s13, $0xb8;
	[tilespmem:$0x14500] =	vst v63  }
0xdf: {  	_ =	swait.ge [sflag:s17], $0x4000  }
0xe0: {  	[sflag:s17] =	ssyncset.done $0x0  }
0xe1: {  	s1 =	rddreg [dreg:$0x5];
	[sflag:s17] =	ssyncadd.s32 $0xFFFFC000  }
0xe2: {  	[hbm4b:s1+s2] =	stream.linear.scatter [tilespmem:s12], [sflag:$0x9], $0x4000, $0x38;
	[tilespmem:$0x14500] =	vst v63  }
0xe3: {  	_ =	swait.ge [sflag:s5], $0x4000  }
0xe4: {  	[sflag:s5] =	ssyncset.done $0x0  }
0xe5: {  	[sflag:s5] =	ssyncadd.s32 $0xFFFFC000  }
0xe6: {  	[tilespmem:s19], [sflag:$0x2] =	stream.indirect.gather [hbm4b:s3+s13], $0x80, s26, s13, $0xb8;
	[tilespmem:$0x14500] =	vst v63  }
0xe7: {  	_ =	swait.ge [sflag:s15], $0x4000  }
0xe8: {  	[sflag:s15] =	ssyncset.done $0x0  }
0xe9: {  	s21 =	rddreg [dreg:$0x6];
	[sflag:s15] =	ssyncadd.s32 $0xFFFFC000  }
0xea: {  	[hbm4b:s21+s2] =	stream.linear.scatter [tilespmem:s9], [sflag:$0xA], $0x4000, $0x38;
	[tilespmem:$0x14500] =	vst v63  }
0xeb: {  	_ =	swait.ge [sflag:s6], $0x4000  }
0xec: {  	[sflag:s6] =	ssyncset.done $0x0  }
0xed: {  	[sflag:s6] =	ssyncadd.s32 $0xFFFFC000  }
0xee: {  	[tilespmem:s16], [sflag:$0x3] =	stream.indirect.gather [hbm4b:s3+s13], $0x80, s25, s13, $0xb8;
	[tilespmem:$0x14500] =	vst v63  }
0xef: {  	_ =	swait.ge [sflag:s14], $0x4000  }
0xf0: {  	[sflag:s14] =	ssyncset.done $0x0  }
0xf1: {  	s25 =	rddreg [dreg:$0x7];
	[sflag:s14] =	ssyncadd.s32 $0xFFFFC000  }
0xf2: {  	[hbm4b:s25+s2] =	stream.linear.scatter [tilespmem:s7], [sflag:$0xB], $0x4000, $0x38;
	[tilespmem:$0x14500] =	vst v63  }
0xf3: {  	_ =	swait.ge [sflag:s11], $0x4000  }
0xf4: {  	[sflag:s11] =	ssyncset.done $0x0  }
0xf5: {  	[sflag:s11] =	ssyncadd.s32 $0xFFFFC000  }
0xf6: {  	[tilespmem:s12], [sflag:$0x4] =	stream.indirect.gather [hbm4b:s3+s13], $0x80, s24, s13, $0xb8;
	[tilespmem:$0x14500] =	vst v63  }
0xf7: {  	_ =	swait.ge [sflag:s20], $0x4000  }
0xf8: {  	[sflag:s20] =	ssyncset.done $0x0  }
0xf9: {  	s26 =	rddreg [dreg:$0x8];
	[sflag:s20] =	ssyncadd.s32 $0xFFFFC000  }
0xfa: {  	[hbm4b:s26+s2] =	stream.linear.scatter [tilespmem:s19], [sflag:$0x7], $0x4000, $0x38;
	[tilespmem:$0x14500] =	vst v63  }
0xfb: {  	_ =	swait.ge [sflag:s10], $0x4000  }
0xfc: {  	[sflag:s10] =	ssyncset.done $0x0  }
0xfd: {  	[sflag:s10] =	ssyncadd.s32 $0xFFFFC000  }
0xfe: {  	[tilespmem:s9], [sflag:$0x5] =	stream.indirect.gather [hbm4b:s3+s13], $0x80, s23, s13, $0xb8;
	[tilespmem:$0x14500] =	vst v63  }
0xff: {  	_ =	swait.ge [sflag:s18], $0x4000  }
0x100: {  	[sflag:s18] =	ssyncset.done $0x0  }
0x101: {  	s28 =	rddreg [dreg:$0x9];
	[sflag:s18] =	ssyncadd.s32 $0xFFFFC000  }
0x102: {  	[hbm4b:s28+s2] =	stream.linear.scatter [tilespmem:s16], [sflag:$0x8], $0x4000, $0x38;
	[tilespmem:$0x14500] =	vst v63  }
0x103: {  	_ =	swait.ge [sflag:s8], $0x4000  }
0x104: {  	[sflag:s8] =	ssyncset.done $0x0  }
0x105: {  	[sflag:s8] =	ssyncadd.s32 $0xFFFFC000  }
0x106: {  	[tilespmem:s7], [sflag:$0x6] =	stream.indirect.gather [hbm4b:s3+s13], $0x80, s22, s13, $0xb8;
	[tilespmem:$0x14500] =	vst v63  }
0x107: {  	_ =	swait.ge [sflag:s17], $0x4000  }
0x108: {  	[sflag:s17] =	ssyncset.done $0x0  }
0x109: {  	s29 =	rddreg [dreg:$0xa];
	[sflag:s17] =	ssyncadd.s32 $0xFFFFC000  }
0x10a: {  	[hbm4b:s29+s2] =	stream.linear.scatter [tilespmem:s12], [sflag:$0x9], $0x4000, $0x38;
	[tilespmem:$0x14500] =	vst v63  }
0x10b: {  	_ =	swait.ge [sflag:s15], $0x4000  }
0x10c: {  	[sflag:s15] =	ssyncset.done $0x0  }
0x10d: {  	s30 =	rddreg [dreg:$0xb];
	[sflag:s15] =	ssyncadd.s32 $0xFFFFC000  }
0x10e: {  	[hbm4b:s30+s2] =	stream.linear.scatter [tilespmem:s9], [sflag:$0xA], $0x4000, $0x38;
	[tilespmem:$0x14500] =	vst v63  }
0x10f: {  	_ =	swait.ge [sflag:s14], $0x4000  }
0x110: {  	[sflag:s14] =	ssyncset.done $0x0  }
0x111: {  	[sflag:s14] =	ssyncadd.s32 $0xFFFFC000  }
0x112: {  	[hbm4b:s4+s2] =	stream.linear.scatter [tilespmem:s7], [sflag:$0xB], $0x4000, $0x38;
	[tilespmem:$0x14500] =	vst v63  }
0x113: {  	_ =	swait.ge [sflag:s5], $0x4000  }
0x114: {  	[sflag:s5] =	ssyncset.done $0x0  }
0x115: {  	[sflag:s5] =	ssyncadd.s32 $0xFFFFC000  }
0x116: {  	_ =	swait.ge [sflag:s6], $0x4000  }
0x117: {  	[sflag:s6] =	ssyncset.done $0x0  }
0x118: {  	[sflag:s6] =	ssyncadd.s32 $0xFFFFC000  }
0x119: {  	_ =	swait.ge [sflag:s11], $0x4000  }
0x11a: {  	[sflag:s11] =	ssyncset.done $0x0  }
0x11b: {  	[sflag:s11] =	ssyncadd.s32 $0xFFFFC000  }
0x11c: {  	_ =	swait.ge [sflag:s10], $0x4000  }
0x11d: {  	[sflag:s10] =	ssyncset.done $0x0  }
0x11e: {  	[sflag:s10] =	ssyncadd.s32 $0xFFFFC000  }
0x11f: {  	_ =	swait.ge [sflag:s8], $0x4000  }
0x120: {  	[sflag:s8] =	ssyncset.done $0x0  }
0x121: {  	[sflag:s8] =	ssyncadd.s32 $0xFFFFC000  }
0x122: {  	_ =	sfence.sel $0x180000  }
0x123: {  	[bflag:$0x0] =	sbarrier.arrive $0xFFFF  }
0x124: {  	_ =	strace $0x9000004D  }
0x125: {  	s31 =	stileid.u32;
	[bflag:$0x2] =	sbarrier.arrive $0xFFFF  }
0x126: {  	p0 =	sne.s32 s31, $0x0;
	s0 =	rddreg [dreg:$0x2]  }
0x127: {  	s0 =	sadd.s32 @!p0 $0x100000, s0  }
0x128: {  	[sflag:s0] =	ssyncadd.tile.s32 @!p0 $0x1;
	_ =	shalt  }
.Lfunc_end2:
_tile_overlayer_lowered:
.L_overlay_start_2:
0x129: {  	(tag) =	ssettag $0x2  }
0x12a: {  	s0 =	rddreg [dreg:$0x0];
	s2 =	stileid.u32  }
0x12b: {  	s1 =	rddreg [dreg:$0x1];
	p0 =	sne.s32 s2, $0x0  }
0x12c: {  	s3 =	rddreg [dreg:$0x2];
	[bflag:$0x3] =	sbarrier.arrive $0xFFFF;
	s2 =	simm.s32 @!p0 $0x1C0C  }
0x12d: {  	[timem:s3], [sflag:s2] =	dma.local @!p0 [hbm:s0], s1  }
0x12e: {  	s0 =	simm.s32 @!p0 $0xC  }
0x12f: {  	_ =	swait.ge @!p0 [sflag:s0], s1  }
0x130: {  	s1 =	ssub.s32 @!p0 $0x0, s1;
	[sflag:s0] =	ssyncset.done @!p0 $0x0  }
0x131: {  	[sflag:s0] =	ssyncadd.s32 @!p0 s1  }
0x132: {  	[bflag:$0x3] =	sbarrier.arrive $0xFFFF  }
0x133: {  	_ =	shalt  }

// kernel: kernel.21.cloned.1.call-start
scs
__scs_entry_jumppad:
0x0: {  	(pc) =	sbr.rel $0x88, $3  }
0x1: {  	(tag) =	ssettag $0x0;
	lr =	simm.s32 $0x1  }
0x2: {  	[smem:$0x3F9D] =	sst lr;
	_ =	strace $0xD0000000  }
0x3: {  	_ = 	snop  }
0x4: {  	_ = 	snop  }
0x5: {  	_ = 	snop  }
0x6: {  	_ = 	snop  }
0x7: {  	_ = 	snop  }
__scs_overlays_trampoline_lowered:
0x8: {  	[smem:$0x3FAC] =	sst s0  }
0x9: {  	[smem:$0x3FAD] =	sst s1  }
0xa: {  	[smem:$0x3FAE] =	sst s2  }
0xb: {  	[smem:$0x3FAF] =	sst s3  }
0xc: {  	[smem:$0x3FB0] =	sst s4  }
0xd: {  	[smem:$0x3FB1] =	sst s5  }
0xe: {  	[smem:$0x3FB2] =	sst s6  }
0xf: {  	[smem:$0x3FB3] =	sst s7  }
0x10: {  	[smem:$0x3FB4] =	sst s8  }
0x11: {  	[smem:$0x3FB5] =	sst s9;
	s0 =	simm.s32 @!p0 $0x0  }
0x12: {  	s1 =	sld [smem:$0x3F9B];
	s0 =	simm.s32 @p0 $0x1  }
0x13: {  	[smem:$0x3FB6] =	sst s0;
	s0 =	simm.s32 @!p1 $0x0  }
0x14: {  	s2 =	sld [smem:$0x3F9A];
	s0 =	simm.s32 @p1 $0x1  }
0x15: {  	[smem:$0x3FB7] =	sst s0;
	s0 =	simm.s32 @!p2 $0x0  }
0x16: {  	s3 =	sld [smem:$0x3FDB];
	s0 =	simm.s32 @p2 $0x1  }
0x17: {  	s4 =	simm.s32 $0x1BF5;
	[smem:$0x3FB9] =	sst s0  }
0x18: {  	s0 =	sld [smem:$0x3F9C];
	_ =	swait.ge [sflag:s4], $0x0  }
0x19: {  	s7 =	sld [smem:$0x3F9D]  }
0x1a: {  	s8 =	sadd.s32 $0xFFFFE003, lr  }
0x1b: {  	s9 =	sadd.s32 $0xFFFFFEF7, lr;
	s5 =	simm.s32 $0xFFFFFFFF;
	p2 =	slt.u32 s8, $0xFFFFF086  }
0x1c: {  	p1 =	slt.u32 s9, $0xF7A;
	s5 =	simm.s32 @!p2 $0x0  }
0x1d: {  	s5 =	simm.s32 @p1 $0x1;
	p0 =	seq.s32 s7, s2  }
0x1e: {  	s7 =	smul.u32 @!p0 $0xF7A, s2;
	p2 =	seq.s32 @!p0 s5, $0x0  }
0x1f: {  	s9 =	smul.u32 $0xF7A, s1;
	s8 =	simm.s32 @!p0 $0x1BF5;
	p2 =	por !p2, p0  }
0x20: {  	[sflag:s8] =	ssyncset.s32 @!p0 $0xFFFFF086;
	s6 =	sadd.s32 @!p0 s3, s7;
	s7 =	simm.s32 @!p0 $0x108  }
0x21: {  	s3 =	sadd.s32 s3, s9;
	s6 =	sadd.s32 @!p0 $0x88, s6;
	s7 =	simm.s32 @p2 $0x1082  }
0x22: {  	[simem:s7], [sflag:s8] =	dma.local @!p0 [hbm:s6], $0xF7A  }
0x23: {  	s9 =	sor.u32 $0xD0000000, s2;
	s6 =	simm.s32 $0x108;
	_ =	swait.ge @!p0 [sflag:s8], $0x0  }
0x24: {  	s3 =	sadd.s32 $0x88, s3;
	s6 =	simm.s32 @!p1 $0x1082;
	[sflag:s4] =	ssyncset.s32 $0xFFFFF086  }
0x25: {  	[simem:s6], [sflag:s4] =	dma.local [hbm:s3], $0xF7A  }
0x26: {  	[smem:$0x3F9D] =	sst s1;
	(tag) =	ssettag s2;
	_ =	strace s9  }
0x27: {  	s1 =	sld [smem:$0x3FAD]  }
0x28: {  	s2 =	sld [smem:$0x3FAE]  }
0x29: {  	s4 =	sld [smem:$0x3FB0]  }
0x2a: {  	p0 =	seq.s32 s5, $0x0;
	s5 =	sld [smem:$0x3FB1]  }
0x2b: {  	s6 =	sld [smem:$0x3FB2]  }
0x2c: {  	s7 =	sld [smem:$0x3FB3]  }
0x2d: {  	s3 =	simm.s32 $0x108;
	s8 =	sld [smem:$0x3FB4]  }
0x2e: {  	s3 =	simm.s32 @!p0 $0x1082;
	s9 =	sld [smem:$0x3FB5]  }
0x2f: {  	lr =	sadd.s32 s0, s3;
	s0 =	sld [smem:$0x3FAC]  }
0x30: {  	s3 =	sld [smem:$0x3FAF]  }
0x31: {  	[smem:$0x3FB8] =	sst s10  }
0x32: {  	s10 =	sld [smem:$0x3FB6];
	_ =	sdelay $0x3  }
0x33: {  	p0 =	seq.s32 s10, $0x1;
	s10 =	sld [smem:$0x3FB8];
	_ =	sdelay $0x3  }
0x34: {  	[smem:$0x3FB8] =	sst s10  }
0x35: {  	s10 =	sld [smem:$0x3FB7];
	_ =	sdelay $0x3  }
0x36: {  	p1 =	seq.s32 s10, $0x1;
	s10 =	sld [smem:$0x3FB8];
	_ =	sdelay $0x3  }
0x37: {  	[smem:$0x3FB8] =	sst s10  }
0x38: {  	s10 =	sld [smem:$0x3FB9]  }
0x39: {  	_ = 	snop;
	(pc) =	sbr.ind lr, $3  }
0x3a: {  	_ = 	snop  }
0x3b: {  	_ = 	snop  }
0x3c: {  	p2 =	seq.s32 s10, $0x1;
	s10 =	sld [smem:$0x3FB8]  }
0x3d: {  	_ =	shalt  }
0x3e: {  	_ =	shalt  }
0x3f: {  	_ =	shalt  }
0x40: {  	_ =	shalt  }
0x41: {  	_ =	shalt  }
0x42: {  	_ =	shalt  }
0x43: {  	_ =	shalt  }
0x44: {  	_ =	shalt  }
0x45: {  	_ =	shalt  }
0x46: {  	_ =	shalt  }
0x47: {  	_ =	shalt  }
0x48: {  	_ =	shalt  }
0x49: {  	_ =	shalt  }
0x4a: {  	_ =	shalt  }
0x4b: {  	_ =	shalt  }
0x4c: {  	_ =	shalt  }
0x4d: {  	_ =	shalt  }
0x4e: {  	_ =	shalt  }
0x4f: {  	_ =	shalt  }
0x50: {  	_ =	shalt  }
0x51: {  	_ =	shalt  }
0x52: {  	_ =	shalt  }
0x53: {  	_ =	shalt  }
0x54: {  	_ =	shalt  }
0x55: {  	_ =	shalt  }
0x56: {  	_ =	shalt  }
0x57: {  	_ =	shalt  }
0x58: {  	_ =	shalt  }
0x59: {  	_ =	shalt  }
0x5a: {  	_ =	shalt  }
0x5b: {  	_ =	shalt  }
0x5c: {  	_ =	shalt  }
0x5d: {  	_ =	shalt  }
0x5e: {  	_ =	shalt  }
0x5f: {  	_ =	shalt  }
0x60: {  	_ =	shalt  }
0x61: {  	_ =	shalt  }
0x62: {  	_ =	shalt  }
0x63: {  	_ =	shalt  }
0x64: {  	_ =	shalt  }
0x65: {  	_ =	shalt  }
0x66: {  	_ =	shalt  }
0x67: {  	_ =	shalt  }
0x68: {  	_ =	shalt  }
0x69: {  	_ =	shalt  }
0x6a: {  	_ =	shalt  }
0x6b: {  	_ =	shalt  }
0x6c: {  	_ =	shalt  }
0x6d: {  	_ =	shalt  }
0x6e: {  	_ =	shalt  }
0x6f: {  	_ =	shalt  }
0x70: {  	_ =	shalt  }
0x71: {  	_ =	shalt  }
0x72: {  	_ =	shalt  }
0x73: {  	_ =	shalt  }
0x74: {  	_ =	shalt  }
0x75: {  	_ =	shalt  }
0x76: {  	_ =	shalt  }
0x77: {  	_ =	shalt  }
0x78: {  	_ =	shalt  }
0x79: {  	_ =	shalt  }
0x7a: {  	_ =	shalt  }
0x7b: {  	_ =	shalt  }
0x7c: {  	_ =	shalt  }
0x7d: {  	_ =	shalt  }
0x7e: {  	_ =	shalt  }
0x7f: {  	_ =	shalt  }
0x80: {  	_ =	shalt  }
0x81: {  	_ =	shalt  }
0x82: {  	_ =	shalt  }
0x83: {  	_ =	shalt  }
0x84: {  	_ =	shalt  }
0x85: {  	_ =	shalt  }
0x86: {  	_ =	shalt  }
0x87: {  	_ =	shalt  }
.Lfunc_end0:
.L_simem_size_0:
called_computation.3_lowered:
.L_overlay_start_0:
0x88: {  	s2 =	sld [smem:$0x3FD9]  }
0x89: {  	s3 =	sld [smem:$0x3FFE];
	_ =	sdelay $0x1  }
0x8a: {  	s1 =	srdreg.scid  }
0x8b: {  	s0 =	sand.u32 $0x1, s1  }
0x8c: {  	s17 =	sshll.u32 s0, $0xA;
	s2 =	sadd.s32 s3, s2  }
0x8d: {  	s2 =	sadd.s32 s2, s17  }
0x8e: {  	[smem:$0x3FC4] =	sst s2  }
0x8f: {  	_ = 	snop  }
0x90: {  	s18 =	sld [smem:$0x3FC8];
	(tm) =	ssettm $0x1  }
0x91: {  	s19 =	sld [smem:$0x3FFB];
	_ =	sdelay $0x3  }
0x92: {  	_ =	strace s19  }
0x93: {  	s2 =	sld [smem:$0x3FFC];
	_ =	sdelay $0x3  }
0x94: {  	_ =	strace s2  }
0x95: {  	s2 =	sld [smem:$0x3FFD];
	_ =	sdelay $0x3  }
0x96: {  	_ =	strace s2  }
0x97: {  	_ =	strace $0x8FFFFFFF  }
0x98: {  	s20 =	sld [smem:$0x3FDB];
	_ =	sdelay $0x1  }
0x99: {  	s4 =	simm.s32 $_scs_section_size  }
0x9a: {  	s5 =	simm.s32 $_size__tile_overlayer_lowered;
	s6 =	simm.s32 $_tile_overlayer_lowered  }
0x9b: {  	s7 =	simm.s32 $0x1BFF;
	s21 =	sshll.u32 s6, $0x1;
	s4 =	sadd.s32 s4, s20  }
0x9c: {  	s22 =	simm.s32 $0x0;
	s5 =	sshll.u32 s5, $0x1;
	s6 =	sadd.s32 s21, s4  }
0x9d: {  	[timem:s22], [sflag:s7] =	dma.local [hbm:s6], s5  }
0x9e: {  	_ =	swait.ge [sflag:s7], s5  }
0x9f: {  	s5 =	ssub.s32 $0x0, s5;
	[sflag:s7] =	ssyncset.done $0x0  }
0xa0: {  	[sflag:s7] =	ssyncadd.s32 s5;
	_ =	sdelay $0x1  }
0xa1: {  	s23 =	simm.s32 $0x1B8B  }
0xa2: {  	_ =	swait.ge [sflag:s23], $0x1  }
0xa3: {  	[sflag:s23] =	ssyncset.done $0x0  }
0xa4: {  	[sflag:s23] =	ssyncadd.s32 $0xFFFFFFFF  }
0xa5: {  	s5 =	sld [smem:$0x0]  }
0xa6: {  	s6 =	sand.u32 $0xFFFFFFFE, s1  }
0xa7: {  	p0 =	sne.s32 s1, s6  }
0xa8: {  	s6 =	sshll.u32 @p0 s6, $0xE  }
0xa9: {  	s6 =	sadd.s32 @p0 $0x11B8D, s6;
	s7 =	sshll.u32 @p0 s5, $0x11  }
0xaa: {  	s6 =	sor.u32 @p0 s7, s6  }
0xab: {  	[sflag:s6] =	ssyncadd.remote.s32 @p0 $0x1;
	_ =	sdelay $0x1  }
0xac: {  	s6 =	simm.s32 @p0 $0x1B8D  }
0xad: {  	_ =	swait.eq @p0 [sflag:s6], $0x1  }
0xae: {  	[sflag:s6] =	ssyncadd.s32 @p0 $0xFFFFFFFF  }
0xaf: {  	s7 =	sshll.u32 @!p0 s1, $0xE  }
0xb0: {  	s7 =	sor.u32 @!p0 $0x4000, s7;
	s6 =	simm.s32 @!p0 $0x1B8D  }
0xb1: {  	s5 =	sshll.u32 @!p0 s5, $0x11;
	s7 =	sadd.s32 @!p0 $0x11B8D, s7;
	_ =	swait.eq @!p0 [sflag:s6], $0x1  }
0xb2: {  	s5 =	sor.u32 @!p0 s5, s7;
	[sflag:s6] =	ssyncadd.s32 @!p0 $0xFFFFFFFF  }
0xb3: {  	s25 =	simm.s32 $0x1B8E;
	s24 =	sld [smem:$0x3FFE];
	[sflag:s5] =	ssyncadd.remote.s32 @!p0 $0x1  }
0xb4: {  	s26 =	simm.s32 $execute0_lowered;
	[smem:$0x3FD2] =	sst s25  }
0xb5: {  	s6 =	sshll.u32 s26, $0x1;
	_ =	strace $0x8000004F;
	[dreg:$0x1] =	wrdreg $0xFFFFFFFF  }
0xb6: {  	s28 =	simm.s32 $_size_execute0_lowered;
	s4 =	sadd.s32 s4, s6;
	[dreg:$0x0] =	wrdreg $0x0  }
0xb7: {  	s6 =	sshll.u32 s28, $0x1;
	[dreg:$0x2] =	wrdreg s4  }
0xb8: {  	[dreg:$0x3] =	wrdreg s6  }
0xb9: {  	[dreg:$0x4] =	wrdreg $0xC0  }
0xba: {  	_ =	task [dreg:s22], $0x5FFFF  }
0xbb: {  	[dreg:$0x1] =	wrdreg $0xFFFFFFFF  }
0xbc: {  	[dreg:$0x0] =	wrdreg $0x60  }
0xbd: {  	[dreg:$0x2] =	wrdreg s18  }
0xbe: {  	[dreg:$0x3] =	wrdreg s24  }
0xbf: {  	[dreg:$0x4] =	wrdreg $0xC  }
0xc0: {  	_ =	task.clear_ibuf [dreg:s22], $0x5FFFF;
	_ =	strace $0x9000004F  }
0xc1: {  	s29 =	simm.s32 $0xC;
	_ =	strace $0x80000051  }
0xc2: {  	_ =	swait.ge [sflag:s29], $0x1  }
0xc3: {  	[sflag:s29] =	ssyncadd.s32 $0xFFFFFFFF  }
0xc4: {  	_ =	strace $0x90000051  }
0xc5: {  	_ =	sfence  }
0xc6: {  	s30 =	sld [smem:$0x0];
	_ =	sdelay $0x2  }
0xc7: {  	s31 =	sshll.u32 s1, $0xD;
	s1 =	sshrl.u32 s1, $0x2  }
0xc8: {  	s4 =	sand.u32 $0x4000, s31;
	s1 =	sadd.s32 s1, s30  }
0xc9: {  	s0 =	sor.u32 s4, s0;
	s1 =	sshll.u32 s1, $0x11  }
0xca: {  	s0 =	sor.u32 s1, s0  }
0xcb: {  	s0 =	sadd.s32 $0x8F2B, s0  }
0xcc: {  	[sflag:s0] =	ssyncadd.remote.s32 $0x1  }
0xcd: {  	_ =	sfence.sel $0xFFFF  }
0xce: {  	[dreg:$0x0] =	wrdreg $0xFFFFFFFF;
	(pc) =	sbr.abs _section_cstart, $3  }
0xcf: {  	[dreg:$0x1] =	wrdreg $0xFFFFFFFF  }
0xd0: {  	_ =	task.clear_ibuf [dreg:s22], $0x2FFFF;
	_ =	strace $0x9FFFFFFF  }
0xd1: {  	(tm) =	ssettm $0x7FFFFFFF  }
tec
execute0_lowered:
.L_overlay_start_1:
0x0: {  	(tag) =	ssettag $0x1  }
0x1: {  	s1 =	srdreg.scid  }
0x2: {  	s0 =	stileid.u32;
	s1 =	sand.u32 $0x1, s1  }
0x3: {  	s3 =	sshll.u32 s0, $0xB;
	s4 =	sshll.u32 s1, $0xA  }
0x4: {  	s2 =	rddreg [dreg:$0x0];
	s4 =	sor.u32 s4, s3  }
0x5: {  	s5 =	rddreg [dreg:$0x1];
	s6 =	sshrl.u32 s4, $0x3  }
0x6: {  	s3 =	simm.s32 $0x0;
	s4 =	sshll.u32 s4, $0x4;
	s6 =	sadd.s32 s5, s6  }
0x7: {  	[smem:$0x7FF] =	sst s3;
	s31 =	sadd.s32 s4, s5;
	s6 =	sadd.s32 $0x6200, s6  }
0x8: {  	_ =	strace $0x80000050;
	s4 =	sadd.s32 $0x228200, s31;
	[dreg:$0x3] =	wrdreg s6  }
0x9: {  	[dreg:$0x4] =	wrdreg s4  }
0xa: {  	s4 =	simm.s32 $0x1;
	s26 =	rddreg [dreg:$0x3]  }
0xb: {  	[tilespmem:s3], [sflag:$0x1] =	stream.linear.gather [hbm4b:s26+s3], $0x400, $0x38;
	[tilespmem:$0x10400] =	vst v63  }
0xc: {  	_ =	swait.ge [sflag:s4], $0x400  }
0xd: {  	[sflag:s4] =	ssyncset.done $0x0  }
0xe: {  	s5 =	simm.s32 $0x80;
	s6 =	simm.s32 $0x400;
	[sflag:s4] =	ssyncadd.s32 $0xFFFFFC00  }
0xf: {  	[tilespmem:s6], [sflag:$0x2] =	stream.indirect.gather [hbm4b:s2+s5], $0x80, s3, s5, $0xb8;
	[tilespmem:$0x10400] =	vst v63  }
0x10: {  	s7 =	simm.s32 $0x4400  }
0x11: {  	[tilespmem:s7], [sflag:$0x3] =	stream.indirect.gather [hbm4b:s2+s5], $0x80, s5, s5, $0xb8;
	[tilespmem:$0x10400] =	vst v63  }
0x12: {  	s8 =	simm.s32 $0x100;
	s9 =	simm.s32 $0x8400;
	s10 =	simm.s32 $0x2  }
0x13: {  	[tilespmem:s9], [sflag:$0x4] =	stream.indirect.gather [hbm4b:s2+s5], $0x80, s8, s5, $0xb8;
	[tilespmem:$0x10400] =	vst v63  }
0x14: {  	_ =	swait.ge [sflag:s10], $0x4000  }
0x15: {  	[sflag:s10] =	ssyncset.done $0x0  }
0x16: {  	s11 =	rddreg [dreg:$0x4];
	[sflag:s10] =	ssyncadd.s32 $0xFFFFC000  }
0x17: {  	[hbm4b:s11+s3] =	stream.linear.scatter [tilespmem:s6], [sflag:$0x6], $0x4000, $0x38;
	[tilespmem:$0x10400] =	vst v63  }
0x18: {  	s12 =	simm.s32 $0xC400;
	s13 =	simm.s32 $0x3;
	s11 =	simm.s32 $0x180  }
0x19: {  	[tilespmem:s12], [sflag:$0x5] =	stream.indirect.gather [hbm4b:s2+s5], $0x80, s11, s5, $0xb8;
	[tilespmem:$0x10400] =	vst v63  }
0x1a: {  	_ =	swait.ge [sflag:s13], $0x4000  }
0x1b: {  	[sflag:s13] =	ssyncset.done $0x0  }
0x1c: {  	s15 =	simm.s32 $0x6;
	s14 =	sadd.s32 $0x228A00, s31;
	[sflag:s13] =	ssyncadd.s32 $0xFFFFC000  }
0x1d: {  	[hbm4b:s14+s3] =	stream.linear.scatter [tilespmem:s7], [sflag:$0x7], $0x4000, $0x38;
	[tilespmem:$0x10400] =	vst v63  }
0x1e: {  	_ =	swait.ge [sflag:s15], $0x4000  }
0x1f: {  	[sflag:s15] =	ssyncset.done $0x0  }
0x20: {  	s16 =	simm.s32 $0x200;
	s17 =	simm.s32 $0x4;
	[sflag:s15] =	ssyncadd.s32 $0xFFFFC000  }
0x21: {  	[tilespmem:s6], [sflag:$0x2] =	stream.indirect.gather [hbm4b:s2+s5], $0x80, s16, s5, $0xb8;
	[tilespmem:$0x10400] =	vst v63  }
0x22: {  	_ =	swait.ge [sflag:s17], $0x4000  }
0x23: {  	[sflag:s17] =	ssyncset.done $0x0  }
0x24: {  	s19 =	simm.s32 $0x7;
	s18 =	sadd.s32 $0x229200, s31;
	[sflag:s17] =	ssyncadd.s32 $0xFFFFC000  }
0x25: {  	[hbm4b:s18+s3] =	stream.linear.scatter [tilespmem:s9], [sflag:$0x8], $0x4000, $0x38;
	[tilespmem:$0x10400] =	vst v63  }
0x26: {  	_ =	swait.ge [sflag:s19], $0x4000  }
0x27: {  	[sflag:s19] =	ssyncset.done $0x0  }
0x28: {  	s20 =	simm.s32 $0x280;
	s21 =	simm.s32 $0x5;
	[sflag:s19] =	ssyncadd.s32 $0xFFFFC000  }
0x29: {  	[tilespmem:s7], [sflag:$0x3] =	stream.indirect.gather [hbm4b:s2+s5], $0x80, s20, s5, $0xb8;
	[tilespmem:$0x10400] =	vst v63  }
0x2a: {  	_ =	swait.ge [sflag:s21], $0x4000  }
0x2b: {  	[sflag:s21] =	ssyncset.done $0x0  }
0x2c: {  	s23 =	simm.s32 $0x8;
	s22 =	sadd.s32 $0x229A00, s31;
	[sflag:s21] =	ssyncadd.s32 $0xFFFFC000  }
0x2d: {  	[hbm4b:s22+s3] =	stream.linear.scatter [tilespmem:s12], [sflag:$0x9], $0x4000, $0x38;
	[tilespmem:$0x10400] =	vst v63  }
0x2e: {  	_ =	swait.ge [sflag:s23], $0x4000  }
0x2f: {  	[sflag:s23] =	ssyncset.done $0x0  }
0x30: {  	s24 =	simm.s32 $0x300;
	[sflag:s23] =	ssyncadd.s32 $0xFFFFC000  }
0x31: {  	[tilespmem:s9], [sflag:$0x4] =	stream.indirect.gather [hbm4b:s2+s5], $0x80, s24, s5, $0xb8;
	[tilespmem:$0x10400] =	vst v63  }
0x32: {  	_ =	swait.ge [sflag:s10], $0x4000  }
0x33: {  	[sflag:s10] =	ssyncset.done $0x0  }
0x34: {  	s25 =	simm.s32 $0x9;
	s26 =	sadd.s32 $0x22A200, s31;
	[sflag:s10] =	ssyncadd.s32 $0xFFFFC000  }
0x35: {  	[hbm4b:s26+s3] =	stream.linear.scatter [tilespmem:s6], [sflag:$0x6], $0x4000, $0x38;
	[tilespmem:$0x10400] =	vst v63  }
0x36: {  	_ =	swait.ge [sflag:s25], $0x4000  }
0x37: {  	[sflag:s25] =	ssyncset.done $0x0  }
0x38: {  	s28 =	simm.s32 $0x380;
	[sflag:s25] =	ssyncadd.s32 $0xFFFFC000  }
0x39: {  	[tilespmem:s12], [sflag:$0x5] =	stream.indirect.gather [hbm4b:s2+s5], $0x80, s28, s5, $0xb8;
	[tilespmem:$0x10400] =	vst v63  }
0x3a: {  	_ =	swait.ge [sflag:s13], $0x4000  }
0x3b: {  	[sflag:s13] =	ssyncset.done $0x0  }
0x3c: {  	s29 =	sadd.s32 $0x22AA00, s31;
	[sflag:s13] =	ssyncadd.s32 $0xFFFFC000  }
0x3d: {  	[hbm4b:s29+s3] =	stream.linear.scatter [tilespmem:s7], [sflag:$0x7], $0x4000, $0x38;
	[tilespmem:$0x10400] =	vst v63  }
0x3e: {  	_ =	swait.ge [sflag:s17], $0x4000  }
0x3f: {  	[sflag:s17] =	ssyncset.done $0x0  }
0x40: {  	s30 =	sadd.s32 $0x22B200, s31;
	[sflag:s17] =	ssyncadd.s32 $0xFFFFC000  }
0x41: {  	[hbm4b:s30+s3] =	stream.linear.scatter [tilespmem:s9], [sflag:$0x8], $0x4000, $0x38;
	[tilespmem:$0x10400] =	vst v63  }
0x42: {  	_ =	swait.ge [sflag:s21], $0x4000  }
0x43: {  	[sflag:s21] =	ssyncset.done $0x0  }
0x44: {  	s31 =	sadd.s32 $0x22BA00, s31;
	[sflag:s21] =	ssyncadd.s32 $0xFFFFC000  }
0x45: {  	[hbm4b:s31+s3] =	stream.linear.scatter [tilespmem:s12], [sflag:$0x9], $0x4000, $0x38;
	[tilespmem:$0x10400] =	vst v63  }
0x46: {  	s1 =	ssub.s32 $0x2, s1;
	_ =	swait.ge [sflag:s15], $0x4000  }
0x47: {  	s0 =	sshrl.u32 s1, $0x1;
	[sflag:s15] =	ssyncset.done $0x0  }
0x48: {  	s0 =	ssub.s32 s1, s0;
	[sflag:s15] =	ssyncadd.s32 $0xFFFFC000  }
0x49: {  	s0 =	smax.u32 s0, $0x1;
	_ =	swait.ge [sflag:s19], $0x4000  }
0x4a: {  	p0 =	sne.s32 s0, $0x1;
	[sflag:s19] =	ssyncset.done $0x0  }
.Ltmp0:
0x4b: {  	[sflag:s19] =	ssyncadd.s32 $0xFFFFC000;
	(pc) =	sbr.rel @!p0 .LBB2_2-.Ltmp0, $4  }
0x4c: {  	_ =	swait.ge [sflag:s23], $0x4000  }
0x4d: {  	[sflag:s23] =	ssyncset.done $0x0  }
0x4e: {  	[sflag:s23] =	ssyncadd.s32 $0xFFFFC000  }
0x4f: {  	s1 =	sadd.s32 $0xFFFFFFFF, s0;
	_ =	swait.ge [sflag:s25], $0x4000  }
.LBB2_1:
0x50: {  	[sflag:s25] =	ssyncset.done $0x0  }
0x51: {  	s0 =	rddreg [dreg:$0x3];
	[sflag:s25] =	ssyncadd.s32 $0xFFFFC000  }
0x52: {  	[tilespmem:s3], [sflag:$0x1] =	stream.linear.gather [hbm4b:s0+s3], $0x400, $0x38;
	[tilespmem:$0x10400] =	vst v63  }
0x53: {  	_ =	swait.ge [sflag:s4], $0x400  }
0x54: {  	[sflag:s4] =	ssyncset.done $0x0  }
0x55: {  	[sflag:s4] =	ssyncadd.s32 $0xFFFFFC00  }
0x56: {  	[tilespmem:s6], [sflag:$0x2] =	stream.indirect.gather [hbm4b:s2+s5], $0x80, s3, s5, $0xb8;
	[tilespmem:$0x10400] =	vst v63  }
0x57: {  	_ = 	snop  }
0x58: {  	[tilespmem:s7], [sflag:$0x3] =	stream.indirect.gather [hbm4b:s2+s5], $0x80, s5, s5, $0xb8;
	[tilespmem:$0x10400] =	vst v63  }
0x59: {  	_ = 	snop  }
0x5a: {  	[tilespmem:s9], [sflag:$0x4] =	stream.indirect.gather [hbm4b:s2+s5], $0x80, s8, s5, $0xb8;
	[tilespmem:$0x10400] =	vst v63  }
0x5b: {  	_ =	swait.ge [sflag:s10], $0x4000  }
0x5c: {  	[sflag:s10] =	ssyncset.done $0x0  }
0x5d: {  	s0 =	rddreg [dreg:$0x4];
	[sflag:s10] =	ssyncadd.s32 $0xFFFFC000  }
0x5e: {  	[hbm4b:s0+s3] =	stream.linear.scatter [tilespmem:s6], [sflag:$0x6], $0x4000, $0x38;
	[tilespmem:$0x10400] =	vst v63  }
0x5f: {  	_ = 	snop  }
0x60: {  	[tilespmem:s12], [sflag:$0x5] =	stream.indirect.gather [hbm4b:s2+s5], $0x80, s11, s5, $0xb8;
	[tilespmem:$0x10400] =	vst v63  }
0x61: {  	_ =	swait.ge [sflag:s13], $0x4000  }
0x62: {  	[sflag:s13] =	ssyncset.done $0x0  }
0x63: {  	[sflag:s13] =	ssyncadd.s32 $0xFFFFC000  }
0x64: {  	[hbm4b:s14+s3] =	stream.linear.scatter [tilespmem:s7], [sflag:$0x7], $0x4000, $0x38;
	[tilespmem:$0x10400] =	vst v63  }
0x65: {  	_ =	swait.ge [sflag:s15], $0x4000  }
0x66: {  	[sflag:s15] =	ssyncset.done $0x0  }
0x67: {  	[sflag:s15] =	ssyncadd.s32 $0xFFFFC000  }
0x68: {  	[tilespmem:s6], [sflag:$0x2] =	stream.indirect.gather [hbm4b:s2+s5], $0x80, s16, s5, $0xb8;
	[tilespmem:$0x10400] =	vst v63  }
0x69: {  	_ =	swait.ge [sflag:s17], $0x4000  }
0x6a: {  	[sflag:s17] =	ssyncset.done $0x0  }
0x6b: {  	[sflag:s17] =	ssyncadd.s32 $0xFFFFC000  }
0x6c: {  	[hbm4b:s18+s3] =	stream.linear.scatter [tilespmem:s9], [sflag:$0x8], $0x4000, $0x38;
	[tilespmem:$0x10400] =	vst v63  }
0x6d: {  	_ =	swait.ge [sflag:s19], $0x4000  }
0x6e: {  	[sflag:s19] =	ssyncset.done $0x0  }
0x6f: {  	[sflag:s19] =	ssyncadd.s32 $0xFFFFC000  }
0x70: {  	[tilespmem:s7], [sflag:$0x3] =	stream.indirect.gather [hbm4b:s2+s5], $0x80, s20, s5, $0xb8;
	[tilespmem:$0x10400] =	vst v63  }
0x71: {  	_ =	swait.ge [sflag:s21], $0x4000  }
0x72: {  	[sflag:s21] =	ssyncset.done $0x0  }
0x73: {  	[sflag:s21] =	ssyncadd.s32 $0xFFFFC000  }
0x74: {  	[hbm4b:s22+s3] =	stream.linear.scatter [tilespmem:s12], [sflag:$0x9], $0x4000, $0x38;
	[tilespmem:$0x10400] =	vst v63  }
0x75: {  	_ =	swait.ge [sflag:s23], $0x4000  }
0x76: {  	[sflag:s23] =	ssyncset.done $0x0  }
0x77: {  	[sflag:s23] =	ssyncadd.s32 $0xFFFFC000  }
0x78: {  	[tilespmem:s9], [sflag:$0x4] =	stream.indirect.gather [hbm4b:s2+s5], $0x80, s24, s5, $0xb8;
	[tilespmem:$0x10400] =	vst v63  }
0x79: {  	_ =	swait.ge [sflag:s10], $0x4000  }
0x7a: {  	[sflag:s10] =	ssyncset.done $0x0  }
0x7b: {  	[sflag:s10] =	ssyncadd.s32 $0xFFFFC000  }
0x7c: {  	[hbm4b:s26+s3] =	stream.linear.scatter [tilespmem:s6], [sflag:$0x6], $0x4000, $0x38;
	[tilespmem:$0x10400] =	vst v63  }
0x7d: {  	_ =	swait.ge [sflag:s25], $0x4000  }
0x7e: {  	[sflag:s25] =	ssyncset.done $0x0  }
0x7f: {  	[sflag:s25] =	ssyncadd.s32 $0xFFFFC000  }
0x80: {  	[tilespmem:s12], [sflag:$0x5] =	stream.indirect.gather [hbm4b:s2+s5], $0x80, s28, s5, $0xb8;
	[tilespmem:$0x10400] =	vst v63  }
0x81: {  	_ =	swait.ge [sflag:s13], $0x4000  }
0x82: {  	[sflag:s13] =	ssyncset.done $0x0  }
0x83: {  	[sflag:s13] =	ssyncadd.s32 $0xFFFFC000  }
0x84: {  	[hbm4b:s29+s3] =	stream.linear.scatter [tilespmem:s7], [sflag:$0x7], $0x4000, $0x38;
	[tilespmem:$0x10400] =	vst v63  }
0x85: {  	_ =	swait.ge [sflag:s17], $0x4000  }
0x86: {  	[sflag:s17] =	ssyncset.done $0x0  }
0x87: {  	[sflag:s17] =	ssyncadd.s32 $0xFFFFC000  }
0x88: {  	[hbm4b:s30+s3] =	stream.linear.scatter [tilespmem:s9], [sflag:$0x8], $0x4000, $0x38;
	[tilespmem:$0x10400] =	vst v63  }
0x89: {  	_ =	swait.ge [sflag:s21], $0x4000  }
0x8a: {  	[sflag:s21] =	ssyncset.done $0x0  }
0x8b: {  	[sflag:s21] =	ssyncadd.s32 $0xFFFFC000  }
0x8c: {  	[hbm4b:s31+s3] =	stream.linear.scatter [tilespmem:s12], [sflag:$0x9], $0x4000, $0x38;
	[tilespmem:$0x10400] =	vst v63  }
0x8d: {  	_ =	swait.ge [sflag:s15], $0x4000  }
0x8e: {  	[sflag:s15] =	ssyncset.done $0x0  }
0x8f: {  	[sflag:s15] =	ssyncadd.s32 $0xFFFFC000  }
0x90: {  	_ =	swait.ge [sflag:s19], $0x4000  }
0x91: {  	p0 =	sne.s32 s1, $0x1;
	[sflag:s19] =	ssyncset.done $0x0  }
.Ltmp1:
0x92: {  	[sflag:s19] =	ssyncadd.s32 $0xFFFFC000;
	(pc) =	sbr.rel @p0 .LBB2_1-.Ltmp1, $4  }
0x93: {  	_ =	swait.ge [sflag:s23], $0x4000  }
0x94: {  	[sflag:s23] =	ssyncset.done $0x0  }
0x95: {  	[sflag:s23] =	ssyncadd.s32 $0xFFFFC000  }
0x96: {  	s1 =	sadd.s32 $0xFFFFFFFF, s1;
	_ =	swait.ge [sflag:s25], $0x4000  }
.LBB2_2:
0x97: {  	[sflag:s25] =	ssyncset.done $0x0  }
0x98: {  	[sflag:s25] =	ssyncadd.s32 $0xFFFFC000  }
0x99: {  	_ =	sfence.sel $0x180000  }
0x9a: {  	[bflag:$0x0] =	sbarrier.arrive $0xFFFF  }
0x9b: {  	_ =	strace $0x90000050  }
0x9c: {  	s0 =	stileid.u32;
	[bflag:$0x2] =	sbarrier.arrive $0xFFFF  }
0x9d: {  	p0 =	sne.s32 s0, $0x0;
	s0 =	rddreg [dreg:$0x2]  }
0x9e: {  	s0 =	sadd.s32 @!p0 $0x100000, s0  }
0x9f: {  	[sflag:s0] =	ssyncadd.tile.s32 @!p0 $0x1;
	_ =	shalt  }
.Lfunc_end2:
_tile_overlayer_lowered:
.L_overlay_start_2:
0xa0: {  	(tag) =	ssettag $0x2  }
0xa1: {  	s0 =	rddreg [dreg:$0x0];
	s2 =	stileid.u32  }
0xa2: {  	s1 =	rddreg [dreg:$0x1];
	p0 =	sne.s32 s2, $0x0  }
0xa3: {  	s3 =	rddreg [dreg:$0x2];
	[bflag:$0x3] =	sbarrier.arrive $0xFFFF;
	s2 =	simm.s32 @!p0 $0x1C0A  }
0xa4: {  	[timem:s3], [sflag:s2] =	dma.local @!p0 [hbm:s0], s1  }
0xa5: {  	s0 =	simm.s32 @!p0 $0xA  }
0xa6: {  	_ =	swait.ge @!p0 [sflag:s0], s1  }
0xa7: {  	s1 =	ssub.s32 @!p0 $0x0, s1;
	[sflag:s0] =	ssyncset.done @!p0 $0x0  }
0xa8: {  	[sflag:s0] =	ssyncadd.s32 @!p0 s1  }
0xa9: {  	[bflag:$0x3] =	sbarrier.arrive $0xFFFF  }
0xaa: {  	_ =	shalt  }

// kernel: kernel.24.cloned.1.call-start
scs
__scs_entry_jumppad:
0x0: {  	(pc) =	sbr.rel $0x88, $3  }
0x1: {  	(tag) =	ssettag $0x0;
	lr =	simm.s32 $0x1  }
0x2: {  	[smem:$0x3F9D] =	sst lr;
	_ =	strace $0xD0000000  }
0x3: {  	_ = 	snop  }
0x4: {  	_ = 	snop  }
0x5: {  	_ = 	snop  }
0x6: {  	_ = 	snop  }
0x7: {  	_ = 	snop  }
__scs_overlays_trampoline_lowered:
0x8: {  	[smem:$0x3FAC] =	sst s0  }
0x9: {  	[smem:$0x3FAD] =	sst s1  }
0xa: {  	[smem:$0x3FAE] =	sst s2  }
0xb: {  	[smem:$0x3FAF] =	sst s3  }
0xc: {  	[smem:$0x3FB0] =	sst s4  }
0xd: {  	[smem:$0x3FB1] =	sst s5  }
0xe: {  	[smem:$0x3FB2] =	sst s6  }
0xf: {  	[smem:$0x3FB3] =	sst s7  }
0x10: {  	[smem:$0x3FB4] =	sst s8  }
0x11: {  	[smem:$0x3FB5] =	sst s9;
	s0 =	simm.s32 @!p0 $0x0  }
0x12: {  	s1 =	sld [smem:$0x3F9B];
	s0 =	simm.s32 @p0 $0x1  }
0x13: {  	[smem:$0x3FB6] =	sst s0;
	s0 =	simm.s32 @!p1 $0x0  }
0x14: {  	s2 =	sld [smem:$0x3F9A];
	s0 =	simm.s32 @p1 $0x1  }
0x15: {  	[smem:$0x3FB7] =	sst s0;
	s0 =	simm.s32 @!p2 $0x0  }
0x16: {  	s3 =	sld [smem:$0x3FDB];
	s0 =	simm.s32 @p2 $0x1  }
0x17: {  	s4 =	simm.s32 $0x1BF5;
	[smem:$0x3FB9] =	sst s0  }
0x18: {  	s0 =	sld [smem:$0x3F9C];
	_ =	swait.ge [sflag:s4], $0x0  }
0x19: {  	s7 =	sld [smem:$0x3F9D]  }
0x1a: {  	s8 =	sadd.s32 $0xFFFFE003, lr  }
0x1b: {  	s9 =	sadd.s32 $0xFFFFFEF7, lr;
	s5 =	simm.s32 $0xFFFFFFFF;
	p2 =	slt.u32 s8, $0xFFFFF086  }
0x1c: {  	p1 =	slt.u32 s9, $0xF7A;
	s5 =	simm.s32 @!p2 $0x0  }
0x1d: {  	s5 =	simm.s32 @p1 $0x1;
	p0 =	seq.s32 s7, s2  }
0x1e: {  	s7 =	smul.u32 @!p0 $0xF7A, s2;
	p2 =	seq.s32 @!p0 s5, $0x0  }
0x1f: {  	s9 =	smul.u32 $0xF7A, s1;
	s8 =	simm.s32 @!p0 $0x1BF5;
	p2 =	por !p2, p0  }
0x20: {  	[sflag:s8] =	ssyncset.s32 @!p0 $0xFFFFF086;
	s6 =	sadd.s32 @!p0 s3, s7;
	s7 =	simm.s32 @!p0 $0x108  }
0x21: {  	s3 =	sadd.s32 s3, s9;
	s6 =	sadd.s32 @!p0 $0x88, s6;
	s7 =	simm.s32 @p2 $0x1082  }
0x22: {  	[simem:s7], [sflag:s8] =	dma.local @!p0 [hbm:s6], $0xF7A  }
0x23: {  	s9 =	sor.u32 $0xD0000000, s2;
	s6 =	simm.s32 $0x108;
	_ =	swait.ge @!p0 [sflag:s8], $0x0  }
0x24: {  	s3 =	sadd.s32 $0x88, s3;
	s6 =	simm.s32 @!p1 $0x1082;
	[sflag:s4] =	ssyncset.s32 $0xFFFFF086  }
0x25: {  	[simem:s6], [sflag:s4] =	dma.local [hbm:s3], $0xF7A  }
0x26: {  	[smem:$0x3F9D] =	sst s1;
	(tag) =	ssettag s2;
	_ =	strace s9  }
0x27: {  	s1 =	sld [smem:$0x3FAD]  }
0x28: {  	s2 =	sld [smem:$0x3FAE]  }
0x29: {  	s4 =	sld [smem:$0x3FB0]  }
0x2a: {  	p0 =	seq.s32 s5, $0x0;
	s5 =	sld [smem:$0x3FB1]  }
0x2b: {  	s6 =	sld [smem:$0x3FB2]  }
0x2c: {  	s7 =	sld [smem:$0x3FB3]  }
0x2d: {  	s3 =	simm.s32 $0x108;
	s8 =	sld [smem:$0x3FB4]  }
0x2e: {  	s3 =	simm.s32 @!p0 $0x1082;
	s9 =	sld [smem:$0x3FB5]  }
0x2f: {  	lr =	sadd.s32 s0, s3;
	s0 =	sld [smem:$0x3FAC]  }
0x30: {  	s3 =	sld [smem:$0x3FAF]  }
0x31: {  	[smem:$0x3FB8] =	sst s10  }
0x32: {  	s10 =	sld [smem:$0x3FB6];
	_ =	sdelay $0x3  }
0x33: {  	p0 =	seq.s32 s10, $0x1;
	s10 =	sld [smem:$0x3FB8];
	_ =	sdelay $0x3  }
0x34: {  	[smem:$0x3FB8] =	sst s10  }
0x35: {  	s10 =	sld [smem:$0x3FB7];
	_ =	sdelay $0x3  }
0x36: {  	p1 =	seq.s32 s10, $0x1;
	s10 =	sld [smem:$0x3FB8];
	_ =	sdelay $0x3  }
0x37: {  	[smem:$0x3FB8] =	sst s10  }
0x38: {  	s10 =	sld [smem:$0x3FB9]  }
0x39: {  	_ = 	snop;
	(pc) =	sbr.ind lr, $3  }
0x3a: {  	_ = 	snop  }
0x3b: {  	_ = 	snop  }
0x3c: {  	p2 =	seq.s32 s10, $0x1;
	s10 =	sld [smem:$0x3FB8]  }
0x3d: {  	_ =	shalt  }
0x3e: {  	_ =	shalt  }
0x3f: {  	_ =	shalt  }
0x40: {  	_ =	shalt  }
0x41: {  	_ =	shalt  }
0x42: {  	_ =	shalt  }
0x43: {  	_ =	shalt  }
0x44: {  	_ =	shalt  }
0x45: {  	_ =	shalt  }
0x46: {  	_ =	shalt  }
0x47: {  	_ =	shalt  }
0x48: {  	_ =	shalt  }
0x49: {  	_ =	shalt  }
0x4a: {  	_ =	shalt  }
0x4b: {  	_ =	shalt  }
0x4c: {  	_ =	shalt  }
0x4d: {  	_ =	shalt  }
0x4e: {  	_ =	shalt  }
0x4f: {  	_ =	shalt  }
0x50: {  	_ =	shalt  }
0x51: {  	_ =	shalt  }
0x52: {  	_ =	shalt  }
0x53: {  	_ =	shalt  }
0x54: {  	_ =	shalt  }
0x55: {  	_ =	shalt  }
0x56: {  	_ =	shalt  }
0x57: {  	_ =	shalt  }
0x58: {  	_ =	shalt  }
0x59: {  	_ =	shalt  }
0x5a: {  	_ =	shalt  }
0x5b: {  	_ =	shalt  }
0x5c: {  	_ =	shalt  }
0x5d: {  	_ =	shalt  }
0x5e: {  	_ =	shalt  }
0x5f: {  	_ =	shalt  }
0x60: {  	_ =	shalt  }
0x61: {  	_ =	shalt  }
0x62: {  	_ =	shalt  }
0x63: {  	_ =	shalt  }
0x64: {  	_ =	shalt  }
0x65: {  	_ =	shalt  }
0x66: {  	_ =	shalt  }
0x67: {  	_ =	shalt  }
0x68: {  	_ =	shalt  }
0x69: {  	_ =	shalt  }
0x6a: {  	_ =	shalt  }
0x6b: {  	_ =	shalt  }
0x6c: {  	_ =	shalt  }
0x6d: {  	_ =	shalt  }
0x6e: {  	_ =	shalt  }
0x6f: {  	_ =	shalt  }
0x70: {  	_ =	shalt  }
0x71: {  	_ =	shalt  }
0x72: {  	_ =	shalt  }
0x73: {  	_ =	shalt  }
0x74: {  	_ =	shalt  }
0x75: {  	_ =	shalt  }
0x76: {  	_ =	shalt  }
0x77: {  	_ =	shalt  }
0x78: {  	_ =	shalt  }
0x79: {  	_ =	shalt  }
0x7a: {  	_ =	shalt  }
0x7b: {  	_ =	shalt  }
0x7c: {  	_ =	shalt  }
0x7d: {  	_ =	shalt  }
0x7e: {  	_ =	shalt  }
0x7f: {  	_ =	shalt  }
0x80: {  	_ =	shalt  }
0x81: {  	_ =	shalt  }
0x82: {  	_ =	shalt  }
0x83: {  	_ =	shalt  }
0x84: {  	_ =	shalt  }
0x85: {  	_ =	shalt  }
0x86: {  	_ =	shalt  }
0x87: {  	_ =	shalt  }
.Lfunc_end0:
.L_simem_size_0:
called_computation.4_lowered:
.L_overlay_start_0:
0x88: {  	s2 =	sld [smem:$0x3FD9]  }
0x89: {  	s3 =	sld [smem:$0x3FFE];
	_ =	sdelay $0x1  }
0x8a: {  	s1 =	srdreg.scid  }
0x8b: {  	s0 =	sand.u32 $0x1, s1  }
0x8c: {  	s17 =	sshll.u32 s0, $0xA;
	s2 =	sadd.s32 s3, s2  }
0x8d: {  	s2 =	sadd.s32 s2, s17  }
0x8e: {  	[smem:$0x3FC4] =	sst s2  }
0x8f: {  	_ = 	snop  }
0x90: {  	s18 =	sld [smem:$0x3FC8];
	(tm) =	ssettm $0x1  }
0x91: {  	s19 =	sld [smem:$0x3FFB];
	_ =	sdelay $0x3  }
0x92: {  	_ =	strace s19  }
0x93: {  	s2 =	sld [smem:$0x3FFC];
	_ =	sdelay $0x3  }
0x94: {  	_ =	strace s2  }
0x95: {  	s2 =	sld [smem:$0x3FFD];
	_ =	sdelay $0x3  }
0x96: {  	_ =	strace s2  }
0x97: {  	_ =	strace $0x8FFFFFFF  }
0x98: {  	s20 =	sld [smem:$0x3FDB];
	_ =	sdelay $0x1  }
0x99: {  	s4 =	simm.s32 $_scs_section_size  }
0x9a: {  	s5 =	simm.s32 $_size__tile_overlayer_lowered;
	s6 =	simm.s32 $_tile_overlayer_lowered  }
0x9b: {  	s7 =	simm.s32 $0x1BFF;
	s21 =	sshll.u32 s6, $0x1;
	s4 =	sadd.s32 s4, s20  }
0x9c: {  	s22 =	simm.s32 $0x0;
	s5 =	sshll.u32 s5, $0x1;
	s6 =	sadd.s32 s21, s4  }
0x9d: {  	[timem:s22], [sflag:s7] =	dma.local [hbm:s6], s5  }
0x9e: {  	_ =	swait.ge [sflag:s7], s5  }
0x9f: {  	s5 =	ssub.s32 $0x0, s5;
	[sflag:s7] =	ssyncset.done $0x0  }
0xa0: {  	[sflag:s7] =	ssyncadd.s32 s5;
	_ =	sdelay $0x1  }
0xa1: {  	s23 =	simm.s32 $0x1B8B  }
0xa2: {  	_ =	swait.ge [sflag:s23], $0x1  }
0xa3: {  	[sflag:s23] =	ssyncset.done $0x0  }
0xa4: {  	[sflag:s23] =	ssyncadd.s32 $0xFFFFFFFF  }
0xa5: {  	s5 =	sld [smem:$0x0]  }
0xa6: {  	s6 =	sand.u32 $0xFFFFFFFE, s1  }
0xa7: {  	p0 =	sne.s32 s1, s6  }
0xa8: {  	s6 =	sshll.u32 @p0 s6, $0xE  }
0xa9: {  	s6 =	sadd.s32 @p0 $0x11B8D, s6;
	s7 =	sshll.u32 @p0 s5, $0x11  }
0xaa: {  	s6 =	sor.u32 @p0 s7, s6  }
0xab: {  	[sflag:s6] =	ssyncadd.remote.s32 @p0 $0x1;
	_ =	sdelay $0x1  }
0xac: {  	s6 =	simm.s32 @p0 $0x1B8D  }
0xad: {  	_ =	swait.eq @p0 [sflag:s6], $0x1  }
0xae: {  	[sflag:s6] =	ssyncadd.s32 @p0 $0xFFFFFFFF  }
0xaf: {  	s7 =	sshll.u32 @!p0 s1, $0xE  }
0xb0: {  	s7 =	sor.u32 @!p0 $0x4000, s7;
	s6 =	simm.s32 @!p0 $0x1B8D  }
0xb1: {  	s5 =	sshll.u32 @!p0 s5, $0x11;
	s7 =	sadd.s32 @!p0 $0x11B8D, s7;
	_ =	swait.eq @!p0 [sflag:s6], $0x1  }
0xb2: {  	s5 =	sor.u32 @!p0 s5, s7;
	[sflag:s6] =	ssyncadd.s32 @!p0 $0xFFFFFFFF  }
0xb3: {  	s25 =	simm.s32 $0x1B8E;
	s24 =	sld [smem:$0x3FFE];
	[sflag:s5] =	ssyncadd.remote.s32 @!p0 $0x1  }
0xb4: {  	s26 =	simm.s32 $execute0_lowered;
	[smem:$0x3FD2] =	sst s25  }
0xb5: {  	s6 =	sshll.u32 s26, $0x1;
	_ =	strace $0x80000052;
	[dreg:$0x1] =	wrdreg $0xFFFFFFFF  }
0xb6: {  	s28 =	simm.s32 $_size_execute0_lowered;
	s4 =	sadd.s32 s4, s6;
	[dreg:$0x0] =	wrdreg $0x0  }
0xb7: {  	s6 =	sshll.u32 s28, $0x1;
	[dreg:$0x2] =	wrdreg s4  }
0xb8: {  	[dreg:$0x3] =	wrdreg s6  }
0xb9: {  	[dreg:$0x4] =	wrdreg $0xC0  }
0xba: {  	_ =	task [dreg:s22], $0x5FFFF  }
0xbb: {  	[dreg:$0x1] =	wrdreg $0xFFFFFFFF  }
0xbc: {  	[dreg:$0x0] =	wrdreg $0x60  }
0xbd: {  	[dreg:$0x2] =	wrdreg s18  }
0xbe: {  	[dreg:$0x3] =	wrdreg s24  }
0xbf: {  	[dreg:$0x4] =	wrdreg $0xD  }
0xc0: {  	_ =	task.clear_ibuf [dreg:s22], $0x5FFFF;
	_ =	strace $0x90000052  }
0xc1: {  	s29 =	simm.s32 $0xD;
	_ =	strace $0x80000054  }
0xc2: {  	_ =	swait.ge [sflag:s29], $0x1  }
0xc3: {  	[sflag:s29] =	ssyncadd.s32 $0xFFFFFFFF  }
0xc4: {  	_ =	strace $0x90000054  }
0xc5: {  	_ =	sfence  }
0xc6: {  	s30 =	sld [smem:$0x0];
	_ =	sdelay $0x2  }
0xc7: {  	s31 =	sshll.u32 s1, $0xD;
	s1 =	sshrl.u32 s1, $0x2  }
0xc8: {  	s4 =	sand.u32 $0x4000, s31;
	s1 =	sadd.s32 s1, s30  }
0xc9: {  	s0 =	sor.u32 s4, s0;
	s1 =	sshll.u32 s1, $0x11  }
0xca: {  	s0 =	sor.u32 s1, s0  }
0xcb: {  	s0 =	sadd.s32 $0x8F2B, s0  }
0xcc: {  	[sflag:s0] =	ssyncadd.remote.s32 $0x1  }
0xcd: {  	_ =	sfence.sel $0xFFFF  }
0xce: {  	[dreg:$0x0] =	wrdreg $0xFFFFFFFF;
	(pc) =	sbr.abs _section_cstart, $3  }
0xcf: {  	[dreg:$0x1] =	wrdreg $0xFFFFFFFF  }
0xd0: {  	_ =	task.clear_ibuf [dreg:s22], $0x2FFFF;
	_ =	strace $0x9FFFFFFF  }
0xd1: {  	(tm) =	ssettm $0x7FFFFFFF  }
tec
execute0_lowered:
.L_overlay_start_1:
0x0: {  	(tag) =	ssettag $0x1  }
0x1: {  	s1 =	srdreg.scid  }
0x2: {  	s0 =	stileid.u32;
	s1 =	sand.u32 $0x1, s1  }
0x3: {  	s3 =	sshll.u32 s0, $0xB;
	s4 =	sshll.u32 s1, $0xA  }
0x4: {  	s2 =	rddreg [dreg:$0x0];
	s4 =	sor.u32 s4, s3  }
0x5: {  	s5 =	rddreg [dreg:$0x1];
	s6 =	sshrl.u32 s4, $0x3  }
0x6: {  	s3 =	simm.s32 $0x0;
	s4 =	sshll.u32 s4, $0x4;
	s6 =	sadd.s32 s5, s6  }
0x7: {  	[smem:$0x7FF] =	sst s3;
	s31 =	sadd.s32 s4, s5;
	s6 =	sadd.s32 $0x7200, s6  }
0x8: {  	_ =	strace $0x80000053;
	s4 =	sadd.s32 $0x2A8200, s31;
	[dreg:$0x3] =	wrdreg s6  }
0x9: {  	[dreg:$0x4] =	wrdreg s4  }
0xa: {  	s4 =	simm.s32 $0x1;
	s26 =	rddreg [dreg:$0x3]  }
0xb: {  	[tilespmem:s3], [sflag:$0x1] =	stream.linear.gather [hbm4b:s26+s3], $0x400, $0x38;
	[tilespmem:$0x10400] =	vst v63  }
0xc: {  	_ =	swait.ge [sflag:s4], $0x400  }
0xd: {  	[sflag:s4] =	ssyncset.done $0x0  }
0xe: {  	s5 =	simm.s32 $0x80;
	s6 =	simm.s32 $0x400;
	[sflag:s4] =	ssyncadd.s32 $0xFFFFFC00  }
0xf: {  	[tilespmem:s6], [sflag:$0x2] =	stream.indirect.gather [hbm4b:s2+s5], $0x80, s3, s5, $0xb8;
	[tilespmem:$0x10400] =	vst v63  }
0x10: {  	s7 =	simm.s32 $0x4400  }
0x11: {  	[tilespmem:s7], [sflag:$0x3] =	stream.indirect.gather [hbm4b:s2+s5], $0x80, s5, s5, $0xb8;
	[tilespmem:$0x10400] =	vst v63  }
0x12: {  	s8 =	simm.s32 $0x100;
	s9 =	simm.s32 $0x8400;
	s10 =	simm.s32 $0x2  }
0x13: {  	[tilespmem:s9], [sflag:$0x4] =	stream.indirect.gather [hbm4b:s2+s5], $0x80, s8, s5, $0xb8;
	[tilespmem:$0x10400] =	vst v63  }
0x14: {  	_ =	swait.ge [sflag:s10], $0x4000  }
0x15: {  	[sflag:s10] =	ssyncset.done $0x0  }
0x16: {  	s11 =	rddreg [dreg:$0x4];
	[sflag:s10] =	ssyncadd.s32 $0xFFFFC000  }
0x17: {  	[hbm4b:s11+s3] =	stream.linear.scatter [tilespmem:s6], [sflag:$0x6], $0x4000, $0x38;
	[tilespmem:$0x10400] =	vst v63  }
0x18: {  	s12 =	simm.s32 $0xC400;
	s13 =	simm.s32 $0x3;
	s11 =	simm.s32 $0x180  }
0x19: {  	[tilespmem:s12], [sflag:$0x5] =	stream.indirect.gather [hbm4b:s2+s5], $0x80, s11, s5, $0xb8;
	[tilespmem:$0x10400] =	vst v63  }
0x1a: {  	_ =	swait.ge [sflag:s13], $0x4000  }
0x1b: {  	[sflag:s13] =	ssyncset.done $0x0  }
0x1c: {  	s15 =	simm.s32 $0x6;
	s14 =	sadd.s32 $0x2A8A00, s31;
	[sflag:s13] =	ssyncadd.s32 $0xFFFFC000  }
0x1d: {  	[hbm4b:s14+s3] =	stream.linear.scatter [tilespmem:s7], [sflag:$0x7], $0x4000, $0x38;
	[tilespmem:$0x10400] =	vst v63  }
0x1e: {  	_ =	swait.ge [sflag:s15], $0x4000  }
0x1f: {  	[sflag:s15] =	ssyncset.done $0x0  }
0x20: {  	s16 =	simm.s32 $0x200;
	s17 =	simm.s32 $0x4;
	[sflag:s15] =	ssyncadd.s32 $0xFFFFC000  }
0x21: {  	[tilespmem:s6], [sflag:$0x2] =	stream.indirect.gather [hbm4b:s2+s5], $0x80, s16, s5, $0xb8;
	[tilespmem:$0x10400] =	vst v63  }
0x22: {  	_ =	swait.ge [sflag:s17], $0x4000  }
0x23: {  	[sflag:s17] =	ssyncset.done $0x0  }
0x24: {  	s19 =	simm.s32 $0x7;
	s18 =	sadd.s32 $0x2A9200, s31;
	[sflag:s17] =	ssyncadd.s32 $0xFFFFC000  }
0x25: {  	[hbm4b:s18+s3] =	stream.linear.scatter [tilespmem:s9], [sflag:$0x8], $0x4000, $0x38;
	[tilespmem:$0x10400] =	vst v63  }
0x26: {  	_ =	swait.ge [sflag:s19], $0x4000  }
0x27: {  	[sflag:s19] =	ssyncset.done $0x0  }
0x28: {  	s20 =	simm.s32 $0x280;
	s21 =	simm.s32 $0x5;
	[sflag:s19] =	ssyncadd.s32 $0xFFFFC000  }
0x29: {  	[tilespmem:s7], [sflag:$0x3] =	stream.indirect.gather [hbm4b:s2+s5], $0x80, s20, s5, $0xb8;
	[tilespmem:$0x10400] =	vst v63  }
0x2a: {  	_ =	swait.ge [sflag:s21], $0x4000  }
0x2b: {  	[sflag:s21] =	ssyncset.done $0x0  }
0x2c: {  	s23 =	simm.s32 $0x8;
	s22 =	sadd.s32 $0x2A9A00, s31;
	[sflag:s21] =	ssyncadd.s32 $0xFFFFC000  }
0x2d: {  	[hbm4b:s22+s3] =	stream.linear.scatter [tilespmem:s12], [sflag:$0x9], $0x4000, $0x38;
	[tilespmem:$0x10400] =	vst v63  }
0x2e: {  	_ =	swait.ge [sflag:s23], $0x4000  }
0x2f: {  	[sflag:s23] =	ssyncset.done $0x0  }
0x30: {  	s24 =	simm.s32 $0x300;
	[sflag:s23] =	ssyncadd.s32 $0xFFFFC000  }
0x31: {  	[tilespmem:s9], [sflag:$0x4] =	stream.indirect.gather [hbm4b:s2+s5], $0x80, s24, s5, $0xb8;
	[tilespmem:$0x10400] =	vst v63  }
0x32: {  	_ =	swait.ge [sflag:s10], $0x4000  }
0x33: {  	[sflag:s10] =	ssyncset.done $0x0  }
0x34: {  	s25 =	simm.s32 $0x9;
	s26 =	sadd.s32 $0x2AA200, s31;
	[sflag:s10] =	ssyncadd.s32 $0xFFFFC000  }
0x35: {  	[hbm4b:s26+s3] =	stream.linear.scatter [tilespmem:s6], [sflag:$0x6], $0x4000, $0x38;
	[tilespmem:$0x10400] =	vst v63  }
0x36: {  	_ =	swait.ge [sflag:s25], $0x4000  }
0x37: {  	[sflag:s25] =	ssyncset.done $0x0  }
0x38: {  	s28 =	simm.s32 $0x380;
	[sflag:s25] =	ssyncadd.s32 $0xFFFFC000  }
0x39: {  	[tilespmem:s12], [sflag:$0x5] =	stream.indirect.gather [hbm4b:s2+s5], $0x80, s28, s5, $0xb8;
	[tilespmem:$0x10400] =	vst v63  }
0x3a: {  	_ =	swait.ge [sflag:s13], $0x4000  }
0x3b: {  	[sflag:s13] =	ssyncset.done $0x0  }
0x3c: {  	s29 =	sadd.s32 $0x2AAA00, s31;
	[sflag:s13] =	ssyncadd.s32 $0xFFFFC000  }
0x3d: {  	[hbm4b:s29+s3] =	stream.linear.scatter [tilespmem:s7], [sflag:$0x7], $0x4000, $0x38;
	[tilespmem:$0x10400] =	vst v63  }
0x3e: {  	_ =	swait.ge [sflag:s17], $0x4000  }
0x3f: {  	[sflag:s17] =	ssyncset.done $0x0  }
0x40: {  	s30 =	sadd.s32 $0x2AB200, s31;
	[sflag:s17] =	ssyncadd.s32 $0xFFFFC000  }
0x41: {  	[hbm4b:s30+s3] =	stream.linear.scatter [tilespmem:s9], [sflag:$0x8], $0x4000, $0x38;
	[tilespmem:$0x10400] =	vst v63  }
0x42: {  	_ =	swait.ge [sflag:s21], $0x4000  }
0x43: {  	[sflag:s21] =	ssyncset.done $0x0  }
0x44: {  	s31 =	sadd.s32 $0x2ABA00, s31;
	[sflag:s21] =	ssyncadd.s32 $0xFFFFC000  }
0x45: {  	[hbm4b:s31+s3] =	stream.linear.scatter [tilespmem:s12], [sflag:$0x9], $0x4000, $0x38;
	[tilespmem:$0x10400] =	vst v63  }
0x46: {  	s1 =	ssub.s32 $0x2, s1;
	_ =	swait.ge [sflag:s15], $0x4000  }
0x47: {  	s0 =	sshrl.u32 s1, $0x1;
	[sflag:s15] =	ssyncset.done $0x0  }
0x48: {  	s0 =	ssub.s32 s1, s0;
	[sflag:s15] =	ssyncadd.s32 $0xFFFFC000  }
0x49: {  	s0 =	smax.u32 s0, $0x1;
	_ =	swait.ge [sflag:s19], $0x4000  }
0x4a: {  	p0 =	sne.s32 s0, $0x1;
	[sflag:s19] =	ssyncset.done $0x0  }
.Ltmp0:
0x4b: {  	[sflag:s19] =	ssyncadd.s32 $0xFFFFC000;
	(pc) =	sbr.rel @!p0 .LBB2_2-.Ltmp0, $4  }
0x4c: {  	_ =	swait.ge [sflag:s23], $0x4000  }
0x4d: {  	[sflag:s23] =	ssyncset.done $0x0  }
0x4e: {  	[sflag:s23] =	ssyncadd.s32 $0xFFFFC000  }
0x4f: {  	s1 =	sadd.s32 $0xFFFFFFFF, s0;
	_ =	swait.ge [sflag:s25], $0x4000  }
.LBB2_1:
0x50: {  	[sflag:s25] =	ssyncset.done $0x0  }
0x51: {  	s0 =	rddreg [dreg:$0x3];
	[sflag:s25] =	ssyncadd.s32 $0xFFFFC000  }
0x52: {  	[tilespmem:s3], [sflag:$0x1] =	stream.linear.gather [hbm4b:s0+s3], $0x400, $0x38;
	[tilespmem:$0x10400] =	vst v63  }
0x53: {  	_ =	swait.ge [sflag:s4], $0x400  }
0x54: {  	[sflag:s4] =	ssyncset.done $0x0  }
0x55: {  	[sflag:s4] =	ssyncadd.s32 $0xFFFFFC00  }
0x56: {  	[tilespmem:s6], [sflag:$0x2] =	stream.indirect.gather [hbm4b:s2+s5], $0x80, s3, s5, $0xb8;
	[tilespmem:$0x10400] =	vst v63  }
0x57: {  	_ = 	snop  }
0x58: {  	[tilespmem:s7], [sflag:$0x3] =	stream.indirect.gather [hbm4b:s2+s5], $0x80, s5, s5, $0xb8;
	[tilespmem:$0x10400] =	vst v63  }
0x59: {  	_ = 	snop  }
0x5a: {  	[tilespmem:s9], [sflag:$0x4] =	stream.indirect.gather [hbm4b:s2+s5], $0x80, s8, s5, $0xb8;
	[tilespmem:$0x10400] =	vst v63  }
0x5b: {  	_ =	swait.ge [sflag:s10], $0x4000  }
0x5c: {  	[sflag:s10] =	ssyncset.done $0x0  }
0x5d: {  	s0 =	rddreg [dreg:$0x4];
	[sflag:s10] =	ssyncadd.s32 $0xFFFFC000  }
0x5e: {  	[hbm4b:s0+s3] =	stream.linear.scatter [tilespmem:s6], [sflag:$0x6], $0x4000, $0x38;
	[tilespmem:$0x10400] =	vst v63  }
0x5f: {  	_ = 	snop  }
0x60: {  	[tilespmem:s12], [sflag:$0x5] =	stream.indirect.gather [hbm4b:s2+s5], $0x80, s11, s5, $0xb8;
	[tilespmem:$0x10400] =	vst v63  }
0x61: {  	_ =	swait.ge [sflag:s13], $0x4000  }
0x62: {  	[sflag:s13] =	ssyncset.done $0x0  }
0x63: {  	[sflag:s13] =	ssyncadd.s32 $0xFFFFC000  }
0x64: {  	[hbm4b:s14+s3] =	stream.linear.scatter [tilespmem:s7], [sflag:$0x7], $0x4000, $0x38;
	[tilespmem:$0x10400] =	vst v63  }
0x65: {  	_ =	swait.ge [sflag:s15], $0x4000  }
0x66: {  	[sflag:s15] =	ssyncset.done $0x0  }
0x67: {  	[sflag:s15] =	ssyncadd.s32 $0xFFFFC000  }
0x68: {  	[tilespmem:s6], [sflag:$0x2] =	stream.indirect.gather [hbm4b:s2+s5], $0x80, s16, s5, $0xb8;
	[tilespmem:$0x10400] =	vst v63  }
0x69: {  	_ =	swait.ge [sflag:s17], $0x4000  }
0x6a: {  	[sflag:s17] =	ssyncset.done $0x0  }
0x6b: {  	[sflag:s17] =	ssyncadd.s32 $0xFFFFC000  }
0x6c: {  	[hbm4b:s18+s3] =	stream.linear.scatter [tilespmem:s9], [sflag:$0x8], $0x4000, $0x38;
	[tilespmem:$0x10400] =	vst v63  }
0x6d: {  	_ =	swait.ge [sflag:s19], $0x4000  }
0x6e: {  	[sflag:s19] =	ssyncset.done $0x0  }
0x6f: {  	[sflag:s19] =	ssyncadd.s32 $0xFFFFC000  }
0x70: {  	[tilespmem:s7], [sflag:$0x3] =	stream.indirect.gather [hbm4b:s2+s5], $0x80, s20, s5, $0xb8;
	[tilespmem:$0x10400] =	vst v63  }
0x71: {  	_ =	swait.ge [sflag:s21], $0x4000  }
0x72: {  	[sflag:s21] =	ssyncset.done $0x0  }
0x73: {  	[sflag:s21] =	ssyncadd.s32 $0xFFFFC000  }
0x74: {  	[hbm4b:s22+s3] =	stream.linear.scatter [tilespmem:s12], [sflag:$0x9], $0x4000, $0x38;
	[tilespmem:$0x10400] =	vst v63  }
0x75: {  	_ =	swait.ge [sflag:s23], $0x4000  }
0x76: {  	[sflag:s23] =	ssyncset.done $0x0  }
0x77: {  	[sflag:s23] =	ssyncadd.s32 $0xFFFFC000  }
0x78: {  	[tilespmem:s9], [sflag:$0x4] =	stream.indirect.gather [hbm4b:s2+s5], $0x80, s24, s5, $0xb8;
	[tilespmem:$0x10400] =	vst v63  }
0x79: {  	_ =	swait.ge [sflag:s10], $0x4000  }
0x7a: {  	[sflag:s10] =	ssyncset.done $0x0  }
0x7b: {  	[sflag:s10] =	ssyncadd.s32 $0xFFFFC000  }
0x7c: {  	[hbm4b:s26+s3] =	stream.linear.scatter [tilespmem:s6], [sflag:$0x6], $0x4000, $0x38;
	[tilespmem:$0x10400] =	vst v63  }
0x7d: {  	_ =	swait.ge [sflag:s25], $0x4000  }
0x7e: {  	[sflag:s25] =	ssyncset.done $0x0  }
0x7f: {  	[sflag:s25] =	ssyncadd.s32 $0xFFFFC000  }
0x80: {  	[tilespmem:s12], [sflag:$0x5] =	stream.indirect.gather [hbm4b:s2+s5], $0x80, s28, s5, $0xb8;
	[tilespmem:$0x10400] =	vst v63  }
0x81: {  	_ =	swait.ge [sflag:s13], $0x4000  }
0x82: {  	[sflag:s13] =	ssyncset.done $0x0  }
0x83: {  	[sflag:s13] =	ssyncadd.s32 $0xFFFFC000  }
0x84: {  	[hbm4b:s29+s3] =	stream.linear.scatter [tilespmem:s7], [sflag:$0x7], $0x4000, $0x38;
	[tilespmem:$0x10400] =	vst v63  }
0x85: {  	_ =	swait.ge [sflag:s17], $0x4000  }
0x86: {  	[sflag:s17] =	ssyncset.done $0x0  }
0x87: {  	[sflag:s17] =	ssyncadd.s32 $0xFFFFC000  }
0x88: {  	[hbm4b:s30+s3] =	stream.linear.scatter [tilespmem:s9], [sflag:$0x8], $0x4000, $0x38;
	[tilespmem:$0x10400] =	vst v63  }
0x89: {  	_ =	swait.ge [sflag:s21], $0x4000  }
0x8a: {  	[sflag:s21] =	ssyncset.done $0x0  }
0x8b: {  	[sflag:s21] =	ssyncadd.s32 $0xFFFFC000  }
0x8c: {  	[hbm4b:s31+s3] =	stream.linear.scatter [tilespmem:s12], [sflag:$0x9], $0x4000, $0x38;
	[tilespmem:$0x10400] =	vst v63  }
0x8d: {  	_ =	swait.ge [sflag:s15], $0x4000  }
0x8e: {  	[sflag:s15] =	ssyncset.done $0x0  }
0x8f: {  	[sflag:s15] =	ssyncadd.s32 $0xFFFFC000  }
0x90: {  	_ =	swait.ge [sflag:s19], $0x4000  }
0x91: {  	p0 =	sne.s32 s1, $0x1;
	[sflag:s19] =	ssyncset.done $0x0  }
.Ltmp1:
0x92: {  	[sflag:s19] =	ssyncadd.s32 $0xFFFFC000;
	(pc) =	sbr.rel @p0 .LBB2_1-.Ltmp1, $4  }
0x93: {  	_ =	swait.ge [sflag:s23], $0x4000  }
0x94: {  	[sflag:s23] =	ssyncset.done $0x0  }
0x95: {  	[sflag:s23] =	ssyncadd.s32 $0xFFFFC000  }
0x96: {  	s1 =	sadd.s32 $0xFFFFFFFF, s1;
	_ =	swait.ge [sflag:s25], $0x4000  }
.LBB2_2:
0x97: {  	[sflag:s25] =	ssyncset.done $0x0  }
0x98: {  	[sflag:s25] =	ssyncadd.s32 $0xFFFFC000  }
0x99: {  	_ =	sfence.sel $0x180000  }
0x9a: {  	[bflag:$0x0] =	sbarrier.arrive $0xFFFF  }
0x9b: {  	_ =	strace $0x90000053  }
0x9c: {  	s0 =	stileid.u32;
	[bflag:$0x2] =	sbarrier.arrive $0xFFFF  }
0x9d: {  	p0 =	sne.s32 s0, $0x0;
	s0 =	rddreg [dreg:$0x2]  }
0x9e: {  	s0 =	sadd.s32 @!p0 $0x100000, s0  }
0x9f: {  	[sflag:s0] =	ssyncadd.tile.s32 @!p0 $0x1;
	_ =	shalt  }
.Lfunc_end2:
_tile_overlayer_lowered:
.L_overlay_start_2:
0xa0: {  	(tag) =	ssettag $0x2  }
0xa1: {  	s0 =	rddreg [dreg:$0x0];
	s2 =	stileid.u32  }
0xa2: {  	s1 =	rddreg [dreg:$0x1];
	p0 =	sne.s32 s2, $0x0  }
0xa3: {  	s3 =	rddreg [dreg:$0x2];
	[bflag:$0x3] =	sbarrier.arrive $0xFFFF;
	s2 =	simm.s32 @!p0 $0x1C0A  }
0xa4: {  	[timem:s3], [sflag:s2] =	dma.local @!p0 [hbm:s0], s1  }
0xa5: {  	s0 =	simm.s32 @!p0 $0xA  }
0xa6: {  	_ =	swait.ge @!p0 [sflag:s0], s1  }
0xa7: {  	s1 =	ssub.s32 @!p0 $0x0, s1;
	[sflag:s0] =	ssyncset.done @!p0 $0x0  }
0xa8: {  	[sflag:s0] =	ssyncadd.s32 @!p0 s1  }
0xa9: {  	[bflag:$0x3] =	sbarrier.arrive $0xFFFF  }
0xaa: {  	_ =	shalt  }

</sc_bundles>
